<compile_context>
chip_gen: v7x
topology: tpu7x:2x2x1
jax: 0.10.2.dev20260603
libtpu: 0.0.44.dev20260713+nightly
codegen_flags: <defaults>
</compile_context>

<pallas_src>
import functools
import math

import jax
import jax.numpy as jnp
from jax import lax
from jax.experimental import pallas as pl
from jax.experimental.pallas import tpu as pltpu
from jax.experimental.pallas import tpu_sc as plsc

_INFO = plsc.get_sparse_core_info()
_NC = _INFO.num_cores
_NS = _INFO.num_subcores
_NW = _NC * _NS
_LANES = _INFO.num_lanes

_ROW_UNROLL = 8


def _segments(hist):
    segs, off = [], 0
    while off < hist:
        n = min(128, hist - off)
        segs.append((off, n))
        off += n
    assert all(o % 8 == 0 and n % 8 == 0 for o, n in segs)
    return segs


def _make_lookup(batch, hist, vocab, dim):
    mesh = plsc.VectorSubcoreMesh(core_axis_name="c", subcore_axis_name="s")
    rows_per_w = batch // _NW
    segs = _segments(hist)
    assert rows_per_w % 2 == 0 and rows_per_w >= 4

    scratch = [pltpu.VMEM((rows_per_w, hist), jnp.int32)]
    for _ in range(2):
        scratch += [pltpu.VMEM((n, 2 * dim), jnp.float32) for _, n in segs]
    scratch += [pltpu.SemaphoreType.DMA for _ in range(4)]

    @functools.partial(
        pl.kernel,
        mesh=mesh,
        out_type=jax.ShapeDtypeStruct((batch, hist, 2 * dim), jnp.float32),
        scratch_types=scratch,
        compiler_params=pltpu.CompilerParams(use_tc_tiling_on_sc=True),
    )
    def k(idx_hbm, table_hbm, out_hbm, idx_v, *rest):
        ns = len(segs)
        bufs = (rest[:ns], rest[ns:2 * ns])
        sem_g = rest[2 * ns:2 * ns + 2]
        sem_s = rest[2 * ns + 2:2 * ns + 4]

        wid = lax.axis_index("s") * _NC + lax.axis_index("c")
        row0 = wid * rows_per_w
        pltpu.sync_copy(idx_hbm.at[pl.ds(row0, rows_per_w)], idx_v)

        def issue_gathers(r, bank):
            for j, (off, n) in enumerate(segs):
                pltpu.async_copy(
                    table_hbm.at[idx_v.at[r, pl.ds(off, n)]],
                    bufs[bank][j], sem_g[bank])

        def drain_gathers(r, bank):
            for j, (off, n) in enumerate(segs):
                pltpu.make_async_copy(
                    table_hbm.at[idx_v.at[r, pl.ds(off, n)]],
                    bufs[bank][j], sem_g[bank]).wait()

        def scale(bank, j, n):
            buf = bufs[bank][j]

            def body(i, c):
                base = i * _ROW_UNROLL
                for r in range(_ROW_UNROLL):
                    for col in range(dim // _LANES):
                        sl = pl.ds(col * _LANES, _LANES)
                        buf[base + r, sl] = buf[base + r, sl] * 8.0
                return c

            lax.fori_loop(0, n // _ROW_UNROLL, body, 0)

        def issue_stores(r, bank):
            for j, (off, n) in enumerate(segs):
                scale(bank, j, n)
                pltpu.async_copy(
                    bufs[bank][j],
                    out_hbm.at[row0 + r, pl.ds(off, n)], sem_s[bank])

        def drain_stores(r, bank):
            for j, (off, n) in enumerate(segs):
                pltpu.make_async_copy(
                    bufs[bank][j],
                    out_hbm.at[row0 + r, pl.ds(off, n)], sem_s[bank]).wait()

        def visit(r, bank, reissue):
            drain_gathers(r, bank)
            issue_stores(r, bank)
            drain_stores(r, bank)
            if reissue:
                issue_gathers(r + 2, bank)

        issue_gathers(0, 0)
        issue_gathers(1, 1)

        def pair(p, c):
            visit(2 * p, 0, True)
            visit(2 * p + 1, 1, True)
            return c

        lax.fori_loop(0, rows_per_w // 2 - 1, pair, 0)

        r_last = rows_per_w - 2
        visit(r_last, 0, False)
        visit(r_last + 1, 1, False)

    return k


def kernel(indices, W):
    batch, hist = indices.shape
    vocab, dim = W.shape
    assert batch % _NW == 0 and dim % _LANES == 0 and 2 * dim == 128
    idx = indices if indices.dtype == jnp.int32 else indices.astype(jnp.int32)
    cut = (vocab // 4) // 128 * 128
    cuts = [0, cut, 2 * cut, 3 * cut, vocab]
    table = jnp.concatenate(
        [jnp.pad(W[a:b], ((0, 0), (0, dim))) for a, b in zip(cuts, cuts[1:])],
        axis=0)
    out = _make_lookup(batch, hist, vocab, dim)(idx, table)
    return out[:, :, :dim]

# --- scband reference (transcript-rebuilt; emitter-appended) ---
"""Pipeline reference for scband-token-embeddings-33182917329159 (READ-ONLY COPY).

The authoritative reference and input builder live on the scoring server;
editing this copy changes nothing except your own understanding.
"""

import jax, jax.numpy as jnp
import numpy as np
import math

VOCAB_SIZE = 1000000
DIMENSION = 64
BATCH = 4096
HIST = 200

def setup_inputs(seed: int = 0) -> dict:
    key = jax.random.key(seed)
    k_idx, k_w = jax.random.split(key)
    indices = jax.random.randint(k_idx, (BATCH, HIST), 0, VOCAB_SIZE, dtype=jnp.int64 if jax.config.jax_enable_x64 else jnp.int32)
    # embedding table initialized like nn.Embedding default: N(0, 1)
    W = jax.random.normal(k_w, (VOCAB_SIZE, DIMENSION), dtype=jnp.float32)
    return {"indices": indices, "W": W}

def reference(indices, W):
    # TokenEmbeddings forward: embedding lookup scaled by sqrt(dimension)
    # (standard Transformer token-embedding pattern this class implements)
    emb = jnp.take(W, indices, axis=0)
    return emb * math.sqrt(DIMENSION)

if __name__ == "__main__":
    import jax
    _d = setup_inputs()
    print(jax.jit(kernel)(*tuple(_d.values())))

</pallas_src>

<mosaic_0001>
#map = affine_map<(d0, d1) -> (0, 0)>
#map1 = affine_map<(d0, d1) -> (0, 0, 0)>
module attributes {stable_mosaic.version = 14 : i64} {
  func.func @k(%arg0: i32, %arg1: i32, %arg2: memref<4096x200xi32, #tpu.memory_space<hbm>>, %arg3: memref<1000000x128xf32, #tpu.memory_space<hbm>>, %arg4: memref<4096x200x128xf32, #tpu.memory_space<hbm>>, %arg5: memref<128x200xi32, #tpu.memory_space<vmem>>, %arg6: memref<128x128xf32, #tpu.memory_space<vmem>>, %arg7: memref<72x128xf32, #tpu.memory_space<vmem>>, %arg8: memref<128x128xf32, #tpu.memory_space<vmem>>, %arg9: memref<72x128xf32, #tpu.memory_space<vmem>>, %arg10: memref<!tpu.dma_semaphore, #tpu.memory_space<semaphore_mem>>, %arg11: memref<!tpu.dma_semaphore, #tpu.memory_space<semaphore_mem>>, %arg12: memref<!tpu.dma_semaphore, #tpu.memory_space<semaphore_mem>>, %arg13: memref<!tpu.dma_semaphore, #tpu.memory_space<semaphore_mem>>) attributes {dimension_semantics = [#tpu.dimension_semantics<core_parallel>, #tpu.dimension_semantics<subcore_parallel>], iteration_bounds = array<i64: 2, 16>, scalar_prefetch = 0 : i64, scratch_operands = 9 : i64, tpu.core_type = #tpu.core_type<sc_vector_subcore>, window_params = [{transform_indices = #map}, {transform_indices = #map}, {transform_indices = #map1}]} {
    %mul3A = arith.constant 2 : i32
    %mul3A_0 = arith.muli %arg1, %mul3A : i32
    %add3A = arith.addi %mul3A_0, %arg0 : i32
    %mul3A_1 = arith.constant 128 : i32
    %mul3A_2 = arith.muli %add3A, %mul3A_1 : i32
    "tpu.region"() ({
      %run_scoped3A = tpu.sem_alloc : memref<!tpu.dma_semaphore, #tpu.memory_space<semaphore_mem>>
      %dma_start3A_166 = arith.constant 0 : i32
      %dma_start3A_167 = tpu.memref_slice %arg2[%mul3A_2, %dma_start3A_166] : memref<4096x200xi32, #tpu.memory_space<hbm>> -> memref<128x200xi32, #tpu.memory_space<hbm>>
      %dma_start3A_168 = arith.constant 0 : i32
      %dma_start3A_169 = tpu.memref_slice %arg2[%mul3A_2, %dma_start3A_168] : memref<4096x200xi32, #tpu.memory_space<hbm>> -> memref<128x200xi32, #tpu.memory_space<hbm>>
      tpu.enqueue_dma source(%dma_start3A_169 : memref<128x200xi32, #tpu.memory_space<hbm>>) target(%arg5 : memref<128x200xi32, #tpu.memory_space<vmem>>) target_semaphore(%run_scoped3A : memref<!tpu.dma_semaphore, #tpu.memory_space<semaphore_mem>>)
      %dma_wait3A_170 = arith.constant 0 : i32
      %dma_wait3A_171 = tpu.memref_slice %arg2[%mul3A_2, %dma_wait3A_170] : memref<4096x200xi32, #tpu.memory_space<hbm>> -> memref<128x200xi32, #tpu.memory_space<hbm>>
      %dma_wait3A_172 = arith.constant 0 : i32
      %dma_wait3A_173 = tpu.memref_slice %arg2[%mul3A_2, %dma_wait3A_172] : memref<4096x200xi32, #tpu.memory_space<hbm>> -> memref<128x200xi32, #tpu.memory_space<hbm>>
      tpu.wait_dma2 semaphore(%run_scoped3A : memref<!tpu.dma_semaphore, #tpu.memory_space<semaphore_mem>>) src(%dma_wait3A_173 : memref<128x200xi32, #tpu.memory_space<hbm>>) dst(%arg5 : memref<128x200xi32, #tpu.memory_space<vmem>>)
      tpu.yield
    }) : () -> ()
    %dma_start3A = arith.constant 0 : i32
    %dma_start3A_3 = arith.constant 0 : i32
    %dma_start3A_4 = tpu.memref_slice %arg5[%dma_start3A, %dma_start3A_3] : memref<128x200xi32, #tpu.memory_space<vmem>> -> memref<1x128xi32, #tpu.memory_space<vmem>>
    %dma_start3A_5 = tpu.memref_squeeze %dma_start3A_4 : memref<1x128xi32, #tpu.memory_space<vmem>> -> memref<128xi32, #tpu.memory_space<vmem>>
    %dma_start3A_6 = arith.constant 0 : i32
    %dma_start3A_7 = arith.constant 0 : i32
    %dma_start3A_8 = tpu.memref_slice %arg3[%dma_start3A_6, %dma_start3A_7] : memref<1000000x128xf32, #tpu.memory_space<hbm>> -> memref<1000000x128xf32, #tpu.memory_space<hbm>>
    tpu.enqueue_indirect_dma source(%dma_start3A_8 : memref<1000000x128xf32, #tpu.memory_space<hbm>>) target(%arg6 : memref<128x128xf32, #tpu.memory_space<vmem>>) offsets(%dma_start3A_5 : memref<128xi32, #tpu.memory_space<vmem>>) semaphore(%arg10 : memref<!tpu.dma_semaphore, #tpu.memory_space<semaphore_mem>>)
    %dma_start3A_9 = arith.constant 0 : i32
    %dma_start3A_10 = arith.constant 128 : i32
    %dma_start3A_11 = tpu.memref_slice %arg5[%dma_start3A_9, %dma_start3A_10] : memref<128x200xi32, #tpu.memory_space<vmem>> -> memref<1x72xi32, #tpu.memory_space<vmem>>
    %dma_start3A_12 = tpu.memref_squeeze %dma_start3A_11 : memref<1x72xi32, #tpu.memory_space<vmem>> -> memref<72xi32, #tpu.memory_space<vmem>>
    %dma_start3A_13 = arith.constant 0 : i32
    %dma_start3A_14 = arith.constant 0 : i32
    %dma_start3A_15 = tpu.memref_slice %arg3[%dma_start3A_13, %dma_start3A_14] : memref<1000000x128xf32, #tpu.memory_space<hbm>> -> memref<1000000x128xf32, #tpu.memory_space<hbm>>
    tpu.enqueue_indirect_dma source(%dma_start3A_15 : memref<1000000x128xf32, #tpu.memory_space<hbm>>) target(%arg7 : memref<72x128xf32, #tpu.memory_space<vmem>>) offsets(%dma_start3A_12 : memref<72xi32, #tpu.memory_space<vmem>>) semaphore(%arg10 : memref<!tpu.dma_semaphore, #tpu.memory_space<semaphore_mem>>)
    %dma_start3A_16 = arith.constant 1 : i32
    %dma_start3A_17 = arith.constant 0 : i32
    %dma_start3A_18 = tpu.memref_slice %arg5[%dma_start3A_16, %dma_start3A_17] : memref<128x200xi32, #tpu.memory_space<vmem>> -> memref<1x128xi32, #tpu.memory_space<vmem>>
    %dma_start3A_19 = tpu.memref_squeeze %dma_start3A_18 : memref<1x128xi32, #tpu.memory_space<vmem>> -> memref<128xi32, #tpu.memory_space<vmem>>
    %dma_start3A_20 = arith.constant 0 : i32
    %dma_start3A_21 = arith.constant 0 : i32
    %dma_start3A_22 = tpu.memref_slice %arg3[%dma_start3A_20, %dma_start3A_21] : memref<1000000x128xf32, #tpu.memory_space<hbm>> -> memref<1000000x128xf32, #tpu.memory_space<hbm>>
    tpu.enqueue_indirect_dma source(%dma_start3A_22 : memref<1000000x128xf32, #tpu.memory_space<hbm>>) target(%arg8 : memref<128x128xf32, #tpu.memory_space<vmem>>) offsets(%dma_start3A_19 : memref<128xi32, #tpu.memory_space<vmem>>) semaphore(%arg11 : memref<!tpu.dma_semaphore, #tpu.memory_space<semaphore_mem>>)
    %dma_start3A_23 = arith.constant 1 : i32
    %dma_start3A_24 = arith.constant 128 : i32
    %dma_start3A_25 = tpu.memref_slice %arg5[%dma_start3A_23, %dma_start3A_24] : memref<128x200xi32, #tpu.memory_space<vmem>> -> memref<1x72xi32, #tpu.memory_space<vmem>>
    %dma_start3A_26 = tpu.memref_squeeze %dma_start3A_25 : memref<1x72xi32, #tpu.memory_space<vmem>> -> memref<72xi32, #tpu.memory_space<vmem>>
    %dma_start3A_27 = arith.constant 0 : i32
    %dma_start3A_28 = arith.constant 0 : i32
    %dma_start3A_29 = tpu.memref_slice %arg3[%dma_start3A_27, %dma_start3A_28] : memref<1000000x128xf32, #tpu.memory_space<hbm>> -> memref<1000000x128xf32, #tpu.memory_space<hbm>>
    tpu.enqueue_indirect_dma source(%dma_start3A_29 : memref<1000000x128xf32, #tpu.memory_space<hbm>>) target(%arg9 : memref<72x128xf32, #tpu.memory_space<vmem>>) offsets(%dma_start3A_26 : memref<72xi32, #tpu.memory_space<vmem>>) semaphore(%arg11 : memref<!tpu.dma_semaphore, #tpu.memory_space<semaphore_mem>>)
    %scan3A = arith.constant 0 : i32
    %scan3A_30 = arith.constant 0 : i32
    %scan3A_31 = arith.constant 63 : i32
    %scan3A_32 = arith.addi %scan3A_30, %scan3A_31 : i32
    %scan3A_33 = arith.constant 1 : i32
    scf.for %scan3A_166 = %scan3A_30 to %scan3A_32 step %scan3A_33  : i32 {
      %mul3A_167 = arith.constant 2 : i32
      %mul3A_168 = arith.muli %mul3A_167, %scan3A_166 : i32
      %dma_wait3A_169 = arith.constant 0 : i32
      %dma_wait3A_170 = tpu.memref_slice %arg5[%mul3A_168, %dma_wait3A_169] : memref<128x200xi32, #tpu.memory_space<vmem>> -> memref<1x128xi32, #tpu.memory_space<vmem>>
      %dma_wait3A_171 = tpu.memref_squeeze %dma_wait3A_170 : memref<1x128xi32, #tpu.memory_space<vmem>> -> memref<128xi32, #tpu.memory_space<vmem>>
      %dma_wait3A_172 = arith.constant 0 : i32
      %dma_wait3A_173 = arith.constant 0 : i32
      %dma_wait3A_174 = tpu.memref_slice %arg3[%dma_wait3A_172, %dma_wait3A_173] : memref<1000000x128xf32, #tpu.memory_space<hbm>> -> memref<1000000x128xf32, #tpu.memory_space<hbm>>
      tpu.wait_indirect_dma semaphore(%arg10 : memref<!tpu.dma_semaphore, #tpu.memory_space<semaphore_mem>>) src(%dma_wait3A_174 : memref<1000000x128xf32, #tpu.memory_space<hbm>>) dst(%arg6 : memref<128x128xf32, #tpu.memory_space<vmem>>)
      %dma_wait3A_175 = arith.constant 128 : i32
      %dma_wait3A_176 = tpu.memref_slice %arg5[%mul3A_168, %dma_wait3A_175] : memref<128x200xi32, #tpu.memory_space<vmem>> -> memref<1x72xi32, #tpu.memory_space<vmem>>
      %dma_wait3A_177 = tpu.memref_squeeze %dma_wait3A_176 : memref<1x72xi32, #tpu.memory_space<vmem>> -> memref<72xi32, #tpu.memory_space<vmem>>
      %dma_wait3A_178 = arith.constant 0 : i32
      %dma_wait3A_179 = arith.constant 0 : i32
      %dma_wait3A_180 = tpu.memref_slice %arg3[%dma_wait3A_178, %dma_wait3A_179] : memref<1000000x128xf32, #tpu.memory_space<hbm>> -> memref<1000000x128xf32, #tpu.memory_space<hbm>>
      tpu.wait_indirect_dma semaphore(%arg10 : memref<!tpu.dma_semaphore, #tpu.memory_space<semaphore_mem>>) src(%dma_wait3A_180 : memref<1000000x128xf32, #tpu.memory_space<hbm>>) dst(%arg7 : memref<72x128xf32, #tpu.memory_space<vmem>>)
      %scan3A_181 = arith.constant 0 : i32
      %scan3A_182 = arith.constant 0 : i32
      %scan3A_183 = arith.constant 16 : i32
      %scan3A_184 = arith.addi %scan3A_182, %scan3A_183 : i32
      %scan3A_185 = arith.constant 1 : i32
      scf.for %scan3A_321 = %scan3A_182 to %scan3A_184 step %scan3A_185  : i32 {
        %mul3A_322 = arith.constant 8 : i32
        %mul3A_323 = arith.muli %scan3A_321, %mul3A_322 : i32
        %add3A_324 = arith.constant 0 : i32
        %add3A_325 = arith.addi %mul3A_323, %add3A_324 : i32
        %get3A = arith.index_cast %add3A_325 : i32 to index
        %get3A_326 = arith.constant 0 : index
        %get3A_327 = tpu.vector_load %arg6[%get3A, %get3A_326] {strides = array<i32>} : memref<128x128xf32, #tpu.memory_space<vmem>>, vector<1x16xf32>,
        %get3A_328 = vector.shape_cast %get3A_327 : vector<1x16xf32> to vector<16xf32>
        %mul3A_329 = arith.constant 8.000000e+00 : f32
        %mul3A_330 = vector.broadcast %mul3A_329 : f32 to vector<16xf32>
        %mul3A_331 = arith.mulf %get3A_328, %mul3A_330 : vector<16xf32>
        %add3A_332 = arith.constant 0 : i32
        %add3A_333 = arith.addi %mul3A_323, %add3A_332 : i32
        %swap3A = arith.index_cast %add3A_333 : i32 to index
        %swap3A_334 = arith.constant 0 : index
        %swap3A_335 = tpu.vector_load %arg6[%swap3A, %swap3A_334] {strides = array<i32>} : memref<128x128xf32, #tpu.memory_space<vmem>>, vector<1x16xf32>,
        %swap3A_336 = vector.shape_cast %swap3A_335 : vector<1x16xf32> to vector<16xf32>
        %swap3A_337 = vector.shape_cast %mul3A_331 : vector<16xf32> to vector<1x16xf32>
        tpu.vector_store %arg6[%swap3A, %swap3A_334], %swap3A_337 {strides = array<i32>} : memref<128x128xf32, #tpu.memory_space<vmem>>, vector<1x16xf32>,
        %add3A_338 = arith.constant 0 : i32
        %add3A_339 = arith.addi %mul3A_323, %add3A_338 : i32
        %get3A_340 = arith.index_cast %add3A_339 : i32 to index
        %get3A_341 = arith.constant 16 : index
        %get3A_342 = tpu.vector_load %arg6[%get3A_340, %get3A_341] {strides = array<i32>} : memref<128x128xf32, #tpu.memory_space<vmem>>, vector<1x16xf32>,
        %get3A_343 = vector.shape_cast %get3A_342 : vector<1x16xf32> to vector<16xf32>
        %mul3A_344 = arith.constant 8.000000e+00 : f32
        %mul3A_345 = vector.broadcast %mul3A_344 : f32 to vector<16xf32>
        %mul3A_346 = arith.mulf %get3A_343, %mul3A_345 : vector<16xf32>
        %add3A_347 = arith.constant 0 : i32
        %add3A_348 = arith.addi %mul3A_323, %add3A_347 : i32
        %swap3A_349 = arith.index_cast %add3A_348 : i32 to index
        %swap3A_350 = arith.constant 16 : index
        %swap3A_351 = tpu.vector_load %arg6[%swap3A_349, %swap3A_350] {strides = array<i32>} : memref<128x128xf32, #tpu.memory_space<vmem>>, vector<1x16xf32>,
        %swap3A_352 = vector.shape_cast %swap3A_351 : vector<1x16xf32> to vector<16xf32>
        %swap3A_353 = vector.shape_cast %mul3A_346 : vector<16xf32> to vector<1x16xf32>
        tpu.vector_store %arg6[%swap3A_349, %swap3A_350], %swap3A_353 {strides = array<i32>} : memref<128x128xf32, #tpu.memory_space<vmem>>, vector<1x16xf32>,
        %add3A_354 = arith.constant 0 : i32
        %add3A_355 = arith.addi %mul3A_323, %add3A_354 : i32
        %get3A_356 = arith.index_cast %add3A_355 : i32 to index
        %get3A_357 = arith.constant 32 : index
        %get3A_358 = tpu.vector_load %arg6[%get3A_356, %get3A_357] {strides = array<i32>} : memref<128x128xf32, #tpu.memory_space<vmem>>, vector<1x16xf32>,
        %get3A_359 = vector.shape_cast %get3A_358 : vector<1x16xf32> to vector<16xf32>
        %mul3A_360 = arith.constant 8.000000e+00 : f32
        %mul3A_361 = vector.broadcast %mul3A_360 : f32 to vector<16xf32>
        %mul3A_362 = arith.mulf %get3A_359, %mul3A_361 : vector<16xf32>
        %add3A_363 = arith.constant 0 : i32
        %add3A_364 = arith.addi %mul3A_323, %add3A_363 : i32
        %swap3A_365 = arith.index_cast %add3A_364 : i32 to index
        %swap3A_366 = arith.constant 32 : index
        %swap3A_367 = tpu.vector_load %arg6[%swap3A_365, %swap3A_366] {strides = array<i32>} : memref<128x128xf32, #tpu.memory_space<vmem>>, vector<1x16xf32>,
        %swap3A_368 = vector.shape_cast %swap3A_367 : vector<1x16xf32> to vector<16xf32>
        %swap3A_369 = vector.shape_cast %mul3A_362 : vector<16xf32> to vector<1x16xf32>
        tpu.vector_store %arg6[%swap3A_365, %swap3A_366], %swap3A_369 {strides = array<i32>} : memref<128x128xf32, #tpu.memory_space<vmem>>, vector<1x16xf32>,
        %add3A_370 = arith.constant 0 : i32
        %add3A_371 = arith.addi %mul3A_323, %add3A_370 : i32
        %get3A_372 = arith.index_cast %add3A_371 : i32 to index
        %get3A_373 = arith.constant 48 : index
        %get3A_374 = tpu.vector_load %arg6[%get3A_372, %get3A_373] {strides = array<i32>} : memref<128x128xf32, #tpu.memory_space<vmem>>, vector<1x16xf32>,
        %get3A_375 = vector.shape_cast %get3A_374 : vector<1x16xf32> to vector<16xf32>
        %mul3A_376 = arith.constant 8.000000e+00 : f32
        %mul3A_377 = vector.broadcast %mul3A_376 : f32 to vector<16xf32>
        %mul3A_378 = arith.mulf %get3A_375, %mul3A_377 : vector<16xf32>
        %add3A_379 = arith.constant 0 : i32
        %add3A_380 = arith.addi %mul3A_323, %add3A_379 : i32
        %swap3A_381 = arith.index_cast %add3A_380 : i32 to index
        %swap3A_382 = arith.constant 48 : index
        %swap3A_383 = tpu.vector_load %arg6[%swap3A_381, %swap3A_382] {strides = array<i32>} : memref<128x128xf32, #tpu.memory_space<vmem>>, vector<1x16xf32>,
        %swap3A_384 = vector.shape_cast %swap3A_383 : vector<1x16xf32> to vector<16xf32>
        %swap3A_385 = vector.shape_cast %mul3A_378 : vector<16xf32> to vector<1x16xf32>
        tpu.vector_store %arg6[%swap3A_381, %swap3A_382], %swap3A_385 {strides = array<i32>} : memref<128x128xf32, #tpu.memory_space<vmem>>, vector<1x16xf32>,
        %add3A_386 = arith.constant 1 : i32
        %add3A_387 = arith.addi %mul3A_323, %add3A_386 : i32
        %get3A_388 = arith.index_cast %add3A_387 : i32 to index
        %get3A_389 = arith.constant 0 : index
        %get3A_390 = tpu.vector_load %arg6[%get3A_388, %get3A_389] {strides = array<i32>} : memref<128x128xf32, #tpu.memory_space<vmem>>, vector<1x16xf32>,
        %get3A_391 = vector.shape_cast %get3A_390 : vector<1x16xf32> to vector<16xf32>
        %mul3A_392 = arith.constant 8.000000e+00 : f32
        %mul3A_393 = vector.broadcast %mul3A_392 : f32 to vector<16xf32>
        %mul3A_394 = arith.mulf %get3A_391, %mul3A_393 : vector<16xf32>
        %add3A_395 = arith.constant 1 : i32
        %add3A_396 = arith.addi %mul3A_323, %add3A_395 : i32
        %swap3A_397 = arith.index_cast %add3A_396 : i32 to index
        %swap3A_398 = arith.constant 0 : index
        %swap3A_399 = tpu.vector_load %arg6[%swap3A_397, %swap3A_398] {strides = array<i32>} : memref<128x128xf32, #tpu.memory_space<vmem>>, vector<1x16xf32>,
        %swap3A_400 = vector.shape_cast %swap3A_399 : vector<1x16xf32> to vector<16xf32>
        %swap3A_401 = vector.shape_cast %mul3A_394 : vector<16xf32> to vector<1x16xf32>
        tpu.vector_store %arg6[%swap3A_397, %swap3A_398], %swap3A_401 {strides = array<i32>} : memref<128x128xf32, #tpu.memory_space<vmem>>, vector<1x16xf32>,
        %add3A_402 = arith.constant 1 : i32
        %add3A_403 = arith.addi %mul3A_323, %add3A_402 : i32
        %get3A_404 = arith.index_cast %add3A_403 : i32 to index
        %get3A_405 = arith.constant 16 : index
        %get3A_406 = tpu.vector_load %arg6[%get3A_404, %get3A_405] {strides = array<i32>} : memref<128x128xf32, #tpu.memory_space<vmem>>, vector<1x16xf32>,
        %get3A_407 = vector.shape_cast %get3A_406 : vector<1x16xf32> to vector<16xf32>
        %mul3A_408 = arith.constant 8.000000e+00 : f32
        %mul3A_409 = vector.broadcast %mul3A_408 : f32 to vector<16xf32>
        %mul3A_410 = arith.mulf %get3A_407, %mul3A_409 : vector<16xf32>
        %add3A_411 = arith.constant 1 : i32
        %add3A_412 = arith.addi %mul3A_323, %add3A_411 : i32
        %swap3A_413 = arith.index_cast %add3A_412 : i32 to index
        %swap3A_414 = arith.constant 16 : index
        %swap3A_415 = tpu.vector_load %arg6[%swap3A_413, %swap3A_414] {strides = array<i32>} : memref<128x128xf32, #tpu.memory_space<vmem>>, vector<1x16xf32>,
        %swap3A_416 = vector.shape_cast %swap3A_415 : vector<1x16xf32> to vector<16xf32>
        %swap3A_417 = vector.shape_cast %mul3A_410 : vector<16xf32> to vector<1x16xf32>
        tpu.vector_store %arg6[%swap3A_413, %swap3A_414], %swap3A_417 {strides = array<i32>} : memref<128x128xf32, #tpu.memory_space<vmem>>, vector<1x16xf32>,
        %add3A_418 = arith.constant 1 : i32
        %add3A_419 = arith.addi %mul3A_323, %add3A_418 : i32
        %get3A_420 = arith.index_cast %add3A_419 : i32 to index
        %get3A_421 = arith.constant 32 : index
        %get3A_422 = tpu.vector_load %arg6[%get3A_420, %get3A_421] {strides = array<i32>} : memref<128x128xf32, #tpu.memory_space<vmem>>, vector<1x16xf32>,
        %get3A_423 = vector.shape_cast %get3A_422 : vector<1x16xf32> to vector<16xf32>
        %mul3A_424 = arith.constant 8.000000e+00 : f32
        %mul3A_425 = vector.broadcast %mul3A_424 : f32 to vector<16xf32>
        %mul3A_426 = arith.mulf %get3A_423, %mul3A_425 : vector<16xf32>
        %add3A_427 = arith.constant 1 : i32
        %add3A_428 = arith.addi %mul3A_323, %add3A_427 : i32
        %swap3A_429 = arith.index_cast %add3A_428 : i32 to index
        %swap3A_430 = arith.constant 32 : index
        %swap3A_431 = tpu.vector_load %arg6[%swap3A_429, %swap3A_430] {strides = array<i32>} : memref<128x128xf32, #tpu.memory_space<vmem>>, vector<1x16xf32>,
        %swap3A_432 = vector.shape_cast %swap3A_431 : vector<1x16xf32> to vector<16xf32>
        %swap3A_433 = vector.shape_cast %mul3A_426 : vector<16xf32> to vector<1x16xf32>
        tpu.vector_store %arg6[%swap3A_429, %swap3A_430], %swap3A_433 {strides = array<i32>} : memref<128x128xf32, #tpu.memory_space<vmem>>, vector<1x16xf32>,
        %add3A_434 = arith.constant 1 : i32
        %add3A_435 = arith.addi %mul3A_323, %add3A_434 : i32
        %get3A_436 = arith.index_cast %add3A_435 : i32 to index
        %get3A_437 = arith.constant 48 : index
        %get3A_438 = tpu.vector_load %arg6[%get3A_436, %get3A_437] {strides = array<i32>} : memref<128x128xf32, #tpu.memory_space<vmem>>, vector<1x16xf32>,
        %get3A_439 = vector.shape_cast %get3A_438 : vector<1x16xf32> to vector<16xf32>
        %mul3A_440 = arith.constant 8.000000e+00 : f32
        %mul3A_441 = vector.broadcast %mul3A_440 : f32 to vector<16xf32>
        %mul3A_442 = arith.mulf %get3A_439, %mul3A_441 : vector<16xf32>
        %add3A_443 = arith.constant 1 : i32
        %add3A_444 = arith.addi %mul3A_323, %add3A_443 : i32
        %swap3A_445 = arith.index_cast %add3A_444 : i32 to index
        %swap3A_446 = arith.constant 48 : index
        %swap3A_447 = tpu.vector_load %arg6[%swap3A_445, %swap3A_446] {strides = array<i32>} : memref<128x128xf32, #tpu.memory_space<vmem>>, vector<1x16xf32>,
        %swap3A_448 = vector.shape_cast %swap3A_447 : vector<1x16xf32> to vector<16xf32>
        %swap3A_449 = vector.shape_cast %mul3A_442 : vector<16xf32> to vector<1x16xf32>
        tpu.vector_store %arg6[%swap3A_445, %swap3A_446], %swap3A_449 {strides = array<i32>} : memref<128x128xf32, #tpu.memory_space<vmem>>, vector<1x16xf32>,
        %add3A_450 = arith.constant 2 : i32
        %add3A_451 = arith.addi %mul3A_323, %add3A_450 : i32
        %get3A_452 = arith.index_cast %add3A_451 : i32 to index
        %get3A_453 = arith.constant 0 : index
        %get3A_454 = tpu.vector_load %arg6[%get3A_452, %get3A_453] {strides = array<i32>} : memref<128x128xf32, #tpu.memory_space<vmem>>, vector<1x16xf32>,
        %get3A_455 = vector.shape_cast %get3A_454 : vector<1x16xf32> to vector<16xf32>
        %mul3A_456 = arith.constant 8.000000e+00 : f32
        %mul3A_457 = vector.broadcast %mul3A_456 : f32 to vector<16xf32>
        %mul3A_458 = arith.mulf %get3A_455, %mul3A_457 : vector<16xf32>
        %add3A_459 = arith.constant 2 : i32
        %add3A_460 = arith.addi %mul3A_323, %add3A_459 : i32
        %swap3A_461 = arith.index_cast %add3A_460 : i32 to index
        %swap3A_462 = arith.constant 0 : index
        %swap3A_463 = tpu.vector_load %arg6[%swap3A_461, %swap3A_462] {strides = array<i32>} : memref<128x128xf32, #tpu.memory_space<vmem>>, vector<1x16xf32>,
        %swap3A_464 = vector.shape_cast %swap3A_463 : vector<1x16xf32> to vector<16xf32>
        %swap3A_465 = vector.shape_cast %mul3A_458 : vector<16xf32> to vector<1x16xf32>
        tpu.vector_store %arg6[%swap3A_461, %swap3A_462], %swap3A_465 {strides = array<i32>} : memref<128x128xf32, #tpu.memory_space<vmem>>, vector<1x16xf32>,
        %add3A_466 = arith.constant 2 : i32
        %add3A_467 = arith.addi %mul3A_323, %add3A_466 : i32
        %get3A_468 = arith.index_cast %add3A_467 : i32 to index
        %get3A_469 = arith.constant 16 : index
        %get3A_470 = tpu.vector_load %arg6[%get3A_468, %get3A_469] {strides = array<i32>} : memref<128x128xf32, #tpu.memory_space<vmem>>, vector<1x16xf32>,
        %get3A_471 = vector.shape_cast %get3A_470 : vector<1x16xf32> to vector<16xf32>
        %mul3A_472 = arith.constant 8.000000e+00 : f32
        %mul3A_473 = vector.broadcast %mul3A_472 : f32 to vector<16xf32>
        %mul3A_474 = arith.mulf %get3A_471, %mul3A_473 : vector<16xf32>
        %add3A_475 = arith.constant 2 : i32
        %add3A_476 = arith.addi %mul3A_323, %add3A_475 : i32
        %swap3A_477 = arith.index_cast %add3A_476 : i32 to index
        %swap3A_478 = arith.constant 16 : index
        %swap3A_479 = tpu.vector_load %arg6[%swap3A_477, %swap3A_478] {strides = array<i32>} : memref<128x128xf32, #tpu.memory_space<vmem>>, vector<1x16xf32>,
        %swap3A_480 = vector.shape_cast %swap3A_479 : vector<1x16xf32> to vector<16xf32>
        %swap3A_481 = vector.shape_cast %mul3A_474 : vector<16xf32> to vector<1x16xf32>
        tpu.vector_store %arg6[%swap3A_477, %swap3A_478], %swap3A_481 {strides = array<i32>} : memref<128x128xf32, #tpu.memory_space<vmem>>, vector<1x16xf32>,
        %add3A_482 = arith.constant 2 : i32
        %add3A_483 = arith.addi %mul3A_323, %add3A_482 : i32
        %get3A_484 = arith.index_cast %add3A_483 : i32 to index
        %get3A_485 = arith.constant 32 : index
        %get3A_486 = tpu.vector_load %arg6[%get3A_484, %get3A_485] {strides = array<i32>} : memref<128x128xf32, #tpu.memory_space<vmem>>, vector<1x16xf32>,
        %get3A_487 = vector.shape_cast %get3A_486 : vector<1x16xf32> to vector<16xf32>
        %mul3A_488 = arith.constant 8.000000e+00 : f32
        %mul3A_489 = vector.broadcast %mul3A_488 : f32 to vector<16xf32>
        %mul3A_490 = arith.mulf %get3A_487, %mul3A_489 : vector<16xf32>
        %add3A_491 = arith.constant 2 : i32
        %add3A_492 = arith.addi %mul3A_323, %add3A_491 : i32
        %swap3A_493 = arith.index_cast %add3A_492 : i32 to index
        %swap3A_494 = arith.constant 32 : index
        %swap3A_495 = tpu.vector_load %arg6[%swap3A_493, %swap3A_494] {strides = array<i32>} : memref<128x128xf32, #tpu.memory_space<vmem>>, vector<1x16xf32>,
        %swap3A_496 = vector.shape_cast %swap3A_495 : vector<1x16xf32> to vector<16xf32>
        %swap3A_497 = vector.shape_cast %mul3A_490 : vector<16xf32> to vector<1x16xf32>
        tpu.vector_store %arg6[%swap3A_493, %swap3A_494], %swap3A_497 {strides = array<i32>} : memref<128x128xf32, #tpu.memory_space<vmem>>, vector<1x16xf32>,
        %add3A_498 = arith.constant 2 : i32
        %add3A_499 = arith.addi %mul3A_323, %add3A_498 : i32
        %get3A_500 = arith.index_cast %add3A_499 : i32 to index
        %get3A_501 = arith.constant 48 : index
        %get3A_502 = tpu.vector_load %arg6[%get3A_500, %get3A_501] {strides = array<i32>} : memref<128x128xf32, #tpu.memory_space<vmem>>, vector<1x16xf32>,
        %get3A_503 = vector.shape_cast %get3A_502 : vector<1x16xf32> to vector<16xf32>
        %mul3A_504 = arith.constant 8.000000e+00 : f32
        %mul3A_505 = vector.broadcast %mul3A_504 : f32 to vector<16xf32>
        %mul3A_506 = arith.mulf %get3A_503, %mul3A_505 : vector<16xf32>
        %add3A_507 = arith.constant 2 : i32
        %add3A_508 = arith.addi %mul3A_323, %add3A_507 : i32
        %swap3A_509 = arith.index_cast %add3A_508 : i32 to index
        %swap3A_510 = arith.constant 48 : index
        %swap3A_511 = tpu.vector_load %arg6[%swap3A_509, %swap3A_510] {strides = array<i32>} : memref<128x128xf32, #tpu.memory_space<vmem>>, vector<1x16xf32>,
        %swap3A_512 = vector.shape_cast %swap3A_511 : vector<1x16xf32> to vector<16xf32>
        %swap3A_513 = vector.shape_cast %mul3A_506 : vector<16xf32> to vector<1x16xf32>
        tpu.vector_store %arg6[%swap3A_509, %swap3A_510], %swap3A_513 {strides = array<i32>} : memref<128x128xf32, #tpu.memory_space<vmem>>, vector<1x16xf32>,
        %add3A_514 = arith.constant 3 : i32
        %add3A_515 = arith.addi %mul3A_323, %add3A_514 : i32
        %get3A_516 = arith.index_cast %add3A_515 : i32 to index
        %get3A_517 = arith.constant 0 : index
        %get3A_518 = tpu.vector_load %arg6[%get3A_516, %get3A_517] {strides = array<i32>} : memref<128x128xf32, #tpu.memory_space<vmem>>, vector<1x16xf32>,
        %get3A_519 = vector.shape_cast %get3A_518 : vector<1x16xf32> to vector<16xf32>
        %mul3A_520 = arith.constant 8.000000e+00 : f32
        %mul3A_521 = vector.broadcast %mul3A_520 : f32 to vector<16xf32>
        %mul3A_522 = arith.mulf %get3A_519, %mul3A_521 : vector<16xf32>
        %add3A_523 = arith.constant 3 : i32
        %add3A_524 = arith.addi %mul3A_323, %add3A_523 : i32
        %swap3A_525 = arith.index_cast %add3A_524 : i32 to index
        %swap3A_526 = arith.constant 0 : index
        %swap3A_527 = tpu.vector_load %arg6[%swap3A_525, %swap3A_526] {strides = array<i32>} : memref<128x128xf32, #tpu.memory_space<vmem>>, vector<1x16xf32>,
        %swap3A_528 = vector.shape_cast %swap3A_527 : vector<1x16xf32> to vector<16xf32>
        %swap3A_529 = vector.shape_cast %mul3A_522 : vector<16xf32> to vector<1x16xf32>
        tpu.vector_store %arg6[%swap3A_525, %swap3A_526], %swap3A_529 {strides = array<i32>} : memref<128x128xf32, #tpu.memory_space<vmem>>, vector<1x16xf32>,
        %add3A_530 = arith.constant 3 : i32
        %add3A_531 = arith.addi %mul3A_323, %add3A_530 : i32
        %get3A_532 = arith.index_cast %add3A_531 : i32 to index
        %get3A_533 = arith.constant 16 : index
        %get3A_534 = tpu.vector_load %arg6[%get3A_532, %get3A_533] {strides = array<i32>} : memref<128x128xf32, #tpu.memory_space<vmem>>, vector<1x16xf32>,
        %get3A_535 = vector.shape_cast %get3A_534 : vector<1x16xf32> to vector<16xf32>
        %mul3A_536 = arith.constant 8.000000e+00 : f32
        %mul3A_537 = vector.broadcast %mul3A_536 : f32 to vector<16xf32>
        %mul3A_538 = arith.mulf %get3A_535, %mul3A_537 : vector<16xf32>
        %add3A_539 = arith.constant 3 : i32
        %add3A_540 = arith.addi %mul3A_323, %add3A_539 : i32
        %swap3A_541 = arith.index_cast %add3A_540 : i32 to index
        %swap3A_542 = arith.constant 16 : index
        %swap3A_543 = tpu.vector_load %arg6[%swap3A_541, %swap3A_542] {strides = array<i32>} : memref<128x128xf32, #tpu.memory_space<vmem>>, vector<1x16xf32>,
        %swap3A_544 = vector.shape_cast %swap3A_543 : vector<1x16xf32> to vector<16xf32>
        %swap3A_545 = vector.shape_cast %mul3A_538 : vector<16xf32> to vector<1x16xf32>
        tpu.vector_store %arg6[%swap3A_541, %swap3A_542], %swap3A_545 {strides = array<i32>} : memref<128x128xf32, #tpu.memory_space<vmem>>, vector<1x16xf32>,
        %add3A_546 = arith.constant 3 : i32
        %add3A_547 = arith.addi %mul3A_323, %add3A_546 : i32
        %get3A_548 = arith.index_cast %add3A_547 : i32 to index
        %get3A_549 = arith.constant 32 : index
        %get3A_550 = tpu.vector_load %arg6[%get3A_548, %get3A_549] {strides = array<i32>} : memref<128x128xf32, #tpu.memory_space<vmem>>, vector<1x16xf32>,
        %get3A_551 = vector.shape_cast %get3A_550 : vector<1x16xf32> to vector<16xf32>
        %mul3A_552 = arith.constant 8.000000e+00 : f32
        %mul3A_553 = vector.broadcast %mul3A_552 : f32 to vector<16xf32>
        %mul3A_554 = arith.mulf %get3A_551, %mul3A_553 : vector<16xf32>
        %add3A_555 = arith.constant 3 : i32
        %add3A_556 = arith.addi %mul3A_323, %add3A_555 : i32
        %swap3A_557 = arith.index_cast %add3A_556 : i32 to index
        %swap3A_558 = arith.constant 32 : index
        %swap3A_559 = tpu.vector_load %arg6[%swap3A_557, %swap3A_558] {strides = array<i32>} : memref<128x128xf32, #tpu.memory_space<vmem>>, vector<1x16xf32>,
        %swap3A_560 = vector.shape_cast %swap3A_559 : vector<1x16xf32> to vector<16xf32>
        %swap3A_561 = vector.shape_cast %mul3A_554 : vector<16xf32> to vector<1x16xf32>
        tpu.vector_store %arg6[%swap3A_557, %swap3A_558], %swap3A_561 {strides = array<i32>} : memref<128x128xf32, #tpu.memory_space<vmem>>, vector<1x16xf32>,
        %add3A_562 = arith.constant 3 : i32
        %add3A_563 = arith.addi %mul3A_323, %add3A_562 : i32
        %get3A_564 = arith.index_cast %add3A_563 : i32 to index
        %get3A_565 = arith.constant 48 : index
        %get3A_566 = tpu.vector_load %arg6[%get3A_564, %get3A_565] {strides = array<i32>} : memref<128x128xf32, #tpu.memory_space<vmem>>, vector<1x16xf32>,
        %get3A_567 = vector.shape_cast %get3A_566 : vector<1x16xf32> to vector<16xf32>
        %mul3A_568 = arith.constant 8.000000e+00 : f32
        %mul3A_569 = vector.broadcast %mul3A_568 : f32 to vector<16xf32>
        %mul3A_570 = arith.mulf %get3A_567, %mul3A_569 : vector<16xf32>
        %add3A_571 = arith.constant 3 : i32
        %add3A_572 = arith.addi %mul3A_323, %add3A_571 : i32
        %swap3A_573 = arith.index_cast %add3A_572 : i32 to index
        %swap3A_574 = arith.constant 48 : index
        %swap3A_575 = tpu.vector_load %arg6[%swap3A_573, %swap3A_574] {strides = array<i32>} : memref<128x128xf32, #tpu.memory_space<vmem>>, vector<1x16xf32>,
        %swap3A_576 = vector.shape_cast %swap3A_575 : vector<1x16xf32> to vector<16xf32>
        %swap3A_577 = vector.shape_cast %mul3A_570 : vector<16xf32> to vector<1x16xf32>
        tpu.vector_store %arg6[%swap3A_573, %swap3A_574], %swap3A_577 {strides = array<i32>} : memref<128x128xf32, #tpu.memory_space<vmem>>, vector<1x16xf32>,
        %add3A_578 = arith.constant 4 : i32
        %add3A_579 = arith.addi %mul3A_323, %add3A_578 : i32
        %get3A_580 = arith.index_cast %add3A_579 : i32 to index
        %get3A_581 = arith.constant 0 : index
        %get3A_582 = tpu.vector_load %arg6[%get3A_580, %get3A_581] {strides = array<i32>} : memref<128x128xf32, #tpu.memory_space<vmem>>, vector<1x16xf32>,
        %get3A_583 = vector.shape_cast %get3A_582 : vector<1x16xf32> to vector<16xf32>
        %mul3A_584 = arith.constant 8.000000e+00 : f32
        %mul3A_585 = vector.broadcast %mul3A_584 : f32 to vector<16xf32>
        %mul3A_586 = arith.mulf %get3A_583, %mul3A_585 : vector<16xf32>
        %add3A_587 = arith.constant 4 : i32
        %add3A_588 = arith.addi %mul3A_323, %add3A_587 : i32
        %swap3A_589 = arith.index_cast %add3A_588 : i32 to index
        %swap3A_590 = arith.constant 0 : index
        %swap3A_591 = tpu.vector_load %arg6[%swap3A_589, %swap3A_590] {strides = array<i32>} : memref<128x128xf32, #tpu.memory_space<vmem>>, vector<1x16xf32>,
        %swap3A_592 = vector.shape_cast %swap3A_591 : vector<1x16xf32> to vector<16xf32>
        %swap3A_593 = vector.shape_cast %mul3A_586 : vector<16xf32> to vector<1x16xf32>
        tpu.vector_store %arg6[%swap3A_589, %swap3A_590], %swap3A_593 {strides = array<i32>} : memref<128x128xf32, #tpu.memory_space<vmem>>, vector<1x16xf32>,
        %add3A_594 = arith.constant 4 : i32
        %add3A_595 = arith.addi %mul3A_323, %add3A_594 : i32
        %get3A_596 = arith.index_cast %add3A_595 : i32 to index
        %get3A_597 = arith.constant 16 : index
        %get3A_598 = tpu.vector_load %arg6[%get3A_596, %get3A_597] {strides = array<i32>} : memref<128x128xf32, #tpu.memory_space<vmem>>, vector<1x16xf32>,
        %get3A_599 = vector.shape_cast %get3A_598 : vector<1x16xf32> to vector<16xf32>
        %mul3A_600 = arith.constant 8.000000e+00 : f32
        %mul3A_601 = vector.broadcast %mul3A_600 : f32 to vector<16xf32>
        %mul3A_602 = arith.mulf %get3A_599, %mul3A_601 : vector<16xf32>
        %add3A_603 = arith.constant 4 : i32
        %add3A_604 = arith.addi %mul3A_323, %add3A_603 : i32
        %swap3A_605 = arith.index_cast %add3A_604 : i32 to index
        %swap3A_606 = arith.constant 16 : index
        %swap3A_607 = tpu.vector_load %arg6[%swap3A_605, %swap3A_606] {strides = array<i32>} : memref<128x128xf32, #tpu.memory_space<vmem>>, vector<1x16xf32>,
        %swap3A_608 = vector.shape_cast %swap3A_607 : vector<1x16xf32> to vector<16xf32>
        %swap3A_609 = vector.shape_cast %mul3A_602 : vector<16xf32> to vector<1x16xf32>
        tpu.vector_store %arg6[%swap3A_605, %swap3A_606], %swap3A_609 {strides = array<i32>} : memref<128x128xf32, #tpu.memory_space<vmem>>, vector<1x16xf32>,
        %add3A_610 = arith.constant 4 : i32
        %add3A_611 = arith.addi %mul3A_323, %add3A_610 : i32
        %get3A_612 = arith.index_cast %add3A_611 : i32 to index
        %get3A_613 = arith.constant 32 : index
        %get3A_614 = tpu.vector_load %arg6[%get3A_612, %get3A_613] {strides = array<i32>} : memref<128x128xf32, #tpu.memory_space<vmem>>, vector<1x16xf32>,
        %get3A_615 = vector.shape_cast %get3A_614 : vector<1x16xf32> to vector<16xf32>
        %mul3A_616 = arith.constant 8.000000e+00 : f32
        %mul3A_617 = vector.broadcast %mul3A_616 : f32 to vector<16xf32>
        %mul3A_618 = arith.mulf %get3A_615, %mul3A_617 : vector<16xf32>
        %add3A_619 = arith.constant 4 : i32
        %add3A_620 = arith.addi %mul3A_323, %add3A_619 : i32
        %swap3A_621 = arith.index_cast %add3A_620 : i32 to index
        %swap3A_622 = arith.constant 32 : index
        %swap3A_623 = tpu.vector_load %arg6[%swap3A_621, %swap3A_622] {strides = array<i32>} : memref<128x128xf32, #tpu.memory_space<vmem>>, vector<1x16xf32>,
        %swap3A_624 = vector.shape_cast %swap3A_623 : vector<1x16xf32> to vector<16xf32>
        %swap3A_625 = vector.shape_cast %mul3A_618 : vector<16xf32> to vector<1x16xf32>
        tpu.vector_store %arg6[%swap3A_621, %swap3A_622], %swap3A_625 {strides = array<i32>} : memref<128x128xf32, #tpu.memory_space<vmem>>, vector<1x16xf32>,
        %add3A_626 = arith.constant 4 : i32
        %add3A_627 = arith.addi %mul3A_323, %add3A_626 : i32
        %get3A_628 = arith.index_cast %add3A_627 : i32 to index
        %get3A_629 = arith.constant 48 : index
        %get3A_630 = tpu.vector_load %arg6[%get3A_628, %get3A_629] {strides = array<i32>} : memref<128x128xf32, #tpu.memory_space<vmem>>, vector<1x16xf32>,
        %get3A_631 = vector.shape_cast %get3A_630 : vector<1x16xf32> to vector<16xf32>
        %mul3A_632 = arith.constant 8.000000e+00 : f32
        %mul3A_633 = vector.broadcast %mul3A_632 : f32 to vector<16xf32>
        %mul3A_634 = arith.mulf %get3A_631, %mul3A_633 : vector<16xf32>
        %add3A_635 = arith.constant 4 : i32
        %add3A_636 = arith.addi %mul3A_323, %add3A_635 : i32
        %swap3A_637 = arith.index_cast %add3A_636 : i32 to index
        %swap3A_638 = arith.constant 48 : index
        %swap3A_639 = tpu.vector_load %arg6[%swap3A_637, %swap3A_638] {strides = array<i32>} : memref<128x128xf32, #tpu.memory_space<vmem>>, vector<1x16xf32>,
        %swap3A_640 = vector.shape_cast %swap3A_639 : vector<1x16xf32> to vector<16xf32>
        %swap3A_641 = vector.shape_cast %mul3A_634 : vector<16xf32> to vector<1x16xf32>
        tpu.vector_store %arg6[%swap3A_637, %swap3A_638], %swap3A_641 {strides = array<i32>} : memref<128x128xf32, #tpu.memory_space<vmem>>, vector<1x16xf32>,
        %add3A_642 = arith.constant 5 : i32
        %add3A_643 = arith.addi %mul3A_323, %add3A_642 : i32
        %get3A_644 = arith.index_cast %add3A_643 : i32 to index
        %get3A_645 = arith.constant 0 : index
        %get3A_646 = tpu.vector_load %arg6[%get3A_644, %get3A_645] {strides = array<i32>} : memref<128x128xf32, #tpu.memory_space<vmem>>, vector<1x16xf32>,
        %get3A_647 = vector.shape_cast %get3A_646 : vector<1x16xf32> to vector<16xf32>
        %mul3A_648 = arith.constant 8.000000e+00 : f32
        %mul3A_649 = vector.broadcast %mul3A_648 : f32 to vector<16xf32>
        %mul3A_650 = arith.mulf %get3A_647, %mul3A_649 : vector<16xf32>
        %add3A_651 = arith.constant 5 : i32
        %add3A_652 = arith.addi %mul3A_323, %add3A_651 : i32
        %swap3A_653 = arith.index_cast %add3A_652 : i32 to index
        %swap3A_654 = arith.constant 0 : index
        %swap3A_655 = tpu.vector_load %arg6[%swap3A_653, %swap3A_654] {strides = array<i32>} : memref<128x128xf32, #tpu.memory_space<vmem>>, vector<1x16xf32>,
        %swap3A_656 = vector.shape_cast %swap3A_655 : vector<1x16xf32> to vector<16xf32>
        %swap3A_657 = vector.shape_cast %mul3A_650 : vector<16xf32> to vector<1x16xf32>
        tpu.vector_store %arg6[%swap3A_653, %swap3A_654], %swap3A_657 {strides = array<i32>} : memref<128x128xf32, #tpu.memory_space<vmem>>, vector<1x16xf32>,
        %add3A_658 = arith.constant 5 : i32
        %add3A_659 = arith.addi %mul3A_323, %add3A_658 : i32
        %get3A_660 = arith.index_cast %add3A_659 : i32 to index
        %get3A_661 = arith.constant 16 : index
        %get3A_662 = tpu.vector_load %arg6[%get3A_660, %get3A_661] {strides = array<i32>} : memref<128x128xf32, #tpu.memory_space<vmem>>, vector<1x16xf32>,
        %get3A_663 = vector.shape_cast %get3A_662 : vector<1x16xf32> to vector<16xf32>
        %mul3A_664 = arith.constant 8.000000e+00 : f32
        %mul3A_665 = vector.broadcast %mul3A_664 : f32 to vector<16xf32>
        %mul3A_666 = arith.mulf %get3A_663, %mul3A_665 : vector<16xf32>
        %add3A_667 = arith.constant 5 : i32
        %add3A_668 = arith.addi %mul3A_323, %add3A_667 : i32
        %swap3A_669 = arith.index_cast %add3A_668 : i32 to index
        %swap3A_670 = arith.constant 16 : index
        %swap3A_671 = tpu.vector_load %arg6[%swap3A_669, %swap3A_670] {strides = array<i32>} : memref<128x128xf32, #tpu.memory_space<vmem>>, vector<1x16xf32>,
        %swap3A_672 = vector.shape_cast %swap3A_671 : vector<1x16xf32> to vector<16xf32>
        %swap3A_673 = vector.shape_cast %mul3A_666 : vector<16xf32> to vector<1x16xf32>
        tpu.vector_store %arg6[%swap3A_669, %swap3A_670], %swap3A_673 {strides = array<i32>} : memref<128x128xf32, #tpu.memory_space<vmem>>, vector<1x16xf32>,
        %add3A_674 = arith.constant 5 : i32
        %add3A_675 = arith.addi %mul3A_323, %add3A_674 : i32
        %get3A_676 = arith.index_cast %add3A_675 : i32 to index
        %get3A_677 = arith.constant 32 : index
        %get3A_678 = tpu.vector_load %arg6[%get3A_676, %get3A_677] {strides = array<i32>} : memref<128x128xf32, #tpu.memory_space<vmem>>, vector<1x16xf32>,
        %get3A_679 = vector.shape_cast %get3A_678 : vector<1x16xf32> to vector<16xf32>
        %mul3A_680 = arith.constant 8.000000e+00 : f32
        %mul3A_681 = vector.broadcast %mul3A_680 : f32 to vector<16xf32>
        %mul3A_682 = arith.mulf %get3A_679, %mul3A_681 : vector<16xf32>
        %add3A_683 = arith.constant 5 : i32
        %add3A_684 = arith.addi %mul3A_323, %add3A_683 : i32
        %swap3A_685 = arith.index_cast %add3A_684 : i32 to index
        %swap3A_686 = arith.constant 32 : index
        %swap3A_687 = tpu.vector_load %arg6[%swap3A_685, %swap3A_686] {strides = array<i32>} : memref<128x128xf32, #tpu.memory_space<vmem>>, vector<1x16xf32>,
        %swap3A_688 = vector.shape_cast %swap3A_687 : vector<1x16xf32> to vector<16xf32>
        %swap3A_689 = vector.shape_cast %mul3A_682 : vector<16xf32> to vector<1x16xf32>
        tpu.vector_store %arg6[%swap3A_685, %swap3A_686], %swap3A_689 {strides = array<i32>} : memref<128x128xf32, #tpu.memory_space<vmem>>, vector<1x16xf32>,
        %add3A_690 = arith.constant 5 : i32
        %add3A_691 = arith.addi %mul3A_323, %add3A_690 : i32
        %get3A_692 = arith.index_cast %add3A_691 : i32 to index
        %get3A_693 = arith.constant 48 : index
        %get3A_694 = tpu.vector_load %arg6[%get3A_692, %get3A_693] {strides = array<i32>} : memref<128x128xf32, #tpu.memory_space<vmem>>, vector<1x16xf32>,
        %get3A_695 = vector.shape_cast %get3A_694 : vector<1x16xf32> to vector<16xf32>
        %mul3A_696 = arith.constant 8.000000e+00 : f32
        %mul3A_697 = vector.broadcast %mul3A_696 : f32 to vector<16xf32>
        %mul3A_698 = arith.mulf %get3A_695, %mul3A_697 : vector<16xf32>
        %add3A_699 = arith.constant 5 : i32
        %add3A_700 = arith.addi %mul3A_323, %add3A_699 : i32
        %swap3A_701 = arith.index_cast %add3A_700 : i32 to index
        %swap3A_702 = arith.constant 48 : index
        %swap3A_703 = tpu.vector_load %arg6[%swap3A_701, %swap3A_702] {strides = array<i32>} : memref<128x128xf32, #tpu.memory_space<vmem>>, vector<1x16xf32>,
        %swap3A_704 = vector.shape_cast %swap3A_703 : vector<1x16xf32> to vector<16xf32>
        %swap3A_705 = vector.shape_cast %mul3A_698 : vector<16xf32> to vector<1x16xf32>
        tpu.vector_store %arg6[%swap3A_701, %swap3A_702], %swap3A_705 {strides = array<i32>} : memref<128x128xf32, #tpu.memory_space<vmem>>, vector<1x16xf32>,
        %add3A_706 = arith.constant 6 : i32
        %add3A_707 = arith.addi %mul3A_323, %add3A_706 : i32
        %get3A_708 = arith.index_cast %add3A_707 : i32 to index
        %get3A_709 = arith.constant 0 : index
        %get3A_710 = tpu.vector_load %arg6[%get3A_708, %get3A_709] {strides = array<i32>} : memref<128x128xf32, #tpu.memory_space<vmem>>, vector<1x16xf32>,
        %get3A_711 = vector.shape_cast %get3A_710 : vector<1x16xf32> to vector<16xf32>
        %mul3A_712 = arith.constant 8.000000e+00 : f32
        %mul3A_713 = vector.broadcast %mul3A_712 : f32 to vector<16xf32>
        %mul3A_714 = arith.mulf %get3A_711, %mul3A_713 : vector<16xf32>
        %add3A_715 = arith.constant 6 : i32
        %add3A_716 = arith.addi %mul3A_323, %add3A_715 : i32
        %swap3A_717 = arith.index_cast %add3A_716 : i32 to index
        %swap3A_718 = arith.constant 0 : index
        %swap3A_719 = tpu.vector_load %arg6[%swap3A_717, %swap3A_718] {strides = array<i32>} : memref<128x128xf32, #tpu.memory_space<vmem>>, vector<1x16xf32>,
        %swap3A_720 = vector.shape_cast %swap3A_719 : vector<1x16xf32> to vector<16xf32>
        %swap3A_721 = vector.shape_cast %mul3A_714 : vector<16xf32> to vector<1x16xf32>
        tpu.vector_store %arg6[%swap3A_717, %swap3A_718], %swap3A_721 {strides = array<i32>} : memref<128x128xf32, #tpu.memory_space<vmem>>, vector<1x16xf32>,
        %add3A_722 = arith.constant 6 : i32
        %add3A_723 = arith.addi %mul3A_323, %add3A_722 : i32
        %get3A_724 = arith.index_cast %add3A_723 : i32 to index
        %get3A_725 = arith.constant 16 : index
        %get3A_726 = tpu.vector_load %arg6[%get3A_724, %get3A_725] {strides = array<i32>} : memref<128x128xf32, #tpu.memory_space<vmem>>, vector<1x16xf32>,
        %get3A_727 = vector.shape_cast %get3A_726 : vector<1x16xf32> to vector<16xf32>
        %mul3A_728 = arith.constant 8.000000e+00 : f32
        %mul3A_729 = vector.broadcast %mul3A_728 : f32 to vector<16xf32>
        %mul3A_730 = arith.mulf %get3A_727, %mul3A_729 : vector<16xf32>
        %add3A_731 = arith.constant 6 : i32
        %add3A_732 = arith.addi %mul3A_323, %add3A_731 : i32
        %swap3A_733 = arith.index_cast %add3A_732 : i32 to index
        %swap3A_734 = arith.constant 16 : index
        %swap3A_735 = tpu.vector_load %arg6[%swap3A_733, %swap3A_734] {strides = array<i32>} : memref<128x128xf32, #tpu.memory_space<vmem>>, vector<1x16xf32>,
        %swap3A_736 = vector.shape_cast %swap3A_735 : vector<1x16xf32> to vector<16xf32>
        %swap3A_737 = vector.shape_cast %mul3A_730 : vector<16xf32> to vector<1x16xf32>
        tpu.vector_store %arg6[%swap3A_733, %swap3A_734], %swap3A_737 {strides = array<i32>} : memref<128x128xf32, #tpu.memory_space<vmem>>, vector<1x16xf32>,
        %add3A_738 = arith.constant 6 : i32
        %add3A_739 = arith.addi %mul3A_323, %add3A_738 : i32
        %get3A_740 = arith.index_cast %add3A_739 : i32 to index
        %get3A_741 = arith.constant 32 : index
        %get3A_742 = tpu.vector_load %arg6[%get3A_740, %get3A_741] {strides = array<i32>} : memref<128x128xf32, #tpu.memory_space<vmem>>, vector<1x16xf32>,
        %get3A_743 = vector.shape_cast %get3A_742 : vector<1x16xf32> to vector<16xf32>
        %mul3A_744 = arith.constant 8.000000e+00 : f32
        %mul3A_745 = vector.broadcast %mul3A_744 : f32 to vector<16xf32>
        %mul3A_746 = arith.mulf %get3A_743, %mul3A_745 : vector<16xf32>
        %add3A_747 = arith.constant 6 : i32
        %add3A_748 = arith.addi %mul3A_323, %add3A_747 : i32
        %swap3A_749 = arith.index_cast %add3A_748 : i32 to index
        %swap3A_750 = arith.constant 32 : index
        %swap3A_751 = tpu.vector_load %arg6[%swap3A_749, %swap3A_750] {strides = array<i32>} : memref<128x128xf32, #tpu.memory_space<vmem>>, vector<1x16xf32>,
        %swap3A_752 = vector.shape_cast %swap3A_751 : vector<1x16xf32> to vector<16xf32>
        %swap3A_753 = vector.shape_cast %mul3A_746 : vector<16xf32> to vector<1x16xf32>
        tpu.vector_store %arg6[%swap3A_749, %swap3A_750], %swap3A_753 {strides = array<i32>} : memref<128x128xf32, #tpu.memory_space<vmem>>, vector<1x16xf32>,
        %add3A_754 = arith.constant 6 : i32
        %add3A_755 = arith.addi %mul3A_323, %add3A_754 : i32
        %get3A_756 = arith.index_cast %add3A_755 : i32 to index
        %get3A_757 = arith.constant 48 : index
        %get3A_758 = tpu.vector_load %arg6[%get3A_756, %get3A_757] {strides = array<i32>} : memref<128x128xf32, #tpu.memory_space<vmem>>, vector<1x16xf32>,
        %get3A_759 = vector.shape_cast %get3A_758 : vector<1x16xf32> to vector<16xf32>
        %mul3A_760 = arith.constant 8.000000e+00 : f32
        %mul3A_761 = vector.broadcast %mul3A_760 : f32 to vector<16xf32>
        %mul3A_762 = arith.mulf %get3A_759, %mul3A_761 : vector<16xf32>
        %add3A_763 = arith.constant 6 : i32
        %add3A_764 = arith.addi %mul3A_323, %add3A_763 : i32
        %swap3A_765 = arith.index_cast %add3A_764 : i32 to index
        %swap3A_766 = arith.constant 48 : index
        %swap3A_767 = tpu.vector_load %arg6[%swap3A_765, %swap3A_766] {strides = array<i32>} : memref<128x128xf32, #tpu.memory_space<vmem>>, vector<1x16xf32>,
        %swap3A_768 = vector.shape_cast %swap3A_767 : vector<1x16xf32> to vector<16xf32>
        %swap3A_769 = vector.shape_cast %mul3A_762 : vector<16xf32> to vector<1x16xf32>
        tpu.vector_store %arg6[%swap3A_765, %swap3A_766], %swap3A_769 {strides = array<i32>} : memref<128x128xf32, #tpu.memory_space<vmem>>, vector<1x16xf32>,
        %add3A_770 = arith.constant 7 : i32
        %add3A_771 = arith.addi %mul3A_323, %add3A_770 : i32
        %get3A_772 = arith.index_cast %add3A_771 : i32 to index
        %get3A_773 = arith.constant 0 : index
        %get3A_774 = tpu.vector_load %arg6[%get3A_772, %get3A_773] {strides = array<i32>} : memref<128x128xf32, #tpu.memory_space<vmem>>, vector<1x16xf32>,
        %get3A_775 = vector.shape_cast %get3A_774 : vector<1x16xf32> to vector<16xf32>
        %mul3A_776 = arith.constant 8.000000e+00 : f32
        %mul3A_777 = vector.broadcast %mul3A_776 : f32 to vector<16xf32>
        %mul3A_778 = arith.mulf %get3A_775, %mul3A_777 : vector<16xf32>
        %add3A_779 = arith.constant 7 : i32
        %add3A_780 = arith.addi %mul3A_323, %add3A_779 : i32
        %swap3A_781 = arith.index_cast %add3A_780 : i32 to index
        %swap3A_782 = arith.constant 0 : index
        %swap3A_783 = tpu.vector_load %arg6[%swap3A_781, %swap3A_782] {strides = array<i32>} : memref<128x128xf32, #tpu.memory_space<vmem>>, vector<1x16xf32>,
        %swap3A_784 = vector.shape_cast %swap3A_783 : vector<1x16xf32> to vector<16xf32>
        %swap3A_785 = vector.shape_cast %mul3A_778 : vector<16xf32> to vector<1x16xf32>
        tpu.vector_store %arg6[%swap3A_781, %swap3A_782], %swap3A_785 {strides = array<i32>} : memref<128x128xf32, #tpu.memory_space<vmem>>, vector<1x16xf32>,
        %add3A_786 = arith.constant 7 : i32
        %add3A_787 = arith.addi %mul3A_323, %add3A_786 : i32
        %get3A_788 = arith.index_cast %add3A_787 : i32 to index
        %get3A_789 = arith.constant 16 : index
        %get3A_790 = tpu.vector_load %arg6[%get3A_788, %get3A_789] {strides = array<i32>} : memref<128x128xf32, #tpu.memory_space<vmem>>, vector<1x16xf32>,
        %get3A_791 = vector.shape_cast %get3A_790 : vector<1x16xf32> to vector<16xf32>
        %mul3A_792 = arith.constant 8.000000e+00 : f32
        %mul3A_793 = vector.broadcast %mul3A_792 : f32 to vector<16xf32>
        %mul3A_794 = arith.mulf %get3A_791, %mul3A_793 : vector<16xf32>
        %add3A_795 = arith.constant 7 : i32
        %add3A_796 = arith.addi %mul3A_323, %add3A_795 : i32
        %swap3A_797 = arith.index_cast %add3A_796 : i32 to index
        %swap3A_798 = arith.constant 16 : index
        %swap3A_799 = tpu.vector_load %arg6[%swap3A_797, %swap3A_798] {strides = array<i32>} : memref<128x128xf32, #tpu.memory_space<vmem>>, vector<1x16xf32>,
        %swap3A_800 = vector.shape_cast %swap3A_799 : vector<1x16xf32> to vector<16xf32>
        %swap3A_801 = vector.shape_cast %mul3A_794 : vector<16xf32> to vector<1x16xf32>
        tpu.vector_store %arg6[%swap3A_797, %swap3A_798], %swap3A_801 {strides = array<i32>} : memref<128x128xf32, #tpu.memory_space<vmem>>, vector<1x16xf32>,
        %add3A_802 = arith.constant 7 : i32
        %add3A_803 = arith.addi %mul3A_323, %add3A_802 : i32
        %get3A_804 = arith.index_cast %add3A_803 : i32 to index
        %get3A_805 = arith.constant 32 : index
        %get3A_806 = tpu.vector_load %arg6[%get3A_804, %get3A_805] {strides = array<i32>} : memref<128x128xf32, #tpu.memory_space<vmem>>, vector<1x16xf32>,
        %get3A_807 = vector.shape_cast %get3A_806 : vector<1x16xf32> to vector<16xf32>
        %mul3A_808 = arith.constant 8.000000e+00 : f32
        %mul3A_809 = vector.broadcast %mul3A_808 : f32 to vector<16xf32>
        %mul3A_810 = arith.mulf %get3A_807, %mul3A_809 : vector<16xf32>
        %add3A_811 = arith.constant 7 : i32
        %add3A_812 = arith.addi %mul3A_323, %add3A_811 : i32
        %swap3A_813 = arith.index_cast %add3A_812 : i32 to index
        %swap3A_814 = arith.constant 32 : index
        %swap3A_815 = tpu.vector_load %arg6[%swap3A_813, %swap3A_814] {strides = array<i32>} : memref<128x128xf32, #tpu.memory_space<vmem>>, vector<1x16xf32>,
        %swap3A_816 = vector.shape_cast %swap3A_815 : vector<1x16xf32> to vector<16xf32>
        %swap3A_817 = vector.shape_cast %mul3A_810 : vector<16xf32> to vector<1x16xf32>
        tpu.vector_store %arg6[%swap3A_813, %swap3A_814], %swap3A_817 {strides = array<i32>} : memref<128x128xf32, #tpu.memory_space<vmem>>, vector<1x16xf32>,
        %add3A_818 = arith.constant 7 : i32
        %add3A_819 = arith.addi %mul3A_323, %add3A_818 : i32
        %get3A_820 = arith.index_cast %add3A_819 : i32 to index
        %get3A_821 = arith.constant 48 : index
        %get3A_822 = tpu.vector_load %arg6[%get3A_820, %get3A_821] {strides = array<i32>} : memref<128x128xf32, #tpu.memory_space<vmem>>, vector<1x16xf32>,
        %get3A_823 = vector.shape_cast %get3A_822 : vector<1x16xf32> to vector<16xf32>
        %mul3A_824 = arith.constant 8.000000e+00 : f32
        %mul3A_825 = vector.broadcast %mul3A_824 : f32 to vector<16xf32>
        %mul3A_826 = arith.mulf %get3A_823, %mul3A_825 : vector<16xf32>
        %add3A_827 = arith.constant 7 : i32
        %add3A_828 = arith.addi %mul3A_323, %add3A_827 : i32
        %swap3A_829 = arith.index_cast %add3A_828 : i32 to index
        %swap3A_830 = arith.constant 48 : index
        %swap3A_831 = tpu.vector_load %arg6[%swap3A_829, %swap3A_830] {strides = array<i32>} : memref<128x128xf32, #tpu.memory_space<vmem>>, vector<1x16xf32>,
        %swap3A_832 = vector.shape_cast %swap3A_831 : vector<1x16xf32> to vector<16xf32>
        %swap3A_833 = vector.shape_cast %mul3A_826 : vector<16xf32> to vector<1x16xf32>
        tpu.vector_store %arg6[%swap3A_829, %swap3A_830], %swap3A_833 {strides = array<i32>} : memref<128x128xf32, #tpu.memory_space<vmem>>, vector<1x16xf32>,
      }
      %scan3A_186 = arith.constant 16 : i32
      %add3A_187 = arith.addi %mul3A_2, %mul3A_168 : i32
      %dma_start3A_188 = arith.constant 0 : i32
      %dma_start3A_189 = arith.constant 0 : i32
      %dma_start3A_190 = tpu.memref_slice %arg4[%add3A_187, %dma_start3A_188, %dma_start3A_189] : memref<4096x200x128xf32, #tpu.memory_space<hbm>> -> memref<1x128x128xf32, #tpu.memory_space<hbm>>
      %dma_start3A_191 = tpu.memref_squeeze %dma_start3A_190 : memref<1x128x128xf32, #tpu.memory_space<hbm>> -> memref<128x128xf32, #tpu.memory_space<hbm>>
      %dma_start3A_192 = arith.constant 0 : i32
      %dma_start3A_193 = arith.constant 0 : i32
      %dma_start3A_194 = tpu.memref_slice %arg4[%add3A_187, %dma_start3A_192, %dma_start3A_193] : memref<4096x200x128xf32, #tpu.memory_space<hbm>> -> memref<1x128x128xf32, #tpu.memory_space<hbm>>
      %dma_start3A_195 = tpu.memref_squeeze %dma_start3A_194 : memref<1x128x128xf32, #tpu.memory_space<hbm>> -> memref<128x128xf32, #tpu.memory_space<hbm>>
      tpu.enqueue_dma source(%arg6 : memref<128x128xf32, #tpu.memory_space<vmem>>) target(%dma_start3A_195 : memref<128x128xf32, #tpu.memory_space<hbm>>) target_semaphore(%arg12 : memref<!tpu.dma_semaphore, #tpu.memory_space<semaphore_mem>>)
      %scan3A_196 = arith.constant 0 : i32
      %scan3A_197 = arith.constant 0 : i32
      %scan3A_198 = arith.constant 9 : i32
      %scan3A_199 = arith.addi %scan3A_197, %scan3A_198 : i32
      %scan3A_200 = arith.constant 1 : i32
      scf.for %scan3A_321 = %scan3A_197 to %scan3A_199 step %scan3A_200  : i32 {
        %mul3A_322 = arith.constant 8 : i32
        %mul3A_323 = arith.muli %scan3A_321, %mul3A_322 : i32
        %add3A_324 = arith.constant 0 : i32
        %add3A_325 = arith.addi %mul3A_323, %add3A_324 : i32
        %get3A = arith.index_cast %add3A_325 : i32 to index
        %get3A_326 = arith.constant 0 : index
        %get3A_327 = tpu.vector_load %arg7[%get3A, %get3A_326] {strides = array<i32>} : memref<72x128xf32, #tpu.memory_space<vmem>>, vector<1x16xf32>,
        %get3A_328 = vector.shape_cast %get3A_327 : vector<1x16xf32> to vector<16xf32>
        %mul3A_329 = arith.constant 8.000000e+00 : f32
        %mul3A_330 = vector.broadcast %mul3A_329 : f32 to vector<16xf32>
        %mul3A_331 = arith.mulf %get3A_328, %mul3A_330 : vector<16xf32>
        %add3A_332 = arith.constant 0 : i32
        %add3A_333 = arith.addi %mul3A_323, %add3A_332 : i32
        %swap3A = arith.index_cast %add3A_333 : i32 to index
        %swap3A_334 = arith.constant 0 : index
        %swap3A_335 = tpu.vector_load %arg7[%swap3A, %swap3A_334] {strides = array<i32>} : memref<72x128xf32, #tpu.memory_space<vmem>>, vector<1x16xf32>,
        %swap3A_336 = vector.shape_cast %swap3A_335 : vector<1x16xf32> to vector<16xf32>
        %swap3A_337 = vector.shape_cast %mul3A_331 : vector<16xf32> to vector<1x16xf32>
        tpu.vector_store %arg7[%swap3A, %swap3A_334], %swap3A_337 {strides = array<i32>} : memref<72x128xf32, #tpu.memory_space<vmem>>, vector<1x16xf32>,
        %add3A_338 = arith.constant 0 : i32
        %add3A_339 = arith.addi %mul3A_323, %add3A_338 : i32
        %get3A_340 = arith.index_cast %add3A_339 : i32 to index
        %get3A_341 = arith.constant 16 : index
        %get3A_342 = tpu.vector_load %arg7[%get3A_340, %get3A_341] {strides = array<i32>} : memref<72x128xf32, #tpu.memory_space<vmem>>, vector<1x16xf32>,
        %get3A_343 = vector.shape_cast %get3A_342 : vector<1x16xf32> to vector<16xf32>
        %mul3A_344 = arith.constant 8.000000e+00 : f32
        %mul3A_345 = vector.broadcast %mul3A_344 : f32 to vector<16xf32>
        %mul3A_346 = arith.mulf %get3A_343, %mul3A_345 : vector<16xf32>
        %add3A_347 = arith.constant 0 : i32
        %add3A_348 = arith.addi %mul3A_323, %add3A_347 : i32
        %swap3A_349 = arith.index_cast %add3A_348 : i32 to index
        %swap3A_350 = arith.constant 16 : index
        %swap3A_351 = tpu.vector_load %arg7[%swap3A_349, %swap3A_350] {strides = array<i32>} : memref<72x128xf32, #tpu.memory_space<vmem>>, vector<1x16xf32>,
        %swap3A_352 = vector.shape_cast %swap3A_351 : vector<1x16xf32> to vector<16xf32>
        %swap3A_353 = vector.shape_cast %mul3A_346 : vector<16xf32> to vector<1x16xf32>
        tpu.vector_store %arg7[%swap3A_349, %swap3A_350], %swap3A_353 {strides = array<i32>} : memref<72x128xf32, #tpu.memory_space<vmem>>, vector<1x16xf32>,
        %add3A_354 = arith.constant 0 : i32
        %add3A_355 = arith.addi %mul3A_323, %add3A_354 : i32
        %get3A_356 = arith.index_cast %add3A_355 : i32 to index
        %get3A_357 = arith.constant 32 : index
        %get3A_358 = tpu.vector_load %arg7[%get3A_356, %get3A_357] {strides = array<i32>} : memref<72x128xf32, #tpu.memory_space<vmem>>, vector<1x16xf32>,
        %get3A_359 = vector.shape_cast %get3A_358 : vector<1x16xf32> to vector<16xf32>
        %mul3A_360 = arith.constant 8.000000e+00 : f32
        %mul3A_361 = vector.broadcast %mul3A_360 : f32 to vector<16xf32>
        %mul3A_362 = arith.mulf %get3A_359, %mul3A_361 : vector<16xf32>
        %add3A_363 = arith.constant 0 : i32
        %add3A_364 = arith.addi %mul3A_323, %add3A_363 : i32
        %swap3A_365 = arith.index_cast %add3A_364 : i32 to index
        %swap3A_366 = arith.constant 32 : index
        %swap3A_367 = tpu.vector_load %arg7[%swap3A_365, %swap3A_366] {strides = array<i32>} : memref<72x128xf32, #tpu.memory_space<vmem>>, vector<1x16xf32>,
        %swap3A_368 = vector.shape_cast %swap3A_367 : vector<1x16xf32> to vector<16xf32>
        %swap3A_369 = vector.shape_cast %mul3A_362 : vector<16xf32> to vector<1x16xf32>
        tpu.vector_store %arg7[%swap3A_365, %swap3A_366], %swap3A_369 {strides = array<i32>} : memref<72x128xf32, #tpu.memory_space<vmem>>, vector<1x16xf32>,
        %add3A_370 = arith.constant 0 : i32
        %add3A_371 = arith.addi %mul3A_323, %add3A_370 : i32
        %get3A_372 = arith.index_cast %add3A_371 : i32 to index
        %get3A_373 = arith.constant 48 : index
        %get3A_374 = tpu.vector_load %arg7[%get3A_372, %get3A_373] {strides = array<i32>} : memref<72x128xf32, #tpu.memory_space<vmem>>, vector<1x16xf32>,
        %get3A_375 = vector.shape_cast %get3A_374 : vector<1x16xf32> to vector<16xf32>
        %mul3A_376 = arith.constant 8.000000e+00 : f32
        %mul3A_377 = vector.broadcast %mul3A_376 : f32 to vector<16xf32>
        %mul3A_378 = arith.mulf %get3A_375, %mul3A_377 : vector<16xf32>
        %add3A_379 = arith.constant 0 : i32
        %add3A_380 = arith.addi %mul3A_323, %add3A_379 : i32
        %swap3A_381 = arith.index_cast %add3A_380 : i32 to index
        %swap3A_382 = arith.constant 48 : index
        %swap3A_383 = tpu.vector_load %arg7[%swap3A_381, %swap3A_382] {strides = array<i32>} : memref<72x128xf32, #tpu.memory_space<vmem>>, vector<1x16xf32>,
        %swap3A_384 = vector.shape_cast %swap3A_383 : vector<1x16xf32> to vector<16xf32>
        %swap3A_385 = vector.shape_cast %mul3A_378 : vector<16xf32> to vector<1x16xf32>
        tpu.vector_store %arg7[%swap3A_381, %swap3A_382], %swap3A_385 {strides = array<i32>} : memref<72x128xf32, #tpu.memory_space<vmem>>, vector<1x16xf32>,
        %add3A_386 = arith.constant 1 : i32
        %add3A_387 = arith.addi %mul3A_323, %add3A_386 : i32
        %get3A_388 = arith.index_cast %add3A_387 : i32 to index
        %get3A_389 = arith.constant 0 : index
        %get3A_390 = tpu.vector_load %arg7[%get3A_388, %get3A_389] {strides = array<i32>} : memref<72x128xf32, #tpu.memory_space<vmem>>, vector<1x16xf32>,
        %get3A_391 = vector.shape_cast %get3A_390 : vector<1x16xf32> to vector<16xf32>
        %mul3A_392 = arith.constant 8.000000e+00 : f32
        %mul3A_393 = vector.broadcast %mul3A_392 : f32 to vector<16xf32>
        %mul3A_394 = arith.mulf %get3A_391, %mul3A_393 : vector<16xf32>
        %add3A_395 = arith.constant 1 : i32
        %add3A_396 = arith.addi %mul3A_323, %add3A_395 : i32
        %swap3A_397 = arith.index_cast %add3A_396 : i32 to index
        %swap3A_398 = arith.constant 0 : index
        %swap3A_399 = tpu.vector_load %arg7[%swap3A_397, %swap3A_398] {strides = array<i32>} : memref<72x128xf32, #tpu.memory_space<vmem>>, vector<1x16xf32>,
        %swap3A_400 = vector.shape_cast %swap3A_399 : vector<1x16xf32> to vector<16xf32>
        %swap3A_401 = vector.shape_cast %mul3A_394 : vector<16xf32> to vector<1x16xf32>
        tpu.vector_store %arg7[%swap3A_397, %swap3A_398], %swap3A_401 {strides = array<i32>} : memref<72x128xf32, #tpu.memory_space<vmem>>, vector<1x16xf32>,
        %add3A_402 = arith.constant 1 : i32
        %add3A_403 = arith.addi %mul3A_323, %add3A_402 : i32
        %get3A_404 = arith.index_cast %add3A_403 : i32 to index
        %get3A_405 = arith.constant 16 : index
        %get3A_406 = tpu.vector_load %arg7[%get3A_404, %get3A_405] {strides = array<i32>} : memref<72x128xf32, #tpu.memory_space<vmem>>, vector<1x16xf32>,
        %get3A_407 = vector.shape_cast %get3A_406 : vector<1x16xf32> to vector<16xf32>
        %mul3A_408 = arith.constant 8.000000e+00 : f32
        %mul3A_409 = vector.broadcast %mul3A_408 : f32 to vector<16xf32>
        %mul3A_410 = arith.mulf %get3A_407, %mul3A_409 : vector<16xf32>
        %add3A_411 = arith.constant 1 : i32
        %add3A_412 = arith.addi %mul3A_323, %add3A_411 : i32
        %swap3A_413 = arith.index_cast %add3A_412 : i32 to index
        %swap3A_414 = arith.constant 16 : index
        %swap3A_415 = tpu.vector_load %arg7[%swap3A_413, %swap3A_414] {strides = array<i32>} : memref<72x128xf32, #tpu.memory_space<vmem>>, vector<1x16xf32>,
        %swap3A_416 = vector.shape_cast %swap3A_415 : vector<1x16xf32> to vector<16xf32>
        %swap3A_417 = vector.shape_cast %mul3A_410 : vector<16xf32> to vector<1x16xf32>
        tpu.vector_store %arg7[%swap3A_413, %swap3A_414], %swap3A_417 {strides = array<i32>} : memref<72x128xf32, #tpu.memory_space<vmem>>, vector<1x16xf32>,
        %add3A_418 = arith.constant 1 : i32
        %add3A_419 = arith.addi %mul3A_323, %add3A_418 : i32
        %get3A_420 = arith.index_cast %add3A_419 : i32 to index
        %get3A_421 = arith.constant 32 : index
        %get3A_422 = tpu.vector_load %arg7[%get3A_420, %get3A_421] {strides = array<i32>} : memref<72x128xf32, #tpu.memory_space<vmem>>, vector<1x16xf32>,
        %get3A_423 = vector.shape_cast %get3A_422 : vector<1x16xf32> to vector<16xf32>
        %mul3A_424 = arith.constant 8.000000e+00 : f32
        %mul3A_425 = vector.broadcast %mul3A_424 : f32 to vector<16xf32>
        %mul3A_426 = arith.mulf %get3A_423, %mul3A_425 : vector<16xf32>
        %add3A_427 = arith.constant 1 : i32
        %add3A_428 = arith.addi %mul3A_323, %add3A_427 : i32
        %swap3A_429 = arith.index_cast %add3A_428 : i32 to index
        %swap3A_430 = arith.constant 32 : index
        %swap3A_431 = tpu.vector_load %arg7[%swap3A_429, %swap3A_430] {strides = array<i32>} : memref<72x128xf32, #tpu.memory_space<vmem>>, vector<1x16xf32>,
        %swap3A_432 = vector.shape_cast %swap3A_431 : vector<1x16xf32> to vector<16xf32>
        %swap3A_433 = vector.shape_cast %mul3A_426 : vector<16xf32> to vector<1x16xf32>
        tpu.vector_store %arg7[%swap3A_429, %swap3A_430], %swap3A_433 {strides = array<i32>} : memref<72x128xf32, #tpu.memory_space<vmem>>, vector<1x16xf32>,
        %add3A_434 = arith.constant 1 : i32
        %add3A_435 = arith.addi %mul3A_323, %add3A_434 : i32
        %get3A_436 = arith.index_cast %add3A_435 : i32 to index
        %get3A_437 = arith.constant 48 : index
        %get3A_438 = tpu.vector_load %arg7[%get3A_436, %get3A_437] {strides = array<i32>} : memref<72x128xf32, #tpu.memory_space<vmem>>, vector<1x16xf32>,
        %get3A_439 = vector.shape_cast %get3A_438 : vector<1x16xf32> to vector<16xf32>
        %mul3A_440 = arith.constant 8.000000e+00 : f32
        %mul3A_441 = vector.broadcast %mul3A_440 : f32 to vector<16xf32>
        %mul3A_442 = arith.mulf %get3A_439, %mul3A_441 : vector<16xf32>
        %add3A_443 = arith.constant 1 : i32
        %add3A_444 = arith.addi %mul3A_323, %add3A_443 : i32
        %swap3A_445 = arith.index_cast %add3A_444 : i32 to index
        %swap3A_446 = arith.constant 48 : index
        %swap3A_447 = tpu.vector_load %arg7[%swap3A_445, %swap3A_446] {strides = array<i32>} : memref<72x128xf32, #tpu.memory_space<vmem>>, vector<1x16xf32>,
        %swap3A_448 = vector.shape_cast %swap3A_447 : vector<1x16xf32> to vector<16xf32>
        %swap3A_449 = vector.shape_cast %mul3A_442 : vector<16xf32> to vector<1x16xf32>
        tpu.vector_store %arg7[%swap3A_445, %swap3A_446], %swap3A_449 {strides = array<i32>} : memref<72x128xf32, #tpu.memory_space<vmem>>, vector<1x16xf32>,
        %add3A_450 = arith.constant 2 : i32
        %add3A_451 = arith.addi %mul3A_323, %add3A_450 : i32
        %get3A_452 = arith.index_cast %add3A_451 : i32 to index
        %get3A_453 = arith.constant 0 : index
        %get3A_454 = tpu.vector_load %arg7[%get3A_452, %get3A_453] {strides = array<i32>} : memref<72x128xf32, #tpu.memory_space<vmem>>, vector<1x16xf32>,
        %get3A_455 = vector.shape_cast %get3A_454 : vector<1x16xf32> to vector<16xf32>
        %mul3A_456 = arith.constant 8.000000e+00 : f32
        %mul3A_457 = vector.broadcast %mul3A_456 : f32 to vector<16xf32>
        %mul3A_458 = arith.mulf %get3A_455, %mul3A_457 : vector<16xf32>
        %add3A_459 = arith.constant 2 : i32
        %add3A_460 = arith.addi %mul3A_323, %add3A_459 : i32
        %swap3A_461 = arith.index_cast %add3A_460 : i32 to index
        %swap3A_462 = arith.constant 0 : index
        %swap3A_463 = tpu.vector_load %arg7[%swap3A_461, %swap3A_462] {strides = array<i32>} : memref<72x128xf32, #tpu.memory_space<vmem>>, vector<1x16xf32>,
        %swap3A_464 = vector.shape_cast %swap3A_463 : vector<1x16xf32> to vector<16xf32>
        %swap3A_465 = vector.shape_cast %mul3A_458 : vector<16xf32> to vector<1x16xf32>
        tpu.vector_store %arg7[%swap3A_461, %swap3A_462], %swap3A_465 {strides = array<i32>} : memref<72x128xf32, #tpu.memory_space<vmem>>, vector<1x16xf32>,
        %add3A_466 = arith.constant 2 : i32
        %add3A_467 = arith.addi %mul3A_323, %add3A_466 : i32
        %get3A_468 = arith.index_cast %add3A_467 : i32 to index
        %get3A_469 = arith.constant 16 : index
        %get3A_470 = tpu.vector_load %arg7[%get3A_468, %get3A_469] {strides = array<i32>} : memref<72x128xf32, #tpu.memory_space<vmem>>, vector<1x16xf32>,
        %get3A_471 = vector.shape_cast %get3A_470 : vector<1x16xf32> to vector<16xf32>
        %mul3A_472 = arith.constant 8.000000e+00 : f32
        %mul3A_473 = vector.broadcast %mul3A_472 : f32 to vector<16xf32>
        %mul3A_474 = arith.mulf %get3A_471, %mul3A_473 : vector<16xf32>
        %add3A_475 = arith.constant 2 : i32
        %add3A_476 = arith.addi %mul3A_323, %add3A_475 : i32
        %swap3A_477 = arith.index_cast %add3A_476 : i32 to index
        %swap3A_478 = arith.constant 16 : index
        %swap3A_479 = tpu.vector_load %arg7[%swap3A_477, %swap3A_478] {strides = array<i32>} : memref<72x128xf32, #tpu.memory_space<vmem>>, vector<1x16xf32>,
        %swap3A_480 = vector.shape_cast %swap3A_479 : vector<1x16xf32> to vector<16xf32>
        %swap3A_481 = vector.shape_cast %mul3A_474 : vector<16xf32> to vector<1x16xf32>
        tpu.vector_store %arg7[%swap3A_477, %swap3A_478], %swap3A_481 {strides = array<i32>} : memref<72x128xf32, #tpu.memory_space<vmem>>, vector<1x16xf32>,
        %add3A_482 = arith.constant 2 : i32
        %add3A_483 = arith.addi %mul3A_323, %add3A_482 : i32
        %get3A_484 = arith.index_cast %add3A_483 : i32 to index
        %get3A_485 = arith.constant 32 : index
        %get3A_486 = tpu.vector_load %arg7[%get3A_484, %get3A_485] {strides = array<i32>} : memref<72x128xf32, #tpu.memory_space<vmem>>, vector<1x16xf32>,
        %get3A_487 = vector.shape_cast %get3A_486 : vector<1x16xf32> to vector<16xf32>
        %mul3A_488 = arith.constant 8.000000e+00 : f32
        %mul3A_489 = vector.broadcast %mul3A_488 : f32 to vector<16xf32>
        %mul3A_490 = arith.mulf %get3A_487, %mul3A_489 : vector<16xf32>
        %add3A_491 = arith.constant 2 : i32
        %add3A_492 = arith.addi %mul3A_323, %add3A_491 : i32
        %swap3A_493 = arith.index_cast %add3A_492 : i32 to index
        %swap3A_494 = arith.constant 32 : index
        %swap3A_495 = tpu.vector_load %arg7[%swap3A_493, %swap3A_494] {strides = array<i32>} : memref<72x128xf32, #tpu.memory_space<vmem>>, vector<1x16xf32>,
        %swap3A_496 = vector.shape_cast %swap3A_495 : vector<1x16xf32> to vector<16xf32>
        %swap3A_497 = vector.shape_cast %mul3A_490 : vector<16xf32> to vector<1x16xf32>
        tpu.vector_store %arg7[%swap3A_493, %swap3A_494], %swap3A_497 {strides = array<i32>} : memref<72x128xf32, #tpu.memory_space<vmem>>, vector<1x16xf32>,
        %add3A_498 = arith.constant 2 : i32
        %add3A_499 = arith.addi %mul3A_323, %add3A_498 : i32
        %get3A_500 = arith.index_cast %add3A_499 : i32 to index
        %get3A_501 = arith.constant 48 : index
        %get3A_502 = tpu.vector_load %arg7[%get3A_500, %get3A_501] {strides = array<i32>} : memref<72x128xf32, #tpu.memory_space<vmem>>, vector<1x16xf32>,
        %get3A_503 = vector.shape_cast %get3A_502 : vector<1x16xf32> to vector<16xf32>
        %mul3A_504 = arith.constant 8.000000e+00 : f32
        %mul3A_505 = vector.broadcast %mul3A_504 : f32 to vector<16xf32>
        %mul3A_506 = arith.mulf %get3A_503, %mul3A_505 : vector<16xf32>
        %add3A_507 = arith.constant 2 : i32
        %add3A_508 = arith.addi %mul3A_323, %add3A_507 : i32
        %swap3A_509 = arith.index_cast %add3A_508 : i32 to index
        %swap3A_510 = arith.constant 48 : index
        %swap3A_511 = tpu.vector_load %arg7[%swap3A_509, %swap3A_510] {strides = array<i32>} : memref<72x128xf32, #tpu.memory_space<vmem>>, vector<1x16xf32>,
        %swap3A_512 = vector.shape_cast %swap3A_511 : vector<1x16xf32> to vector<16xf32>
        %swap3A_513 = vector.shape_cast %mul3A_506 : vector<16xf32> to vector<1x16xf32>
        tpu.vector_store %arg7[%swap3A_509, %swap3A_510], %swap3A_513 {strides = array<i32>} : memref<72x128xf32, #tpu.memory_space<vmem>>, vector<1x16xf32>,
        %add3A_514 = arith.constant 3 : i32
        %add3A_515 = arith.addi %mul3A_323, %add3A_514 : i32
        %get3A_516 = arith.index_cast %add3A_515 : i32 to index
        %get3A_517 = arith.constant 0 : index
        %get3A_518 = tpu.vector_load %arg7[%get3A_516, %get3A_517] {strides = array<i32>} : memref<72x128xf32, #tpu.memory_space<vmem>>, vector<1x16xf32>,
        %get3A_519 = vector.shape_cast %get3A_518 : vector<1x16xf32> to vector<16xf32>
        %mul3A_520 = arith.constant 8.000000e+00 : f32
        %mul3A_521 = vector.broadcast %mul3A_520 : f32 to vector<16xf32>
        %mul3A_522 = arith.mulf %get3A_519, %mul3A_521 : vector<16xf32>
        %add3A_523 = arith.constant 3 : i32
        %add3A_524 = arith.addi %mul3A_323, %add3A_523 : i32
        %swap3A_525 = arith.index_cast %add3A_524 : i32 to index
        %swap3A_526 = arith.constant 0 : index
        %swap3A_527 = tpu.vector_load %arg7[%swap3A_525, %swap3A_526] {strides = array<i32>} : memref<72x128xf32, #tpu.memory_space<vmem>>, vector<1x16xf32>,
        %swap3A_528 = vector.shape_cast %swap3A_527 : vector<1x16xf32> to vector<16xf32>
        %swap3A_529 = vector.shape_cast %mul3A_522 : vector<16xf32> to vector<1x16xf32>
        tpu.vector_store %arg7[%swap3A_525, %swap3A_526], %swap3A_529 {strides = array<i32>} : memref<72x128xf32, #tpu.memory_space<vmem>>, vector<1x16xf32>,
        %add3A_530 = arith.constant 3 : i32
        %add3A_531 = arith.addi %mul3A_323, %add3A_530 : i32
        %get3A_532 = arith.index_cast %add3A_531 : i32 to index
        %get3A_533 = arith.constant 16 : index
        %get3A_534 = tpu.vector_load %arg7[%get3A_532, %get3A_533] {strides = array<i32>} : memref<72x128xf32, #tpu.memory_space<vmem>>, vector<1x16xf32>,
        %get3A_535 = vector.shape_cast %get3A_534 : vector<1x16xf32> to vector<16xf32>
        %mul3A_536 = arith.constant 8.000000e+00 : f32
        %mul3A_537 = vector.broadcast %mul3A_536 : f32 to vector<16xf32>
        %mul3A_538 = arith.mulf %get3A_535, %mul3A_537 : vector<16xf32>
        %add3A_539 = arith.constant 3 : i32
        %add3A_540 = arith.addi %mul3A_323, %add3A_539 : i32
        %swap3A_541 = arith.index_cast %add3A_540 : i32 to index
        %swap3A_542 = arith.constant 16 : index
        %swap3A_543 = tpu.vector_load %arg7[%swap3A_541, %swap3A_542] {strides = array<i32>} : memref<72x128xf32, #tpu.memory_space<vmem>>, vector<1x16xf32>,
        %swap3A_544 = vector.shape_cast %swap3A_543 : vector<1x16xf32> to vector<16xf32>
        %swap3A_545 = vector.shape_cast %mul3A_538 : vector<16xf32> to vector<1x16xf32>
        tpu.vector_store %arg7[%swap3A_541, %swap3A_542], %swap3A_545 {strides = array<i32>} : memref<72x128xf32, #tpu.memory_space<vmem>>, vector<1x16xf32>,
        %add3A_546 = arith.constant 3 : i32
        %add3A_547 = arith.addi %mul3A_323, %add3A_546 : i32
        %get3A_548 = arith.index_cast %add3A_547 : i32 to index
        %get3A_549 = arith.constant 32 : index
        %get3A_550 = tpu.vector_load %arg7[%get3A_548, %get3A_549] {strides = array<i32>} : memref<72x128xf32, #tpu.memory_space<vmem>>, vector<1x16xf32>,
        %get3A_551 = vector.shape_cast %get3A_550 : vector<1x16xf32> to vector<16xf32>
        %mul3A_552 = arith.constant 8.000000e+00 : f32
        %mul3A_553 = vector.broadcast %mul3A_552 : f32 to vector<16xf32>
        %mul3A_554 = arith.mulf %get3A_551, %mul3A_553 : vector<16xf32>
        %add3A_555 = arith.constant 3 : i32
        %add3A_556 = arith.addi %mul3A_323, %add3A_555 : i32
        %swap3A_557 = arith.index_cast %add3A_556 : i32 to index
        %swap3A_558 = arith.constant 32 : index
        %swap3A_559 = tpu.vector_load %arg7[%swap3A_557, %swap3A_558] {strides = array<i32>} : memref<72x128xf32, #tpu.memory_space<vmem>>, vector<1x16xf32>,
        %swap3A_560 = vector.shape_cast %swap3A_559 : vector<1x16xf32> to vector<16xf32>
        %swap3A_561 = vector.shape_cast %mul3A_554 : vector<16xf32> to vector<1x16xf32>
        tpu.vector_store %arg7[%swap3A_557, %swap3A_558], %swap3A_561 {strides = array<i32>} : memref<72x128xf32, #tpu.memory_space<vmem>>, vector<1x16xf32>,
        %add3A_562 = arith.constant 3 : i32
        %add3A_563 = arith.addi %mul3A_323, %add3A_562 : i32
        %get3A_564 = arith.index_cast %add3A_563 : i32 to index
        %get3A_565 = arith.constant 48 : index
        %get3A_566 = tpu.vector_load %arg7[%get3A_564, %get3A_565] {strides = array<i32>} : memref<72x128xf32, #tpu.memory_space<vmem>>, vector<1x16xf32>,
        %get3A_567 = vector.shape_cast %get3A_566 : vector<1x16xf32> to vector<16xf32>
        %mul3A_568 = arith.constant 8.000000e+00 : f32
        %mul3A_569 = vector.broadcast %mul3A_568 : f32 to vector<16xf32>
        %mul3A_570 = arith.mulf %get3A_567, %mul3A_569 : vector<16xf32>
        %add3A_571 = arith.constant 3 : i32
        %add3A_572 = arith.addi %mul3A_323, %add3A_571 : i32
        %swap3A_573 = arith.index_cast %add3A_572 : i32 to index
        %swap3A_574 = arith.constant 48 : index
        %swap3A_575 = tpu.vector_load %arg7[%swap3A_573, %swap3A_574] {strides = array<i32>} : memref<72x128xf32, #tpu.memory_space<vmem>>, vector<1x16xf32>,
        %swap3A_576 = vector.shape_cast %swap3A_575 : vector<1x16xf32> to vector<16xf32>
        %swap3A_577 = vector.shape_cast %mul3A_570 : vector<16xf32> to vector<1x16xf32>
        tpu.vector_store %arg7[%swap3A_573, %swap3A_574], %swap3A_577 {strides = array<i32>} : memref<72x128xf32, #tpu.memory_space<vmem>>, vector<1x16xf32>,
        %add3A_578 = arith.constant 4 : i32
        %add3A_579 = arith.addi %mul3A_323, %add3A_578 : i32
        %get3A_580 = arith.index_cast %add3A_579 : i32 to index
        %get3A_581 = arith.constant 0 : index
        %get3A_582 = tpu.vector_load %arg7[%get3A_580, %get3A_581] {strides = array<i32>} : memref<72x128xf32, #tpu.memory_space<vmem>>, vector<1x16xf32>,
        %get3A_583 = vector.shape_cast %get3A_582 : vector<1x16xf32> to vector<16xf32>
        %mul3A_584 = arith.constant 8.000000e+00 : f32
        %mul3A_585 = vector.broadcast %mul3A_584 : f32 to vector<16xf32>
        %mul3A_586 = arith.mulf %get3A_583, %mul3A_585 : vector<16xf32>
        %add3A_587 = arith.constant 4 : i32
        %add3A_588 = arith.addi %mul3A_323, %add3A_587 : i32
        %swap3A_589 = arith.index_cast %add3A_588 : i32 to index
        %swap3A_590 = arith.constant 0 : index
        %swap3A_591 = tpu.vector_load %arg7[%swap3A_589, %swap3A_590] {strides = array<i32>} : memref<72x128xf32, #tpu.memory_space<vmem>>, vector<1x16xf32>,
        %swap3A_592 = vector.shape_cast %swap3A_591 : vector<1x16xf32> to vector<16xf32>
        %swap3A_593 = vector.shape_cast %mul3A_586 : vector<16xf32> to vector<1x16xf32>
        tpu.vector_store %arg7[%swap3A_589, %swap3A_590], %swap3A_593 {strides = array<i32>} : memref<72x128xf32, #tpu.memory_space<vmem>>, vector<1x16xf32>,
        %add3A_594 = arith.constant 4 : i32
        %add3A_595 = arith.addi %mul3A_323, %add3A_594 : i32
        %get3A_596 = arith.index_cast %add3A_595 : i32 to index
        %get3A_597 = arith.constant 16 : index
        %get3A_598 = tpu.vector_load %arg7[%get3A_596, %get3A_597] {strides = array<i32>} : memref<72x128xf32, #tpu.memory_space<vmem>>, vector<1x16xf32>,
        %get3A_599 = vector.shape_cast %get3A_598 : vector<1x16xf32> to vector<16xf32>
        %mul3A_600 = arith.constant 8.000000e+00 : f32
        %mul3A_601 = vector.broadcast %mul3A_600 : f32 to vector<16xf32>
        %mul3A_602 = arith.mulf %get3A_599, %mul3A_601 : vector<16xf32>
        %add3A_603 = arith.constant 4 : i32
        %add3A_604 = arith.addi %mul3A_323, %add3A_603 : i32
        %swap3A_605 = arith.index_cast %add3A_604 : i32 to index
        %swap3A_606 = arith.constant 16 : index
        %swap3A_607 = tpu.vector_load %arg7[%swap3A_605, %swap3A_606] {strides = array<i32>} : memref<72x128xf32, #tpu.memory_space<vmem>>, vector<1x16xf32>,
        %swap3A_608 = vector.shape_cast %swap3A_607 : vector<1x16xf32> to vector<16xf32>
        %swap3A_609 = vector.shape_cast %mul3A_602 : vector<16xf32> to vector<1x16xf32>
        tpu.vector_store %arg7[%swap3A_605, %swap3A_606], %swap3A_609 {strides = array<i32>} : memref<72x128xf32, #tpu.memory_space<vmem>>, vector<1x16xf32>,
        %add3A_610 = arith.constant 4 : i32
        %add3A_611 = arith.addi %mul3A_323, %add3A_610 : i32
        %get3A_612 = arith.index_cast %add3A_611 : i32 to index
        %get3A_613 = arith.constant 32 : index
        %get3A_614 = tpu.vector_load %arg7[%get3A_612, %get3A_613] {strides = array<i32>} : memref<72x128xf32, #tpu.memory_space<vmem>>, vector<1x16xf32>,
        %get3A_615 = vector.shape_cast %get3A_614 : vector<1x16xf32> to vector<16xf32>
        %mul3A_616 = arith.constant 8.000000e+00 : f32
        %mul3A_617 = vector.broadcast %mul3A_616 : f32 to vector<16xf32>
        %mul3A_618 = arith.mulf %get3A_615, %mul3A_617 : vector<16xf32>
        %add3A_619 = arith.constant 4 : i32
        %add3A_620 = arith.addi %mul3A_323, %add3A_619 : i32
        %swap3A_621 = arith.index_cast %add3A_620 : i32 to index
        %swap3A_622 = arith.constant 32 : index
        %swap3A_623 = tpu.vector_load %arg7[%swap3A_621, %swap3A_622] {strides = array<i32>} : memref<72x128xf32, #tpu.memory_space<vmem>>, vector<1x16xf32>,
        %swap3A_624 = vector.shape_cast %swap3A_623 : vector<1x16xf32> to vector<16xf32>
        %swap3A_625 = vector.shape_cast %mul3A_618 : vector<16xf32> to vector<1x16xf32>
        tpu.vector_store %arg7[%swap3A_621, %swap3A_622], %swap3A_625 {strides = array<i32>} : memref<72x128xf32, #tpu.memory_space<vmem>>, vector<1x16xf32>,
        %add3A_626 = arith.constant 4 : i32
        %add3A_627 = arith.addi %mul3A_323, %add3A_626 : i32
        %get3A_628 = arith.index_cast %add3A_627 : i32 to index
        %get3A_629 = arith.constant 48 : index
        %get3A_630 = tpu.vector_load %arg7[%get3A_628, %get3A_629] {strides = array<i32>} : memref<72x128xf32, #tpu.memory_space<vmem>>, vector<1x16xf32>,
        %get3A_631 = vector.shape_cast %get3A_630 : vector<1x16xf32> to vector<16xf32>
        %mul3A_632 = arith.constant 8.000000e+00 : f32
        %mul3A_633 = vector.broadcast %mul3A_632 : f32 to vector<16xf32>
        %mul3A_634 = arith.mulf %get3A_631, %mul3A_633 : vector<16xf32>
        %add3A_635 = arith.constant 4 : i32
        %add3A_636 = arith.addi %mul3A_323, %add3A_635 : i32
        %swap3A_637 = arith.index_cast %add3A_636 : i32 to index
        %swap3A_638 = arith.constant 48 : index
        %swap3A_639 = tpu.vector_load %arg7[%swap3A_637, %swap3A_638] {strides = array<i32>} : memref<72x128xf32, #tpu.memory_space<vmem>>, vector<1x16xf32>,
        %swap3A_640 = vector.shape_cast %swap3A_639 : vector<1x16xf32> to vector<16xf32>
        %swap3A_641 = vector.shape_cast %mul3A_634 : vector<16xf32> to vector<1x16xf32>
        tpu.vector_store %arg7[%swap3A_637, %swap3A_638], %swap3A_641 {strides = array<i32>} : memref<72x128xf32, #tpu.memory_space<vmem>>, vector<1x16xf32>,
        %add3A_642 = arith.constant 5 : i32
        %add3A_643 = arith.addi %mul3A_323, %add3A_642 : i32
        %get3A_644 = arith.index_cast %add3A_643 : i32 to index
        %get3A_645 = arith.constant 0 : index
        %get3A_646 = tpu.vector_load %arg7[%get3A_644, %get3A_645] {strides = array<i32>} : memref<72x128xf32, #tpu.memory_space<vmem>>, vector<1x16xf32>,
        %get3A_647 = vector.shape_cast %get3A_646 : vector<1x16xf32> to vector<16xf32>
        %mul3A_648 = arith.constant 8.000000e+00 : f32
        %mul3A_649 = vector.broadcast %mul3A_648 : f32 to vector<16xf32>
        %mul3A_650 = arith.mulf %get3A_647, %mul3A_649 : vector<16xf32>
        %add3A_651 = arith.constant 5 : i32
        %add3A_652 = arith.addi %mul3A_323, %add3A_651 : i32
        %swap3A_653 = arith.index_cast %add3A_652 : i32 to index
        %swap3A_654 = arith.constant 0 : index
        %swap3A_655 = tpu.vector_load %arg7[%swap3A_653, %swap3A_654] {strides = array<i32>} : memref<72x128xf32, #tpu.memory_space<vmem>>, vector<1x16xf32>,
        %swap3A_656 = vector.shape_cast %swap3A_655 : vector<1x16xf32> to vector<16xf32>
        %swap3A_657 = vector.shape_cast %mul3A_650 : vector<16xf32> to vector<1x16xf32>
        tpu.vector_store %arg7[%swap3A_653, %swap3A_654], %swap3A_657 {strides = array<i32>} : memref<72x128xf32, #tpu.memory_space<vmem>>, vector<1x16xf32>,
        %add3A_658 = arith.constant 5 : i32
        %add3A_659 = arith.addi %mul3A_323, %add3A_658 : i32
        %get3A_660 = arith.index_cast %add3A_659 : i32 to index
        %get3A_661 = arith.constant 16 : index
        %get3A_662 = tpu.vector_load %arg7[%get3A_660, %get3A_661] {strides = array<i32>} : memref<72x128xf32, #tpu.memory_space<vmem>>, vector<1x16xf32>,
        %get3A_663 = vector.shape_cast %get3A_662 : vector<1x16xf32> to vector<16xf32>
        %mul3A_664 = arith.constant 8.000000e+00 : f32
        %mul3A_665 = vector.broadcast %mul3A_664 : f32 to vector<16xf32>
        %mul3A_666 = arith.mulf %get3A_663, %mul3A_665 : vector<16xf32>
        %add3A_667 = arith.constant 5 : i32
        %add3A_668 = arith.addi %mul3A_323, %add3A_667 : i32
        %swap3A_669 = arith.index_cast %add3A_668 : i32 to index
        %swap3A_670 = arith.constant 16 : index
        %swap3A_671 = tpu.vector_load %arg7[%swap3A_669, %swap3A_670] {strides = array<i32>} : memref<72x128xf32, #tpu.memory_space<vmem>>, vector<1x16xf32>,
        %swap3A_672 = vector.shape_cast %swap3A_671 : vector<1x16xf32> to vector<16xf32>
        %swap3A_673 = vector.shape_cast %mul3A_666 : vector<16xf32> to vector<1x16xf32>
        tpu.vector_store %arg7[%swap3A_669, %swap3A_670], %swap3A_673 {strides = array<i32>} : memref<72x128xf32, #tpu.memory_space<vmem>>, vector<1x16xf32>,
        %add3A_674 = arith.constant 5 : i32
        %add3A_675 = arith.addi %mul3A_323, %add3A_674 : i32
        %get3A_676 = arith.index_cast %add3A_675 : i32 to index
        %get3A_677 = arith.constant 32 : index
        %get3A_678 = tpu.vector_load %arg7[%get3A_676, %get3A_677] {strides = array<i32>} : memref<72x128xf32, #tpu.memory_space<vmem>>, vector<1x16xf32>,
        %get3A_679 = vector.shape_cast %get3A_678 : vector<1x16xf32> to vector<16xf32>
        %mul3A_680 = arith.constant 8.000000e+00 : f32
        %mul3A_681 = vector.broadcast %mul3A_680 : f32 to vector<16xf32>
        %mul3A_682 = arith.mulf %get3A_679, %mul3A_681 : vector<16xf32>
        %add3A_683 = arith.constant 5 : i32
        %add3A_684 = arith.addi %mul3A_323, %add3A_683 : i32
        %swap3A_685 = arith.index_cast %add3A_684 : i32 to index
        %swap3A_686 = arith.constant 32 : index
        %swap3A_687 = tpu.vector_load %arg7[%swap3A_685, %swap3A_686] {strides = array<i32>} : memref<72x128xf32, #tpu.memory_space<vmem>>, vector<1x16xf32>,
        %swap3A_688 = vector.shape_cast %swap3A_687 : vector<1x16xf32> to vector<16xf32>
        %swap3A_689 = vector.shape_cast %mul3A_682 : vector<16xf32> to vector<1x16xf32>
        tpu.vector_store %arg7[%swap3A_685, %swap3A_686], %swap3A_689 {strides = array<i32>} : memref<72x128xf32, #tpu.memory_space<vmem>>, vector<1x16xf32>,
        %add3A_690 = arith.constant 5 : i32
        %add3A_691 = arith.addi %mul3A_323, %add3A_690 : i32
        %get3A_692 = arith.index_cast %add3A_691 : i32 to index
        %get3A_693 = arith.constant 48 : index
        %get3A_694 = tpu.vector_load %arg7[%get3A_692, %get3A_693] {strides = array<i32>} : memref<72x128xf32, #tpu.memory_space<vmem>>, vector<1x16xf32>,
        %get3A_695 = vector.shape_cast %get3A_694 : vector<1x16xf32> to vector<16xf32>
        %mul3A_696 = arith.constant 8.000000e+00 : f32
        %mul3A_697 = vector.broadcast %mul3A_696 : f32 to vector<16xf32>
        %mul3A_698 = arith.mulf %get3A_695, %mul3A_697 : vector<16xf32>
        %add3A_699 = arith.constant 5 : i32
        %add3A_700 = arith.addi %mul3A_323, %add3A_699 : i32
        %swap3A_701 = arith.index_cast %add3A_700 : i32 to index
        %swap3A_702 = arith.constant 48 : index
        %swap3A_703 = tpu.vector_load %arg7[%swap3A_701, %swap3A_702] {strides = array<i32>} : memref<72x128xf32, #tpu.memory_space<vmem>>, vector<1x16xf32>,
        %swap3A_704 = vector.shape_cast %swap3A_703 : vector<1x16xf32> to vector<16xf32>
        %swap3A_705 = vector.shape_cast %mul3A_698 : vector<16xf32> to vector<1x16xf32>
        tpu.vector_store %arg7[%swap3A_701, %swap3A_702], %swap3A_705 {strides = array<i32>} : memref<72x128xf32, #tpu.memory_space<vmem>>, vector<1x16xf32>,
        %add3A_706 = arith.constant 6 : i32
        %add3A_707 = arith.addi %mul3A_323, %add3A_706 : i32
        %get3A_708 = arith.index_cast %add3A_707 : i32 to index
        %get3A_709 = arith.constant 0 : index
        %get3A_710 = tpu.vector_load %arg7[%get3A_708, %get3A_709] {strides = array<i32>} : memref<72x128xf32, #tpu.memory_space<vmem>>, vector<1x16xf32>,
        %get3A_711 = vector.shape_cast %get3A_710 : vector<1x16xf32> to vector<16xf32>
        %mul3A_712 = arith.constant 8.000000e+00 : f32
        %mul3A_713 = vector.broadcast %mul3A_712 : f32 to vector<16xf32>
        %mul3A_714 = arith.mulf %get3A_711, %mul3A_713 : vector<16xf32>
        %add3A_715 = arith.constant 6 : i32
        %add3A_716 = arith.addi %mul3A_323, %add3A_715 : i32
        %swap3A_717 = arith.index_cast %add3A_716 : i32 to index
        %swap3A_718 = arith.constant 0 : index
        %swap3A_719 = tpu.vector_load %arg7[%swap3A_717, %swap3A_718] {strides = array<i32>} : memref<72x128xf32, #tpu.memory_space<vmem>>, vector<1x16xf32>,
        %swap3A_720 = vector.shape_cast %swap3A_719 : vector<1x16xf32> to vector<16xf32>
        %swap3A_721 = vector.shape_cast %mul3A_714 : vector<16xf32> to vector<1x16xf32>
        tpu.vector_store %arg7[%swap3A_717, %swap3A_718], %swap3A_721 {strides = array<i32>} : memref<72x128xf32, #tpu.memory_space<vmem>>, vector<1x16xf32>,
        %add3A_722 = arith.constant 6 : i32
        %add3A_723 = arith.addi %mul3A_323, %add3A_722 : i32
        %get3A_724 = arith.index_cast %add3A_723 : i32 to index
        %get3A_725 = arith.constant 16 : index
        %get3A_726 = tpu.vector_load %arg7[%get3A_724, %get3A_725] {strides = array<i32>} : memref<72x128xf32, #tpu.memory_space<vmem>>, vector<1x16xf32>,
        %get3A_727 = vector.shape_cast %get3A_726 : vector<1x16xf32> to vector<16xf32>
        %mul3A_728 = arith.constant 8.000000e+00 : f32
        %mul3A_729 = vector.broadcast %mul3A_728 : f32 to vector<16xf32>
        %mul3A_730 = arith.mulf %get3A_727, %mul3A_729 : vector<16xf32>
        %add3A_731 = arith.constant 6 : i32
        %add3A_732 = arith.addi %mul3A_323, %add3A_731 : i32
        %swap3A_733 = arith.index_cast %add3A_732 : i32 to index
        %swap3A_734 = arith.constant 16 : index
        %swap3A_735 = tpu.vector_load %arg7[%swap3A_733, %swap3A_734] {strides = array<i32>} : memref<72x128xf32, #tpu.memory_space<vmem>>, vector<1x16xf32>,
        %swap3A_736 = vector.shape_cast %swap3A_735 : vector<1x16xf32> to vector<16xf32>
        %swap3A_737 = vector.shape_cast %mul3A_730 : vector<16xf32> to vector<1x16xf32>
        tpu.vector_store %arg7[%swap3A_733, %swap3A_734], %swap3A_737 {strides = array<i32>} : memref<72x128xf32, #tpu.memory_space<vmem>>, vector<1x16xf32>,
        %add3A_738 = arith.constant 6 : i32
        %add3A_739 = arith.addi %mul3A_323, %add3A_738 : i32
        %get3A_740 = arith.index_cast %add3A_739 : i32 to index
        %get3A_741 = arith.constant 32 : index
        %get3A_742 = tpu.vector_load %arg7[%get3A_740, %get3A_741] {strides = array<i32>} : memref<72x128xf32, #tpu.memory_space<vmem>>, vector<1x16xf32>,
        %get3A_743 = vector.shape_cast %get3A_742 : vector<1x16xf32> to vector<16xf32>
        %mul3A_744 = arith.constant 8.000000e+00 : f32
        %mul3A_745 = vector.broadcast %mul3A_744 : f32 to vector<16xf32>
        %mul3A_746 = arith.mulf %get3A_743, %mul3A_745 : vector<16xf32>
        %add3A_747 = arith.constant 6 : i32
        %add3A_748 = arith.addi %mul3A_323, %add3A_747 : i32
        %swap3A_749 = arith.index_cast %add3A_748 : i32 to index
        %swap3A_750 = arith.constant 32 : index
        %swap3A_751 = tpu.vector_load %arg7[%swap3A_749, %swap3A_750] {strides = array<i32>} : memref<72x128xf32, #tpu.memory_space<vmem>>, vector<1x16xf32>,
        %swap3A_752 = vector.shape_cast %swap3A_751 : vector<1x16xf32> to vector<16xf32>
        %swap3A_753 = vector.shape_cast %mul3A_746 : vector<16xf32> to vector<1x16xf32>
        tpu.vector_store %arg7[%swap3A_749, %swap3A_750], %swap3A_753 {strides = array<i32>} : memref<72x128xf32, #tpu.memory_space<vmem>>, vector<1x16xf32>,
        %add3A_754 = arith.constant 6 : i32
        %add3A_755 = arith.addi %mul3A_323, %add3A_754 : i32
        %get3A_756 = arith.index_cast %add3A_755 : i32 to index
        %get3A_757 = arith.constant 48 : index
        %get3A_758 = tpu.vector_load %arg7[%get3A_756, %get3A_757] {strides = array<i32>} : memref<72x128xf32, #tpu.memory_space<vmem>>, vector<1x16xf32>,
        %get3A_759 = vector.shape_cast %get3A_758 : vector<1x16xf32> to vector<16xf32>
        %mul3A_760 = arith.constant 8.000000e+00 : f32
        %mul3A_761 = vector.broadcast %mul3A_760 : f32 to vector<16xf32>
        %mul3A_762 = arith.mulf %get3A_759, %mul3A_761 : vector<16xf32>
        %add3A_763 = arith.constant 6 : i32
        %add3A_764 = arith.addi %mul3A_323, %add3A_763 : i32
        %swap3A_765 = arith.index_cast %add3A_764 : i32 to index
        %swap3A_766 = arith.constant 48 : index
        %swap3A_767 = tpu.vector_load %arg7[%swap3A_765, %swap3A_766] {strides = array<i32>} : memref<72x128xf32, #tpu.memory_space<vmem>>, vector<1x16xf32>,
        %swap3A_768 = vector.shape_cast %swap3A_767 : vector<1x16xf32> to vector<16xf32>
        %swap3A_769 = vector.shape_cast %mul3A_762 : vector<16xf32> to vector<1x16xf32>
        tpu.vector_store %arg7[%swap3A_765, %swap3A_766], %swap3A_769 {strides = array<i32>} : memref<72x128xf32, #tpu.memory_space<vmem>>, vector<1x16xf32>,
        %add3A_770 = arith.constant 7 : i32
        %add3A_771 = arith.addi %mul3A_323, %add3A_770 : i32
        %get3A_772 = arith.index_cast %add3A_771 : i32 to index
        %get3A_773 = arith.constant 0 : index
        %get3A_774 = tpu.vector_load %arg7[%get3A_772, %get3A_773] {strides = array<i32>} : memref<72x128xf32, #tpu.memory_space<vmem>>, vector<1x16xf32>,
        %get3A_775 = vector.shape_cast %get3A_774 : vector<1x16xf32> to vector<16xf32>
        %mul3A_776 = arith.constant 8.000000e+00 : f32
        %mul3A_777 = vector.broadcast %mul3A_776 : f32 to vector<16xf32>
        %mul3A_778 = arith.mulf %get3A_775, %mul3A_777 : vector<16xf32>
        %add3A_779 = arith.constant 7 : i32
        %add3A_780 = arith.addi %mul3A_323, %add3A_779 : i32
        %swap3A_781 = arith.index_cast %add3A_780 : i32 to index
        %swap3A_782 = arith.constant 0 : index
        %swap3A_783 = tpu.vector_load %arg7[%swap3A_781, %swap3A_782] {strides = array<i32>} : memref<72x128xf32, #tpu.memory_space<vmem>>, vector<1x16xf32>,
        %swap3A_784 = vector.shape_cast %swap3A_783 : vector<1x16xf32> to vector<16xf32>
        %swap3A_785 = vector.shape_cast %mul3A_778 : vector<16xf32> to vector<1x16xf32>
        tpu.vector_store %arg7[%swap3A_781, %swap3A_782], %swap3A_785 {strides = array<i32>} : memref<72x128xf32, #tpu.memory_space<vmem>>, vector<1x16xf32>,
        %add3A_786 = arith.constant 7 : i32
        %add3A_787 = arith.addi %mul3A_323, %add3A_786 : i32
        %get3A_788 = arith.index_cast %add3A_787 : i32 to index
        %get3A_789 = arith.constant 16 : index
        %get3A_790 = tpu.vector_load %arg7[%get3A_788, %get3A_789] {strides = array<i32>} : memref<72x128xf32, #tpu.memory_space<vmem>>, vector<1x16xf32>,
        %get3A_791 = vector.shape_cast %get3A_790 : vector<1x16xf32> to vector<16xf32>
        %mul3A_792 = arith.constant 8.000000e+00 : f32
        %mul3A_793 = vector.broadcast %mul3A_792 : f32 to vector<16xf32>
        %mul3A_794 = arith.mulf %get3A_791, %mul3A_793 : vector<16xf32>
        %add3A_795 = arith.constant 7 : i32
        %add3A_796 = arith.addi %mul3A_323, %add3A_795 : i32
        %swap3A_797 = arith.index_cast %add3A_796 : i32 to index
        %swap3A_798 = arith.constant 16 : index
        %swap3A_799 = tpu.vector_load %arg7[%swap3A_797, %swap3A_798] {strides = array<i32>} : memref<72x128xf32, #tpu.memory_space<vmem>>, vector<1x16xf32>,
        %swap3A_800 = vector.shape_cast %swap3A_799 : vector<1x16xf32> to vector<16xf32>
        %swap3A_801 = vector.shape_cast %mul3A_794 : vector<16xf32> to vector<1x16xf32>
        tpu.vector_store %arg7[%swap3A_797, %swap3A_798], %swap3A_801 {strides = array<i32>} : memref<72x128xf32, #tpu.memory_space<vmem>>, vector<1x16xf32>,
        %add3A_802 = arith.constant 7 : i32
        %add3A_803 = arith.addi %mul3A_323, %add3A_802 : i32
        %get3A_804 = arith.index_cast %add3A_803 : i32 to index
        %get3A_805 = arith.constant 32 : index
        %get3A_806 = tpu.vector_load %arg7[%get3A_804, %get3A_805] {strides = array<i32>} : memref<72x128xf32, #tpu.memory_space<vmem>>, vector<1x16xf32>,
        %get3A_807 = vector.shape_cast %get3A_806 : vector<1x16xf32> to vector<16xf32>
        %mul3A_808 = arith.constant 8.000000e+00 : f32
        %mul3A_809 = vector.broadcast %mul3A_808 : f32 to vector<16xf32>
        %mul3A_810 = arith.mulf %get3A_807, %mul3A_809 : vector<16xf32>
        %add3A_811 = arith.constant 7 : i32
        %add3A_812 = arith.addi %mul3A_323, %add3A_811 : i32
        %swap3A_813 = arith.index_cast %add3A_812 : i32 to index
        %swap3A_814 = arith.constant 32 : index
        %swap3A_815 = tpu.vector_load %arg7[%swap3A_813, %swap3A_814] {strides = array<i32>} : memref<72x128xf32, #tpu.memory_space<vmem>>, vector<1x16xf32>,
        %swap3A_816 = vector.shape_cast %swap3A_815 : vector<1x16xf32> to vector<16xf32>
        %swap3A_817 = vector.shape_cast %mul3A_810 : vector<16xf32> to vector<1x16xf32>
        tpu.vector_store %arg7[%swap3A_813, %swap3A_814], %swap3A_817 {strides = array<i32>} : memref<72x128xf32, #tpu.memory_space<vmem>>, vector<1x16xf32>,
        %add3A_818 = arith.constant 7 : i32
        %add3A_819 = arith.addi %mul3A_323, %add3A_818 : i32
        %get3A_820 = arith.index_cast %add3A_819 : i32 to index
        %get3A_821 = arith.constant 48 : index
        %get3A_822 = tpu.vector_load %arg7[%get3A_820, %get3A_821] {strides = array<i32>} : memref<72x128xf32, #tpu.memory_space<vmem>>, vector<1x16xf32>,
        %get3A_823 = vector.shape_cast %get3A_822 : vector<1x16xf32> to vector<16xf32>
        %mul3A_824 = arith.constant 8.000000e+00 : f32
        %mul3A_825 = vector.broadcast %mul3A_824 : f32 to vector<16xf32>
        %mul3A_826 = arith.mulf %get3A_823, %mul3A_825 : vector<16xf32>
        %add3A_827 = arith.constant 7 : i32
        %add3A_828 = arith.addi %mul3A_323, %add3A_827 : i32
        %swap3A_829 = arith.index_cast %add3A_828 : i32 to index
        %swap3A_830 = arith.constant 48 : index
        %swap3A_831 = tpu.vector_load %arg7[%swap3A_829, %swap3A_830] {strides = array<i32>} : memref<72x128xf32, #tpu.memory_space<vmem>>, vector<1x16xf32>,
        %swap3A_832 = vector.shape_cast %swap3A_831 : vector<1x16xf32> to vector<16xf32>
        %swap3A_833 = vector.shape_cast %mul3A_826 : vector<16xf32> to vector<1x16xf32>
        tpu.vector_store %arg7[%swap3A_829, %swap3A_830], %swap3A_833 {strides = array<i32>} : memref<72x128xf32, #tpu.memory_space<vmem>>, vector<1x16xf32>,
      }
      %scan3A_201 = arith.constant 9 : i32
      %add3A_202 = arith.addi %mul3A_2, %mul3A_168 : i32
      %dma_start3A_203 = arith.constant 128 : i32
      %dma_start3A_204 = arith.constant 0 : i32
      %dma_start3A_205 = tpu.memref_slice %arg4[%add3A_202, %dma_start3A_203, %dma_start3A_204] : memref<4096x200x128xf32, #tpu.memory_space<hbm>> -> memref<1x72x128xf32, #tpu.memory_space<hbm>>
      %dma_start3A_206 = tpu.memref_squeeze %dma_start3A_205 : memref<1x72x128xf32, #tpu.memory_space<hbm>> -> memref<72x128xf32, #tpu.memory_space<hbm>>
      %dma_start3A_207 = arith.constant 128 : i32
      %dma_start3A_208 = arith.constant 0 : i32
      %dma_start3A_209 = tpu.memref_slice %arg4[%add3A_202, %dma_start3A_207, %dma_start3A_208] : memref<4096x200x128xf32, #tpu.memory_space<hbm>> -> memref<1x72x128xf32, #tpu.memory_space<hbm>>
      %dma_start3A_210 = tpu.memref_squeeze %dma_start3A_209 : memref<1x72x128xf32, #tpu.memory_space<hbm>> -> memref<72x128xf32, #tpu.memory_space<hbm>>
      tpu.enqueue_dma source(%arg7 : memref<72x128xf32, #tpu.memory_space<vmem>>) target(%dma_start3A_210 : memref<72x128xf32, #tpu.memory_space<hbm>>) target_semaphore(%arg12 : memref<!tpu.dma_semaphore, #tpu.memory_space<semaphore_mem>>)
      %add3A_211 = arith.addi %mul3A_2, %mul3A_168 : i32
      %dma_wait3A_212 = arith.constant 0 : i32
      %dma_wait3A_213 = arith.constant 0 : i32
      %dma_wait3A_214 = tpu.memref_slice %arg4[%add3A_211, %dma_wait3A_212, %dma_wait3A_213] : memref<4096x200x128xf32, #tpu.memory_space<hbm>> -> memref<1x128x128xf32, #tpu.memory_space<hbm>>
      %dma_wait3A_215 = tpu.memref_squeeze %dma_wait3A_214 : memref<1x128x128xf32, #tpu.memory_space<hbm>> -> memref<128x128xf32, #tpu.memory_space<hbm>>
      %dma_wait3A_216 = arith.constant 0 : i32
      %dma_wait3A_217 = arith.constant 0 : i32
      %dma_wait3A_218 = tpu.memref_slice %arg4[%add3A_211, %dma_wait3A_216, %dma_wait3A_217] : memref<4096x200x128xf32, #tpu.memory_space<hbm>> -> memref<1x128x128xf32, #tpu.memory_space<hbm>>
      %dma_wait3A_219 = tpu.memref_squeeze %dma_wait3A_218 : memref<1x128x128xf32, #tpu.memory_space<hbm>> -> memref<128x128xf32, #tpu.memory_space<hbm>>
      tpu.wait_dma2 semaphore(%arg12 : memref<!tpu.dma_semaphore, #tpu.memory_space<semaphore_mem>>) src(%arg6 : memref<128x128xf32, #tpu.memory_space<vmem>>) dst(%dma_wait3A_219 : memref<128x128xf32, #tpu.memory_space<hbm>>)
      %add3A_220 = arith.addi %mul3A_2, %mul3A_168 : i32
      %dma_wait3A_221 = arith.constant 128 : i32
      %dma_wait3A_222 = arith.constant 0 : i32
      %dma_wait3A_223 = tpu.memref_slice %arg4[%add3A_220, %dma_wait3A_221, %dma_wait3A_222] : memref<4096x200x128xf32, #tpu.memory_space<hbm>> -> memref<1x72x128xf32, #tpu.memory_space<hbm>>
      %dma_wait3A_224 = tpu.memref_squeeze %dma_wait3A_223 : memref<1x72x128xf32, #tpu.memory_space<hbm>> -> memref<72x128xf32, #tpu.memory_space<hbm>>
      %dma_wait3A_225 = arith.constant 128 : i32
      %dma_wait3A_226 = arith.constant 0 : i32
      %dma_wait3A_227 = tpu.memref_slice %arg4[%add3A_220, %dma_wait3A_225, %dma_wait3A_226] : memref<4096x200x128xf32, #tpu.memory_space<hbm>> -> memref<1x72x128xf32, #tpu.memory_space<hbm>>
      %dma_wait3A_228 = tpu.memref_squeeze %dma_wait3A_227 : memref<1x72x128xf32, #tpu.memory_space<hbm>> -> memref<72x128xf32, #tpu.memory_space<hbm>>
      tpu.wait_dma2 semaphore(%arg12 : memref<!tpu.dma_semaphore, #tpu.memory_space<semaphore_mem>>) src(%arg7 : memref<72x128xf32, #tpu.memory_space<vmem>>) dst(%dma_wait3A_228 : memref<72x128xf32, #tpu.memory_space<hbm>>)
      %add3A_229 = arith.constant 2 : i32
      %add3A_230 = arith.addi %mul3A_168, %add3A_229 : i32
      %dma_start3A_231 = arith.constant 0 : i32
      %dma_start3A_232 = tpu.memref_slice %arg5[%add3A_230, %dma_start3A_231] : memref<128x200xi32, #tpu.memory_space<vmem>> -> memref<1x128xi32, #tpu.memory_space<vmem>>
      %dma_start3A_233 = tpu.memref_squeeze %dma_start3A_232 : memref<1x128xi32, #tpu.memory_space<vmem>> -> memref<128xi32, #tpu.memory_space<vmem>>
      %dma_start3A_234 = arith.constant 0 : i32
      %dma_start3A_235 = arith.constant 0 : i32
      %dma_start3A_236 = tpu.memref_slice %arg3[%dma_start3A_234, %dma_start3A_235] : memref<1000000x128xf32, #tpu.memory_space<hbm>> -> memref<1000000x128xf32, #tpu.memory_space<hbm>>
      tpu.enqueue_indirect_dma source(%dma_start3A_236 : memref<1000000x128xf32, #tpu.memory_space<hbm>>) target(%arg6 : memref<128x128xf32, #tpu.memory_space<vmem>>) offsets(%dma_start3A_233 : memref<128xi32, #tpu.memory_space<vmem>>) semaphore(%arg10 : memref<!tpu.dma_semaphore, #tpu.memory_space<semaphore_mem>>)
      %dma_start3A_237 = arith.constant 128 : i32
      %dma_start3A_238 = tpu.memref_slice %arg5[%add3A_230, %dma_start3A_237] : memref<128x200xi32, #tpu.memory_space<vmem>> -> memref<1x72xi32, #tpu.memory_space<vmem>>
      %dma_start3A_239 = tpu.memref_squeeze %dma_start3A_238 : memref<1x72xi32, #tpu.memory_space<vmem>> -> memref<72xi32, #tpu.memory_space<vmem>>
      %dma_start3A_240 = arith.constant 0 : i32
      %dma_start3A_241 = arith.constant 0 : i32
      %dma_start3A_242 = tpu.memref_slice %arg3[%dma_start3A_240, %dma_start3A_241] : memref<1000000x128xf32, #tpu.memory_space<hbm>> -> memref<1000000x128xf32, #tpu.memory_space<hbm>>
      tpu.enqueue_indirect_dma source(%dma_start3A_242 : memref<1000000x128xf32, #tpu.memory_space<hbm>>) target(%arg7 : memref<72x128xf32, #tpu.memory_space<vmem>>) offsets(%dma_start3A_239 : memref<72xi32, #tpu.memory_space<vmem>>) semaphore(%arg10 : memref<!tpu.dma_semaphore, #tpu.memory_space<semaphore_mem>>)
      %mul3A_243 = arith.constant 2 : i32
      %mul3A_244 = arith.muli %mul3A_243, %scan3A_166 : i32
      %add3A_245 = arith.constant 1 : i32
      %add3A_246 = arith.addi %mul3A_244, %add3A_245 : i32
      %dma_wait3A_247 = arith.constant 0 : i32
      %dma_wait3A_248 = tpu.memref_slice %arg5[%add3A_246, %dma_wait3A_247] : memref<128x200xi32, #tpu.memory_space<vmem>> -> memref<1x128xi32, #tpu.memory_space<vmem>>
      %dma_wait3A_249 = tpu.memref_squeeze %dma_wait3A_248 : memref<1x128xi32, #tpu.memory_space<vmem>> -> memref<128xi32, #tpu.memory_space<vmem>>
      %dma_wait3A_250 = arith.constant 0 : i32
      %dma_wait3A_251 = arith.constant 0 : i32
      %dma_wait3A_252 = tpu.memref_slice %arg3[%dma_wait3A_250, %dma_wait3A_251] : memref<1000000x128xf32, #tpu.memory_space<hbm>> -> memref<1000000x128xf32, #tpu.memory_space<hbm>>
      tpu.wait_indirect_dma semaphore(%arg11 : memref<!tpu.dma_semaphore, #tpu.memory_space<semaphore_mem>>) src(%dma_wait3A_252 : memref<1000000x128xf32, #tpu.memory_space<hbm>>) dst(%arg8 : memref<128x128xf32, #tpu.memory_space<vmem>>)
      %dma_wait3A_253 = arith.constant 128 : i32
      %dma_wait3A_254 = tpu.memref_slice %arg5[%add3A_246, %dma_wait3A_253] : memref<128x200xi32, #tpu.memory_space<vmem>> -> memref<1x72xi32, #tpu.memory_space<vmem>>
      %dma_wait3A_255 = tpu.memref_squeeze %dma_wait3A_254 : memref<1x72xi32, #tpu.memory_space<vmem>> -> memref<72xi32, #tpu.memory_space<vmem>>
      %dma_wait3A_256 = arith.constant 0 : i32
      %dma_wait3A_257 = arith.constant 0 : i32
      %dma_wait3A_258 = tpu.memref_slice %arg3[%dma_wait3A_256, %dma_wait3A_257] : memref<1000000x128xf32, #tpu.memory_space<hbm>> -> memref<1000000x128xf32, #tpu.memory_space<hbm>>
      tpu.wait_indirect_dma semaphore(%arg11 : memref<!tpu.dma_semaphore, #tpu.memory_space<semaphore_mem>>) src(%dma_wait3A_258 : memref<1000000x128xf32, #tpu.memory_space<hbm>>) dst(%arg9 : memref<72x128xf32, #tpu.memory_space<vmem>>)
      %scan3A_259 = arith.constant 0 : i32
      %scan3A_260 = arith.constant 0 : i32
      %scan3A_261 = arith.constant 16 : i32
      %scan3A_262 = arith.addi %scan3A_260, %scan3A_261 : i32
      %scan3A_263 = arith.constant 1 : i32
      scf.for %scan3A_321 = %scan3A_260 to %scan3A_262 step %scan3A_263  : i32 {
        %mul3A_322 = arith.constant 8 : i32
        %mul3A_323 = arith.muli %scan3A_321, %mul3A_322 : i32
        %add3A_324 = arith.constant 0 : i32
        %add3A_325 = arith.addi %mul3A_323, %add3A_324 : i32
        %get3A = arith.index_cast %add3A_325 : i32 to index
        %get3A_326 = arith.constant 0 : index
        %get3A_327 = tpu.vector_load %arg8[%get3A, %get3A_326] {strides = array<i32>} : memref<128x128xf32, #tpu.memory_space<vmem>>, vector<1x16xf32>,
        %get3A_328 = vector.shape_cast %get3A_327 : vector<1x16xf32> to vector<16xf32>
        %mul3A_329 = arith.constant 8.000000e+00 : f32
        %mul3A_330 = vector.broadcast %mul3A_329 : f32 to vector<16xf32>
        %mul3A_331 = arith.mulf %get3A_328, %mul3A_330 : vector<16xf32>
        %add3A_332 = arith.constant 0 : i32
        %add3A_333 = arith.addi %mul3A_323, %add3A_332 : i32
        %swap3A = arith.index_cast %add3A_333 : i32 to index
        %swap3A_334 = arith.constant 0 : index
        %swap3A_335 = tpu.vector_load %arg8[%swap3A, %swap3A_334] {strides = array<i32>} : memref<128x128xf32, #tpu.memory_space<vmem>>, vector<1x16xf32>,
        %swap3A_336 = vector.shape_cast %swap3A_335 : vector<1x16xf32> to vector<16xf32>
        %swap3A_337 = vector.shape_cast %mul3A_331 : vector<16xf32> to vector<1x16xf32>
        tpu.vector_store %arg8[%swap3A, %swap3A_334], %swap3A_337 {strides = array<i32>} : memref<128x128xf32, #tpu.memory_space<vmem>>, vector<1x16xf32>,
        %add3A_338 = arith.constant 0 : i32
        %add3A_339 = arith.addi %mul3A_323, %add3A_338 : i32
        %get3A_340 = arith.index_cast %add3A_339 : i32 to index
        %get3A_341 = arith.constant 16 : index
        %get3A_342 = tpu.vector_load %arg8[%get3A_340, %get3A_341] {strides = array<i32>} : memref<128x128xf32, #tpu.memory_space<vmem>>, vector<1x16xf32>,
        %get3A_343 = vector.shape_cast %get3A_342 : vector<1x16xf32> to vector<16xf32>
        %mul3A_344 = arith.constant 8.000000e+00 : f32
        %mul3A_345 = vector.broadcast %mul3A_344 : f32 to vector<16xf32>
        %mul3A_346 = arith.mulf %get3A_343, %mul3A_345 : vector<16xf32>
        %add3A_347 = arith.constant 0 : i32
        %add3A_348 = arith.addi %mul3A_323, %add3A_347 : i32
        %swap3A_349 = arith.index_cast %add3A_348 : i32 to index
        %swap3A_350 = arith.constant 16 : index
        %swap3A_351 = tpu.vector_load %arg8[%swap3A_349, %swap3A_350] {strides = array<i32>} : memref<128x128xf32, #tpu.memory_space<vmem>>, vector<1x16xf32>,
        %swap3A_352 = vector.shape_cast %swap3A_351 : vector<1x16xf32> to vector<16xf32>
        %swap3A_353 = vector.shape_cast %mul3A_346 : vector<16xf32> to vector<1x16xf32>
        tpu.vector_store %arg8[%swap3A_349, %swap3A_350], %swap3A_353 {strides = array<i32>} : memref<128x128xf32, #tpu.memory_space<vmem>>, vector<1x16xf32>,
        %add3A_354 = arith.constant 0 : i32
        %add3A_355 = arith.addi %mul3A_323, %add3A_354 : i32
        %get3A_356 = arith.index_cast %add3A_355 : i32 to index
        %get3A_357 = arith.constant 32 : index
        %get3A_358 = tpu.vector_load %arg8[%get3A_356, %get3A_357] {strides = array<i32>} : memref<128x128xf32, #tpu.memory_space<vmem>>, vector<1x16xf32>,
        %get3A_359 = vector.shape_cast %get3A_358 : vector<1x16xf32> to vector<16xf32>
        %mul3A_360 = arith.constant 8.000000e+00 : f32
        %mul3A_361 = vector.broadcast %mul3A_360 : f32 to vector<16xf32>
        %mul3A_362 = arith.mulf %get3A_359, %mul3A_361 : vector<16xf32>
        %add3A_363 = arith.constant 0 : i32
        %add3A_364 = arith.addi %mul3A_323, %add3A_363 : i32
        %swap3A_365 = arith.index_cast %add3A_364 : i32 to index
        %swap3A_366 = arith.constant 32 : index
        %swap3A_367 = tpu.vector_load %arg8[%swap3A_365, %swap3A_366] {strides = array<i32>} : memref<128x128xf32, #tpu.memory_space<vmem>>, vector<1x16xf32>,
        %swap3A_368 = vector.shape_cast %swap3A_367 : vector<1x16xf32> to vector<16xf32>
        %swap3A_369 = vector.shape_cast %mul3A_362 : vector<16xf32> to vector<1x16xf32>
        tpu.vector_store %arg8[%swap3A_365, %swap3A_366], %swap3A_369 {strides = array<i32>} : memref<128x128xf32, #tpu.memory_space<vmem>>, vector<1x16xf32>,
        %add3A_370 = arith.constant 0 : i32
        %add3A_371 = arith.addi %mul3A_323, %add3A_370 : i32
        %get3A_372 = arith.index_cast %add3A_371 : i32 to index
        %get3A_373 = arith.constant 48 : index
        %get3A_374 = tpu.vector_load %arg8[%get3A_372, %get3A_373] {strides = array<i32>} : memref<128x128xf32, #tpu.memory_space<vmem>>, vector<1x16xf32>,
        %get3A_375 = vector.shape_cast %get3A_374 : vector<1x16xf32> to vector<16xf32>
        %mul3A_376 = arith.constant 8.000000e+00 : f32
        %mul3A_377 = vector.broadcast %mul3A_376 : f32 to vector<16xf32>
        %mul3A_378 = arith.mulf %get3A_375, %mul3A_377 : vector<16xf32>
        %add3A_379 = arith.constant 0 : i32
        %add3A_380 = arith.addi %mul3A_323, %add3A_379 : i32
        %swap3A_381 = arith.index_cast %add3A_380 : i32 to index
        %swap3A_382 = arith.constant 48 : index
        %swap3A_383 = tpu.vector_load %arg8[%swap3A_381, %swap3A_382] {strides = array<i32>} : memref<128x128xf32, #tpu.memory_space<vmem>>, vector<1x16xf32>,
        %swap3A_384 = vector.shape_cast %swap3A_383 : vector<1x16xf32> to vector<16xf32>
        %swap3A_385 = vector.shape_cast %mul3A_378 : vector<16xf32> to vector<1x16xf32>
        tpu.vector_store %arg8[%swap3A_381, %swap3A_382], %swap3A_385 {strides = array<i32>} : memref<128x128xf32, #tpu.memory_space<vmem>>, vector<1x16xf32>,
        %add3A_386 = arith.constant 1 : i32
        %add3A_387 = arith.addi %mul3A_323, %add3A_386 : i32
        %get3A_388 = arith.index_cast %add3A_387 : i32 to index
        %get3A_389 = arith.constant 0 : index
        %get3A_390 = tpu.vector_load %arg8[%get3A_388, %get3A_389] {strides = array<i32>} : memref<128x128xf32, #tpu.memory_space<vmem>>, vector<1x16xf32>,
        %get3A_391 = vector.shape_cast %get3A_390 : vector<1x16xf32> to vector<16xf32>
        %mul3A_392 = arith.constant 8.000000e+00 : f32
        %mul3A_393 = vector.broadcast %mul3A_392 : f32 to vector<16xf32>
        %mul3A_394 = arith.mulf %get3A_391, %mul3A_393 : vector<16xf32>
        %add3A_395 = arith.constant 1 : i32
        %add3A_396 = arith.addi %mul3A_323, %add3A_395 : i32
        %swap3A_397 = arith.index_cast %add3A_396 : i32 to index
        %swap3A_398 = arith.constant 0 : index
        %swap3A_399 = tpu.vector_load %arg8[%swap3A_397, %swap3A_398] {strides = array<i32>} : memref<128x128xf32, #tpu.memory_space<vmem>>, vector<1x16xf32>,
        %swap3A_400 = vector.shape_cast %swap3A_399 : vector<1x16xf32> to vector<16xf32>
        %swap3A_401 = vector.shape_cast %mul3A_394 : vector<16xf32> to vector<1x16xf32>
        tpu.vector_store %arg8[%swap3A_397, %swap3A_398], %swap3A_401 {strides = array<i32>} : memref<128x128xf32, #tpu.memory_space<vmem>>, vector<1x16xf32>,
        %add3A_402 = arith.constant 1 : i32
        %add3A_403 = arith.addi %mul3A_323, %add3A_402 : i32
        %get3A_404 = arith.index_cast %add3A_403 : i32 to index
        %get3A_405 = arith.constant 16 : index
        %get3A_406 = tpu.vector_load %arg8[%get3A_404, %get3A_405] {strides = array<i32>} : memref<128x128xf32, #tpu.memory_space<vmem>>, vector<1x16xf32>,
        %get3A_407 = vector.shape_cast %get3A_406 : vector<1x16xf32> to vector<16xf32>
        %mul3A_408 = arith.constant 8.000000e+00 : f32
        %mul3A_409 = vector.broadcast %mul3A_408 : f32 to vector<16xf32>
        %mul3A_410 = arith.mulf %get3A_407, %mul3A_409 : vector<16xf32>
        %add3A_411 = arith.constant 1 : i32
        %add3A_412 = arith.addi %mul3A_323, %add3A_411 : i32
        %swap3A_413 = arith.index_cast %add3A_412 : i32 to index
        %swap3A_414 = arith.constant 16 : index
        %swap3A_415 = tpu.vector_load %arg8[%swap3A_413, %swap3A_414] {strides = array<i32>} : memref<128x128xf32, #tpu.memory_space<vmem>>, vector<1x16xf32>,
        %swap3A_416 = vector.shape_cast %swap3A_415 : vector<1x16xf32> to vector<16xf32>
        %swap3A_417 = vector.shape_cast %mul3A_410 : vector<16xf32> to vector<1x16xf32>
        tpu.vector_store %arg8[%swap3A_413, %swap3A_414], %swap3A_417 {strides = array<i32>} : memref<128x128xf32, #tpu.memory_space<vmem>>, vector<1x16xf32>,
        %add3A_418 = arith.constant 1 : i32
        %add3A_419 = arith.addi %mul3A_323, %add3A_418 : i32
        %get3A_420 = arith.index_cast %add3A_419 : i32 to index
        %get3A_421 = arith.constant 32 : index
        %get3A_422 = tpu.vector_load %arg8[%get3A_420, %get3A_421] {strides = array<i32>} : memref<128x128xf32, #tpu.memory_space<vmem>>, vector<1x16xf32>,
        %get3A_423 = vector.shape_cast %get3A_422 : vector<1x16xf32> to vector<16xf32>
        %mul3A_424 = arith.constant 8.000000e+00 : f32
        %mul3A_425 = vector.broadcast %mul3A_424 : f32 to vector<16xf32>
        %mul3A_426 = arith.mulf %get3A_423, %mul3A_425 : vector<16xf32>
        %add3A_427 = arith.constant 1 : i32
        %add3A_428 = arith.addi %mul3A_323, %add3A_427 : i32
        %swap3A_429 = arith.index_cast %add3A_428 : i32 to index
        %swap3A_430 = arith.constant 32 : index
        %swap3A_431 = tpu.vector_load %arg8[%swap3A_429, %swap3A_430] {strides = array<i32>} : memref<128x128xf32, #tpu.memory_space<vmem>>, vector<1x16xf32>,
        %swap3A_432 = vector.shape_cast %swap3A_431 : vector<1x16xf32> to vector<16xf32>
        %swap3A_433 = vector.shape_cast %mul3A_426 : vector<16xf32> to vector<1x16xf32>
        tpu.vector_store %arg8[%swap3A_429, %swap3A_430], %swap3A_433 {strides = array<i32>} : memref<128x128xf32, #tpu.memory_space<vmem>>, vector<1x16xf32>,
        %add3A_434 = arith.constant 1 : i32
        %add3A_435 = arith.addi %mul3A_323, %add3A_434 : i32
        %get3A_436 = arith.index_cast %add3A_435 : i32 to index
        %get3A_437 = arith.constant 48 : index
        %get3A_438 = tpu.vector_load %arg8[%get3A_436, %get3A_437] {strides = array<i32>} : memref<128x128xf32, #tpu.memory_space<vmem>>, vector<1x16xf32>,
        %get3A_439 = vector.shape_cast %get3A_438 : vector<1x16xf32> to vector<16xf32>
        %mul3A_440 = arith.constant 8.000000e+00 : f32
        %mul3A_441 = vector.broadcast %mul3A_440 : f32 to vector<16xf32>
        %mul3A_442 = arith.mulf %get3A_439, %mul3A_441 : vector<16xf32>
        %add3A_443 = arith.constant 1 : i32
        %add3A_444 = arith.addi %mul3A_323, %add3A_443 : i32
        %swap3A_445 = arith.index_cast %add3A_444 : i32 to index
        %swap3A_446 = arith.constant 48 : index
        %swap3A_447 = tpu.vector_load %arg8[%swap3A_445, %swap3A_446] {strides = array<i32>} : memref<128x128xf32, #tpu.memory_space<vmem>>, vector<1x16xf32>,
        %swap3A_448 = vector.shape_cast %swap3A_447 : vector<1x16xf32> to vector<16xf32>
        %swap3A_449 = vector.shape_cast %mul3A_442 : vector<16xf32> to vector<1x16xf32>
        tpu.vector_store %arg8[%swap3A_445, %swap3A_446], %swap3A_449 {strides = array<i32>} : memref<128x128xf32, #tpu.memory_space<vmem>>, vector<1x16xf32>,
        %add3A_450 = arith.constant 2 : i32
        %add3A_451 = arith.addi %mul3A_323, %add3A_450 : i32
        %get3A_452 = arith.index_cast %add3A_451 : i32 to index
        %get3A_453 = arith.constant 0 : index
        %get3A_454 = tpu.vector_load %arg8[%get3A_452, %get3A_453] {strides = array<i32>} : memref<128x128xf32, #tpu.memory_space<vmem>>, vector<1x16xf32>,
        %get3A_455 = vector.shape_cast %get3A_454 : vector<1x16xf32> to vector<16xf32>
        %mul3A_456 = arith.constant 8.000000e+00 : f32
        %mul3A_457 = vector.broadcast %mul3A_456 : f32 to vector<16xf32>
        %mul3A_458 = arith.mulf %get3A_455, %mul3A_457 : vector<16xf32>
        %add3A_459 = arith.constant 2 : i32
        %add3A_460 = arith.addi %mul3A_323, %add3A_459 : i32
        %swap3A_461 = arith.index_cast %add3A_460 : i32 to index
        %swap3A_462 = arith.constant 0 : index
        %swap3A_463 = tpu.vector_load %arg8[%swap3A_461, %swap3A_462] {strides = array<i32>} : memref<128x128xf32, #tpu.memory_space<vmem>>, vector<1x16xf32>,
        %swap3A_464 = vector.shape_cast %swap3A_463 : vector<1x16xf32> to vector<16xf32>
        %swap3A_465 = vector.shape_cast %mul3A_458 : vector<16xf32> to vector<1x16xf32>
        tpu.vector_store %arg8[%swap3A_461, %swap3A_462], %swap3A_465 {strides = array<i32>} : memref<128x128xf32, #tpu.memory_space<vmem>>, vector<1x16xf32>,
        %add3A_466 = arith.constant 2 : i32
        %add3A_467 = arith.addi %mul3A_323, %add3A_466 : i32
        %get3A_468 = arith.index_cast %add3A_467 : i32 to index
        %get3A_469 = arith.constant 16 : index
        %get3A_470 = tpu.vector_load %arg8[%get3A_468, %get3A_469] {strides = array<i32>} : memref<128x128xf32, #tpu.memory_space<vmem>>, vector<1x16xf32>,
        %get3A_471 = vector.shape_cast %get3A_470 : vector<1x16xf32> to vector<16xf32>
        %mul3A_472 = arith.constant 8.000000e+00 : f32
        %mul3A_473 = vector.broadcast %mul3A_472 : f32 to vector<16xf32>
        %mul3A_474 = arith.mulf %get3A_471, %mul3A_473 : vector<16xf32>
        %add3A_475 = arith.constant 2 : i32
        %add3A_476 = arith.addi %mul3A_323, %add3A_475 : i32
        %swap3A_477 = arith.index_cast %add3A_476 : i32 to index
        %swap3A_478 = arith.constant 16 : index
        %swap3A_479 = tpu.vector_load %arg8[%swap3A_477, %swap3A_478] {strides = array<i32>} : memref<128x128xf32, #tpu.memory_space<vmem>>, vector<1x16xf32>,
        %swap3A_480 = vector.shape_cast %swap3A_479 : vector<1x16xf32> to vector<16xf32>
        %swap3A_481 = vector.shape_cast %mul3A_474 : vector<16xf32> to vector<1x16xf32>
        tpu.vector_store %arg8[%swap3A_477, %swap3A_478], %swap3A_481 {strides = array<i32>} : memref<128x128xf32, #tpu.memory_space<vmem>>, vector<1x16xf32>,
        %add3A_482 = arith.constant 2 : i32
        %add3A_483 = arith.addi %mul3A_323, %add3A_482 : i32
        %get3A_484 = arith.index_cast %add3A_483 : i32 to index
        %get3A_485 = arith.constant 32 : index
        %get3A_486 = tpu.vector_load %arg8[%get3A_484, %get3A_485] {strides = array<i32>} : memref<128x128xf32, #tpu.memory_space<vmem>>, vector<1x16xf32>,
        %get3A_487 = vector.shape_cast %get3A_486 : vector<1x16xf32> to vector<16xf32>
        %mul3A_488 = arith.constant 8.000000e+00 : f32
        %mul3A_489 = vector.broadcast %mul3A_488 : f32 to vector<16xf32>
        %mul3A_490 = arith.mulf %get3A_487, %mul3A_489 : vector<16xf32>
        %add3A_491 = arith.constant 2 : i32
        %add3A_492 = arith.addi %mul3A_323, %add3A_491 : i32
        %swap3A_493 = arith.index_cast %add3A_492 : i32 to index
        %swap3A_494 = arith.constant 32 : index
        %swap3A_495 = tpu.vector_load %arg8[%swap3A_493, %swap3A_494] {strides = array<i32>} : memref<128x128xf32, #tpu.memory_space<vmem>>, vector<1x16xf32>,
        %swap3A_496 = vector.shape_cast %swap3A_495 : vector<1x16xf32> to vector<16xf32>
        %swap3A_497 = vector.shape_cast %mul3A_490 : vector<16xf32> to vector<1x16xf32>
        tpu.vector_store %arg8[%swap3A_493, %swap3A_494], %swap3A_497 {strides = array<i32>} : memref<128x128xf32, #tpu.memory_space<vmem>>, vector<1x16xf32>,
        %add3A_498 = arith.constant 2 : i32
        %add3A_499 = arith.addi %mul3A_323, %add3A_498 : i32
        %get3A_500 = arith.index_cast %add3A_499 : i32 to index
        %get3A_501 = arith.constant 48 : index
        %get3A_502 = tpu.vector_load %arg8[%get3A_500, %get3A_501] {strides = array<i32>} : memref<128x128xf32, #tpu.memory_space<vmem>>, vector<1x16xf32>,
        %get3A_503 = vector.shape_cast %get3A_502 : vector<1x16xf32> to vector<16xf32>
        %mul3A_504 = arith.constant 8.000000e+00 : f32
        %mul3A_505 = vector.broadcast %mul3A_504 : f32 to vector<16xf32>
        %mul3A_506 = arith.mulf %get3A_503, %mul3A_505 : vector<16xf32>
        %add3A_507 = arith.constant 2 : i32
        %add3A_508 = arith.addi %mul3A_323, %add3A_507 : i32
        %swap3A_509 = arith.index_cast %add3A_508 : i32 to index
        %swap3A_510 = arith.constant 48 : index
        %swap3A_511 = tpu.vector_load %arg8[%swap3A_509, %swap3A_510] {strides = array<i32>} : memref<128x128xf32, #tpu.memory_space<vmem>>, vector<1x16xf32>,
        %swap3A_512 = vector.shape_cast %swap3A_511 : vector<1x16xf32> to vector<16xf32>
        %swap3A_513 = vector.shape_cast %mul3A_506 : vector<16xf32> to vector<1x16xf32>
        tpu.vector_store %arg8[%swap3A_509, %swap3A_510], %swap3A_513 {strides = array<i32>} : memref<128x128xf32, #tpu.memory_space<vmem>>, vector<1x16xf32>,
        %add3A_514 = arith.constant 3 : i32
        %add3A_515 = arith.addi %mul3A_323, %add3A_514 : i32
        %get3A_516 = arith.index_cast %add3A_515 : i32 to index
        %get3A_517 = arith.constant 0 : index
        %get3A_518 = tpu.vector_load %arg8[%get3A_516, %get3A_517] {strides = array<i32>} : memref<128x128xf32, #tpu.memory_space<vmem>>, vector<1x16xf32>,
        %get3A_519 = vector.shape_cast %get3A_518 : vector<1x16xf32> to vector<16xf32>
        %mul3A_520 = arith.constant 8.000000e+00 : f32
        %mul3A_521 = vector.broadcast %mul3A_520 : f32 to vector<16xf32>
        %mul3A_522 = arith.mulf %get3A_519, %mul3A_521 : vector<16xf32>
        %add3A_523 = arith.constant 3 : i32
        %add3A_524 = arith.addi %mul3A_323, %add3A_523 : i32
        %swap3A_525 = arith.index_cast %add3A_524 : i32 to index
        %swap3A_526 = arith.constant 0 : index
        %swap3A_527 = tpu.vector_load %arg8[%swap3A_525, %swap3A_526] {strides = array<i32>} : memref<128x128xf32, #tpu.memory_space<vmem>>, vector<1x16xf32>,
        %swap3A_528 = vector.shape_cast %swap3A_527 : vector<1x16xf32> to vector<16xf32>
        %swap3A_529 = vector.shape_cast %mul3A_522 : vector<16xf32> to vector<1x16xf32>
        tpu.vector_store %arg8[%swap3A_525, %swap3A_526], %swap3A_529 {strides = array<i32>} : memref<128x128xf32, #tpu.memory_space<vmem>>, vector<1x16xf32>,
        %add3A_530 = arith.constant 3 : i32
        %add3A_531 = arith.addi %mul3A_323, %add3A_530 : i32
        %get3A_532 = arith.index_cast %add3A_531 : i32 to index
        %get3A_533 = arith.constant 16 : index
        %get3A_534 = tpu.vector_load %arg8[%get3A_532, %get3A_533] {strides = array<i32>} : memref<128x128xf32, #tpu.memory_space<vmem>>, vector<1x16xf32>,
        %get3A_535 = vector.shape_cast %get3A_534 : vector<1x16xf32> to vector<16xf32>
        %mul3A_536 = arith.constant 8.000000e+00 : f32
        %mul3A_537 = vector.broadcast %mul3A_536 : f32 to vector<16xf32>
        %mul3A_538 = arith.mulf %get3A_535, %mul3A_537 : vector<16xf32>
        %add3A_539 = arith.constant 3 : i32
        %add3A_540 = arith.addi %mul3A_323, %add3A_539 : i32
        %swap3A_541 = arith.index_cast %add3A_540 : i32 to index
        %swap3A_542 = arith.constant 16 : index
        %swap3A_543 = tpu.vector_load %arg8[%swap3A_541, %swap3A_542] {strides = array<i32>} : memref<128x128xf32, #tpu.memory_space<vmem>>, vector<1x16xf32>,
        %swap3A_544 = vector.shape_cast %swap3A_543 : vector<1x16xf32> to vector<16xf32>
        %swap3A_545 = vector.shape_cast %mul3A_538 : vector<16xf32> to vector<1x16xf32>
        tpu.vector_store %arg8[%swap3A_541, %swap3A_542], %swap3A_545 {strides = array<i32>} : memref<128x128xf32, #tpu.memory_space<vmem>>, vector<1x16xf32>,
        %add3A_546 = arith.constant 3 : i32
        %add3A_547 = arith.addi %mul3A_323, %add3A_546 : i32
        %get3A_548 = arith.index_cast %add3A_547 : i32 to index
        %get3A_549 = arith.constant 32 : index
        %get3A_550 = tpu.vector_load %arg8[%get3A_548, %get3A_549] {strides = array<i32>} : memref<128x128xf32, #tpu.memory_space<vmem>>, vector<1x16xf32>,
        %get3A_551 = vector.shape_cast %get3A_550 : vector<1x16xf32> to vector<16xf32>
        %mul3A_552 = arith.constant 8.000000e+00 : f32
        %mul3A_553 = vector.broadcast %mul3A_552 : f32 to vector<16xf32>
        %mul3A_554 = arith.mulf %get3A_551, %mul3A_553 : vector<16xf32>
        %add3A_555 = arith.constant 3 : i32
        %add3A_556 = arith.addi %mul3A_323, %add3A_555 : i32
        %swap3A_557 = arith.index_cast %add3A_556 : i32 to index
        %swap3A_558 = arith.constant 32 : index
        %swap3A_559 = tpu.vector_load %arg8[%swap3A_557, %swap3A_558] {strides = array<i32>} : memref<128x128xf32, #tpu.memory_space<vmem>>, vector<1x16xf32>,
        %swap3A_560 = vector.shape_cast %swap3A_559 : vector<1x16xf32> to vector<16xf32>
        %swap3A_561 = vector.shape_cast %mul3A_554 : vector<16xf32> to vector<1x16xf32>
        tpu.vector_store %arg8[%swap3A_557, %swap3A_558], %swap3A_561 {strides = array<i32>} : memref<128x128xf32, #tpu.memory_space<vmem>>, vector<1x16xf32>,
        %add3A_562 = arith.constant 3 : i32
        %add3A_563 = arith.addi %mul3A_323, %add3A_562 : i32
        %get3A_564 = arith.index_cast %add3A_563 : i32 to index
        %get3A_565 = arith.constant 48 : index
        %get3A_566 = tpu.vector_load %arg8[%get3A_564, %get3A_565] {strides = array<i32>} : memref<128x128xf32, #tpu.memory_space<vmem>>, vector<1x16xf32>,
        %get3A_567 = vector.shape_cast %get3A_566 : vector<1x16xf32> to vector<16xf32>
        %mul3A_568 = arith.constant 8.000000e+00 : f32
        %mul3A_569 = vector.broadcast %mul3A_568 : f32 to vector<16xf32>
        %mul3A_570 = arith.mulf %get3A_567, %mul3A_569 : vector<16xf32>
        %add3A_571 = arith.constant 3 : i32
        %add3A_572 = arith.addi %mul3A_323, %add3A_571 : i32
        %swap3A_573 = arith.index_cast %add3A_572 : i32 to index
        %swap3A_574 = arith.constant 48 : index
        %swap3A_575 = tpu.vector_load %arg8[%swap3A_573, %swap3A_574] {strides = array<i32>} : memref<128x128xf32, #tpu.memory_space<vmem>>, vector<1x16xf32>,
        %swap3A_576 = vector.shape_cast %swap3A_575 : vector<1x16xf32> to vector<16xf32>
        %swap3A_577 = vector.shape_cast %mul3A_570 : vector<16xf32> to vector<1x16xf32>
        tpu.vector_store %arg8[%swap3A_573, %swap3A_574], %swap3A_577 {strides = array<i32>} : memref<128x128xf32, #tpu.memory_space<vmem>>, vector<1x16xf32>,
        %add3A_578 = arith.constant 4 : i32
        %add3A_579 = arith.addi %mul3A_323, %add3A_578 : i32
        %get3A_580 = arith.index_cast %add3A_579 : i32 to index
        %get3A_581 = arith.constant 0 : index
        %get3A_582 = tpu.vector_load %arg8[%get3A_580, %get3A_581] {strides = array<i32>} : memref<128x128xf32, #tpu.memory_space<vmem>>, vector<1x16xf32>,
        %get3A_583 = vector.shape_cast %get3A_582 : vector<1x16xf32> to vector<16xf32>
        %mul3A_584 = arith.constant 8.000000e+00 : f32
        %mul3A_585 = vector.broadcast %mul3A_584 : f32 to vector<16xf32>
        %mul3A_586 = arith.mulf %get3A_583, %mul3A_585 : vector<16xf32>
        %add3A_587 = arith.constant 4 : i32
        %add3A_588 = arith.addi %mul3A_323, %add3A_587 : i32
        %swap3A_589 = arith.index_cast %add3A_588 : i32 to index
        %swap3A_590 = arith.constant 0 : index
        %swap3A_591 = tpu.vector_load %arg8[%swap3A_589, %swap3A_590] {strides = array<i32>} : memref<128x128xf32, #tpu.memory_space<vmem>>, vector<1x16xf32>,
        %swap3A_592 = vector.shape_cast %swap3A_591 : vector<1x16xf32> to vector<16xf32>
        %swap3A_593 = vector.shape_cast %mul3A_586 : vector<16xf32> to vector<1x16xf32>
        tpu.vector_store %arg8[%swap3A_589, %swap3A_590], %swap3A_593 {strides = array<i32>} : memref<128x128xf32, #tpu.memory_space<vmem>>, vector<1x16xf32>,
        %add3A_594 = arith.constant 4 : i32
        %add3A_595 = arith.addi %mul3A_323, %add3A_594 : i32
        %get3A_596 = arith.index_cast %add3A_595 : i32 to index
        %get3A_597 = arith.constant 16 : index
        %get3A_598 = tpu.vector_load %arg8[%get3A_596, %get3A_597] {strides = array<i32>} : memref<128x128xf32, #tpu.memory_space<vmem>>, vector<1x16xf32>,
        %get3A_599 = vector.shape_cast %get3A_598 : vector<1x16xf32> to vector<16xf32>
        %mul3A_600 = arith.constant 8.000000e+00 : f32
        %mul3A_601 = vector.broadcast %mul3A_600 : f32 to vector<16xf32>
        %mul3A_602 = arith.mulf %get3A_599, %mul3A_601 : vector<16xf32>
        %add3A_603 = arith.constant 4 : i32
        %add3A_604 = arith.addi %mul3A_323, %add3A_603 : i32
        %swap3A_605 = arith.index_cast %add3A_604 : i32 to index
        %swap3A_606 = arith.constant 16 : index
        %swap3A_607 = tpu.vector_load %arg8[%swap3A_605, %swap3A_606] {strides = array<i32>} : memref<128x128xf32, #tpu.memory_space<vmem>>, vector<1x16xf32>,
        %swap3A_608 = vector.shape_cast %swap3A_607 : vector<1x16xf32> to vector<16xf32>
        %swap3A_609 = vector.shape_cast %mul3A_602 : vector<16xf32> to vector<1x16xf32>
        tpu.vector_store %arg8[%swap3A_605, %swap3A_606], %swap3A_609 {strides = array<i32>} : memref<128x128xf32, #tpu.memory_space<vmem>>, vector<1x16xf32>,
        %add3A_610 = arith.constant 4 : i32
        %add3A_611 = arith.addi %mul3A_323, %add3A_610 : i32
        %get3A_612 = arith.index_cast %add3A_611 : i32 to index
        %get3A_613 = arith.constant 32 : index
        %get3A_614 = tpu.vector_load %arg8[%get3A_612, %get3A_613] {strides = array<i32>} : memref<128x128xf32, #tpu.memory_space<vmem>>, vector<1x16xf32>,
        %get3A_615 = vector.shape_cast %get3A_614 : vector<1x16xf32> to vector<16xf32>
        %mul3A_616 = arith.constant 8.000000e+00 : f32
        %mul3A_617 = vector.broadcast %mul3A_616 : f32 to vector<16xf32>
        %mul3A_618 = arith.mulf %get3A_615, %mul3A_617 : vector<16xf32>
        %add3A_619 = arith.constant 4 : i32
        %add3A_620 = arith.addi %mul3A_323, %add3A_619 : i32
        %swap3A_621 = arith.index_cast %add3A_620 : i32 to index
        %swap3A_622 = arith.constant 32 : index
        %swap3A_623 = tpu.vector_load %arg8[%swap3A_621, %swap3A_622] {strides = array<i32>} : memref<128x128xf32, #tpu.memory_space<vmem>>, vector<1x16xf32>,
        %swap3A_624 = vector.shape_cast %swap3A_623 : vector<1x16xf32> to vector<16xf32>
        %swap3A_625 = vector.shape_cast %mul3A_618 : vector<16xf32> to vector<1x16xf32>
        tpu.vector_store %arg8[%swap3A_621, %swap3A_622], %swap3A_625 {strides = array<i32>} : memref<128x128xf32, #tpu.memory_space<vmem>>, vector<1x16xf32>,
        %add3A_626 = arith.constant 4 : i32
        %add3A_627 = arith.addi %mul3A_323, %add3A_626 : i32
        %get3A_628 = arith.index_cast %add3A_627 : i32 to index
        %get3A_629 = arith.constant 48 : index
        %get3A_630 = tpu.vector_load %arg8[%get3A_628, %get3A_629] {strides = array<i32>} : memref<128x128xf32, #tpu.memory_space<vmem>>, vector<1x16xf32>,
        %get3A_631 = vector.shape_cast %get3A_630 : vector<1x16xf32> to vector<16xf32>
        %mul3A_632 = arith.constant 8.000000e+00 : f32
        %mul3A_633 = vector.broadcast %mul3A_632 : f32 to vector<16xf32>
        %mul3A_634 = arith.mulf %get3A_631, %mul3A_633 : vector<16xf32>
        %add3A_635 = arith.constant 4 : i32
        %add3A_636 = arith.addi %mul3A_323, %add3A_635 : i32
        %swap3A_637 = arith.index_cast %add3A_636 : i32 to index
        %swap3A_638 = arith.constant 48 : index
        %swap3A_639 = tpu.vector_load %arg8[%swap3A_637, %swap3A_638] {strides = array<i32>} : memref<128x128xf32, #tpu.memory_space<vmem>>, vector<1x16xf32>,
        %swap3A_640 = vector.shape_cast %swap3A_639 : vector<1x16xf32> to vector<16xf32>
        %swap3A_641 = vector.shape_cast %mul3A_634 : vector<16xf32> to vector<1x16xf32>
        tpu.vector_store %arg8[%swap3A_637, %swap3A_638], %swap3A_641 {strides = array<i32>} : memref<128x128xf32, #tpu.memory_space<vmem>>, vector<1x16xf32>,
        %add3A_642 = arith.constant 5 : i32
        %add3A_643 = arith.addi %mul3A_323, %add3A_642 : i32
        %get3A_644 = arith.index_cast %add3A_643 : i32 to index
        %get3A_645 = arith.constant 0 : index
        %get3A_646 = tpu.vector_load %arg8[%get3A_644, %get3A_645] {strides = array<i32>} : memref<128x128xf32, #tpu.memory_space<vmem>>, vector<1x16xf32>,
        %get3A_647 = vector.shape_cast %get3A_646 : vector<1x16xf32> to vector<16xf32>
        %mul3A_648 = arith.constant 8.000000e+00 : f32
        %mul3A_649 = vector.broadcast %mul3A_648 : f32 to vector<16xf32>
        %mul3A_650 = arith.mulf %get3A_647, %mul3A_649 : vector<16xf32>
        %add3A_651 = arith.constant 5 : i32
        %add3A_652 = arith.addi %mul3A_323, %add3A_651 : i32
        %swap3A_653 = arith.index_cast %add3A_652 : i32 to index
        %swap3A_654 = arith.constant 0 : index
        %swap3A_655 = tpu.vector_load %arg8[%swap3A_653, %swap3A_654] {strides = array<i32>} : memref<128x128xf32, #tpu.memory_space<vmem>>, vector<1x16xf32>,
        %swap3A_656 = vector.shape_cast %swap3A_655 : vector<1x16xf32> to vector<16xf32>
        %swap3A_657 = vector.shape_cast %mul3A_650 : vector<16xf32> to vector<1x16xf32>
        tpu.vector_store %arg8[%swap3A_653, %swap3A_654], %swap3A_657 {strides = array<i32>} : memref<128x128xf32, #tpu.memory_space<vmem>>, vector<1x16xf32>,
        %add3A_658 = arith.constant 5 : i32
        %add3A_659 = arith.addi %mul3A_323, %add3A_658 : i32
        %get3A_660 = arith.index_cast %add3A_659 : i32 to index
        %get3A_661 = arith.constant 16 : index
        %get3A_662 = tpu.vector_load %arg8[%get3A_660, %get3A_661] {strides = array<i32>} : memref<128x128xf32, #tpu.memory_space<vmem>>, vector<1x16xf32>,
        %get3A_663 = vector.shape_cast %get3A_662 : vector<1x16xf32> to vector<16xf32>
        %mul3A_664 = arith.constant 8.000000e+00 : f32
        %mul3A_665 = vector.broadcast %mul3A_664 : f32 to vector<16xf32>
        %mul3A_666 = arith.mulf %get3A_663, %mul3A_665 : vector<16xf32>
        %add3A_667 = arith.constant 5 : i32
        %add3A_668 = arith.addi %mul3A_323, %add3A_667 : i32
        %swap3A_669 = arith.index_cast %add3A_668 : i32 to index
        %swap3A_670 = arith.constant 16 : index
        %swap3A_671 = tpu.vector_load %arg8[%swap3A_669, %swap3A_670] {strides = array<i32>} : memref<128x128xf32, #tpu.memory_space<vmem>>, vector<1x16xf32>,
        %swap3A_672 = vector.shape_cast %swap3A_671 : vector<1x16xf32> to vector<16xf32>
        %swap3A_673 = vector.shape_cast %mul3A_666 : vector<16xf32> to vector<1x16xf32>
        tpu.vector_store %arg8[%swap3A_669, %swap3A_670], %swap3A_673 {strides = array<i32>} : memref<128x128xf32, #tpu.memory_space<vmem>>, vector<1x16xf32>,
        %add3A_674 = arith.constant 5 : i32
        %add3A_675 = arith.addi %mul3A_323, %add3A_674 : i32
        %get3A_676 = arith.index_cast %add3A_675 : i32 to index
        %get3A_677 = arith.constant 32 : index
        %get3A_678 = tpu.vector_load %arg8[%get3A_676, %get3A_677] {strides = array<i32>} : memref<128x128xf32, #tpu.memory_space<vmem>>, vector<1x16xf32>,
        %get3A_679 = vector.shape_cast %get3A_678 : vector<1x16xf32> to vector<16xf32>
        %mul3A_680 = arith.constant 8.000000e+00 : f32
        %mul3A_681 = vector.broadcast %mul3A_680 : f32 to vector<16xf32>
        %mul3A_682 = arith.mulf %get3A_679, %mul3A_681 : vector<16xf32>
        %add3A_683 = arith.constant 5 : i32
        %add3A_684 = arith.addi %mul3A_323, %add3A_683 : i32
        %swap3A_685 = arith.index_cast %add3A_684 : i32 to index
        %swap3A_686 = arith.constant 32 : index
        %swap3A_687 = tpu.vector_load %arg8[%swap3A_685, %swap3A_686] {strides = array<i32>} : memref<128x128xf32, #tpu.memory_space<vmem>>, vector<1x16xf32>,
        %swap3A_688 = vector.shape_cast %swap3A_687 : vector<1x16xf32> to vector<16xf32>
        %swap3A_689 = vector.shape_cast %mul3A_682 : vector<16xf32> to vector<1x16xf32>
        tpu.vector_store %arg8[%swap3A_685, %swap3A_686], %swap3A_689 {strides = array<i32>} : memref<128x128xf32, #tpu.memory_space<vmem>>, vector<1x16xf32>,
        %add3A_690 = arith.constant 5 : i32
        %add3A_691 = arith.addi %mul3A_323, %add3A_690 : i32
        %get3A_692 = arith.index_cast %add3A_691 : i32 to index
        %get3A_693 = arith.constant 48 : index
        %get3A_694 = tpu.vector_load %arg8[%get3A_692, %get3A_693] {strides = array<i32>} : memref<128x128xf32, #tpu.memory_space<vmem>>, vector<1x16xf32>,
        %get3A_695 = vector.shape_cast %get3A_694 : vector<1x16xf32> to vector<16xf32>
        %mul3A_696 = arith.constant 8.000000e+00 : f32
        %mul3A_697 = vector.broadcast %mul3A_696 : f32 to vector<16xf32>
        %mul3A_698 = arith.mulf %get3A_695, %mul3A_697 : vector<16xf32>
        %add3A_699 = arith.constant 5 : i32
        %add3A_700 = arith.addi %mul3A_323, %add3A_699 : i32
        %swap3A_701 = arith.index_cast %add3A_700 : i32 to index
        %swap3A_702 = arith.constant 48 : index
        %swap3A_703 = tpu.vector_load %arg8[%swap3A_701, %swap3A_702] {strides = array<i32>} : memref<128x128xf32, #tpu.memory_space<vmem>>, vector<1x16xf32>,
        %swap3A_704 = vector.shape_cast %swap3A_703 : vector<1x16xf32> to vector<16xf32>
        %swap3A_705 = vector.shape_cast %mul3A_698 : vector<16xf32> to vector<1x16xf32>
        tpu.vector_store %arg8[%swap3A_701, %swap3A_702], %swap3A_705 {strides = array<i32>} : memref<128x128xf32, #tpu.memory_space<vmem>>, vector<1x16xf32>,
        %add3A_706 = arith.constant 6 : i32
        %add3A_707 = arith.addi %mul3A_323, %add3A_706 : i32
        %get3A_708 = arith.index_cast %add3A_707 : i32 to index
        %get3A_709 = arith.constant 0 : index
        %get3A_710 = tpu.vector_load %arg8[%get3A_708, %get3A_709] {strides = array<i32>} : memref<128x128xf32, #tpu.memory_space<vmem>>, vector<1x16xf32>,
        %get3A_711 = vector.shape_cast %get3A_710 : vector<1x16xf32> to vector<16xf32>
        %mul3A_712 = arith.constant 8.000000e+00 : f32
        %mul3A_713 = vector.broadcast %mul3A_712 : f32 to vector<16xf32>
        %mul3A_714 = arith.mulf %get3A_711, %mul3A_713 : vector<16xf32>
        %add3A_715 = arith.constant 6 : i32
        %add3A_716 = arith.addi %mul3A_323, %add3A_715 : i32
        %swap3A_717 = arith.index_cast %add3A_716 : i32 to index
        %swap3A_718 = arith.constant 0 : index
        %swap3A_719 = tpu.vector_load %arg8[%swap3A_717, %swap3A_718] {strides = array<i32>} : memref<128x128xf32, #tpu.memory_space<vmem>>, vector<1x16xf32>,
        %swap3A_720 = vector.shape_cast %swap3A_719 : vector<1x16xf32> to vector<16xf32>
        %swap3A_721 = vector.shape_cast %mul3A_714 : vector<16xf32> to vector<1x16xf32>
        tpu.vector_store %arg8[%swap3A_717, %swap3A_718], %swap3A_721 {strides = array<i32>} : memref<128x128xf32, #tpu.memory_space<vmem>>, vector<1x16xf32>,
        %add3A_722 = arith.constant 6 : i32
        %add3A_723 = arith.addi %mul3A_323, %add3A_722 : i32
        %get3A_724 = arith.index_cast %add3A_723 : i32 to index
        %get3A_725 = arith.constant 16 : index
        %get3A_726 = tpu.vector_load %arg8[%get3A_724, %get3A_725] {strides = array<i32>} : memref<128x128xf32, #tpu.memory_space<vmem>>, vector<1x16xf32>,
        %get3A_727 = vector.shape_cast %get3A_726 : vector<1x16xf32> to vector<16xf32>
        %mul3A_728 = arith.constant 8.000000e+00 : f32
        %mul3A_729 = vector.broadcast %mul3A_728 : f32 to vector<16xf32>
        %mul3A_730 = arith.mulf %get3A_727, %mul3A_729 : vector<16xf32>
        %add3A_731 = arith.constant 6 : i32
        %add3A_732 = arith.addi %mul3A_323, %add3A_731 : i32
        %swap3A_733 = arith.index_cast %add3A_732 : i32 to index
        %swap3A_734 = arith.constant 16 : index
        %swap3A_735 = tpu.vector_load %arg8[%swap3A_733, %swap3A_734] {strides = array<i32>} : memref<128x128xf32, #tpu.memory_space<vmem>>, vector<1x16xf32>,
        %swap3A_736 = vector.shape_cast %swap3A_735 : vector<1x16xf32> to vector<16xf32>
        %swap3A_737 = vector.shape_cast %mul3A_730 : vector<16xf32> to vector<1x16xf32>
        tpu.vector_store %arg8[%swap3A_733, %swap3A_734], %swap3A_737 {strides = array<i32>} : memref<128x128xf32, #tpu.memory_space<vmem>>, vector<1x16xf32>,
        %add3A_738 = arith.constant 6 : i32
        %add3A_739 = arith.addi %mul3A_323, %add3A_738 : i32
        %get3A_740 = arith.index_cast %add3A_739 : i32 to index
        %get3A_741 = arith.constant 32 : index
        %get3A_742 = tpu.vector_load %arg8[%get3A_740, %get3A_741] {strides = array<i32>} : memref<128x128xf32, #tpu.memory_space<vmem>>, vector<1x16xf32>,
        %get3A_743 = vector.shape_cast %get3A_742 : vector<1x16xf32> to vector<16xf32>
        %mul3A_744 = arith.constant 8.000000e+00 : f32
        %mul3A_745 = vector.broadcast %mul3A_744 : f32 to vector<16xf32>
        %mul3A_746 = arith.mulf %get3A_743, %mul3A_745 : vector<16xf32>
        %add3A_747 = arith.constant 6 : i32
        %add3A_748 = arith.addi %mul3A_323, %add3A_747 : i32
        %swap3A_749 = arith.index_cast %add3A_748 : i32 to index
        %swap3A_750 = arith.constant 32 : index
        %swap3A_751 = tpu.vector_load %arg8[%swap3A_749, %swap3A_750] {strides = array<i32>} : memref<128x128xf32, #tpu.memory_space<vmem>>, vector<1x16xf32>,
        %swap3A_752 = vector.shape_cast %swap3A_751 : vector<1x16xf32> to vector<16xf32>
        %swap3A_753 = vector.shape_cast %mul3A_746 : vector<16xf32> to vector<1x16xf32>
        tpu.vector_store %arg8[%swap3A_749, %swap3A_750], %swap3A_753 {strides = array<i32>} : memref<128x128xf32, #tpu.memory_space<vmem>>, vector<1x16xf32>,
        %add3A_754 = arith.constant 6 : i32
        %add3A_755 = arith.addi %mul3A_323, %add3A_754 : i32
        %get3A_756 = arith.index_cast %add3A_755 : i32 to index
        %get3A_757 = arith.constant 48 : index
        %get3A_758 = tpu.vector_load %arg8[%get3A_756, %get3A_757] {strides = array<i32>} : memref<128x128xf32, #tpu.memory_space<vmem>>, vector<1x16xf32>,
        %get3A_759 = vector.shape_cast %get3A_758 : vector<1x16xf32> to vector<16xf32>
        %mul3A_760 = arith.constant 8.000000e+00 : f32
        %mul3A_761 = vector.broadcast %mul3A_760 : f32 to vector<16xf32>
        %mul3A_762 = arith.mulf %get3A_759, %mul3A_761 : vector<16xf32>
        %add3A_763 = arith.constant 6 : i32
        %add3A_764 = arith.addi %mul3A_323, %add3A_763 : i32
        %swap3A_765 = arith.index_cast %add3A_764 : i32 to index
        %swap3A_766 = arith.constant 48 : index
        %swap3A_767 = tpu.vector_load %arg8[%swap3A_765, %swap3A_766] {strides = array<i32>} : memref<128x128xf32, #tpu.memory_space<vmem>>, vector<1x16xf32>,
        %swap3A_768 = vector.shape_cast %swap3A_767 : vector<1x16xf32> to vector<16xf32>
        %swap3A_769 = vector.shape_cast %mul3A_762 : vector<16xf32> to vector<1x16xf32>
        tpu.vector_store %arg8[%swap3A_765, %swap3A_766], %swap3A_769 {strides = array<i32>} : memref<128x128xf32, #tpu.memory_space<vmem>>, vector<1x16xf32>,
        %add3A_770 = arith.constant 7 : i32
        %add3A_771 = arith.addi %mul3A_323, %add3A_770 : i32
        %get3A_772 = arith.index_cast %add3A_771 : i32 to index
        %get3A_773 = arith.constant 0 : index
        %get3A_774 = tpu.vector_load %arg8[%get3A_772, %get3A_773] {strides = array<i32>} : memref<128x128xf32, #tpu.memory_space<vmem>>, vector<1x16xf32>,
        %get3A_775 = vector.shape_cast %get3A_774 : vector<1x16xf32> to vector<16xf32>
        %mul3A_776 = arith.constant 8.000000e+00 : f32
        %mul3A_777 = vector.broadcast %mul3A_776 : f32 to vector<16xf32>
        %mul3A_778 = arith.mulf %get3A_775, %mul3A_777 : vector<16xf32>
        %add3A_779 = arith.constant 7 : i32
        %add3A_780 = arith.addi %mul3A_323, %add3A_779 : i32
        %swap3A_781 = arith.index_cast %add3A_780 : i32 to index
        %swap3A_782 = arith.constant 0 : index
        %swap3A_783 = tpu.vector_load %arg8[%swap3A_781, %swap3A_782] {strides = array<i32>} : memref<128x128xf32, #tpu.memory_space<vmem>>, vector<1x16xf32>,
        %swap3A_784 = vector.shape_cast %swap3A_783 : vector<1x16xf32> to vector<16xf32>
        %swap3A_785 = vector.shape_cast %mul3A_778 : vector<16xf32> to vector<1x16xf32>
        tpu.vector_store %arg8[%swap3A_781, %swap3A_782], %swap3A_785 {strides = array<i32>} : memref<128x128xf32, #tpu.memory_space<vmem>>, vector<1x16xf32>,
        %add3A_786 = arith.constant 7 : i32
        %add3A_787 = arith.addi %mul3A_323, %add3A_786 : i32
        %get3A_788 = arith.index_cast %add3A_787 : i32 to index
        %get3A_789 = arith.constant 16 : index
        %get3A_790 = tpu.vector_load %arg8[%get3A_788, %get3A_789] {strides = array<i32>} : memref<128x128xf32, #tpu.memory_space<vmem>>, vector<1x16xf32>,
        %get3A_791 = vector.shape_cast %get3A_790 : vector<1x16xf32> to vector<16xf32>
        %mul3A_792 = arith.constant 8.000000e+00 : f32
        %mul3A_793 = vector.broadcast %mul3A_792 : f32 to vector<16xf32>
        %mul3A_794 = arith.mulf %get3A_791, %mul3A_793 : vector<16xf32>
        %add3A_795 = arith.constant 7 : i32
        %add3A_796 = arith.addi %mul3A_323, %add3A_795 : i32
        %swap3A_797 = arith.index_cast %add3A_796 : i32 to index
        %swap3A_798 = arith.constant 16 : index
        %swap3A_799 = tpu.vector_load %arg8[%swap3A_797, %swap3A_798] {strides = array<i32>} : memref<128x128xf32, #tpu.memory_space<vmem>>, vector<1x16xf32>,
        %swap3A_800 = vector.shape_cast %swap3A_799 : vector<1x16xf32> to vector<16xf32>
        %swap3A_801 = vector.shape_cast %mul3A_794 : vector<16xf32> to vector<1x16xf32>
        tpu.vector_store %arg8[%swap3A_797, %swap3A_798], %swap3A_801 {strides = array<i32>} : memref<128x128xf32, #tpu.memory_space<vmem>>, vector<1x16xf32>,
        %add3A_802 = arith.constant 7 : i32
        %add3A_803 = arith.addi %mul3A_323, %add3A_802 : i32
        %get3A_804 = arith.index_cast %add3A_803 : i32 to index
        %get3A_805 = arith.constant 32 : index
        %get3A_806 = tpu.vector_load %arg8[%get3A_804, %get3A_805] {strides = array<i32>} : memref<128x128xf32, #tpu.memory_space<vmem>>, vector<1x16xf32>,
        %get3A_807 = vector.shape_cast %get3A_806 : vector<1x16xf32> to vector<16xf32>
        %mul3A_808 = arith.constant 8.000000e+00 : f32
        %mul3A_809 = vector.broadcast %mul3A_808 : f32 to vector<16xf32>
        %mul3A_810 = arith.mulf %get3A_807, %mul3A_809 : vector<16xf32>
        %add3A_811 = arith.constant 7 : i32
        %add3A_812 = arith.addi %mul3A_323, %add3A_811 : i32
        %swap3A_813 = arith.index_cast %add3A_812 : i32 to index
        %swap3A_814 = arith.constant 32 : index
        %swap3A_815 = tpu.vector_load %arg8[%swap3A_813, %swap3A_814] {strides = array<i32>} : memref<128x128xf32, #tpu.memory_space<vmem>>, vector<1x16xf32>,
        %swap3A_816 = vector.shape_cast %swap3A_815 : vector<1x16xf32> to vector<16xf32>
        %swap3A_817 = vector.shape_cast %mul3A_810 : vector<16xf32> to vector<1x16xf32>
        tpu.vector_store %arg8[%swap3A_813, %swap3A_814], %swap3A_817 {strides = array<i32>} : memref<128x128xf32, #tpu.memory_space<vmem>>, vector<1x16xf32>,
        %add3A_818 = arith.constant 7 : i32
        %add3A_819 = arith.addi %mul3A_323, %add3A_818 : i32
        %get3A_820 = arith.index_cast %add3A_819 : i32 to index
        %get3A_821 = arith.constant 48 : index
        %get3A_822 = tpu.vector_load %arg8[%get3A_820, %get3A_821] {strides = array<i32>} : memref<128x128xf32, #tpu.memory_space<vmem>>, vector<1x16xf32>,
        %get3A_823 = vector.shape_cast %get3A_822 : vector<1x16xf32> to vector<16xf32>
        %mul3A_824 = arith.constant 8.000000e+00 : f32
        %mul3A_825 = vector.broadcast %mul3A_824 : f32 to vector<16xf32>
        %mul3A_826 = arith.mulf %get3A_823, %mul3A_825 : vector<16xf32>
        %add3A_827 = arith.constant 7 : i32
        %add3A_828 = arith.addi %mul3A_323, %add3A_827 : i32
        %swap3A_829 = arith.index_cast %add3A_828 : i32 to index
        %swap3A_830 = arith.constant 48 : index
        %swap3A_831 = tpu.vector_load %arg8[%swap3A_829, %swap3A_830] {strides = array<i32>} : memref<128x128xf32, #tpu.memory_space<vmem>>, vector<1x16xf32>,
        %swap3A_832 = vector.shape_cast %swap3A_831 : vector<1x16xf32> to vector<16xf32>
        %swap3A_833 = vector.shape_cast %mul3A_826 : vector<16xf32> to vector<1x16xf32>
        tpu.vector_store %arg8[%swap3A_829, %swap3A_830], %swap3A_833 {strides = array<i32>} : memref<128x128xf32, #tpu.memory_space<vmem>>, vector<1x16xf32>,
      }
      %scan3A_264 = arith.constant 16 : i32
      %add3A_265 = arith.addi %mul3A_2, %add3A_246 : i32
      %dma_start3A_266 = arith.constant 0 : i32
      %dma_start3A_267 = arith.constant 0 : i32
      %dma_start3A_268 = tpu.memref_slice %arg4[%add3A_265, %dma_start3A_266, %dma_start3A_267] : memref<4096x200x128xf32, #tpu.memory_space<hbm>> -> memref<1x128x128xf32, #tpu.memory_space<hbm>>
      %dma_start3A_269 = tpu.memref_squeeze %dma_start3A_268 : memref<1x128x128xf32, #tpu.memory_space<hbm>> -> memref<128x128xf32, #tpu.memory_space<hbm>>
      %dma_start3A_270 = arith.constant 0 : i32
      %dma_start3A_271 = arith.constant 0 : i32
      %dma_start3A_272 = tpu.memref_slice %arg4[%add3A_265, %dma_start3A_270, %dma_start3A_271] : memref<4096x200x128xf32, #tpu.memory_space<hbm>> -> memref<1x128x128xf32, #tpu.memory_space<hbm>>
      %dma_start3A_273 = tpu.memref_squeeze %dma_start3A_272 : memref<1x128x128xf32, #tpu.memory_space<hbm>> -> memref<128x128xf32, #tpu.memory_space<hbm>>
      tpu.enqueue_dma source(%arg8 : memref<128x128xf32, #tpu.memory_space<vmem>>) target(%dma_start3A_273 : memref<128x128xf32, #tpu.memory_space<hbm>>) target_semaphore(%arg13 : memref<!tpu.dma_semaphore, #tpu.memory_space<semaphore_mem>>)
      %scan3A_274 = arith.constant 0 : i32
      %scan3A_275 = arith.constant 0 : i32
      %scan3A_276 = arith.constant 9 : i32
      %scan3A_277 = arith.addi %scan3A_275, %scan3A_276 : i32
      %scan3A_278 = arith.constant 1 : i32
      scf.for %scan3A_321 = %scan3A_275 to %scan3A_277 step %scan3A_278  : i32 {
        %mul3A_322 = arith.constant 8 : i32
        %mul3A_323 = arith.muli %scan3A_321, %mul3A_322 : i32
        %add3A_324 = arith.constant 0 : i32
        %add3A_325 = arith.addi %mul3A_323, %add3A_324 : i32
        %get3A = arith.index_cast %add3A_325 : i32 to index
        %get3A_326 = arith.constant 0 : index
        %get3A_327 = tpu.vector_load %arg9[%get3A, %get3A_326] {strides = array<i32>} : memref<72x128xf32, #tpu.memory_space<vmem>>, vector<1x16xf32>,
        %get3A_328 = vector.shape_cast %get3A_327 : vector<1x16xf32> to vector<16xf32>
        %mul3A_329 = arith.constant 8.000000e+00 : f32
        %mul3A_330 = vector.broadcast %mul3A_329 : f32 to vector<16xf32>
        %mul3A_331 = arith.mulf %get3A_328, %mul3A_330 : vector<16xf32>
        %add3A_332 = arith.constant 0 : i32
        %add3A_333 = arith.addi %mul3A_323, %add3A_332 : i32
        %swap3A = arith.index_cast %add3A_333 : i32 to index
        %swap3A_334 = arith.constant 0 : index
        %swap3A_335 = tpu.vector_load %arg9[%swap3A, %swap3A_334] {strides = array<i32>} : memref<72x128xf32, #tpu.memory_space<vmem>>, vector<1x16xf32>,
        %swap3A_336 = vector.shape_cast %swap3A_335 : vector<1x16xf32> to vector<16xf32>
        %swap3A_337 = vector.shape_cast %mul3A_331 : vector<16xf32> to vector<1x16xf32>
        tpu.vector_store %arg9[%swap3A, %swap3A_334], %swap3A_337 {strides = array<i32>} : memref<72x128xf32, #tpu.memory_space<vmem>>, vector<1x16xf32>,
        %add3A_338 = arith.constant 0 : i32
        %add3A_339 = arith.addi %mul3A_323, %add3A_338 : i32
        %get3A_340 = arith.index_cast %add3A_339 : i32 to index
        %get3A_341 = arith.constant 16 : index
        %get3A_342 = tpu.vector_load %arg9[%get3A_340, %get3A_341] {strides = array<i32>} : memref<72x128xf32, #tpu.memory_space<vmem>>, vector<1x16xf32>,
        %get3A_343 = vector.shape_cast %get3A_342 : vector<1x16xf32> to vector<16xf32>
        %mul3A_344 = arith.constant 8.000000e+00 : f32
        %mul3A_345 = vector.broadcast %mul3A_344 : f32 to vector<16xf32>
        %mul3A_346 = arith.mulf %get3A_343, %mul3A_345 : vector<16xf32>
        %add3A_347 = arith.constant 0 : i32
        %add3A_348 = arith.addi %mul3A_323, %add3A_347 : i32
        %swap3A_349 = arith.index_cast %add3A_348 : i32 to index
        %swap3A_350 = arith.constant 16 : index
        %swap3A_351 = tpu.vector_load %arg9[%swap3A_349, %swap3A_350] {strides = array<i32>} : memref<72x128xf32, #tpu.memory_space<vmem>>, vector<1x16xf32>,
        %swap3A_352 = vector.shape_cast %swap3A_351 : vector<1x16xf32> to vector<16xf32>
        %swap3A_353 = vector.shape_cast %mul3A_346 : vector<16xf32> to vector<1x16xf32>
        tpu.vector_store %arg9[%swap3A_349, %swap3A_350], %swap3A_353 {strides = array<i32>} : memref<72x128xf32, #tpu.memory_space<vmem>>, vector<1x16xf32>,
        %add3A_354 = arith.constant 0 : i32
        %add3A_355 = arith.addi %mul3A_323, %add3A_354 : i32
        %get3A_356 = arith.index_cast %add3A_355 : i32 to index
        %get3A_357 = arith.constant 32 : index
        %get3A_358 = tpu.vector_load %arg9[%get3A_356, %get3A_357] {strides = array<i32>} : memref<72x128xf32, #tpu.memory_space<vmem>>, vector<1x16xf32>,
        %get3A_359 = vector.shape_cast %get3A_358 : vector<1x16xf32> to vector<16xf32>
        %mul3A_360 = arith.constant 8.000000e+00 : f32
        %mul3A_361 = vector.broadcast %mul3A_360 : f32 to vector<16xf32>
        %mul3A_362 = arith.mulf %get3A_359, %mul3A_361 : vector<16xf32>
        %add3A_363 = arith.constant 0 : i32
        %add3A_364 = arith.addi %mul3A_323, %add3A_363 : i32
        %swap3A_365 = arith.index_cast %add3A_364 : i32 to index
        %swap3A_366 = arith.constant 32 : index
        %swap3A_367 = tpu.vector_load %arg9[%swap3A_365, %swap3A_366] {strides = array<i32>} : memref<72x128xf32, #tpu.memory_space<vmem>>, vector<1x16xf32>,
        %swap3A_368 = vector.shape_cast %swap3A_367 : vector<1x16xf32> to vector<16xf32>
        %swap3A_369 = vector.shape_cast %mul3A_362 : vector<16xf32> to vector<1x16xf32>
        tpu.vector_store %arg9[%swap3A_365, %swap3A_366], %swap3A_369 {strides = array<i32>} : memref<72x128xf32, #tpu.memory_space<vmem>>, vector<1x16xf32>,
        %add3A_370 = arith.constant 0 : i32
        %add3A_371 = arith.addi %mul3A_323, %add3A_370 : i32
        %get3A_372 = arith.index_cast %add3A_371 : i32 to index
        %get3A_373 = arith.constant 48 : index
        %get3A_374 = tpu.vector_load %arg9[%get3A_372, %get3A_373] {strides = array<i32>} : memref<72x128xf32, #tpu.memory_space<vmem>>, vector<1x16xf32>,
        %get3A_375 = vector.shape_cast %get3A_374 : vector<1x16xf32> to vector<16xf32>
        %mul3A_376 = arith.constant 8.000000e+00 : f32
        %mul3A_377 = vector.broadcast %mul3A_376 : f32 to vector<16xf32>
        %mul3A_378 = arith.mulf %get3A_375, %mul3A_377 : vector<16xf32>
        %add3A_379 = arith.constant 0 : i32
        %add3A_380 = arith.addi %mul3A_323, %add3A_379 : i32
        %swap3A_381 = arith.index_cast %add3A_380 : i32 to index
        %swap3A_382 = arith.constant 48 : index
        %swap3A_383 = tpu.vector_load %arg9[%swap3A_381, %swap3A_382] {strides = array<i32>} : memref<72x128xf32, #tpu.memory_space<vmem>>, vector<1x16xf32>,
        %swap3A_384 = vector.shape_cast %swap3A_383 : vector<1x16xf32> to vector<16xf32>
        %swap3A_385 = vector.shape_cast %mul3A_378 : vector<16xf32> to vector<1x16xf32>
        tpu.vector_store %arg9[%swap3A_381, %swap3A_382], %swap3A_385 {strides = array<i32>} : memref<72x128xf32, #tpu.memory_space<vmem>>, vector<1x16xf32>,
        %add3A_386 = arith.constant 1 : i32
        %add3A_387 = arith.addi %mul3A_323, %add3A_386 : i32
        %get3A_388 = arith.index_cast %add3A_387 : i32 to index
        %get3A_389 = arith.constant 0 : index
        %get3A_390 = tpu.vector_load %arg9[%get3A_388, %get3A_389] {strides = array<i32>} : memref<72x128xf32, #tpu.memory_space<vmem>>, vector<1x16xf32>,
        %get3A_391 = vector.shape_cast %get3A_390 : vector<1x16xf32> to vector<16xf32>
        %mul3A_392 = arith.constant 8.000000e+00 : f32
        %mul3A_393 = vector.broadcast %mul3A_392 : f32 to vector<16xf32>
        %mul3A_394 = arith.mulf %get3A_391, %mul3A_393 : vector<16xf32>
        %add3A_395 = arith.constant 1 : i32
        %add3A_396 = arith.addi %mul3A_323, %add3A_395 : i32
        %swap3A_397 = arith.index_cast %add3A_396 : i32 to index
        %swap3A_398 = arith.constant 0 : index
        %swap3A_399 = tpu.vector_load %arg9[%swap3A_397, %swap3A_398] {strides = array<i32>} : memref<72x128xf32, #tpu.memory_space<vmem>>, vector<1x16xf32>,
        %swap3A_400 = vector.shape_cast %swap3A_399 : vector<1x16xf32> to vector<16xf32>
        %swap3A_401 = vector.shape_cast %mul3A_394 : vector<16xf32> to vector<1x16xf32>
        tpu.vector_store %arg9[%swap3A_397, %swap3A_398], %swap3A_401 {strides = array<i32>} : memref<72x128xf32, #tpu.memory_space<vmem>>, vector<1x16xf32>,
        %add3A_402 = arith.constant 1 : i32
        %add3A_403 = arith.addi %mul3A_323, %add3A_402 : i32
        %get3A_404 = arith.index_cast %add3A_403 : i32 to index
        %get3A_405 = arith.constant 16 : index
        %get3A_406 = tpu.vector_load %arg9[%get3A_404, %get3A_405] {strides = array<i32>} : memref<72x128xf32, #tpu.memory_space<vmem>>, vector<1x16xf32>,
        %get3A_407 = vector.shape_cast %get3A_406 : vector<1x16xf32> to vector<16xf32>
        %mul3A_408 = arith.constant 8.000000e+00 : f32
        %mul3A_409 = vector.broadcast %mul3A_408 : f32 to vector<16xf32>
        %mul3A_410 = arith.mulf %get3A_407, %mul3A_409 : vector<16xf32>
        %add3A_411 = arith.constant 1 : i32
        %add3A_412 = arith.addi %mul3A_323, %add3A_411 : i32
        %swap3A_413 = arith.index_cast %add3A_412 : i32 to index
        %swap3A_414 = arith.constant 16 : index
        %swap3A_415 = tpu.vector_load %arg9[%swap3A_413, %swap3A_414] {strides = array<i32>} : memref<72x128xf32, #tpu.memory_space<vmem>>, vector<1x16xf32>,
        %swap3A_416 = vector.shape_cast %swap3A_415 : vector<1x16xf32> to vector<16xf32>
        %swap3A_417 = vector.shape_cast %mul3A_410 : vector<16xf32> to vector<1x16xf32>
        tpu.vector_store %arg9[%swap3A_413, %swap3A_414], %swap3A_417 {strides = array<i32>} : memref<72x128xf32, #tpu.memory_space<vmem>>, vector<1x16xf32>,
        %add3A_418 = arith.constant 1 : i32
        %add3A_419 = arith.addi %mul3A_323, %add3A_418 : i32
        %get3A_420 = arith.index_cast %add3A_419 : i32 to index
        %get3A_421 = arith.constant 32 : index
        %get3A_422 = tpu.vector_load %arg9[%get3A_420, %get3A_421] {strides = array<i32>} : memref<72x128xf32, #tpu.memory_space<vmem>>, vector<1x16xf32>,
        %get3A_423 = vector.shape_cast %get3A_422 : vector<1x16xf32> to vector<16xf32>
        %mul3A_424 = arith.constant 8.000000e+00 : f32
        %mul3A_425 = vector.broadcast %mul3A_424 : f32 to vector<16xf32>
        %mul3A_426 = arith.mulf %get3A_423, %mul3A_425 : vector<16xf32>
        %add3A_427 = arith.constant 1 : i32
        %add3A_428 = arith.addi %mul3A_323, %add3A_427 : i32
        %swap3A_429 = arith.index_cast %add3A_428 : i32 to index
        %swap3A_430 = arith.constant 32 : index
        %swap3A_431 = tpu.vector_load %arg9[%swap3A_429, %swap3A_430] {strides = array<i32>} : memref<72x128xf32, #tpu.memory_space<vmem>>, vector<1x16xf32>,
        %swap3A_432 = vector.shape_cast %swap3A_431 : vector<1x16xf32> to vector<16xf32>
        %swap3A_433 = vector.shape_cast %mul3A_426 : vector<16xf32> to vector<1x16xf32>
        tpu.vector_store %arg9[%swap3A_429, %swap3A_430], %swap3A_433 {strides = array<i32>} : memref<72x128xf32, #tpu.memory_space<vmem>>, vector<1x16xf32>,
        %add3A_434 = arith.constant 1 : i32
        %add3A_435 = arith.addi %mul3A_323, %add3A_434 : i32
        %get3A_436 = arith.index_cast %add3A_435 : i32 to index
        %get3A_437 = arith.constant 48 : index
        %get3A_438 = tpu.vector_load %arg9[%get3A_436, %get3A_437] {strides = array<i32>} : memref<72x128xf32, #tpu.memory_space<vmem>>, vector<1x16xf32>,
        %get3A_439 = vector.shape_cast %get3A_438 : vector<1x16xf32> to vector<16xf32>
        %mul3A_440 = arith.constant 8.000000e+00 : f32
        %mul3A_441 = vector.broadcast %mul3A_440 : f32 to vector<16xf32>
        %mul3A_442 = arith.mulf %get3A_439, %mul3A_441 : vector<16xf32>
        %add3A_443 = arith.constant 1 : i32
        %add3A_444 = arith.addi %mul3A_323, %add3A_443 : i32
        %swap3A_445 = arith.index_cast %add3A_444 : i32 to index
        %swap3A_446 = arith.constant 48 : index
        %swap3A_447 = tpu.vector_load %arg9[%swap3A_445, %swap3A_446] {strides = array<i32>} : memref<72x128xf32, #tpu.memory_space<vmem>>, vector<1x16xf32>,
        %swap3A_448 = vector.shape_cast %swap3A_447 : vector<1x16xf32> to vector<16xf32>
        %swap3A_449 = vector.shape_cast %mul3A_442 : vector<16xf32> to vector<1x16xf32>
        tpu.vector_store %arg9[%swap3A_445, %swap3A_446], %swap3A_449 {strides = array<i32>} : memref<72x128xf32, #tpu.memory_space<vmem>>, vector<1x16xf32>,
        %add3A_450 = arith.constant 2 : i32
        %add3A_451 = arith.addi %mul3A_323, %add3A_450 : i32
        %get3A_452 = arith.index_cast %add3A_451 : i32 to index
        %get3A_453 = arith.constant 0 : index
        %get3A_454 = tpu.vector_load %arg9[%get3A_452, %get3A_453] {strides = array<i32>} : memref<72x128xf32, #tpu.memory_space<vmem>>, vector<1x16xf32>,
        %get3A_455 = vector.shape_cast %get3A_454 : vector<1x16xf32> to vector<16xf32>
        %mul3A_456 = arith.constant 8.000000e+00 : f32
        %mul3A_457 = vector.broadcast %mul3A_456 : f32 to vector<16xf32>
        %mul3A_458 = arith.mulf %get3A_455, %mul3A_457 : vector<16xf32>
        %add3A_459 = arith.constant 2 : i32
        %add3A_460 = arith.addi %mul3A_323, %add3A_459 : i32
        %swap3A_461 = arith.index_cast %add3A_460 : i32 to index
        %swap3A_462 = arith.constant 0 : index
        %swap3A_463 = tpu.vector_load %arg9[%swap3A_461, %swap3A_462] {strides = array<i32>} : memref<72x128xf32, #tpu.memory_space<vmem>>, vector<1x16xf32>,
        %swap3A_464 = vector.shape_cast %swap3A_463 : vector<1x16xf32> to vector<16xf32>
        %swap3A_465 = vector.shape_cast %mul3A_458 : vector<16xf32> to vector<1x16xf32>
        tpu.vector_store %arg9[%swap3A_461, %swap3A_462], %swap3A_465 {strides = array<i32>} : memref<72x128xf32, #tpu.memory_space<vmem>>, vector<1x16xf32>,
        %add3A_466 = arith.constant 2 : i32
        %add3A_467 = arith.addi %mul3A_323, %add3A_466 : i32
        %get3A_468 = arith.index_cast %add3A_467 : i32 to index
        %get3A_469 = arith.constant 16 : index
        %get3A_470 = tpu.vector_load %arg9[%get3A_468, %get3A_469] {strides = array<i32>} : memref<72x128xf32, #tpu.memory_space<vmem>>, vector<1x16xf32>,
        %get3A_471 = vector.shape_cast %get3A_470 : vector<1x16xf32> to vector<16xf32>
        %mul3A_472 = arith.constant 8.000000e+00 : f32
        %mul3A_473 = vector.broadcast %mul3A_472 : f32 to vector<16xf32>
        %mul3A_474 = arith.mulf %get3A_471, %mul3A_473 : vector<16xf32>
        %add3A_475 = arith.constant 2 : i32
        %add3A_476 = arith.addi %mul3A_323, %add3A_475 : i32
        %swap3A_477 = arith.index_cast %add3A_476 : i32 to index
        %swap3A_478 = arith.constant 16 : index
        %swap3A_479 = tpu.vector_load %arg9[%swap3A_477, %swap3A_478] {strides = array<i32>} : memref<72x128xf32, #tpu.memory_space<vmem>>, vector<1x16xf32>,
        %swap3A_480 = vector.shape_cast %swap3A_479 : vector<1x16xf32> to vector<16xf32>
        %swap3A_481 = vector.shape_cast %mul3A_474 : vector<16xf32> to vector<1x16xf32>
        tpu.vector_store %arg9[%swap3A_477, %swap3A_478], %swap3A_481 {strides = array<i32>} : memref<72x128xf32, #tpu.memory_space<vmem>>, vector<1x16xf32>,
        %add3A_482 = arith.constant 2 : i32
        %add3A_483 = arith.addi %mul3A_323, %add3A_482 : i32
        %get3A_484 = arith.index_cast %add3A_483 : i32 to index
        %get3A_485 = arith.constant 32 : index
        %get3A_486 = tpu.vector_load %arg9[%get3A_484, %get3A_485] {strides = array<i32>} : memref<72x128xf32, #tpu.memory_space<vmem>>, vector<1x16xf32>,
        %get3A_487 = vector.shape_cast %get3A_486 : vector<1x16xf32> to vector<16xf32>
        %mul3A_488 = arith.constant 8.000000e+00 : f32
        %mul3A_489 = vector.broadcast %mul3A_488 : f32 to vector<16xf32>
        %mul3A_490 = arith.mulf %get3A_487, %mul3A_489 : vector<16xf32>
        %add3A_491 = arith.constant 2 : i32
        %add3A_492 = arith.addi %mul3A_323, %add3A_491 : i32
        %swap3A_493 = arith.index_cast %add3A_492 : i32 to index
        %swap3A_494 = arith.constant 32 : index
        %swap3A_495 = tpu.vector_load %arg9[%swap3A_493, %swap3A_494] {strides = array<i32>} : memref<72x128xf32, #tpu.memory_space<vmem>>, vector<1x16xf32>,
        %swap3A_496 = vector.shape_cast %swap3A_495 : vector<1x16xf32> to vector<16xf32>
        %swap3A_497 = vector.shape_cast %mul3A_490 : vector<16xf32> to vector<1x16xf32>
        tpu.vector_store %arg9[%swap3A_493, %swap3A_494], %swap3A_497 {strides = array<i32>} : memref<72x128xf32, #tpu.memory_space<vmem>>, vector<1x16xf32>,
        %add3A_498 = arith.constant 2 : i32
        %add3A_499 = arith.addi %mul3A_323, %add3A_498 : i32
        %get3A_500 = arith.index_cast %add3A_499 : i32 to index
        %get3A_501 = arith.constant 48 : index
        %get3A_502 = tpu.vector_load %arg9[%get3A_500, %get3A_501] {strides = array<i32>} : memref<72x128xf32, #tpu.memory_space<vmem>>, vector<1x16xf32>,
        %get3A_503 = vector.shape_cast %get3A_502 : vector<1x16xf32> to vector<16xf32>
        %mul3A_504 = arith.constant 8.000000e+00 : f32
        %mul3A_505 = vector.broadcast %mul3A_504 : f32 to vector<16xf32>
        %mul3A_506 = arith.mulf %get3A_503, %mul3A_505 : vector<16xf32>
        %add3A_507 = arith.constant 2 : i32
        %add3A_508 = arith.addi %mul3A_323, %add3A_507 : i32
        %swap3A_509 = arith.index_cast %add3A_508 : i32 to index
        %swap3A_510 = arith.constant 48 : index
        %swap3A_511 = tpu.vector_load %arg9[%swap3A_509, %swap3A_510] {strides = array<i32>} : memref<72x128xf32, #tpu.memory_space<vmem>>, vector<1x16xf32>,
        %swap3A_512 = vector.shape_cast %swap3A_511 : vector<1x16xf32> to vector<16xf32>
        %swap3A_513 = vector.shape_cast %mul3A_506 : vector<16xf32> to vector<1x16xf32>
        tpu.vector_store %arg9[%swap3A_509, %swap3A_510], %swap3A_513 {strides = array<i32>} : memref<72x128xf32, #tpu.memory_space<vmem>>, vector<1x16xf32>,
        %add3A_514 = arith.constant 3 : i32
        %add3A_515 = arith.addi %mul3A_323, %add3A_514 : i32
        %get3A_516 = arith.index_cast %add3A_515 : i32 to index
        %get3A_517 = arith.constant 0 : index
        %get3A_518 = tpu.vector_load %arg9[%get3A_516, %get3A_517] {strides = array<i32>} : memref<72x128xf32, #tpu.memory_space<vmem>>, vector<1x16xf32>,
        %get3A_519 = vector.shape_cast %get3A_518 : vector<1x16xf32> to vector<16xf32>
        %mul3A_520 = arith.constant 8.000000e+00 : f32
        %mul3A_521 = vector.broadcast %mul3A_520 : f32 to vector<16xf32>
        %mul3A_522 = arith.mulf %get3A_519, %mul3A_521 : vector<16xf32>
        %add3A_523 = arith.constant 3 : i32
        %add3A_524 = arith.addi %mul3A_323, %add3A_523 : i32
        %swap3A_525 = arith.index_cast %add3A_524 : i32 to index
        %swap3A_526 = arith.constant 0 : index
        %swap3A_527 = tpu.vector_load %arg9[%swap3A_525, %swap3A_526] {strides = array<i32>} : memref<72x128xf32, #tpu.memory_space<vmem>>, vector<1x16xf32>,
        %swap3A_528 = vector.shape_cast %swap3A_527 : vector<1x16xf32> to vector<16xf32>
        %swap3A_529 = vector.shape_cast %mul3A_522 : vector<16xf32> to vector<1x16xf32>
        tpu.vector_store %arg9[%swap3A_525, %swap3A_526], %swap3A_529 {strides = array<i32>} : memref<72x128xf32, #tpu.memory_space<vmem>>, vector<1x16xf32>,
        %add3A_530 = arith.constant 3 : i32
        %add3A_531 = arith.addi %mul3A_323, %add3A_530 : i32
        %get3A_532 = arith.index_cast %add3A_531 : i32 to index
        %get3A_533 = arith.constant 16 : index
        %get3A_534 = tpu.vector_load %arg9[%get3A_532, %get3A_533] {strides = array<i32>} : memref<72x128xf32, #tpu.memory_space<vmem>>, vector<1x16xf32>,
        %get3A_535 = vector.shape_cast %get3A_534 : vector<1x16xf32> to vector<16xf32>
        %mul3A_536 = arith.constant 8.000000e+00 : f32
        %mul3A_537 = vector.broadcast %mul3A_536 : f32 to vector<16xf32>
        %mul3A_538 = arith.mulf %get3A_535, %mul3A_537 : vector<16xf32>
        %add3A_539 = arith.constant 3 : i32
        %add3A_540 = arith.addi %mul3A_323, %add3A_539 : i32
        %swap3A_541 = arith.index_cast %add3A_540 : i32 to index
        %swap3A_542 = arith.constant 16 : index
        %swap3A_543 = tpu.vector_load %arg9[%swap3A_541, %swap3A_542] {strides = array<i32>} : memref<72x128xf32, #tpu.memory_space<vmem>>, vector<1x16xf32>,
        %swap3A_544 = vector.shape_cast %swap3A_543 : vector<1x16xf32> to vector<16xf32>
        %swap3A_545 = vector.shape_cast %mul3A_538 : vector<16xf32> to vector<1x16xf32>
        tpu.vector_store %arg9[%swap3A_541, %swap3A_542], %swap3A_545 {strides = array<i32>} : memref<72x128xf32, #tpu.memory_space<vmem>>, vector<1x16xf32>,
        %add3A_546 = arith.constant 3 : i32
        %add3A_547 = arith.addi %mul3A_323, %add3A_546 : i32
        %get3A_548 = arith.index_cast %add3A_547 : i32 to index
        %get3A_549 = arith.constant 32 : index
        %get3A_550 = tpu.vector_load %arg9[%get3A_548, %get3A_549] {strides = array<i32>} : memref<72x128xf32, #tpu.memory_space<vmem>>, vector<1x16xf32>,
        %get3A_551 = vector.shape_cast %get3A_550 : vector<1x16xf32> to vector<16xf32>
        %mul3A_552 = arith.constant 8.000000e+00 : f32
        %mul3A_553 = vector.broadcast %mul3A_552 : f32 to vector<16xf32>
        %mul3A_554 = arith.mulf %get3A_551, %mul3A_553 : vector<16xf32>
        %add3A_555 = arith.constant 3 : i32
        %add3A_556 = arith.addi %mul3A_323, %add3A_555 : i32
        %swap3A_557 = arith.index_cast %add3A_556 : i32 to index
        %swap3A_558 = arith.constant 32 : index
        %swap3A_559 = tpu.vector_load %arg9[%swap3A_557, %swap3A_558] {strides = array<i32>} : memref<72x128xf32, #tpu.memory_space<vmem>>, vector<1x16xf32>,
        %swap3A_560 = vector.shape_cast %swap3A_559 : vector<1x16xf32> to vector<16xf32>
        %swap3A_561 = vector.shape_cast %mul3A_554 : vector<16xf32> to vector<1x16xf32>
        tpu.vector_store %arg9[%swap3A_557, %swap3A_558], %swap3A_561 {strides = array<i32>} : memref<72x128xf32, #tpu.memory_space<vmem>>, vector<1x16xf32>,
        %add3A_562 = arith.constant 3 : i32
        %add3A_563 = arith.addi %mul3A_323, %add3A_562 : i32
        %get3A_564 = arith.index_cast %add3A_563 : i32 to index
        %get3A_565 = arith.constant 48 : index
        %get3A_566 = tpu.vector_load %arg9[%get3A_564, %get3A_565] {strides = array<i32>} : memref<72x128xf32, #tpu.memory_space<vmem>>, vector<1x16xf32>,
        %get3A_567 = vector.shape_cast %get3A_566 : vector<1x16xf32> to vector<16xf32>
        %mul3A_568 = arith.constant 8.000000e+00 : f32
        %mul3A_569 = vector.broadcast %mul3A_568 : f32 to vector<16xf32>
        %mul3A_570 = arith.mulf %get3A_567, %mul3A_569 : vector<16xf32>
        %add3A_571 = arith.constant 3 : i32
        %add3A_572 = arith.addi %mul3A_323, %add3A_571 : i32
        %swap3A_573 = arith.index_cast %add3A_572 : i32 to index
        %swap3A_574 = arith.constant 48 : index
        %swap3A_575 = tpu.vector_load %arg9[%swap3A_573, %swap3A_574] {strides = array<i32>} : memref<72x128xf32, #tpu.memory_space<vmem>>, vector<1x16xf32>,
        %swap3A_576 = vector.shape_cast %swap3A_575 : vector<1x16xf32> to vector<16xf32>
        %swap3A_577 = vector.shape_cast %mul3A_570 : vector<16xf32> to vector<1x16xf32>
        tpu.vector_store %arg9[%swap3A_573, %swap3A_574], %swap3A_577 {strides = array<i32>} : memref<72x128xf32, #tpu.memory_space<vmem>>, vector<1x16xf32>,
        %add3A_578 = arith.constant 4 : i32
        %add3A_579 = arith.addi %mul3A_323, %add3A_578 : i32
        %get3A_580 = arith.index_cast %add3A_579 : i32 to index
        %get3A_581 = arith.constant 0 : index
        %get3A_582 = tpu.vector_load %arg9[%get3A_580, %get3A_581] {strides = array<i32>} : memref<72x128xf32, #tpu.memory_space<vmem>>, vector<1x16xf32>,
        %get3A_583 = vector.shape_cast %get3A_582 : vector<1x16xf32> to vector<16xf32>
        %mul3A_584 = arith.constant 8.000000e+00 : f32
        %mul3A_585 = vector.broadcast %mul3A_584 : f32 to vector<16xf32>
        %mul3A_586 = arith.mulf %get3A_583, %mul3A_585 : vector<16xf32>
        %add3A_587 = arith.constant 4 : i32
        %add3A_588 = arith.addi %mul3A_323, %add3A_587 : i32
        %swap3A_589 = arith.index_cast %add3A_588 : i32 to index
        %swap3A_590 = arith.constant 0 : index
        %swap3A_591 = tpu.vector_load %arg9[%swap3A_589, %swap3A_590] {strides = array<i32>} : memref<72x128xf32, #tpu.memory_space<vmem>>, vector<1x16xf32>,
        %swap3A_592 = vector.shape_cast %swap3A_591 : vector<1x16xf32> to vector<16xf32>
        %swap3A_593 = vector.shape_cast %mul3A_586 : vector<16xf32> to vector<1x16xf32>
        tpu.vector_store %arg9[%swap3A_589, %swap3A_590], %swap3A_593 {strides = array<i32>} : memref<72x128xf32, #tpu.memory_space<vmem>>, vector<1x16xf32>,
        %add3A_594 = arith.constant 4 : i32
        %add3A_595 = arith.addi %mul3A_323, %add3A_594 : i32
        %get3A_596 = arith.index_cast %add3A_595 : i32 to index
        %get3A_597 = arith.constant 16 : index
        %get3A_598 = tpu.vector_load %arg9[%get3A_596, %get3A_597] {strides = array<i32>} : memref<72x128xf32, #tpu.memory_space<vmem>>, vector<1x16xf32>,
        %get3A_599 = vector.shape_cast %get3A_598 : vector<1x16xf32> to vector<16xf32>
        %mul3A_600 = arith.constant 8.000000e+00 : f32
        %mul3A_601 = vector.broadcast %mul3A_600 : f32 to vector<16xf32>
        %mul3A_602 = arith.mulf %get3A_599, %mul3A_601 : vector<16xf32>
        %add3A_603 = arith.constant 4 : i32
        %add3A_604 = arith.addi %mul3A_323, %add3A_603 : i32
        %swap3A_605 = arith.index_cast %add3A_604 : i32 to index
        %swap3A_606 = arith.constant 16 : index
        %swap3A_607 = tpu.vector_load %arg9[%swap3A_605, %swap3A_606] {strides = array<i32>} : memref<72x128xf32, #tpu.memory_space<vmem>>, vector<1x16xf32>,
        %swap3A_608 = vector.shape_cast %swap3A_607 : vector<1x16xf32> to vector<16xf32>
        %swap3A_609 = vector.shape_cast %mul3A_602 : vector<16xf32> to vector<1x16xf32>
        tpu.vector_store %arg9[%swap3A_605, %swap3A_606], %swap3A_609 {strides = array<i32>} : memref<72x128xf32, #tpu.memory_space<vmem>>, vector<1x16xf32>,
        %add3A_610 = arith.constant 4 : i32
        %add3A_611 = arith.addi %mul3A_323, %add3A_610 : i32
        %get3A_612 = arith.index_cast %add3A_611 : i32 to index
        %get3A_613 = arith.constant 32 : index
        %get3A_614 = tpu.vector_load %arg9[%get3A_612, %get3A_613] {strides = array<i32>} : memref<72x128xf32, #tpu.memory_space<vmem>>, vector<1x16xf32>,
        %get3A_615 = vector.shape_cast %get3A_614 : vector<1x16xf32> to vector<16xf32>
        %mul3A_616 = arith.constant 8.000000e+00 : f32
        %mul3A_617 = vector.broadcast %mul3A_616 : f32 to vector<16xf32>
        %mul3A_618 = arith.mulf %get3A_615, %mul3A_617 : vector<16xf32>
        %add3A_619 = arith.constant 4 : i32
        %add3A_620 = arith.addi %mul3A_323, %add3A_619 : i32
        %swap3A_621 = arith.index_cast %add3A_620 : i32 to index
        %swap3A_622 = arith.constant 32 : index
        %swap3A_623 = tpu.vector_load %arg9[%swap3A_621, %swap3A_622] {strides = array<i32>} : memref<72x128xf32, #tpu.memory_space<vmem>>, vector<1x16xf32>,
        %swap3A_624 = vector.shape_cast %swap3A_623 : vector<1x16xf32> to vector<16xf32>
        %swap3A_625 = vector.shape_cast %mul3A_618 : vector<16xf32> to vector<1x16xf32>
        tpu.vector_store %arg9[%swap3A_621, %swap3A_622], %swap3A_625 {strides = array<i32>} : memref<72x128xf32, #tpu.memory_space<vmem>>, vector<1x16xf32>,
        %add3A_626 = arith.constant 4 : i32
        %add3A_627 = arith.addi %mul3A_323, %add3A_626 : i32
        %get3A_628 = arith.index_cast %add3A_627 : i32 to index
        %get3A_629 = arith.constant 48 : index
        %get3A_630 = tpu.vector_load %arg9[%get3A_628, %get3A_629] {strides = array<i32>} : memref<72x128xf32, #tpu.memory_space<vmem>>, vector<1x16xf32>,
        %get3A_631 = vector.shape_cast %get3A_630 : vector<1x16xf32> to vector<16xf32>
        %mul3A_632 = arith.constant 8.000000e+00 : f32
        %mul3A_633 = vector.broadcast %mul3A_632 : f32 to vector<16xf32>
        %mul3A_634 = arith.mulf %get3A_631, %mul3A_633 : vector<16xf32>
        %add3A_635 = arith.constant 4 : i32
        %add3A_636 = arith.addi %mul3A_323, %add3A_635 : i32
        %swap3A_637 = arith.index_cast %add3A_636 : i32 to index
        %swap3A_638 = arith.constant 48 : index
        %swap3A_639 = tpu.vector_load %arg9[%swap3A_637, %swap3A_638] {strides = array<i32>} : memref<72x128xf32, #tpu.memory_space<vmem>>, vector<1x16xf32>,
        %swap3A_640 = vector.shape_cast %swap3A_639 : vector<1x16xf32> to vector<16xf32>
        %swap3A_641 = vector.shape_cast %mul3A_634 : vector<16xf32> to vector<1x16xf32>
        tpu.vector_store %arg9[%swap3A_637, %swap3A_638], %swap3A_641 {strides = array<i32>} : memref<72x128xf32, #tpu.memory_space<vmem>>, vector<1x16xf32>,
        %add3A_642 = arith.constant 5 : i32
        %add3A_643 = arith.addi %mul3A_323, %add3A_642 : i32
        %get3A_644 = arith.index_cast %add3A_643 : i32 to index
        %get3A_645 = arith.constant 0 : index
        %get3A_646 = tpu.vector_load %arg9[%get3A_644, %get3A_645] {strides = array<i32>} : memref<72x128xf32, #tpu.memory_space<vmem>>, vector<1x16xf32>,
        %get3A_647 = vector.shape_cast %get3A_646 : vector<1x16xf32> to vector<16xf32>
        %mul3A_648 = arith.constant 8.000000e+00 : f32
        %mul3A_649 = vector.broadcast %mul3A_648 : f32 to vector<16xf32>
        %mul3A_650 = arith.mulf %get3A_647, %mul3A_649 : vector<16xf32>
        %add3A_651 = arith.constant 5 : i32
        %add3A_652 = arith.addi %mul3A_323, %add3A_651 : i32
        %swap3A_653 = arith.index_cast %add3A_652 : i32 to index
        %swap3A_654 = arith.constant 0 : index
        %swap3A_655 = tpu.vector_load %arg9[%swap3A_653, %swap3A_654] {strides = array<i32>} : memref<72x128xf32, #tpu.memory_space<vmem>>, vector<1x16xf32>,
        %swap3A_656 = vector.shape_cast %swap3A_655 : vector<1x16xf32> to vector<16xf32>
        %swap3A_657 = vector.shape_cast %mul3A_650 : vector<16xf32> to vector<1x16xf32>
        tpu.vector_store %arg9[%swap3A_653, %swap3A_654], %swap3A_657 {strides = array<i32>} : memref<72x128xf32, #tpu.memory_space<vmem>>, vector<1x16xf32>,
        %add3A_658 = arith.constant 5 : i32
        %add3A_659 = arith.addi %mul3A_323, %add3A_658 : i32
        %get3A_660 = arith.index_cast %add3A_659 : i32 to index
        %get3A_661 = arith.constant 16 : index
        %get3A_662 = tpu.vector_load %arg9[%get3A_660, %get3A_661] {strides = array<i32>} : memref<72x128xf32, #tpu.memory_space<vmem>>, vector<1x16xf32>,
        %get3A_663 = vector.shape_cast %get3A_662 : vector<1x16xf32> to vector<16xf32>
        %mul3A_664 = arith.constant 8.000000e+00 : f32
        %mul3A_665 = vector.broadcast %mul3A_664 : f32 to vector<16xf32>
        %mul3A_666 = arith.mulf %get3A_663, %mul3A_665 : vector<16xf32>
        %add3A_667 = arith.constant 5 : i32
        %add3A_668 = arith.addi %mul3A_323, %add3A_667 : i32
        %swap3A_669 = arith.index_cast %add3A_668 : i32 to index
        %swap3A_670 = arith.constant 16 : index
        %swap3A_671 = tpu.vector_load %arg9[%swap3A_669, %swap3A_670] {strides = array<i32>} : memref<72x128xf32, #tpu.memory_space<vmem>>, vector<1x16xf32>,
        %swap3A_672 = vector.shape_cast %swap3A_671 : vector<1x16xf32> to vector<16xf32>
        %swap3A_673 = vector.shape_cast %mul3A_666 : vector<16xf32> to vector<1x16xf32>
        tpu.vector_store %arg9[%swap3A_669, %swap3A_670], %swap3A_673 {strides = array<i32>} : memref<72x128xf32, #tpu.memory_space<vmem>>, vector<1x16xf32>,
        %add3A_674 = arith.constant 5 : i32
        %add3A_675 = arith.addi %mul3A_323, %add3A_674 : i32
        %get3A_676 = arith.index_cast %add3A_675 : i32 to index
        %get3A_677 = arith.constant 32 : index
        %get3A_678 = tpu.vector_load %arg9[%get3A_676, %get3A_677] {strides = array<i32>} : memref<72x128xf32, #tpu.memory_space<vmem>>, vector<1x16xf32>,
        %get3A_679 = vector.shape_cast %get3A_678 : vector<1x16xf32> to vector<16xf32>
        %mul3A_680 = arith.constant 8.000000e+00 : f32
        %mul3A_681 = vector.broadcast %mul3A_680 : f32 to vector<16xf32>
        %mul3A_682 = arith.mulf %get3A_679, %mul3A_681 : vector<16xf32>
        %add3A_683 = arith.constant 5 : i32
        %add3A_684 = arith.addi %mul3A_323, %add3A_683 : i32
        %swap3A_685 = arith.index_cast %add3A_684 : i32 to index
        %swap3A_686 = arith.constant 32 : index
        %swap3A_687 = tpu.vector_load %arg9[%swap3A_685, %swap3A_686] {strides = array<i32>} : memref<72x128xf32, #tpu.memory_space<vmem>>, vector<1x16xf32>,
        %swap3A_688 = vector.shape_cast %swap3A_687 : vector<1x16xf32> to vector<16xf32>
        %swap3A_689 = vector.shape_cast %mul3A_682 : vector<16xf32> to vector<1x16xf32>
        tpu.vector_store %arg9[%swap3A_685, %swap3A_686], %swap3A_689 {strides = array<i32>} : memref<72x128xf32, #tpu.memory_space<vmem>>, vector<1x16xf32>,
        %add3A_690 = arith.constant 5 : i32
        %add3A_691 = arith.addi %mul3A_323, %add3A_690 : i32
        %get3A_692 = arith.index_cast %add3A_691 : i32 to index
        %get3A_693 = arith.constant 48 : index
        %get3A_694 = tpu.vector_load %arg9[%get3A_692, %get3A_693] {strides = array<i32>} : memref<72x128xf32, #tpu.memory_space<vmem>>, vector<1x16xf32>,
        %get3A_695 = vector.shape_cast %get3A_694 : vector<1x16xf32> to vector<16xf32>
        %mul3A_696 = arith.constant 8.000000e+00 : f32
        %mul3A_697 = vector.broadcast %mul3A_696 : f32 to vector<16xf32>
        %mul3A_698 = arith.mulf %get3A_695, %mul3A_697 : vector<16xf32>
        %add3A_699 = arith.constant 5 : i32
        %add3A_700 = arith.addi %mul3A_323, %add3A_699 : i32
        %swap3A_701 = arith.index_cast %add3A_700 : i32 to index
        %swap3A_702 = arith.constant 48 : index
        %swap3A_703 = tpu.vector_load %arg9[%swap3A_701, %swap3A_702] {strides = array<i32>} : memref<72x128xf32, #tpu.memory_space<vmem>>, vector<1x16xf32>,
        %swap3A_704 = vector.shape_cast %swap3A_703 : vector<1x16xf32> to vector<16xf32>
        %swap3A_705 = vector.shape_cast %mul3A_698 : vector<16xf32> to vector<1x16xf32>
        tpu.vector_store %arg9[%swap3A_701, %swap3A_702], %swap3A_705 {strides = array<i32>} : memref<72x128xf32, #tpu.memory_space<vmem>>, vector<1x16xf32>,
        %add3A_706 = arith.constant 6 : i32
        %add3A_707 = arith.addi %mul3A_323, %add3A_706 : i32
        %get3A_708 = arith.index_cast %add3A_707 : i32 to index
        %get3A_709 = arith.constant 0 : index
        %get3A_710 = tpu.vector_load %arg9[%get3A_708, %get3A_709] {strides = array<i32>} : memref<72x128xf32, #tpu.memory_space<vmem>>, vector<1x16xf32>,
        %get3A_711 = vector.shape_cast %get3A_710 : vector<1x16xf32> to vector<16xf32>
        %mul3A_712 = arith.constant 8.000000e+00 : f32
        %mul3A_713 = vector.broadcast %mul3A_712 : f32 to vector<16xf32>
        %mul3A_714 = arith.mulf %get3A_711, %mul3A_713 : vector<16xf32>
        %add3A_715 = arith.constant 6 : i32
        %add3A_716 = arith.addi %mul3A_323, %add3A_715 : i32
        %swap3A_717 = arith.index_cast %add3A_716 : i32 to index
        %swap3A_718 = arith.constant 0 : index
        %swap3A_719 = tpu.vector_load %arg9[%swap3A_717, %swap3A_718] {strides = array<i32>} : memref<72x128xf32, #tpu.memory_space<vmem>>, vector<1x16xf32>,
        %swap3A_720 = vector.shape_cast %swap3A_719 : vector<1x16xf32> to vector<16xf32>
        %swap3A_721 = vector.shape_cast %mul3A_714 : vector<16xf32> to vector<1x16xf32>
        tpu.vector_store %arg9[%swap3A_717, %swap3A_718], %swap3A_721 {strides = array<i32>} : memref<72x128xf32, #tpu.memory_space<vmem>>, vector<1x16xf32>,
        %add3A_722 = arith.constant 6 : i32
        %add3A_723 = arith.addi %mul3A_323, %add3A_722 : i32
        %get3A_724 = arith.index_cast %add3A_723 : i32 to index
        %get3A_725 = arith.constant 16 : index
        %get3A_726 = tpu.vector_load %arg9[%get3A_724, %get3A_725] {strides = array<i32>} : memref<72x128xf32, #tpu.memory_space<vmem>>, vector<1x16xf32>,
        %get3A_727 = vector.shape_cast %get3A_726 : vector<1x16xf32> to vector<16xf32>
        %mul3A_728 = arith.constant 8.000000e+00 : f32
        %mul3A_729 = vector.broadcast %mul3A_728 : f32 to vector<16xf32>
        %mul3A_730 = arith.mulf %get3A_727, %mul3A_729 : vector<16xf32>
        %add3A_731 = arith.constant 6 : i32
        %add3A_732 = arith.addi %mul3A_323, %add3A_731 : i32
        %swap3A_733 = arith.index_cast %add3A_732 : i32 to index
        %swap3A_734 = arith.constant 16 : index
        %swap3A_735 = tpu.vector_load %arg9[%swap3A_733, %swap3A_734] {strides = array<i32>} : memref<72x128xf32, #tpu.memory_space<vmem>>, vector<1x16xf32>,
        %swap3A_736 = vector.shape_cast %swap3A_735 : vector<1x16xf32> to vector<16xf32>
        %swap3A_737 = vector.shape_cast %mul3A_730 : vector<16xf32> to vector<1x16xf32>
        tpu.vector_store %arg9[%swap3A_733, %swap3A_734], %swap3A_737 {strides = array<i32>} : memref<72x128xf32, #tpu.memory_space<vmem>>, vector<1x16xf32>,
        %add3A_738 = arith.constant 6 : i32
        %add3A_739 = arith.addi %mul3A_323, %add3A_738 : i32
        %get3A_740 = arith.index_cast %add3A_739 : i32 to index
        %get3A_741 = arith.constant 32 : index
        %get3A_742 = tpu.vector_load %arg9[%get3A_740, %get3A_741] {strides = array<i32>} : memref<72x128xf32, #tpu.memory_space<vmem>>, vector<1x16xf32>,
        %get3A_743 = vector.shape_cast %get3A_742 : vector<1x16xf32> to vector<16xf32>
        %mul3A_744 = arith.constant 8.000000e+00 : f32
        %mul3A_745 = vector.broadcast %mul3A_744 : f32 to vector<16xf32>
        %mul3A_746 = arith.mulf %get3A_743, %mul3A_745 : vector<16xf32>
        %add3A_747 = arith.constant 6 : i32
        %add3A_748 = arith.addi %mul3A_323, %add3A_747 : i32
        %swap3A_749 = arith.index_cast %add3A_748 : i32 to index
        %swap3A_750 = arith.constant 32 : index
        %swap3A_751 = tpu.vector_load %arg9[%swap3A_749, %swap3A_750] {strides = array<i32>} : memref<72x128xf32, #tpu.memory_space<vmem>>, vector<1x16xf32>,
        %swap3A_752 = vector.shape_cast %swap3A_751 : vector<1x16xf32> to vector<16xf32>
        %swap3A_753 = vector.shape_cast %mul3A_746 : vector<16xf32> to vector<1x16xf32>
        tpu.vector_store %arg9[%swap3A_749, %swap3A_750], %swap3A_753 {strides = array<i32>} : memref<72x128xf32, #tpu.memory_space<vmem>>, vector<1x16xf32>,
        %add3A_754 = arith.constant 6 : i32
        %add3A_755 = arith.addi %mul3A_323, %add3A_754 : i32
        %get3A_756 = arith.index_cast %add3A_755 : i32 to index
        %get3A_757 = arith.constant 48 : index
        %get3A_758 = tpu.vector_load %arg9[%get3A_756, %get3A_757] {strides = array<i32>} : memref<72x128xf32, #tpu.memory_space<vmem>>, vector<1x16xf32>,
        %get3A_759 = vector.shape_cast %get3A_758 : vector<1x16xf32> to vector<16xf32>
        %mul3A_760 = arith.constant 8.000000e+00 : f32
        %mul3A_761 = vector.broadcast %mul3A_760 : f32 to vector<16xf32>
        %mul3A_762 = arith.mulf %get3A_759, %mul3A_761 : vector<16xf32>
        %add3A_763 = arith.constant 6 : i32
        %add3A_764 = arith.addi %mul3A_323, %add3A_763 : i32
        %swap3A_765 = arith.index_cast %add3A_764 : i32 to index
        %swap3A_766 = arith.constant 48 : index
        %swap3A_767 = tpu.vector_load %arg9[%swap3A_765, %swap3A_766] {strides = array<i32>} : memref<72x128xf32, #tpu.memory_space<vmem>>, vector<1x16xf32>,
        %swap3A_768 = vector.shape_cast %swap3A_767 : vector<1x16xf32> to vector<16xf32>
        %swap3A_769 = vector.shape_cast %mul3A_762 : vector<16xf32> to vector<1x16xf32>
        tpu.vector_store %arg9[%swap3A_765, %swap3A_766], %swap3A_769 {strides = array<i32>} : memref<72x128xf32, #tpu.memory_space<vmem>>, vector<1x16xf32>,
        %add3A_770 = arith.constant 7 : i32
        %add3A_771 = arith.addi %mul3A_323, %add3A_770 : i32
        %get3A_772 = arith.index_cast %add3A_771 : i32 to index
        %get3A_773 = arith.constant 0 : index
        %get3A_774 = tpu.vector_load %arg9[%get3A_772, %get3A_773] {strides = array<i32>} : memref<72x128xf32, #tpu.memory_space<vmem>>, vector<1x16xf32>,
        %get3A_775 = vector.shape_cast %get3A_774 : vector<1x16xf32> to vector<16xf32>
        %mul3A_776 = arith.constant 8.000000e+00 : f32
        %mul3A_777 = vector.broadcast %mul3A_776 : f32 to vector<16xf32>
        %mul3A_778 = arith.mulf %get3A_775, %mul3A_777 : vector<16xf32>
        %add3A_779 = arith.constant 7 : i32
        %add3A_780 = arith.addi %mul3A_323, %add3A_779 : i32
        %swap3A_781 = arith.index_cast %add3A_780 : i32 to index
        %swap3A_782 = arith.constant 0 : index
        %swap3A_783 = tpu.vector_load %arg9[%swap3A_781, %swap3A_782] {strides = array<i32>} : memref<72x128xf32, #tpu.memory_space<vmem>>, vector<1x16xf32>,
        %swap3A_784 = vector.shape_cast %swap3A_783 : vector<1x16xf32> to vector<16xf32>
        %swap3A_785 = vector.shape_cast %mul3A_778 : vector<16xf32> to vector<1x16xf32>
        tpu.vector_store %arg9[%swap3A_781, %swap3A_782], %swap3A_785 {strides = array<i32>} : memref<72x128xf32, #tpu.memory_space<vmem>>, vector<1x16xf32>,
        %add3A_786 = arith.constant 7 : i32
        %add3A_787 = arith.addi %mul3A_323, %add3A_786 : i32
        %get3A_788 = arith.index_cast %add3A_787 : i32 to index
        %get3A_789 = arith.constant 16 : index
        %get3A_790 = tpu.vector_load %arg9[%get3A_788, %get3A_789] {strides = array<i32>} : memref<72x128xf32, #tpu.memory_space<vmem>>, vector<1x16xf32>,
        %get3A_791 = vector.shape_cast %get3A_790 : vector<1x16xf32> to vector<16xf32>
        %mul3A_792 = arith.constant 8.000000e+00 : f32
        %mul3A_793 = vector.broadcast %mul3A_792 : f32 to vector<16xf32>
        %mul3A_794 = arith.mulf %get3A_791, %mul3A_793 : vector<16xf32>
        %add3A_795 = arith.constant 7 : i32
        %add3A_796 = arith.addi %mul3A_323, %add3A_795 : i32
        %swap3A_797 = arith.index_cast %add3A_796 : i32 to index
        %swap3A_798 = arith.constant 16 : index
        %swap3A_799 = tpu.vector_load %arg9[%swap3A_797, %swap3A_798] {strides = array<i32>} : memref<72x128xf32, #tpu.memory_space<vmem>>, vector<1x16xf32>,
        %swap3A_800 = vector.shape_cast %swap3A_799 : vector<1x16xf32> to vector<16xf32>
        %swap3A_801 = vector.shape_cast %mul3A_794 : vector<16xf32> to vector<1x16xf32>
        tpu.vector_store %arg9[%swap3A_797, %swap3A_798], %swap3A_801 {strides = array<i32>} : memref<72x128xf32, #tpu.memory_space<vmem>>, vector<1x16xf32>,
        %add3A_802 = arith.constant 7 : i32
        %add3A_803 = arith.addi %mul3A_323, %add3A_802 : i32
        %get3A_804 = arith.index_cast %add3A_803 : i32 to index
        %get3A_805 = arith.constant 32 : index
        %get3A_806 = tpu.vector_load %arg9[%get3A_804, %get3A_805] {strides = array<i32>} : memref<72x128xf32, #tpu.memory_space<vmem>>, vector<1x16xf32>,
        %get3A_807 = vector.shape_cast %get3A_806 : vector<1x16xf32> to vector<16xf32>
        %mul3A_808 = arith.constant 8.000000e+00 : f32
        %mul3A_809 = vector.broadcast %mul3A_808 : f32 to vector<16xf32>
        %mul3A_810 = arith.mulf %get3A_807, %mul3A_809 : vector<16xf32>
        %add3A_811 = arith.constant 7 : i32
        %add3A_812 = arith.addi %mul3A_323, %add3A_811 : i32
        %swap3A_813 = arith.index_cast %add3A_812 : i32 to index
        %swap3A_814 = arith.constant 32 : index
        %swap3A_815 = tpu.vector_load %arg9[%swap3A_813, %swap3A_814] {strides = array<i32>} : memref<72x128xf32, #tpu.memory_space<vmem>>, vector<1x16xf32>,
        %swap3A_816 = vector.shape_cast %swap3A_815 : vector<1x16xf32> to vector<16xf32>
        %swap3A_817 = vector.shape_cast %mul3A_810 : vector<16xf32> to vector<1x16xf32>
        tpu.vector_store %arg9[%swap3A_813, %swap3A_814], %swap3A_817 {strides = array<i32>} : memref<72x128xf32, #tpu.memory_space<vmem>>, vector<1x16xf32>,
        %add3A_818 = arith.constant 7 : i32
        %add3A_819 = arith.addi %mul3A_323, %add3A_818 : i32
        %get3A_820 = arith.index_cast %add3A_819 : i32 to index
        %get3A_821 = arith.constant 48 : index
        %get3A_822 = tpu.vector_load %arg9[%get3A_820, %get3A_821] {strides = array<i32>} : memref<72x128xf32, #tpu.memory_space<vmem>>, vector<1x16xf32>,
        %get3A_823 = vector.shape_cast %get3A_822 : vector<1x16xf32> to vector<16xf32>
        %mul3A_824 = arith.constant 8.000000e+00 : f32
        %mul3A_825 = vector.broadcast %mul3A_824 : f32 to vector<16xf32>
        %mul3A_826 = arith.mulf %get3A_823, %mul3A_825 : vector<16xf32>
        %add3A_827 = arith.constant 7 : i32
        %add3A_828 = arith.addi %mul3A_323, %add3A_827 : i32
        %swap3A_829 = arith.index_cast %add3A_828 : i32 to index
        %swap3A_830 = arith.constant 48 : index
        %swap3A_831 = tpu.vector_load %arg9[%swap3A_829, %swap3A_830] {strides = array<i32>} : memref<72x128xf32, #tpu.memory_space<vmem>>, vector<1x16xf32>,
        %swap3A_832 = vector.shape_cast %swap3A_831 : vector<1x16xf32> to vector<16xf32>
        %swap3A_833 = vector.shape_cast %mul3A_826 : vector<16xf32> to vector<1x16xf32>
        tpu.vector_store %arg9[%swap3A_829, %swap3A_830], %swap3A_833 {strides = array<i32>} : memref<72x128xf32, #tpu.memory_space<vmem>>, vector<1x16xf32>,
      }
      %scan3A_279 = arith.constant 9 : i32
      %add3A_280 = arith.addi %mul3A_2, %add3A_246 : i32
      %dma_start3A_281 = arith.constant 128 : i32
      %dma_start3A_282 = arith.constant 0 : i32
      %dma_start3A_283 = tpu.memref_slice %arg4[%add3A_280, %dma_start3A_281, %dma_start3A_282] : memref<4096x200x128xf32, #tpu.memory_space<hbm>> -> memref<1x72x128xf32, #tpu.memory_space<hbm>>
      %dma_start3A_284 = tpu.memref_squeeze %dma_start3A_283 : memref<1x72x128xf32, #tpu.memory_space<hbm>> -> memref<72x128xf32, #tpu.memory_space<hbm>>
      %dma_start3A_285 = arith.constant 128 : i32
      %dma_start3A_286 = arith.constant 0 : i32
      %dma_start3A_287 = tpu.memref_slice %arg4[%add3A_280, %dma_start3A_285, %dma_start3A_286] : memref<4096x200x128xf32, #tpu.memory_space<hbm>> -> memref<1x72x128xf32, #tpu.memory_space<hbm>>
      %dma_start3A_288 = tpu.memref_squeeze %dma_start3A_287 : memref<1x72x128xf32, #tpu.memory_space<hbm>> -> memref<72x128xf32, #tpu.memory_space<hbm>>
      tpu.enqueue_dma source(%arg9 : memref<72x128xf32, #tpu.memory_space<vmem>>) target(%dma_start3A_288 : memref<72x128xf32, #tpu.memory_space<hbm>>) target_semaphore(%arg13 : memref<!tpu.dma_semaphore, #tpu.memory_space<semaphore_mem>>)
      %add3A_289 = arith.addi %mul3A_2, %add3A_246 : i32
      %dma_wait3A_290 = arith.constant 0 : i32
      %dma_wait3A_291 = arith.constant 0 : i32
      %dma_wait3A_292 = tpu.memref_slice %arg4[%add3A_289, %dma_wait3A_290, %dma_wait3A_291] : memref<4096x200x128xf32, #tpu.memory_space<hbm>> -> memref<1x128x128xf32, #tpu.memory_space<hbm>>
      %dma_wait3A_293 = tpu.memref_squeeze %dma_wait3A_292 : memref<1x128x128xf32, #tpu.memory_space<hbm>> -> memref<128x128xf32, #tpu.memory_space<hbm>>
      %dma_wait3A_294 = arith.constant 0 : i32
      %dma_wait3A_295 = arith.constant 0 : i32
      %dma_wait3A_296 = tpu.memref_slice %arg4[%add3A_289, %dma_wait3A_294, %dma_wait3A_295] : memref<4096x200x128xf32, #tpu.memory_space<hbm>> -> memref<1x128x128xf32, #tpu.memory_space<hbm>>
      %dma_wait3A_297 = tpu.memref_squeeze %dma_wait3A_296 : memref<1x128x128xf32, #tpu.memory_space<hbm>> -> memref<128x128xf32, #tpu.memory_space<hbm>>
      tpu.wait_dma2 semaphore(%arg13 : memref<!tpu.dma_semaphore, #tpu.memory_space<semaphore_mem>>) src(%arg8 : memref<128x128xf32, #tpu.memory_space<vmem>>) dst(%dma_wait3A_297 : memref<128x128xf32, #tpu.memory_space<hbm>>)
      %add3A_298 = arith.addi %mul3A_2, %add3A_246 : i32
      %dma_wait3A_299 = arith.constant 128 : i32
      %dma_wait3A_300 = arith.constant 0 : i32
      %dma_wait3A_301 = tpu.memref_slice %arg4[%add3A_298, %dma_wait3A_299, %dma_wait3A_300] : memref<4096x200x128xf32, #tpu.memory_space<hbm>> -> memref<1x72x128xf32, #tpu.memory_space<hbm>>
      %dma_wait3A_302 = tpu.memref_squeeze %dma_wait3A_301 : memref<1x72x128xf32, #tpu.memory_space<hbm>> -> memref<72x128xf32, #tpu.memory_space<hbm>>
      %dma_wait3A_303 = arith.constant 128 : i32
      %dma_wait3A_304 = arith.constant 0 : i32
      %dma_wait3A_305 = tpu.memref_slice %arg4[%add3A_298, %dma_wait3A_303, %dma_wait3A_304] : memref<4096x200x128xf32, #tpu.memory_space<hbm>> -> memref<1x72x128xf32, #tpu.memory_space<hbm>>
      %dma_wait3A_306 = tpu.memref_squeeze %dma_wait3A_305 : memref<1x72x128xf32, #tpu.memory_space<hbm>> -> memref<72x128xf32, #tpu.memory_space<hbm>>
      tpu.wait_dma2 semaphore(%arg13 : memref<!tpu.dma_semaphore, #tpu.memory_space<semaphore_mem>>) src(%arg9 : memref<72x128xf32, #tpu.memory_space<vmem>>) dst(%dma_wait3A_306 : memref<72x128xf32, #tpu.memory_space<hbm>>)
      %add3A_307 = arith.constant 2 : i32
      %add3A_308 = arith.addi %add3A_246, %add3A_307 : i32
      %dma_start3A_309 = arith.constant 0 : i32
      %dma_start3A_310 = tpu.memref_slice %arg5[%add3A_308, %dma_start3A_309] : memref<128x200xi32, #tpu.memory_space<vmem>> -> memref<1x128xi32, #tpu.memory_space<vmem>>
      %dma_start3A_311 = tpu.memref_squeeze %dma_start3A_310 : memref<1x128xi32, #tpu.memory_space<vmem>> -> memref<128xi32, #tpu.memory_space<vmem>>
      %dma_start3A_312 = arith.constant 0 : i32
      %dma_start3A_313 = arith.constant 0 : i32
      %dma_start3A_314 = tpu.memref_slice %arg3[%dma_start3A_312, %dma_start3A_313] : memref<1000000x128xf32, #tpu.memory_space<hbm>> -> memref<1000000x128xf32, #tpu.memory_space<hbm>>
      tpu.enqueue_indirect_dma source(%dma_start3A_314 : memref<1000000x128xf32, #tpu.memory_space<hbm>>) target(%arg8 : memref<128x128xf32, #tpu.memory_space<vmem>>) offsets(%dma_start3A_311 : memref<128xi32, #tpu.memory_space<vmem>>) semaphore(%arg11 : memref<!tpu.dma_semaphore, #tpu.memory_space<semaphore_mem>>)
      %dma_start3A_315 = arith.constant 128 : i32
      %dma_start3A_316 = tpu.memref_slice %arg5[%add3A_308, %dma_start3A_315] : memref<128x200xi32, #tpu.memory_space<vmem>> -> memref<1x72xi32, #tpu.memory_space<vmem>>
      %dma_start3A_317 = tpu.memref_squeeze %dma_start3A_316 : memref<1x72xi32, #tpu.memory_space<vmem>> -> memref<72xi32, #tpu.memory_space<vmem>>
      %dma_start3A_318 = arith.constant 0 : i32
      %dma_start3A_319 = arith.constant 0 : i32
      %dma_start3A_320 = tpu.memref_slice %arg3[%dma_start3A_318, %dma_start3A_319] : memref<1000000x128xf32, #tpu.memory_space<hbm>> -> memref<1000000x128xf32, #tpu.memory_space<hbm>>
      tpu.enqueue_indirect_dma source(%dma_start3A_320 : memref<1000000x128xf32, #tpu.memory_space<hbm>>) target(%arg9 : memref<72x128xf32, #tpu.memory_space<vmem>>) offsets(%dma_start3A_317 : memref<72xi32, #tpu.memory_space<vmem>>) semaphore(%arg11 : memref<!tpu.dma_semaphore, #tpu.memory_space<semaphore_mem>>)
    }
    %scan3A_34 = arith.constant 63 : i32
    %dma_wait3A = arith.constant 126 : i32
    %dma_wait3A_35 = arith.constant 0 : i32
    %dma_wait3A_36 = tpu.memref_slice %arg5[%dma_wait3A, %dma_wait3A_35] : memref<128x200xi32, #tpu.memory_space<vmem>> -> memref<1x128xi32, #tpu.memory_space<vmem>>
    %dma_wait3A_37 = tpu.memref_squeeze %dma_wait3A_36 : memref<1x128xi32, #tpu.memory_space<vmem>> -> memref<128xi32, #tpu.memory_space<vmem>>
    %dma_wait3A_38 = arith.constant 0 : i32
    %dma_wait3A_39 = arith.constant 0 : i32
    %dma_wait3A_40 = tpu.memref_slice %arg3[%dma_wait3A_38, %dma_wait3A_39] : memref<1000000x128xf32, #tpu.memory_space<hbm>> -> memref<1000000x128xf32, #tpu.memory_space<hbm>>
    tpu.wait_indirect_dma semaphore(%arg10 : memref<!tpu.dma_semaphore, #tpu.memory_space<semaphore_mem>>) src(%dma_wait3A_40 : memref<1000000x128xf32, #tpu.memory_space<hbm>>) dst(%arg6 : memref<128x128xf32, #tpu.memory_space<vmem>>)
    %dma_wait3A_41 = arith.constant 126 : i32
    %dma_wait3A_42 = arith.constant 128 : i32
    %dma_wait3A_43 = tpu.memref_slice %arg5[%dma_wait3A_41, %dma_wait3A_42] : memref<128x200xi32, #tpu.memory_space<vmem>> -> memref<1x72xi32, #tpu.memory_space<vmem>>
    %dma_wait3A_44 = tpu.memref_squeeze %dma_wait3A_43 : memref<1x72xi32, #tpu.memory_space<vmem>> -> memref<72xi32, #tpu.memory_space<vmem>>
    %dma_wait3A_45 = arith.constant 0 : i32
    %dma_wait3A_46 = arith.constant 0 : i32
    %dma_wait3A_47 = tpu.memref_slice %arg3[%dma_wait3A_45, %dma_wait3A_46] : memref<1000000x128xf32, #tpu.memory_space<hbm>> -> memref<1000000x128xf32, #tpu.memory_space<hbm>>
    tpu.wait_indirect_dma semaphore(%arg10 : memref<!tpu.dma_semaphore, #tpu.memory_space<semaphore_mem>>) src(%dma_wait3A_47 : memref<1000000x128xf32, #tpu.memory_space<hbm>>) dst(%arg7 : memref<72x128xf32, #tpu.memory_space<vmem>>)
    %scan3A_48 = arith.constant 0 : i32
    %scan3A_49 = arith.constant 0 : i32
    %scan3A_50 = arith.constant 16 : i32
    %scan3A_51 = arith.addi %scan3A_49, %scan3A_50 : i32
    %scan3A_52 = arith.constant 1 : i32
    scf.for %scan3A_166 = %scan3A_49 to %scan3A_51 step %scan3A_52  : i32 {
      %mul3A_167 = arith.constant 8 : i32
      %mul3A_168 = arith.muli %scan3A_166, %mul3A_167 : i32
      %add3A_169 = arith.constant 0 : i32
      %add3A_170 = arith.addi %mul3A_168, %add3A_169 : i32
      %get3A = arith.index_cast %add3A_170 : i32 to index
      %get3A_171 = arith.constant 0 : index
      %get3A_172 = tpu.vector_load %arg6[%get3A, %get3A_171] {strides = array<i32>} : memref<128x128xf32, #tpu.memory_space<vmem>>, vector<1x16xf32>,
      %get3A_173 = vector.shape_cast %get3A_172 : vector<1x16xf32> to vector<16xf32>
      %mul3A_174 = arith.constant 8.000000e+00 : f32
      %mul3A_175 = vector.broadcast %mul3A_174 : f32 to vector<16xf32>
      %mul3A_176 = arith.mulf %get3A_173, %mul3A_175 : vector<16xf32>
      %add3A_177 = arith.constant 0 : i32
      %add3A_178 = arith.addi %mul3A_168, %add3A_177 : i32
      %swap3A = arith.index_cast %add3A_178 : i32 to index
      %swap3A_179 = arith.constant 0 : index
      %swap3A_180 = tpu.vector_load %arg6[%swap3A, %swap3A_179] {strides = array<i32>} : memref<128x128xf32, #tpu.memory_space<vmem>>, vector<1x16xf32>,
      %swap3A_181 = vector.shape_cast %swap3A_180 : vector<1x16xf32> to vector<16xf32>
      %swap3A_182 = vector.shape_cast %mul3A_176 : vector<16xf32> to vector<1x16xf32>
      tpu.vector_store %arg6[%swap3A, %swap3A_179], %swap3A_182 {strides = array<i32>} : memref<128x128xf32, #tpu.memory_space<vmem>>, vector<1x16xf32>,
      %add3A_183 = arith.constant 0 : i32
      %add3A_184 = arith.addi %mul3A_168, %add3A_183 : i32
      %get3A_185 = arith.index_cast %add3A_184 : i32 to index
      %get3A_186 = arith.constant 16 : index
      %get3A_187 = tpu.vector_load %arg6[%get3A_185, %get3A_186] {strides = array<i32>} : memref<128x128xf32, #tpu.memory_space<vmem>>, vector<1x16xf32>,
      %get3A_188 = vector.shape_cast %get3A_187 : vector<1x16xf32> to vector<16xf32>
      %mul3A_189 = arith.constant 8.000000e+00 : f32
      %mul3A_190 = vector.broadcast %mul3A_189 : f32 to vector<16xf32>
      %mul3A_191 = arith.mulf %get3A_188, %mul3A_190 : vector<16xf32>
      %add3A_192 = arith.constant 0 : i32
      %add3A_193 = arith.addi %mul3A_168, %add3A_192 : i32
      %swap3A_194 = arith.index_cast %add3A_193 : i32 to index
      %swap3A_195 = arith.constant 16 : index
      %swap3A_196 = tpu.vector_load %arg6[%swap3A_194, %swap3A_195] {strides = array<i32>} : memref<128x128xf32, #tpu.memory_space<vmem>>, vector<1x16xf32>,
      %swap3A_197 = vector.shape_cast %swap3A_196 : vector<1x16xf32> to vector<16xf32>
      %swap3A_198 = vector.shape_cast %mul3A_191 : vector<16xf32> to vector<1x16xf32>
      tpu.vector_store %arg6[%swap3A_194, %swap3A_195], %swap3A_198 {strides = array<i32>} : memref<128x128xf32, #tpu.memory_space<vmem>>, vector<1x16xf32>,
      %add3A_199 = arith.constant 0 : i32
      %add3A_200 = arith.addi %mul3A_168, %add3A_199 : i32
      %get3A_201 = arith.index_cast %add3A_200 : i32 to index
      %get3A_202 = arith.constant 32 : index
      %get3A_203 = tpu.vector_load %arg6[%get3A_201, %get3A_202] {strides = array<i32>} : memref<128x128xf32, #tpu.memory_space<vmem>>, vector<1x16xf32>,
      %get3A_204 = vector.shape_cast %get3A_203 : vector<1x16xf32> to vector<16xf32>
      %mul3A_205 = arith.constant 8.000000e+00 : f32
      %mul3A_206 = vector.broadcast %mul3A_205 : f32 to vector<16xf32>
      %mul3A_207 = arith.mulf %get3A_204, %mul3A_206 : vector<16xf32>
      %add3A_208 = arith.constant 0 : i32
      %add3A_209 = arith.addi %mul3A_168, %add3A_208 : i32
      %swap3A_210 = arith.index_cast %add3A_209 : i32 to index
      %swap3A_211 = arith.constant 32 : index
      %swap3A_212 = tpu.vector_load %arg6[%swap3A_210, %swap3A_211] {strides = array<i32>} : memref<128x128xf32, #tpu.memory_space<vmem>>, vector<1x16xf32>,
      %swap3A_213 = vector.shape_cast %swap3A_212 : vector<1x16xf32> to vector<16xf32>
      %swap3A_214 = vector.shape_cast %mul3A_207 : vector<16xf32> to vector<1x16xf32>
      tpu.vector_store %arg6[%swap3A_210, %swap3A_211], %swap3A_214 {strides = array<i32>} : memref<128x128xf32, #tpu.memory_space<vmem>>, vector<1x16xf32>,
      %add3A_215 = arith.constant 0 : i32
      %add3A_216 = arith.addi %mul3A_168, %add3A_215 : i32
      %get3A_217 = arith.index_cast %add3A_216 : i32 to index
      %get3A_218 = arith.constant 48 : index
      %get3A_219 = tpu.vector_load %arg6[%get3A_217, %get3A_218] {strides = array<i32>} : memref<128x128xf32, #tpu.memory_space<vmem>>, vector<1x16xf32>,
      %get3A_220 = vector.shape_cast %get3A_219 : vector<1x16xf32> to vector<16xf32>
      %mul3A_221 = arith.constant 8.000000e+00 : f32
      %mul3A_222 = vector.broadcast %mul3A_221 : f32 to vector<16xf32>
      %mul3A_223 = arith.mulf %get3A_220, %mul3A_222 : vector<16xf32>
      %add3A_224 = arith.constant 0 : i32
      %add3A_225 = arith.addi %mul3A_168, %add3A_224 : i32
      %swap3A_226 = arith.index_cast %add3A_225 : i32 to index
      %swap3A_227 = arith.constant 48 : index
      %swap3A_228 = tpu.vector_load %arg6[%swap3A_226, %swap3A_227] {strides = array<i32>} : memref<128x128xf32, #tpu.memory_space<vmem>>, vector<1x16xf32>,
      %swap3A_229 = vector.shape_cast %swap3A_228 : vector<1x16xf32> to vector<16xf32>
      %swap3A_230 = vector.shape_cast %mul3A_223 : vector<16xf32> to vector<1x16xf32>
      tpu.vector_store %arg6[%swap3A_226, %swap3A_227], %swap3A_230 {strides = array<i32>} : memref<128x128xf32, #tpu.memory_space<vmem>>, vector<1x16xf32>,
      %add3A_231 = arith.constant 1 : i32
      %add3A_232 = arith.addi %mul3A_168, %add3A_231 : i32
      %get3A_233 = arith.index_cast %add3A_232 : i32 to index
      %get3A_234 = arith.constant 0 : index
      %get3A_235 = tpu.vector_load %arg6[%get3A_233, %get3A_234] {strides = array<i32>} : memref<128x128xf32, #tpu.memory_space<vmem>>, vector<1x16xf32>,
      %get3A_236 = vector.shape_cast %get3A_235 : vector<1x16xf32> to vector<16xf32>
      %mul3A_237 = arith.constant 8.000000e+00 : f32
      %mul3A_238 = vector.broadcast %mul3A_237 : f32 to vector<16xf32>
      %mul3A_239 = arith.mulf %get3A_236, %mul3A_238 : vector<16xf32>
      %add3A_240 = arith.constant 1 : i32
      %add3A_241 = arith.addi %mul3A_168, %add3A_240 : i32
      %swap3A_242 = arith.index_cast %add3A_241 : i32 to index
      %swap3A_243 = arith.constant 0 : index
      %swap3A_244 = tpu.vector_load %arg6[%swap3A_242, %swap3A_243] {strides = array<i32>} : memref<128x128xf32, #tpu.memory_space<vmem>>, vector<1x16xf32>,
      %swap3A_245 = vector.shape_cast %swap3A_244 : vector<1x16xf32> to vector<16xf32>
      %swap3A_246 = vector.shape_cast %mul3A_239 : vector<16xf32> to vector<1x16xf32>
      tpu.vector_store %arg6[%swap3A_242, %swap3A_243], %swap3A_246 {strides = array<i32>} : memref<128x128xf32, #tpu.memory_space<vmem>>, vector<1x16xf32>,
      %add3A_247 = arith.constant 1 : i32
      %add3A_248 = arith.addi %mul3A_168, %add3A_247 : i32
      %get3A_249 = arith.index_cast %add3A_248 : i32 to index
      %get3A_250 = arith.constant 16 : index
      %get3A_251 = tpu.vector_load %arg6[%get3A_249, %get3A_250] {strides = array<i32>} : memref<128x128xf32, #tpu.memory_space<vmem>>, vector<1x16xf32>,
      %get3A_252 = vector.shape_cast %get3A_251 : vector<1x16xf32> to vector<16xf32>
      %mul3A_253 = arith.constant 8.000000e+00 : f32
      %mul3A_254 = vector.broadcast %mul3A_253 : f32 to vector<16xf32>
      %mul3A_255 = arith.mulf %get3A_252, %mul3A_254 : vector<16xf32>
      %add3A_256 = arith.constant 1 : i32
      %add3A_257 = arith.addi %mul3A_168, %add3A_256 : i32
      %swap3A_258 = arith.index_cast %add3A_257 : i32 to index
      %swap3A_259 = arith.constant 16 : index
      %swap3A_260 = tpu.vector_load %arg6[%swap3A_258, %swap3A_259] {strides = array<i32>} : memref<128x128xf32, #tpu.memory_space<vmem>>, vector<1x16xf32>,
      %swap3A_261 = vector.shape_cast %swap3A_260 : vector<1x16xf32> to vector<16xf32>
      %swap3A_262 = vector.shape_cast %mul3A_255 : vector<16xf32> to vector<1x16xf32>
      tpu.vector_store %arg6[%swap3A_258, %swap3A_259], %swap3A_262 {strides = array<i32>} : memref<128x128xf32, #tpu.memory_space<vmem>>, vector<1x16xf32>,
      %add3A_263 = arith.constant 1 : i32
      %add3A_264 = arith.addi %mul3A_168, %add3A_263 : i32
      %get3A_265 = arith.index_cast %add3A_264 : i32 to index
      %get3A_266 = arith.constant 32 : index
      %get3A_267 = tpu.vector_load %arg6[%get3A_265, %get3A_266] {strides = array<i32>} : memref<128x128xf32, #tpu.memory_space<vmem>>, vector<1x16xf32>,
      %get3A_268 = vector.shape_cast %get3A_267 : vector<1x16xf32> to vector<16xf32>
      %mul3A_269 = arith.constant 8.000000e+00 : f32
      %mul3A_270 = vector.broadcast %mul3A_269 : f32 to vector<16xf32>
      %mul3A_271 = arith.mulf %get3A_268, %mul3A_270 : vector<16xf32>
      %add3A_272 = arith.constant 1 : i32
      %add3A_273 = arith.addi %mul3A_168, %add3A_272 : i32
      %swap3A_274 = arith.index_cast %add3A_273 : i32 to index
      %swap3A_275 = arith.constant 32 : index
      %swap3A_276 = tpu.vector_load %arg6[%swap3A_274, %swap3A_275] {strides = array<i32>} : memref<128x128xf32, #tpu.memory_space<vmem>>, vector<1x16xf32>,
      %swap3A_277 = vector.shape_cast %swap3A_276 : vector<1x16xf32> to vector<16xf32>
      %swap3A_278 = vector.shape_cast %mul3A_271 : vector<16xf32> to vector<1x16xf32>
      tpu.vector_store %arg6[%swap3A_274, %swap3A_275], %swap3A_278 {strides = array<i32>} : memref<128x128xf32, #tpu.memory_space<vmem>>, vector<1x16xf32>,
      %add3A_279 = arith.constant 1 : i32
      %add3A_280 = arith.addi %mul3A_168, %add3A_279 : i32
      %get3A_281 = arith.index_cast %add3A_280 : i32 to index
      %get3A_282 = arith.constant 48 : index
      %get3A_283 = tpu.vector_load %arg6[%get3A_281, %get3A_282] {strides = array<i32>} : memref<128x128xf32, #tpu.memory_space<vmem>>, vector<1x16xf32>,
      %get3A_284 = vector.shape_cast %get3A_283 : vector<1x16xf32> to vector<16xf32>
      %mul3A_285 = arith.constant 8.000000e+00 : f32
      %mul3A_286 = vector.broadcast %mul3A_285 : f32 to vector<16xf32>
      %mul3A_287 = arith.mulf %get3A_284, %mul3A_286 : vector<16xf32>
      %add3A_288 = arith.constant 1 : i32
      %add3A_289 = arith.addi %mul3A_168, %add3A_288 : i32
      %swap3A_290 = arith.index_cast %add3A_289 : i32 to index
      %swap3A_291 = arith.constant 48 : index
      %swap3A_292 = tpu.vector_load %arg6[%swap3A_290, %swap3A_291] {strides = array<i32>} : memref<128x128xf32, #tpu.memory_space<vmem>>, vector<1x16xf32>,
      %swap3A_293 = vector.shape_cast %swap3A_292 : vector<1x16xf32> to vector<16xf32>
      %swap3A_294 = vector.shape_cast %mul3A_287 : vector<16xf32> to vector<1x16xf32>
      tpu.vector_store %arg6[%swap3A_290, %swap3A_291], %swap3A_294 {strides = array<i32>} : memref<128x128xf32, #tpu.memory_space<vmem>>, vector<1x16xf32>,
      %add3A_295 = arith.constant 2 : i32
      %add3A_296 = arith.addi %mul3A_168, %add3A_295 : i32
      %get3A_297 = arith.index_cast %add3A_296 : i32 to index
      %get3A_298 = arith.constant 0 : index
      %get3A_299 = tpu.vector_load %arg6[%get3A_297, %get3A_298] {strides = array<i32>} : memref<128x128xf32, #tpu.memory_space<vmem>>, vector<1x16xf32>,
      %get3A_300 = vector.shape_cast %get3A_299 : vector<1x16xf32> to vector<16xf32>
      %mul3A_301 = arith.constant 8.000000e+00 : f32
      %mul3A_302 = vector.broadcast %mul3A_301 : f32 to vector<16xf32>
      %mul3A_303 = arith.mulf %get3A_300, %mul3A_302 : vector<16xf32>
      %add3A_304 = arith.constant 2 : i32
      %add3A_305 = arith.addi %mul3A_168, %add3A_304 : i32
      %swap3A_306 = arith.index_cast %add3A_305 : i32 to index
      %swap3A_307 = arith.constant 0 : index
      %swap3A_308 = tpu.vector_load %arg6[%swap3A_306, %swap3A_307] {strides = array<i32>} : memref<128x128xf32, #tpu.memory_space<vmem>>, vector<1x16xf32>,
      %swap3A_309 = vector.shape_cast %swap3A_308 : vector<1x16xf32> to vector<16xf32>
      %swap3A_310 = vector.shape_cast %mul3A_303 : vector<16xf32> to vector<1x16xf32>
      tpu.vector_store %arg6[%swap3A_306, %swap3A_307], %swap3A_310 {strides = array<i32>} : memref<128x128xf32, #tpu.memory_space<vmem>>, vector<1x16xf32>,
      %add3A_311 = arith.constant 2 : i32
      %add3A_312 = arith.addi %mul3A_168, %add3A_311 : i32
      %get3A_313 = arith.index_cast %add3A_312 : i32 to index
      %get3A_314 = arith.constant 16 : index
      %get3A_315 = tpu.vector_load %arg6[%get3A_313, %get3A_314] {strides = array<i32>} : memref<128x128xf32, #tpu.memory_space<vmem>>, vector<1x16xf32>,
      %get3A_316 = vector.shape_cast %get3A_315 : vector<1x16xf32> to vector<16xf32>
      %mul3A_317 = arith.constant 8.000000e+00 : f32
      %mul3A_318 = vector.broadcast %mul3A_317 : f32 to vector<16xf32>
      %mul3A_319 = arith.mulf %get3A_316, %mul3A_318 : vector<16xf32>
      %add3A_320 = arith.constant 2 : i32
      %add3A_321 = arith.addi %mul3A_168, %add3A_320 : i32
      %swap3A_322 = arith.index_cast %add3A_321 : i32 to index
      %swap3A_323 = arith.constant 16 : index
      %swap3A_324 = tpu.vector_load %arg6[%swap3A_322, %swap3A_323] {strides = array<i32>} : memref<128x128xf32, #tpu.memory_space<vmem>>, vector<1x16xf32>,
      %swap3A_325 = vector.shape_cast %swap3A_324 : vector<1x16xf32> to vector<16xf32>
      %swap3A_326 = vector.shape_cast %mul3A_319 : vector<16xf32> to vector<1x16xf32>
      tpu.vector_store %arg6[%swap3A_322, %swap3A_323], %swap3A_326 {strides = array<i32>} : memref<128x128xf32, #tpu.memory_space<vmem>>, vector<1x16xf32>,
      %add3A_327 = arith.constant 2 : i32
      %add3A_328 = arith.addi %mul3A_168, %add3A_327 : i32
      %get3A_329 = arith.index_cast %add3A_328 : i32 to index
      %get3A_330 = arith.constant 32 : index
      %get3A_331 = tpu.vector_load %arg6[%get3A_329, %get3A_330] {strides = array<i32>} : memref<128x128xf32, #tpu.memory_space<vmem>>, vector<1x16xf32>,
      %get3A_332 = vector.shape_cast %get3A_331 : vector<1x16xf32> to vector<16xf32>
      %mul3A_333 = arith.constant 8.000000e+00 : f32
      %mul3A_334 = vector.broadcast %mul3A_333 : f32 to vector<16xf32>
      %mul3A_335 = arith.mulf %get3A_332, %mul3A_334 : vector<16xf32>
      %add3A_336 = arith.constant 2 : i32
      %add3A_337 = arith.addi %mul3A_168, %add3A_336 : i32
      %swap3A_338 = arith.index_cast %add3A_337 : i32 to index
      %swap3A_339 = arith.constant 32 : index
      %swap3A_340 = tpu.vector_load %arg6[%swap3A_338, %swap3A_339] {strides = array<i32>} : memref<128x128xf32, #tpu.memory_space<vmem>>, vector<1x16xf32>,
      %swap3A_341 = vector.shape_cast %swap3A_340 : vector<1x16xf32> to vector<16xf32>
      %swap3A_342 = vector.shape_cast %mul3A_335 : vector<16xf32> to vector<1x16xf32>
      tpu.vector_store %arg6[%swap3A_338, %swap3A_339], %swap3A_342 {strides = array<i32>} : memref<128x128xf32, #tpu.memory_space<vmem>>, vector<1x16xf32>,
      %add3A_343 = arith.constant 2 : i32
      %add3A_344 = arith.addi %mul3A_168, %add3A_343 : i32
      %get3A_345 = arith.index_cast %add3A_344 : i32 to index
      %get3A_346 = arith.constant 48 : index
      %get3A_347 = tpu.vector_load %arg6[%get3A_345, %get3A_346] {strides = array<i32>} : memref<128x128xf32, #tpu.memory_space<vmem>>, vector<1x16xf32>,
      %get3A_348 = vector.shape_cast %get3A_347 : vector<1x16xf32> to vector<16xf32>
      %mul3A_349 = arith.constant 8.000000e+00 : f32
      %mul3A_350 = vector.broadcast %mul3A_349 : f32 to vector<16xf32>
      %mul3A_351 = arith.mulf %get3A_348, %mul3A_350 : vector<16xf32>
      %add3A_352 = arith.constant 2 : i32
      %add3A_353 = arith.addi %mul3A_168, %add3A_352 : i32
      %swap3A_354 = arith.index_cast %add3A_353 : i32 to index
      %swap3A_355 = arith.constant 48 : index
      %swap3A_356 = tpu.vector_load %arg6[%swap3A_354, %swap3A_355] {strides = array<i32>} : memref<128x128xf32, #tpu.memory_space<vmem>>, vector<1x16xf32>,
      %swap3A_357 = vector.shape_cast %swap3A_356 : vector<1x16xf32> to vector<16xf32>
      %swap3A_358 = vector.shape_cast %mul3A_351 : vector<16xf32> to vector<1x16xf32>
      tpu.vector_store %arg6[%swap3A_354, %swap3A_355], %swap3A_358 {strides = array<i32>} : memref<128x128xf32, #tpu.memory_space<vmem>>, vector<1x16xf32>,
      %add3A_359 = arith.constant 3 : i32
      %add3A_360 = arith.addi %mul3A_168, %add3A_359 : i32
      %get3A_361 = arith.index_cast %add3A_360 : i32 to index
      %get3A_362 = arith.constant 0 : index
      %get3A_363 = tpu.vector_load %arg6[%get3A_361, %get3A_362] {strides = array<i32>} : memref<128x128xf32, #tpu.memory_space<vmem>>, vector<1x16xf32>,
      %get3A_364 = vector.shape_cast %get3A_363 : vector<1x16xf32> to vector<16xf32>
      %mul3A_365 = arith.constant 8.000000e+00 : f32
      %mul3A_366 = vector.broadcast %mul3A_365 : f32 to vector<16xf32>
      %mul3A_367 = arith.mulf %get3A_364, %mul3A_366 : vector<16xf32>
      %add3A_368 = arith.constant 3 : i32
      %add3A_369 = arith.addi %mul3A_168, %add3A_368 : i32
      %swap3A_370 = arith.index_cast %add3A_369 : i32 to index
      %swap3A_371 = arith.constant 0 : index
      %swap3A_372 = tpu.vector_load %arg6[%swap3A_370, %swap3A_371] {strides = array<i32>} : memref<128x128xf32, #tpu.memory_space<vmem>>, vector<1x16xf32>,
      %swap3A_373 = vector.shape_cast %swap3A_372 : vector<1x16xf32> to vector<16xf32>
      %swap3A_374 = vector.shape_cast %mul3A_367 : vector<16xf32> to vector<1x16xf32>
      tpu.vector_store %arg6[%swap3A_370, %swap3A_371], %swap3A_374 {strides = array<i32>} : memref<128x128xf32, #tpu.memory_space<vmem>>, vector<1x16xf32>,
      %add3A_375 = arith.constant 3 : i32
      %add3A_376 = arith.addi %mul3A_168, %add3A_375 : i32
      %get3A_377 = arith.index_cast %add3A_376 : i32 to index
      %get3A_378 = arith.constant 16 : index
      %get3A_379 = tpu.vector_load %arg6[%get3A_377, %get3A_378] {strides = array<i32>} : memref<128x128xf32, #tpu.memory_space<vmem>>, vector<1x16xf32>,
      %get3A_380 = vector.shape_cast %get3A_379 : vector<1x16xf32> to vector<16xf32>
      %mul3A_381 = arith.constant 8.000000e+00 : f32
      %mul3A_382 = vector.broadcast %mul3A_381 : f32 to vector<16xf32>
      %mul3A_383 = arith.mulf %get3A_380, %mul3A_382 : vector<16xf32>
      %add3A_384 = arith.constant 3 : i32
      %add3A_385 = arith.addi %mul3A_168, %add3A_384 : i32
      %swap3A_386 = arith.index_cast %add3A_385 : i32 to index
      %swap3A_387 = arith.constant 16 : index
      %swap3A_388 = tpu.vector_load %arg6[%swap3A_386, %swap3A_387] {strides = array<i32>} : memref<128x128xf32, #tpu.memory_space<vmem>>, vector<1x16xf32>,
      %swap3A_389 = vector.shape_cast %swap3A_388 : vector<1x16xf32> to vector<16xf32>
      %swap3A_390 = vector.shape_cast %mul3A_383 : vector<16xf32> to vector<1x16xf32>
      tpu.vector_store %arg6[%swap3A_386, %swap3A_387], %swap3A_390 {strides = array<i32>} : memref<128x128xf32, #tpu.memory_space<vmem>>, vector<1x16xf32>,
      %add3A_391 = arith.constant 3 : i32
      %add3A_392 = arith.addi %mul3A_168, %add3A_391 : i32
      %get3A_393 = arith.index_cast %add3A_392 : i32 to index
      %get3A_394 = arith.constant 32 : index
      %get3A_395 = tpu.vector_load %arg6[%get3A_393, %get3A_394] {strides = array<i32>} : memref<128x128xf32, #tpu.memory_space<vmem>>, vector<1x16xf32>,
      %get3A_396 = vector.shape_cast %get3A_395 : vector<1x16xf32> to vector<16xf32>
      %mul3A_397 = arith.constant 8.000000e+00 : f32
      %mul3A_398 = vector.broadcast %mul3A_397 : f32 to vector<16xf32>
      %mul3A_399 = arith.mulf %get3A_396, %mul3A_398 : vector<16xf32>
      %add3A_400 = arith.constant 3 : i32
      %add3A_401 = arith.addi %mul3A_168, %add3A_400 : i32
      %swap3A_402 = arith.index_cast %add3A_401 : i32 to index
      %swap3A_403 = arith.constant 32 : index
      %swap3A_404 = tpu.vector_load %arg6[%swap3A_402, %swap3A_403] {strides = array<i32>} : memref<128x128xf32, #tpu.memory_space<vmem>>, vector<1x16xf32>,
      %swap3A_405 = vector.shape_cast %swap3A_404 : vector<1x16xf32> to vector<16xf32>
      %swap3A_406 = vector.shape_cast %mul3A_399 : vector<16xf32> to vector<1x16xf32>
      tpu.vector_store %arg6[%swap3A_402, %swap3A_403], %swap3A_406 {strides = array<i32>} : memref<128x128xf32, #tpu.memory_space<vmem>>, vector<1x16xf32>,
      %add3A_407 = arith.constant 3 : i32
      %add3A_408 = arith.addi %mul3A_168, %add3A_407 : i32
      %get3A_409 = arith.index_cast %add3A_408 : i32 to index
      %get3A_410 = arith.constant 48 : index
      %get3A_411 = tpu.vector_load %arg6[%get3A_409, %get3A_410] {strides = array<i32>} : memref<128x128xf32, #tpu.memory_space<vmem>>, vector<1x16xf32>,
      %get3A_412 = vector.shape_cast %get3A_411 : vector<1x16xf32> to vector<16xf32>
      %mul3A_413 = arith.constant 8.000000e+00 : f32
      %mul3A_414 = vector.broadcast %mul3A_413 : f32 to vector<16xf32>
      %mul3A_415 = arith.mulf %get3A_412, %mul3A_414 : vector<16xf32>
      %add3A_416 = arith.constant 3 : i32
      %add3A_417 = arith.addi %mul3A_168, %add3A_416 : i32
      %swap3A_418 = arith.index_cast %add3A_417 : i32 to index
      %swap3A_419 = arith.constant 48 : index
      %swap3A_420 = tpu.vector_load %arg6[%swap3A_418, %swap3A_419] {strides = array<i32>} : memref<128x128xf32, #tpu.memory_space<vmem>>, vector<1x16xf32>,
      %swap3A_421 = vector.shape_cast %swap3A_420 : vector<1x16xf32> to vector<16xf32>
      %swap3A_422 = vector.shape_cast %mul3A_415 : vector<16xf32> to vector<1x16xf32>
      tpu.vector_store %arg6[%swap3A_418, %swap3A_419], %swap3A_422 {strides = array<i32>} : memref<128x128xf32, #tpu.memory_space<vmem>>, vector<1x16xf32>,
      %add3A_423 = arith.constant 4 : i32
      %add3A_424 = arith.addi %mul3A_168, %add3A_423 : i32
      %get3A_425 = arith.index_cast %add3A_424 : i32 to index
      %get3A_426 = arith.constant 0 : index
      %get3A_427 = tpu.vector_load %arg6[%get3A_425, %get3A_426] {strides = array<i32>} : memref<128x128xf32, #tpu.memory_space<vmem>>, vector<1x16xf32>,
      %get3A_428 = vector.shape_cast %get3A_427 : vector<1x16xf32> to vector<16xf32>
      %mul3A_429 = arith.constant 8.000000e+00 : f32
      %mul3A_430 = vector.broadcast %mul3A_429 : f32 to vector<16xf32>
      %mul3A_431 = arith.mulf %get3A_428, %mul3A_430 : vector<16xf32>
      %add3A_432 = arith.constant 4 : i32
      %add3A_433 = arith.addi %mul3A_168, %add3A_432 : i32
      %swap3A_434 = arith.index_cast %add3A_433 : i32 to index
      %swap3A_435 = arith.constant 0 : index
      %swap3A_436 = tpu.vector_load %arg6[%swap3A_434, %swap3A_435] {strides = array<i32>} : memref<128x128xf32, #tpu.memory_space<vmem>>, vector<1x16xf32>,
      %swap3A_437 = vector.shape_cast %swap3A_436 : vector<1x16xf32> to vector<16xf32>
      %swap3A_438 = vector.shape_cast %mul3A_431 : vector<16xf32> to vector<1x16xf32>
      tpu.vector_store %arg6[%swap3A_434, %swap3A_435], %swap3A_438 {strides = array<i32>} : memref<128x128xf32, #tpu.memory_space<vmem>>, vector<1x16xf32>,
      %add3A_439 = arith.constant 4 : i32
      %add3A_440 = arith.addi %mul3A_168, %add3A_439 : i32
      %get3A_441 = arith.index_cast %add3A_440 : i32 to index
      %get3A_442 = arith.constant 16 : index
      %get3A_443 = tpu.vector_load %arg6[%get3A_441, %get3A_442] {strides = array<i32>} : memref<128x128xf32, #tpu.memory_space<vmem>>, vector<1x16xf32>,
      %get3A_444 = vector.shape_cast %get3A_443 : vector<1x16xf32> to vector<16xf32>
      %mul3A_445 = arith.constant 8.000000e+00 : f32
      %mul3A_446 = vector.broadcast %mul3A_445 : f32 to vector<16xf32>
      %mul3A_447 = arith.mulf %get3A_444, %mul3A_446 : vector<16xf32>
      %add3A_448 = arith.constant 4 : i32
      %add3A_449 = arith.addi %mul3A_168, %add3A_448 : i32
      %swap3A_450 = arith.index_cast %add3A_449 : i32 to index
      %swap3A_451 = arith.constant 16 : index
      %swap3A_452 = tpu.vector_load %arg6[%swap3A_450, %swap3A_451] {strides = array<i32>} : memref<128x128xf32, #tpu.memory_space<vmem>>, vector<1x16xf32>,
      %swap3A_453 = vector.shape_cast %swap3A_452 : vector<1x16xf32> to vector<16xf32>
      %swap3A_454 = vector.shape_cast %mul3A_447 : vector<16xf32> to vector<1x16xf32>
      tpu.vector_store %arg6[%swap3A_450, %swap3A_451], %swap3A_454 {strides = array<i32>} : memref<128x128xf32, #tpu.memory_space<vmem>>, vector<1x16xf32>,
      %add3A_455 = arith.constant 4 : i32
      %add3A_456 = arith.addi %mul3A_168, %add3A_455 : i32
      %get3A_457 = arith.index_cast %add3A_456 : i32 to index
      %get3A_458 = arith.constant 32 : index
      %get3A_459 = tpu.vector_load %arg6[%get3A_457, %get3A_458] {strides = array<i32>} : memref<128x128xf32, #tpu.memory_space<vmem>>, vector<1x16xf32>,
      %get3A_460 = vector.shape_cast %get3A_459 : vector<1x16xf32> to vector<16xf32>
      %mul3A_461 = arith.constant 8.000000e+00 : f32
      %mul3A_462 = vector.broadcast %mul3A_461 : f32 to vector<16xf32>
      %mul3A_463 = arith.mulf %get3A_460, %mul3A_462 : vector<16xf32>
      %add3A_464 = arith.constant 4 : i32
      %add3A_465 = arith.addi %mul3A_168, %add3A_464 : i32
      %swap3A_466 = arith.index_cast %add3A_465 : i32 to index
      %swap3A_467 = arith.constant 32 : index
      %swap3A_468 = tpu.vector_load %arg6[%swap3A_466, %swap3A_467] {strides = array<i32>} : memref<128x128xf32, #tpu.memory_space<vmem>>, vector<1x16xf32>,
      %swap3A_469 = vector.shape_cast %swap3A_468 : vector<1x16xf32> to vector<16xf32>
      %swap3A_470 = vector.shape_cast %mul3A_463 : vector<16xf32> to vector<1x16xf32>
      tpu.vector_store %arg6[%swap3A_466, %swap3A_467], %swap3A_470 {strides = array<i32>} : memref<128x128xf32, #tpu.memory_space<vmem>>, vector<1x16xf32>,
      %add3A_471 = arith.constant 4 : i32
      %add3A_472 = arith.addi %mul3A_168, %add3A_471 : i32
      %get3A_473 = arith.index_cast %add3A_472 : i32 to index
      %get3A_474 = arith.constant 48 : index
      %get3A_475 = tpu.vector_load %arg6[%get3A_473, %get3A_474] {strides = array<i32>} : memref<128x128xf32, #tpu.memory_space<vmem>>, vector<1x16xf32>,
      %get3A_476 = vector.shape_cast %get3A_475 : vector<1x16xf32> to vector<16xf32>
      %mul3A_477 = arith.constant 8.000000e+00 : f32
      %mul3A_478 = vector.broadcast %mul3A_477 : f32 to vector<16xf32>
      %mul3A_479 = arith.mulf %get3A_476, %mul3A_478 : vector<16xf32>
      %add3A_480 = arith.constant 4 : i32
      %add3A_481 = arith.addi %mul3A_168, %add3A_480 : i32
      %swap3A_482 = arith.index_cast %add3A_481 : i32 to index
      %swap3A_483 = arith.constant 48 : index
      %swap3A_484 = tpu.vector_load %arg6[%swap3A_482, %swap3A_483] {strides = array<i32>} : memref<128x128xf32, #tpu.memory_space<vmem>>, vector<1x16xf32>,
      %swap3A_485 = vector.shape_cast %swap3A_484 : vector<1x16xf32> to vector<16xf32>
      %swap3A_486 = vector.shape_cast %mul3A_479 : vector<16xf32> to vector<1x16xf32>
      tpu.vector_store %arg6[%swap3A_482, %swap3A_483], %swap3A_486 {strides = array<i32>} : memref<128x128xf32, #tpu.memory_space<vmem>>, vector<1x16xf32>,
      %add3A_487 = arith.constant 5 : i32
      %add3A_488 = arith.addi %mul3A_168, %add3A_487 : i32
      %get3A_489 = arith.index_cast %add3A_488 : i32 to index
      %get3A_490 = arith.constant 0 : index
      %get3A_491 = tpu.vector_load %arg6[%get3A_489, %get3A_490] {strides = array<i32>} : memref<128x128xf32, #tpu.memory_space<vmem>>, vector<1x16xf32>,
      %get3A_492 = vector.shape_cast %get3A_491 : vector<1x16xf32> to vector<16xf32>
      %mul3A_493 = arith.constant 8.000000e+00 : f32
      %mul3A_494 = vector.broadcast %mul3A_493 : f32 to vector<16xf32>
      %mul3A_495 = arith.mulf %get3A_492, %mul3A_494 : vector<16xf32>
      %add3A_496 = arith.constant 5 : i32
      %add3A_497 = arith.addi %mul3A_168, %add3A_496 : i32
      %swap3A_498 = arith.index_cast %add3A_497 : i32 to index
      %swap3A_499 = arith.constant 0 : index
      %swap3A_500 = tpu.vector_load %arg6[%swap3A_498, %swap3A_499] {strides = array<i32>} : memref<128x128xf32, #tpu.memory_space<vmem>>, vector<1x16xf32>,
      %swap3A_501 = vector.shape_cast %swap3A_500 : vector<1x16xf32> to vector<16xf32>
      %swap3A_502 = vector.shape_cast %mul3A_495 : vector<16xf32> to vector<1x16xf32>
      tpu.vector_store %arg6[%swap3A_498, %swap3A_499], %swap3A_502 {strides = array<i32>} : memref<128x128xf32, #tpu.memory_space<vmem>>, vector<1x16xf32>,
      %add3A_503 = arith.constant 5 : i32
      %add3A_504 = arith.addi %mul3A_168, %add3A_503 : i32
      %get3A_505 = arith.index_cast %add3A_504 : i32 to index
      %get3A_506 = arith.constant 16 : index
      %get3A_507 = tpu.vector_load %arg6[%get3A_505, %get3A_506] {strides = array<i32>} : memref<128x128xf32, #tpu.memory_space<vmem>>, vector<1x16xf32>,
      %get3A_508 = vector.shape_cast %get3A_507 : vector<1x16xf32> to vector<16xf32>
      %mul3A_509 = arith.constant 8.000000e+00 : f32
      %mul3A_510 = vector.broadcast %mul3A_509 : f32 to vector<16xf32>
      %mul3A_511 = arith.mulf %get3A_508, %mul3A_510 : vector<16xf32>
      %add3A_512 = arith.constant 5 : i32
      %add3A_513 = arith.addi %mul3A_168, %add3A_512 : i32
      %swap3A_514 = arith.index_cast %add3A_513 : i32 to index
      %swap3A_515 = arith.constant 16 : index
      %swap3A_516 = tpu.vector_load %arg6[%swap3A_514, %swap3A_515] {strides = array<i32>} : memref<128x128xf32, #tpu.memory_space<vmem>>, vector<1x16xf32>,
      %swap3A_517 = vector.shape_cast %swap3A_516 : vector<1x16xf32> to vector<16xf32>
      %swap3A_518 = vector.shape_cast %mul3A_511 : vector<16xf32> to vector<1x16xf32>
      tpu.vector_store %arg6[%swap3A_514, %swap3A_515], %swap3A_518 {strides = array<i32>} : memref<128x128xf32, #tpu.memory_space<vmem>>, vector<1x16xf32>,
      %add3A_519 = arith.constant 5 : i32
      %add3A_520 = arith.addi %mul3A_168, %add3A_519 : i32
      %get3A_521 = arith.index_cast %add3A_520 : i32 to index
      %get3A_522 = arith.constant 32 : index
      %get3A_523 = tpu.vector_load %arg6[%get3A_521, %get3A_522] {strides = array<i32>} : memref<128x128xf32, #tpu.memory_space<vmem>>, vector<1x16xf32>,
      %get3A_524 = vector.shape_cast %get3A_523 : vector<1x16xf32> to vector<16xf32>
      %mul3A_525 = arith.constant 8.000000e+00 : f32
      %mul3A_526 = vector.broadcast %mul3A_525 : f32 to vector<16xf32>
      %mul3A_527 = arith.mulf %get3A_524, %mul3A_526 : vector<16xf32>
      %add3A_528 = arith.constant 5 : i32
      %add3A_529 = arith.addi %mul3A_168, %add3A_528 : i32
      %swap3A_530 = arith.index_cast %add3A_529 : i32 to index
      %swap3A_531 = arith.constant 32 : index
      %swap3A_532 = tpu.vector_load %arg6[%swap3A_530, %swap3A_531] {strides = array<i32>} : memref<128x128xf32, #tpu.memory_space<vmem>>, vector<1x16xf32>,
      %swap3A_533 = vector.shape_cast %swap3A_532 : vector<1x16xf32> to vector<16xf32>
      %swap3A_534 = vector.shape_cast %mul3A_527 : vector<16xf32> to vector<1x16xf32>
      tpu.vector_store %arg6[%swap3A_530, %swap3A_531], %swap3A_534 {strides = array<i32>} : memref<128x128xf32, #tpu.memory_space<vmem>>, vector<1x16xf32>,
      %add3A_535 = arith.constant 5 : i32
      %add3A_536 = arith.addi %mul3A_168, %add3A_535 : i32
      %get3A_537 = arith.index_cast %add3A_536 : i32 to index
      %get3A_538 = arith.constant 48 : index
      %get3A_539 = tpu.vector_load %arg6[%get3A_537, %get3A_538] {strides = array<i32>} : memref<128x128xf32, #tpu.memory_space<vmem>>, vector<1x16xf32>,
      %get3A_540 = vector.shape_cast %get3A_539 : vector<1x16xf32> to vector<16xf32>
      %mul3A_541 = arith.constant 8.000000e+00 : f32
      %mul3A_542 = vector.broadcast %mul3A_541 : f32 to vector<16xf32>
      %mul3A_543 = arith.mulf %get3A_540, %mul3A_542 : vector<16xf32>
      %add3A_544 = arith.constant 5 : i32
      %add3A_545 = arith.addi %mul3A_168, %add3A_544 : i32
      %swap3A_546 = arith.index_cast %add3A_545 : i32 to index
      %swap3A_547 = arith.constant 48 : index
      %swap3A_548 = tpu.vector_load %arg6[%swap3A_546, %swap3A_547] {strides = array<i32>} : memref<128x128xf32, #tpu.memory_space<vmem>>, vector<1x16xf32>,
      %swap3A_549 = vector.shape_cast %swap3A_548 : vector<1x16xf32> to vector<16xf32>
      %swap3A_550 = vector.shape_cast %mul3A_543 : vector<16xf32> to vector<1x16xf32>
      tpu.vector_store %arg6[%swap3A_546, %swap3A_547], %swap3A_550 {strides = array<i32>} : memref<128x128xf32, #tpu.memory_space<vmem>>, vector<1x16xf32>,
      %add3A_551 = arith.constant 6 : i32
      %add3A_552 = arith.addi %mul3A_168, %add3A_551 : i32
      %get3A_553 = arith.index_cast %add3A_552 : i32 to index
      %get3A_554 = arith.constant 0 : index
      %get3A_555 = tpu.vector_load %arg6[%get3A_553, %get3A_554] {strides = array<i32>} : memref<128x128xf32, #tpu.memory_space<vmem>>, vector<1x16xf32>,
      %get3A_556 = vector.shape_cast %get3A_555 : vector<1x16xf32> to vector<16xf32>
      %mul3A_557 = arith.constant 8.000000e+00 : f32
      %mul3A_558 = vector.broadcast %mul3A_557 : f32 to vector<16xf32>
      %mul3A_559 = arith.mulf %get3A_556, %mul3A_558 : vector<16xf32>
      %add3A_560 = arith.constant 6 : i32
      %add3A_561 = arith.addi %mul3A_168, %add3A_560 : i32
      %swap3A_562 = arith.index_cast %add3A_561 : i32 to index
      %swap3A_563 = arith.constant 0 : index
      %swap3A_564 = tpu.vector_load %arg6[%swap3A_562, %swap3A_563] {strides = array<i32>} : memref<128x128xf32, #tpu.memory_space<vmem>>, vector<1x16xf32>,
      %swap3A_565 = vector.shape_cast %swap3A_564 : vector<1x16xf32> to vector<16xf32>
      %swap3A_566 = vector.shape_cast %mul3A_559 : vector<16xf32> to vector<1x16xf32>
      tpu.vector_store %arg6[%swap3A_562, %swap3A_563], %swap3A_566 {strides = array<i32>} : memref<128x128xf32, #tpu.memory_space<vmem>>, vector<1x16xf32>,
      %add3A_567 = arith.constant 6 : i32
      %add3A_568 = arith.addi %mul3A_168, %add3A_567 : i32
      %get3A_569 = arith.index_cast %add3A_568 : i32 to index
      %get3A_570 = arith.constant 16 : index
      %get3A_571 = tpu.vector_load %arg6[%get3A_569, %get3A_570] {strides = array<i32>} : memref<128x128xf32, #tpu.memory_space<vmem>>, vector<1x16xf32>,
      %get3A_572 = vector.shape_cast %get3A_571 : vector<1x16xf32> to vector<16xf32>
      %mul3A_573 = arith.constant 8.000000e+00 : f32
      %mul3A_574 = vector.broadcast %mul3A_573 : f32 to vector<16xf32>
      %mul3A_575 = arith.mulf %get3A_572, %mul3A_574 : vector<16xf32>
      %add3A_576 = arith.constant 6 : i32
      %add3A_577 = arith.addi %mul3A_168, %add3A_576 : i32
      %swap3A_578 = arith.index_cast %add3A_577 : i32 to index
      %swap3A_579 = arith.constant 16 : index
      %swap3A_580 = tpu.vector_load %arg6[%swap3A_578, %swap3A_579] {strides = array<i32>} : memref<128x128xf32, #tpu.memory_space<vmem>>, vector<1x16xf32>,
      %swap3A_581 = vector.shape_cast %swap3A_580 : vector<1x16xf32> to vector<16xf32>
      %swap3A_582 = vector.shape_cast %mul3A_575 : vector<16xf32> to vector<1x16xf32>
      tpu.vector_store %arg6[%swap3A_578, %swap3A_579], %swap3A_582 {strides = array<i32>} : memref<128x128xf32, #tpu.memory_space<vmem>>, vector<1x16xf32>,
      %add3A_583 = arith.constant 6 : i32
      %add3A_584 = arith.addi %mul3A_168, %add3A_583 : i32
      %get3A_585 = arith.index_cast %add3A_584 : i32 to index
      %get3A_586 = arith.constant 32 : index
      %get3A_587 = tpu.vector_load %arg6[%get3A_585, %get3A_586] {strides = array<i32>} : memref<128x128xf32, #tpu.memory_space<vmem>>, vector<1x16xf32>,
      %get3A_588 = vector.shape_cast %get3A_587 : vector<1x16xf32> to vector<16xf32>
      %mul3A_589 = arith.constant 8.000000e+00 : f32
      %mul3A_590 = vector.broadcast %mul3A_589 : f32 to vector<16xf32>
      %mul3A_591 = arith.mulf %get3A_588, %mul3A_590 : vector<16xf32>
      %add3A_592 = arith.constant 6 : i32
      %add3A_593 = arith.addi %mul3A_168, %add3A_592 : i32
      %swap3A_594 = arith.index_cast %add3A_593 : i32 to index
      %swap3A_595 = arith.constant 32 : index
      %swap3A_596 = tpu.vector_load %arg6[%swap3A_594, %swap3A_595] {strides = array<i32>} : memref<128x128xf32, #tpu.memory_space<vmem>>, vector<1x16xf32>,
      %swap3A_597 = vector.shape_cast %swap3A_596 : vector<1x16xf32> to vector<16xf32>
      %swap3A_598 = vector.shape_cast %mul3A_591 : vector<16xf32> to vector<1x16xf32>
      tpu.vector_store %arg6[%swap3A_594, %swap3A_595], %swap3A_598 {strides = array<i32>} : memref<128x128xf32, #tpu.memory_space<vmem>>, vector<1x16xf32>,
      %add3A_599 = arith.constant 6 : i32
      %add3A_600 = arith.addi %mul3A_168, %add3A_599 : i32
      %get3A_601 = arith.index_cast %add3A_600 : i32 to index
      %get3A_602 = arith.constant 48 : index
      %get3A_603 = tpu.vector_load %arg6[%get3A_601, %get3A_602] {strides = array<i32>} : memref<128x128xf32, #tpu.memory_space<vmem>>, vector<1x16xf32>,
      %get3A_604 = vector.shape_cast %get3A_603 : vector<1x16xf32> to vector<16xf32>
      %mul3A_605 = arith.constant 8.000000e+00 : f32
      %mul3A_606 = vector.broadcast %mul3A_605 : f32 to vector<16xf32>
      %mul3A_607 = arith.mulf %get3A_604, %mul3A_606 : vector<16xf32>
      %add3A_608 = arith.constant 6 : i32
      %add3A_609 = arith.addi %mul3A_168, %add3A_608 : i32
      %swap3A_610 = arith.index_cast %add3A_609 : i32 to index
      %swap3A_611 = arith.constant 48 : index
      %swap3A_612 = tpu.vector_load %arg6[%swap3A_610, %swap3A_611] {strides = array<i32>} : memref<128x128xf32, #tpu.memory_space<vmem>>, vector<1x16xf32>,
      %swap3A_613 = vector.shape_cast %swap3A_612 : vector<1x16xf32> to vector<16xf32>
      %swap3A_614 = vector.shape_cast %mul3A_607 : vector<16xf32> to vector<1x16xf32>
      tpu.vector_store %arg6[%swap3A_610, %swap3A_611], %swap3A_614 {strides = array<i32>} : memref<128x128xf32, #tpu.memory_space<vmem>>, vector<1x16xf32>,
      %add3A_615 = arith.constant 7 : i32
      %add3A_616 = arith.addi %mul3A_168, %add3A_615 : i32
      %get3A_617 = arith.index_cast %add3A_616 : i32 to index
      %get3A_618 = arith.constant 0 : index
      %get3A_619 = tpu.vector_load %arg6[%get3A_617, %get3A_618] {strides = array<i32>} : memref<128x128xf32, #tpu.memory_space<vmem>>, vector<1x16xf32>,
      %get3A_620 = vector.shape_cast %get3A_619 : vector<1x16xf32> to vector<16xf32>
      %mul3A_621 = arith.constant 8.000000e+00 : f32
      %mul3A_622 = vector.broadcast %mul3A_621 : f32 to vector<16xf32>
      %mul3A_623 = arith.mulf %get3A_620, %mul3A_622 : vector<16xf32>
      %add3A_624 = arith.constant 7 : i32
      %add3A_625 = arith.addi %mul3A_168, %add3A_624 : i32
      %swap3A_626 = arith.index_cast %add3A_625 : i32 to index
      %swap3A_627 = arith.constant 0 : index
      %swap3A_628 = tpu.vector_load %arg6[%swap3A_626, %swap3A_627] {strides = array<i32>} : memref<128x128xf32, #tpu.memory_space<vmem>>, vector<1x16xf32>,
      %swap3A_629 = vector.shape_cast %swap3A_628 : vector<1x16xf32> to vector<16xf32>
      %swap3A_630 = vector.shape_cast %mul3A_623 : vector<16xf32> to vector<1x16xf32>
      tpu.vector_store %arg6[%swap3A_626, %swap3A_627], %swap3A_630 {strides = array<i32>} : memref<128x128xf32, #tpu.memory_space<vmem>>, vector<1x16xf32>,
      %add3A_631 = arith.constant 7 : i32
      %add3A_632 = arith.addi %mul3A_168, %add3A_631 : i32
      %get3A_633 = arith.index_cast %add3A_632 : i32 to index
      %get3A_634 = arith.constant 16 : index
      %get3A_635 = tpu.vector_load %arg6[%get3A_633, %get3A_634] {strides = array<i32>} : memref<128x128xf32, #tpu.memory_space<vmem>>, vector<1x16xf32>,
      %get3A_636 = vector.shape_cast %get3A_635 : vector<1x16xf32> to vector<16xf32>
      %mul3A_637 = arith.constant 8.000000e+00 : f32
      %mul3A_638 = vector.broadcast %mul3A_637 : f32 to vector<16xf32>
      %mul3A_639 = arith.mulf %get3A_636, %mul3A_638 : vector<16xf32>
      %add3A_640 = arith.constant 7 : i32
      %add3A_641 = arith.addi %mul3A_168, %add3A_640 : i32
      %swap3A_642 = arith.index_cast %add3A_641 : i32 to index
      %swap3A_643 = arith.constant 16 : index
      %swap3A_644 = tpu.vector_load %arg6[%swap3A_642, %swap3A_643] {strides = array<i32>} : memref<128x128xf32, #tpu.memory_space<vmem>>, vector<1x16xf32>,
      %swap3A_645 = vector.shape_cast %swap3A_644 : vector<1x16xf32> to vector<16xf32>
      %swap3A_646 = vector.shape_cast %mul3A_639 : vector<16xf32> to vector<1x16xf32>
      tpu.vector_store %arg6[%swap3A_642, %swap3A_643], %swap3A_646 {strides = array<i32>} : memref<128x128xf32, #tpu.memory_space<vmem>>, vector<1x16xf32>,
      %add3A_647 = arith.constant 7 : i32
      %add3A_648 = arith.addi %mul3A_168, %add3A_647 : i32
      %get3A_649 = arith.index_cast %add3A_648 : i32 to index
      %get3A_650 = arith.constant 32 : index
      %get3A_651 = tpu.vector_load %arg6[%get3A_649, %get3A_650] {strides = array<i32>} : memref<128x128xf32, #tpu.memory_space<vmem>>, vector<1x16xf32>,
      %get3A_652 = vector.shape_cast %get3A_651 : vector<1x16xf32> to vector<16xf32>
      %mul3A_653 = arith.constant 8.000000e+00 : f32
      %mul3A_654 = vector.broadcast %mul3A_653 : f32 to vector<16xf32>
      %mul3A_655 = arith.mulf %get3A_652, %mul3A_654 : vector<16xf32>
      %add3A_656 = arith.constant 7 : i32
      %add3A_657 = arith.addi %mul3A_168, %add3A_656 : i32
      %swap3A_658 = arith.index_cast %add3A_657 : i32 to index
      %swap3A_659 = arith.constant 32 : index
      %swap3A_660 = tpu.vector_load %arg6[%swap3A_658, %swap3A_659] {strides = array<i32>} : memref<128x128xf32, #tpu.memory_space<vmem>>, vector<1x16xf32>,
      %swap3A_661 = vector.shape_cast %swap3A_660 : vector<1x16xf32> to vector<16xf32>
      %swap3A_662 = vector.shape_cast %mul3A_655 : vector<16xf32> to vector<1x16xf32>
      tpu.vector_store %arg6[%swap3A_658, %swap3A_659], %swap3A_662 {strides = array<i32>} : memref<128x128xf32, #tpu.memory_space<vmem>>, vector<1x16xf32>,
      %add3A_663 = arith.constant 7 : i32
      %add3A_664 = arith.addi %mul3A_168, %add3A_663 : i32
      %get3A_665 = arith.index_cast %add3A_664 : i32 to index
      %get3A_666 = arith.constant 48 : index
      %get3A_667 = tpu.vector_load %arg6[%get3A_665, %get3A_666] {strides = array<i32>} : memref<128x128xf32, #tpu.memory_space<vmem>>, vector<1x16xf32>,
      %get3A_668 = vector.shape_cast %get3A_667 : vector<1x16xf32> to vector<16xf32>
      %mul3A_669 = arith.constant 8.000000e+00 : f32
      %mul3A_670 = vector.broadcast %mul3A_669 : f32 to vector<16xf32>
      %mul3A_671 = arith.mulf %get3A_668, %mul3A_670 : vector<16xf32>
      %add3A_672 = arith.constant 7 : i32
      %add3A_673 = arith.addi %mul3A_168, %add3A_672 : i32
      %swap3A_674 = arith.index_cast %add3A_673 : i32 to index
      %swap3A_675 = arith.constant 48 : index
      %swap3A_676 = tpu.vector_load %arg6[%swap3A_674, %swap3A_675] {strides = array<i32>} : memref<128x128xf32, #tpu.memory_space<vmem>>, vector<1x16xf32>,
      %swap3A_677 = vector.shape_cast %swap3A_676 : vector<1x16xf32> to vector<16xf32>
      %swap3A_678 = vector.shape_cast %mul3A_671 : vector<16xf32> to vector<1x16xf32>
      tpu.vector_store %arg6[%swap3A_674, %swap3A_675], %swap3A_678 {strides = array<i32>} : memref<128x128xf32, #tpu.memory_space<vmem>>, vector<1x16xf32>,
    }
    %scan3A_53 = arith.constant 16 : i32
    %add3A_54 = arith.constant 126 : i32
    %add3A_55 = arith.addi %mul3A_2, %add3A_54 : i32
    %dma_start3A_56 = arith.constant 0 : i32
    %dma_start3A_57 = arith.constant 0 : i32
    %dma_start3A_58 = tpu.memref_slice %arg4[%add3A_55, %dma_start3A_56, %dma_start3A_57] : memref<4096x200x128xf32, #tpu.memory_space<hbm>> -> memref<1x128x128xf32, #tpu.memory_space<hbm>>
    %dma_start3A_59 = tpu.memref_squeeze %dma_start3A_58 : memref<1x128x128xf32, #tpu.memory_space<hbm>> -> memref<128x128xf32, #tpu.memory_space<hbm>>
    %dma_start3A_60 = arith.constant 0 : i32
    %dma_start3A_61 = arith.constant 0 : i32
    %dma_start3A_62 = tpu.memref_slice %arg4[%add3A_55, %dma_start3A_60, %dma_start3A_61] : memref<4096x200x128xf32, #tpu.memory_space<hbm>> -> memref<1x128x128xf32, #tpu.memory_space<hbm>>
    %dma_start3A_63 = tpu.memref_squeeze %dma_start3A_62 : memref<1x128x128xf32, #tpu.memory_space<hbm>> -> memref<128x128xf32, #tpu.memory_space<hbm>>
    tpu.enqueue_dma source(%arg6 : memref<128x128xf32, #tpu.memory_space<vmem>>) target(%dma_start3A_63 : memref<128x128xf32, #tpu.memory_space<hbm>>) target_semaphore(%arg12 : memref<!tpu.dma_semaphore, #tpu.memory_space<semaphore_mem>>)
    %scan3A_64 = arith.constant 0 : i32
    %scan3A_65 = arith.constant 0 : i32
    %scan3A_66 = arith.constant 9 : i32
    %scan3A_67 = arith.addi %scan3A_65, %scan3A_66 : i32
    %scan3A_68 = arith.constant 1 : i32
    scf.for %scan3A_166 = %scan3A_65 to %scan3A_67 step %scan3A_68  : i32 {
      %mul3A_167 = arith.constant 8 : i32
      %mul3A_168 = arith.muli %scan3A_166, %mul3A_167 : i32
      %add3A_169 = arith.constant 0 : i32
      %add3A_170 = arith.addi %mul3A_168, %add3A_169 : i32
      %get3A = arith.index_cast %add3A_170 : i32 to index
      %get3A_171 = arith.constant 0 : index
      %get3A_172 = tpu.vector_load %arg7[%get3A, %get3A_171] {strides = array<i32>} : memref<72x128xf32, #tpu.memory_space<vmem>>, vector<1x16xf32>,
      %get3A_173 = vector.shape_cast %get3A_172 : vector<1x16xf32> to vector<16xf32>
      %mul3A_174 = arith.constant 8.000000e+00 : f32
      %mul3A_175 = vector.broadcast %mul3A_174 : f32 to vector<16xf32>
      %mul3A_176 = arith.mulf %get3A_173, %mul3A_175 : vector<16xf32>
      %add3A_177 = arith.constant 0 : i32
      %add3A_178 = arith.addi %mul3A_168, %add3A_177 : i32
      %swap3A = arith.index_cast %add3A_178 : i32 to index
      %swap3A_179 = arith.constant 0 : index
      %swap3A_180 = tpu.vector_load %arg7[%swap3A, %swap3A_179] {strides = array<i32>} : memref<72x128xf32, #tpu.memory_space<vmem>>, vector<1x16xf32>,
      %swap3A_181 = vector.shape_cast %swap3A_180 : vector<1x16xf32> to vector<16xf32>
      %swap3A_182 = vector.shape_cast %mul3A_176 : vector<16xf32> to vector<1x16xf32>
      tpu.vector_store %arg7[%swap3A, %swap3A_179], %swap3A_182 {strides = array<i32>} : memref<72x128xf32, #tpu.memory_space<vmem>>, vector<1x16xf32>,
      %add3A_183 = arith.constant 0 : i32
      %add3A_184 = arith.addi %mul3A_168, %add3A_183 : i32
      %get3A_185 = arith.index_cast %add3A_184 : i32 to index
      %get3A_186 = arith.constant 16 : index
      %get3A_187 = tpu.vector_load %arg7[%get3A_185, %get3A_186] {strides = array<i32>} : memref<72x128xf32, #tpu.memory_space<vmem>>, vector<1x16xf32>,
      %get3A_188 = vector.shape_cast %get3A_187 : vector<1x16xf32> to vector<16xf32>
      %mul3A_189 = arith.constant 8.000000e+00 : f32
      %mul3A_190 = vector.broadcast %mul3A_189 : f32 to vector<16xf32>
      %mul3A_191 = arith.mulf %get3A_188, %mul3A_190 : vector<16xf32>
      %add3A_192 = arith.constant 0 : i32
      %add3A_193 = arith.addi %mul3A_168, %add3A_192 : i32
      %swap3A_194 = arith.index_cast %add3A_193 : i32 to index
      %swap3A_195 = arith.constant 16 : index
      %swap3A_196 = tpu.vector_load %arg7[%swap3A_194, %swap3A_195] {strides = array<i32>} : memref<72x128xf32, #tpu.memory_space<vmem>>, vector<1x16xf32>,
      %swap3A_197 = vector.shape_cast %swap3A_196 : vector<1x16xf32> to vector<16xf32>
      %swap3A_198 = vector.shape_cast %mul3A_191 : vector<16xf32> to vector<1x16xf32>
      tpu.vector_store %arg7[%swap3A_194, %swap3A_195], %swap3A_198 {strides = array<i32>} : memref<72x128xf32, #tpu.memory_space<vmem>>, vector<1x16xf32>,
      %add3A_199 = arith.constant 0 : i32
      %add3A_200 = arith.addi %mul3A_168, %add3A_199 : i32
      %get3A_201 = arith.index_cast %add3A_200 : i32 to index
      %get3A_202 = arith.constant 32 : index
      %get3A_203 = tpu.vector_load %arg7[%get3A_201, %get3A_202] {strides = array<i32>} : memref<72x128xf32, #tpu.memory_space<vmem>>, vector<1x16xf32>,
      %get3A_204 = vector.shape_cast %get3A_203 : vector<1x16xf32> to vector<16xf32>
      %mul3A_205 = arith.constant 8.000000e+00 : f32
      %mul3A_206 = vector.broadcast %mul3A_205 : f32 to vector<16xf32>
      %mul3A_207 = arith.mulf %get3A_204, %mul3A_206 : vector<16xf32>
      %add3A_208 = arith.constant 0 : i32
      %add3A_209 = arith.addi %mul3A_168, %add3A_208 : i32
      %swap3A_210 = arith.index_cast %add3A_209 : i32 to index
      %swap3A_211 = arith.constant 32 : index
      %swap3A_212 = tpu.vector_load %arg7[%swap3A_210, %swap3A_211] {strides = array<i32>} : memref<72x128xf32, #tpu.memory_space<vmem>>, vector<1x16xf32>,
      %swap3A_213 = vector.shape_cast %swap3A_212 : vector<1x16xf32> to vector<16xf32>
      %swap3A_214 = vector.shape_cast %mul3A_207 : vector<16xf32> to vector<1x16xf32>
      tpu.vector_store %arg7[%swap3A_210, %swap3A_211], %swap3A_214 {strides = array<i32>} : memref<72x128xf32, #tpu.memory_space<vmem>>, vector<1x16xf32>,
      %add3A_215 = arith.constant 0 : i32
      %add3A_216 = arith.addi %mul3A_168, %add3A_215 : i32
      %get3A_217 = arith.index_cast %add3A_216 : i32 to index
      %get3A_218 = arith.constant 48 : index
      %get3A_219 = tpu.vector_load %arg7[%get3A_217, %get3A_218] {strides = array<i32>} : memref<72x128xf32, #tpu.memory_space<vmem>>, vector<1x16xf32>,
      %get3A_220 = vector.shape_cast %get3A_219 : vector<1x16xf32> to vector<16xf32>
      %mul3A_221 = arith.constant 8.000000e+00 : f32
      %mul3A_222 = vector.broadcast %mul3A_221 : f32 to vector<16xf32>
      %mul3A_223 = arith.mulf %get3A_220, %mul3A_222 : vector<16xf32>
      %add3A_224 = arith.constant 0 : i32
      %add3A_225 = arith.addi %mul3A_168, %add3A_224 : i32
      %swap3A_226 = arith.index_cast %add3A_225 : i32 to index
      %swap3A_227 = arith.constant 48 : index
      %swap3A_228 = tpu.vector_load %arg7[%swap3A_226, %swap3A_227] {strides = array<i32>} : memref<72x128xf32, #tpu.memory_space<vmem>>, vector<1x16xf32>,
      %swap3A_229 = vector.shape_cast %swap3A_228 : vector<1x16xf32> to vector<16xf32>
      %swap3A_230 = vector.shape_cast %mul3A_223 : vector<16xf32> to vector<1x16xf32>
      tpu.vector_store %arg7[%swap3A_226, %swap3A_227], %swap3A_230 {strides = array<i32>} : memref<72x128xf32, #tpu.memory_space<vmem>>, vector<1x16xf32>,
      %add3A_231 = arith.constant 1 : i32
      %add3A_232 = arith.addi %mul3A_168, %add3A_231 : i32
      %get3A_233 = arith.index_cast %add3A_232 : i32 to index
      %get3A_234 = arith.constant 0 : index
      %get3A_235 = tpu.vector_load %arg7[%get3A_233, %get3A_234] {strides = array<i32>} : memref<72x128xf32, #tpu.memory_space<vmem>>, vector<1x16xf32>,
      %get3A_236 = vector.shape_cast %get3A_235 : vector<1x16xf32> to vector<16xf32>
      %mul3A_237 = arith.constant 8.000000e+00 : f32
      %mul3A_238 = vector.broadcast %mul3A_237 : f32 to vector<16xf32>
      %mul3A_239 = arith.mulf %get3A_236, %mul3A_238 : vector<16xf32>
      %add3A_240 = arith.constant 1 : i32
      %add3A_241 = arith.addi %mul3A_168, %add3A_240 : i32
      %swap3A_242 = arith.index_cast %add3A_241 : i32 to index
      %swap3A_243 = arith.constant 0 : index
      %swap3A_244 = tpu.vector_load %arg7[%swap3A_242, %swap3A_243] {strides = array<i32>} : memref<72x128xf32, #tpu.memory_space<vmem>>, vector<1x16xf32>,
      %swap3A_245 = vector.shape_cast %swap3A_244 : vector<1x16xf32> to vector<16xf32>
      %swap3A_246 = vector.shape_cast %mul3A_239 : vector<16xf32> to vector<1x16xf32>
      tpu.vector_store %arg7[%swap3A_242, %swap3A_243], %swap3A_246 {strides = array<i32>} : memref<72x128xf32, #tpu.memory_space<vmem>>, vector<1x16xf32>,
      %add3A_247 = arith.constant 1 : i32
      %add3A_248 = arith.addi %mul3A_168, %add3A_247 : i32
      %get3A_249 = arith.index_cast %add3A_248 : i32 to index
      %get3A_250 = arith.constant 16 : index
      %get3A_251 = tpu.vector_load %arg7[%get3A_249, %get3A_250] {strides = array<i32>} : memref<72x128xf32, #tpu.memory_space<vmem>>, vector<1x16xf32>,
      %get3A_252 = vector.shape_cast %get3A_251 : vector<1x16xf32> to vector<16xf32>
      %mul3A_253 = arith.constant 8.000000e+00 : f32
      %mul3A_254 = vector.broadcast %mul3A_253 : f32 to vector<16xf32>
      %mul3A_255 = arith.mulf %get3A_252, %mul3A_254 : vector<16xf32>
      %add3A_256 = arith.constant 1 : i32
      %add3A_257 = arith.addi %mul3A_168, %add3A_256 : i32
      %swap3A_258 = arith.index_cast %add3A_257 : i32 to index
      %swap3A_259 = arith.constant 16 : index
      %swap3A_260 = tpu.vector_load %arg7[%swap3A_258, %swap3A_259] {strides = array<i32>} : memref<72x128xf32, #tpu.memory_space<vmem>>, vector<1x16xf32>,
      %swap3A_261 = vector.shape_cast %swap3A_260 : vector<1x16xf32> to vector<16xf32>
      %swap3A_262 = vector.shape_cast %mul3A_255 : vector<16xf32> to vector<1x16xf32>
      tpu.vector_store %arg7[%swap3A_258, %swap3A_259], %swap3A_262 {strides = array<i32>} : memref<72x128xf32, #tpu.memory_space<vmem>>, vector<1x16xf32>,
      %add3A_263 = arith.constant 1 : i32
      %add3A_264 = arith.addi %mul3A_168, %add3A_263 : i32
      %get3A_265 = arith.index_cast %add3A_264 : i32 to index
      %get3A_266 = arith.constant 32 : index
      %get3A_267 = tpu.vector_load %arg7[%get3A_265, %get3A_266] {strides = array<i32>} : memref<72x128xf32, #tpu.memory_space<vmem>>, vector<1x16xf32>,
      %get3A_268 = vector.shape_cast %get3A_267 : vector<1x16xf32> to vector<16xf32>
      %mul3A_269 = arith.constant 8.000000e+00 : f32
      %mul3A_270 = vector.broadcast %mul3A_269 : f32 to vector<16xf32>
      %mul3A_271 = arith.mulf %get3A_268, %mul3A_270 : vector<16xf32>
      %add3A_272 = arith.constant 1 : i32
      %add3A_273 = arith.addi %mul3A_168, %add3A_272 : i32
      %swap3A_274 = arith.index_cast %add3A_273 : i32 to index
      %swap3A_275 = arith.constant 32 : index
      %swap3A_276 = tpu.vector_load %arg7[%swap3A_274, %swap3A_275] {strides = array<i32>} : memref<72x128xf32, #tpu.memory_space<vmem>>, vector<1x16xf32>,
      %swap3A_277 = vector.shape_cast %swap3A_276 : vector<1x16xf32> to vector<16xf32>
      %swap3A_278 = vector.shape_cast %mul3A_271 : vector<16xf32> to vector<1x16xf32>
      tpu.vector_store %arg7[%swap3A_274, %swap3A_275], %swap3A_278 {strides = array<i32>} : memref<72x128xf32, #tpu.memory_space<vmem>>, vector<1x16xf32>,
      %add3A_279 = arith.constant 1 : i32
      %add3A_280 = arith.addi %mul3A_168, %add3A_279 : i32
      %get3A_281 = arith.index_cast %add3A_280 : i32 to index
      %get3A_282 = arith.constant 48 : index
      %get3A_283 = tpu.vector_load %arg7[%get3A_281, %get3A_282] {strides = array<i32>} : memref<72x128xf32, #tpu.memory_space<vmem>>, vector<1x16xf32>,
      %get3A_284 = vector.shape_cast %get3A_283 : vector<1x16xf32> to vector<16xf32>
      %mul3A_285 = arith.constant 8.000000e+00 : f32
      %mul3A_286 = vector.broadcast %mul3A_285 : f32 to vector<16xf32>
      %mul3A_287 = arith.mulf %get3A_284, %mul3A_286 : vector<16xf32>
      %add3A_288 = arith.constant 1 : i32
      %add3A_289 = arith.addi %mul3A_168, %add3A_288 : i32
      %swap3A_290 = arith.index_cast %add3A_289 : i32 to index
      %swap3A_291 = arith.constant 48 : index
      %swap3A_292 = tpu.vector_load %arg7[%swap3A_290, %swap3A_291] {strides = array<i32>} : memref<72x128xf32, #tpu.memory_space<vmem>>, vector<1x16xf32>,
      %swap3A_293 = vector.shape_cast %swap3A_292 : vector<1x16xf32> to vector<16xf32>
      %swap3A_294 = vector.shape_cast %mul3A_287 : vector<16xf32> to vector<1x16xf32>
      tpu.vector_store %arg7[%swap3A_290, %swap3A_291], %swap3A_294 {strides = array<i32>} : memref<72x128xf32, #tpu.memory_space<vmem>>, vector<1x16xf32>,
      %add3A_295 = arith.constant 2 : i32
      %add3A_296 = arith.addi %mul3A_168, %add3A_295 : i32
      %get3A_297 = arith.index_cast %add3A_296 : i32 to index
      %get3A_298 = arith.constant 0 : index
      %get3A_299 = tpu.vector_load %arg7[%get3A_297, %get3A_298] {strides = array<i32>} : memref<72x128xf32, #tpu.memory_space<vmem>>, vector<1x16xf32>,
      %get3A_300 = vector.shape_cast %get3A_299 : vector<1x16xf32> to vector<16xf32>
      %mul3A_301 = arith.constant 8.000000e+00 : f32
      %mul3A_302 = vector.broadcast %mul3A_301 : f32 to vector<16xf32>
      %mul3A_303 = arith.mulf %get3A_300, %mul3A_302 : vector<16xf32>
      %add3A_304 = arith.constant 2 : i32
      %add3A_305 = arith.addi %mul3A_168, %add3A_304 : i32
      %swap3A_306 = arith.index_cast %add3A_305 : i32 to index
      %swap3A_307 = arith.constant 0 : index
      %swap3A_308 = tpu.vector_load %arg7[%swap3A_306, %swap3A_307] {strides = array<i32>} : memref<72x128xf32, #tpu.memory_space<vmem>>, vector<1x16xf32>,
      %swap3A_309 = vector.shape_cast %swap3A_308 : vector<1x16xf32> to vector<16xf32>
      %swap3A_310 = vector.shape_cast %mul3A_303 : vector<16xf32> to vector<1x16xf32>
      tpu.vector_store %arg7[%swap3A_306, %swap3A_307], %swap3A_310 {strides = array<i32>} : memref<72x128xf32, #tpu.memory_space<vmem>>, vector<1x16xf32>,
      %add3A_311 = arith.constant 2 : i32
      %add3A_312 = arith.addi %mul3A_168, %add3A_311 : i32
      %get3A_313 = arith.index_cast %add3A_312 : i32 to index
      %get3A_314 = arith.constant 16 : index
      %get3A_315 = tpu.vector_load %arg7[%get3A_313, %get3A_314] {strides = array<i32>} : memref<72x128xf32, #tpu.memory_space<vmem>>, vector<1x16xf32>,
      %get3A_316 = vector.shape_cast %get3A_315 : vector<1x16xf32> to vector<16xf32>
      %mul3A_317 = arith.constant 8.000000e+00 : f32
      %mul3A_318 = vector.broadcast %mul3A_317 : f32 to vector<16xf32>
      %mul3A_319 = arith.mulf %get3A_316, %mul3A_318 : vector<16xf32>
      %add3A_320 = arith.constant 2 : i32
      %add3A_321 = arith.addi %mul3A_168, %add3A_320 : i32
      %swap3A_322 = arith.index_cast %add3A_321 : i32 to index
      %swap3A_323 = arith.constant 16 : index
      %swap3A_324 = tpu.vector_load %arg7[%swap3A_322, %swap3A_323] {strides = array<i32>} : memref<72x128xf32, #tpu.memory_space<vmem>>, vector<1x16xf32>,
      %swap3A_325 = vector.shape_cast %swap3A_324 : vector<1x16xf32> to vector<16xf32>
      %swap3A_326 = vector.shape_cast %mul3A_319 : vector<16xf32> to vector<1x16xf32>
      tpu.vector_store %arg7[%swap3A_322, %swap3A_323], %swap3A_326 {strides = array<i32>} : memref<72x128xf32, #tpu.memory_space<vmem>>, vector<1x16xf32>,
      %add3A_327 = arith.constant 2 : i32
      %add3A_328 = arith.addi %mul3A_168, %add3A_327 : i32
      %get3A_329 = arith.index_cast %add3A_328 : i32 to index
      %get3A_330 = arith.constant 32 : index
      %get3A_331 = tpu.vector_load %arg7[%get3A_329, %get3A_330] {strides = array<i32>} : memref<72x128xf32, #tpu.memory_space<vmem>>, vector<1x16xf32>,
      %get3A_332 = vector.shape_cast %get3A_331 : vector<1x16xf32> to vector<16xf32>
      %mul3A_333 = arith.constant 8.000000e+00 : f32
      %mul3A_334 = vector.broadcast %mul3A_333 : f32 to vector<16xf32>
      %mul3A_335 = arith.mulf %get3A_332, %mul3A_334 : vector<16xf32>
      %add3A_336 = arith.constant 2 : i32
      %add3A_337 = arith.addi %mul3A_168, %add3A_336 : i32
      %swap3A_338 = arith.index_cast %add3A_337 : i32 to index
      %swap3A_339 = arith.constant 32 : index
      %swap3A_340 = tpu.vector_load %arg7[%swap3A_338, %swap3A_339] {strides = array<i32>} : memref<72x128xf32, #tpu.memory_space<vmem>>, vector<1x16xf32>,
      %swap3A_341 = vector.shape_cast %swap3A_340 : vector<1x16xf32> to vector<16xf32>
      %swap3A_342 = vector.shape_cast %mul3A_335 : vector<16xf32> to vector<1x16xf32>
      tpu.vector_store %arg7[%swap3A_338, %swap3A_339], %swap3A_342 {strides = array<i32>} : memref<72x128xf32, #tpu.memory_space<vmem>>, vector<1x16xf32>,
      %add3A_343 = arith.constant 2 : i32
      %add3A_344 = arith.addi %mul3A_168, %add3A_343 : i32
      %get3A_345 = arith.index_cast %add3A_344 : i32 to index
      %get3A_346 = arith.constant 48 : index
      %get3A_347 = tpu.vector_load %arg7[%get3A_345, %get3A_346] {strides = array<i32>} : memref<72x128xf32, #tpu.memory_space<vmem>>, vector<1x16xf32>,
      %get3A_348 = vector.shape_cast %get3A_347 : vector<1x16xf32> to vector<16xf32>
      %mul3A_349 = arith.constant 8.000000e+00 : f32
      %mul3A_350 = vector.broadcast %mul3A_349 : f32 to vector<16xf32>
      %mul3A_351 = arith.mulf %get3A_348, %mul3A_350 : vector<16xf32>
      %add3A_352 = arith.constant 2 : i32
      %add3A_353 = arith.addi %mul3A_168, %add3A_352 : i32
      %swap3A_354 = arith.index_cast %add3A_353 : i32 to index
      %swap3A_355 = arith.constant 48 : index
      %swap3A_356 = tpu.vector_load %arg7[%swap3A_354, %swap3A_355] {strides = array<i32>} : memref<72x128xf32, #tpu.memory_space<vmem>>, vector<1x16xf32>,
      %swap3A_357 = vector.shape_cast %swap3A_356 : vector<1x16xf32> to vector<16xf32>
      %swap3A_358 = vector.shape_cast %mul3A_351 : vector<16xf32> to vector<1x16xf32>
      tpu.vector_store %arg7[%swap3A_354, %swap3A_355], %swap3A_358 {strides = array<i32>} : memref<72x128xf32, #tpu.memory_space<vmem>>, vector<1x16xf32>,
      %add3A_359 = arith.constant 3 : i32
      %add3A_360 = arith.addi %mul3A_168, %add3A_359 : i32
      %get3A_361 = arith.index_cast %add3A_360 : i32 to index
      %get3A_362 = arith.constant 0 : index
      %get3A_363 = tpu.vector_load %arg7[%get3A_361, %get3A_362] {strides = array<i32>} : memref<72x128xf32, #tpu.memory_space<vmem>>, vector<1x16xf32>,
      %get3A_364 = vector.shape_cast %get3A_363 : vector<1x16xf32> to vector<16xf32>
      %mul3A_365 = arith.constant 8.000000e+00 : f32
      %mul3A_366 = vector.broadcast %mul3A_365 : f32 to vector<16xf32>
      %mul3A_367 = arith.mulf %get3A_364, %mul3A_366 : vector<16xf32>
      %add3A_368 = arith.constant 3 : i32
      %add3A_369 = arith.addi %mul3A_168, %add3A_368 : i32
      %swap3A_370 = arith.index_cast %add3A_369 : i32 to index
      %swap3A_371 = arith.constant 0 : index
      %swap3A_372 = tpu.vector_load %arg7[%swap3A_370, %swap3A_371] {strides = array<i32>} : memref<72x128xf32, #tpu.memory_space<vmem>>, vector<1x16xf32>,
      %swap3A_373 = vector.shape_cast %swap3A_372 : vector<1x16xf32> to vector<16xf32>
      %swap3A_374 = vector.shape_cast %mul3A_367 : vector<16xf32> to vector<1x16xf32>
      tpu.vector_store %arg7[%swap3A_370, %swap3A_371], %swap3A_374 {strides = array<i32>} : memref<72x128xf32, #tpu.memory_space<vmem>>, vector<1x16xf32>,
      %add3A_375 = arith.constant 3 : i32
      %add3A_376 = arith.addi %mul3A_168, %add3A_375 : i32
      %get3A_377 = arith.index_cast %add3A_376 : i32 to index
      %get3A_378 = arith.constant 16 : index
      %get3A_379 = tpu.vector_load %arg7[%get3A_377, %get3A_378] {strides = array<i32>} : memref<72x128xf32, #tpu.memory_space<vmem>>, vector<1x16xf32>,
      %get3A_380 = vector.shape_cast %get3A_379 : vector<1x16xf32> to vector<16xf32>
      %mul3A_381 = arith.constant 8.000000e+00 : f32
      %mul3A_382 = vector.broadcast %mul3A_381 : f32 to vector<16xf32>
      %mul3A_383 = arith.mulf %get3A_380, %mul3A_382 : vector<16xf32>
      %add3A_384 = arith.constant 3 : i32
      %add3A_385 = arith.addi %mul3A_168, %add3A_384 : i32
      %swap3A_386 = arith.index_cast %add3A_385 : i32 to index
      %swap3A_387 = arith.constant 16 : index
      %swap3A_388 = tpu.vector_load %arg7[%swap3A_386, %swap3A_387] {strides = array<i32>} : memref<72x128xf32, #tpu.memory_space<vmem>>, vector<1x16xf32>,
      %swap3A_389 = vector.shape_cast %swap3A_388 : vector<1x16xf32> to vector<16xf32>
      %swap3A_390 = vector.shape_cast %mul3A_383 : vector<16xf32> to vector<1x16xf32>
      tpu.vector_store %arg7[%swap3A_386, %swap3A_387], %swap3A_390 {strides = array<i32>} : memref<72x128xf32, #tpu.memory_space<vmem>>, vector<1x16xf32>,
      %add3A_391 = arith.constant 3 : i32
      %add3A_392 = arith.addi %mul3A_168, %add3A_391 : i32
      %get3A_393 = arith.index_cast %add3A_392 : i32 to index
      %get3A_394 = arith.constant 32 : index
      %get3A_395 = tpu.vector_load %arg7[%get3A_393, %get3A_394] {strides = array<i32>} : memref<72x128xf32, #tpu.memory_space<vmem>>, vector<1x16xf32>,
      %get3A_396 = vector.shape_cast %get3A_395 : vector<1x16xf32> to vector<16xf32>
      %mul3A_397 = arith.constant 8.000000e+00 : f32
      %mul3A_398 = vector.broadcast %mul3A_397 : f32 to vector<16xf32>
      %mul3A_399 = arith.mulf %get3A_396, %mul3A_398 : vector<16xf32>
      %add3A_400 = arith.constant 3 : i32
      %add3A_401 = arith.addi %mul3A_168, %add3A_400 : i32
      %swap3A_402 = arith.index_cast %add3A_401 : i32 to index
      %swap3A_403 = arith.constant 32 : index
      %swap3A_404 = tpu.vector_load %arg7[%swap3A_402, %swap3A_403] {strides = array<i32>} : memref<72x128xf32, #tpu.memory_space<vmem>>, vector<1x16xf32>,
      %swap3A_405 = vector.shape_cast %swap3A_404 : vector<1x16xf32> to vector<16xf32>
      %swap3A_406 = vector.shape_cast %mul3A_399 : vector<16xf32> to vector<1x16xf32>
      tpu.vector_store %arg7[%swap3A_402, %swap3A_403], %swap3A_406 {strides = array<i32>} : memref<72x128xf32, #tpu.memory_space<vmem>>, vector<1x16xf32>,
      %add3A_407 = arith.constant 3 : i32
      %add3A_408 = arith.addi %mul3A_168, %add3A_407 : i32
      %get3A_409 = arith.index_cast %add3A_408 : i32 to index
      %get3A_410 = arith.constant 48 : index
      %get3A_411 = tpu.vector_load %arg7[%get3A_409, %get3A_410] {strides = array<i32>} : memref<72x128xf32, #tpu.memory_space<vmem>>, vector<1x16xf32>,
      %get3A_412 = vector.shape_cast %get3A_411 : vector<1x16xf32> to vector<16xf32>
      %mul3A_413 = arith.constant 8.000000e+00 : f32
      %mul3A_414 = vector.broadcast %mul3A_413 : f32 to vector<16xf32>
      %mul3A_415 = arith.mulf %get3A_412, %mul3A_414 : vector<16xf32>
      %add3A_416 = arith.constant 3 : i32
      %add3A_417 = arith.addi %mul3A_168, %add3A_416 : i32
      %swap3A_418 = arith.index_cast %add3A_417 : i32 to index
      %swap3A_419 = arith.constant 48 : index
      %swap3A_420 = tpu.vector_load %arg7[%swap3A_418, %swap3A_419] {strides = array<i32>} : memref<72x128xf32, #tpu.memory_space<vmem>>, vector<1x16xf32>,
      %swap3A_421 = vector.shape_cast %swap3A_420 : vector<1x16xf32> to vector<16xf32>
      %swap3A_422 = vector.shape_cast %mul3A_415 : vector<16xf32> to vector<1x16xf32>
      tpu.vector_store %arg7[%swap3A_418, %swap3A_419], %swap3A_422 {strides = array<i32>} : memref<72x128xf32, #tpu.memory_space<vmem>>, vector<1x16xf32>,
      %add3A_423 = arith.constant 4 : i32
      %add3A_424 = arith.addi %mul3A_168, %add3A_423 : i32
      %get3A_425 = arith.index_cast %add3A_424 : i32 to index
      %get3A_426 = arith.constant 0 : index
      %get3A_427 = tpu.vector_load %arg7[%get3A_425, %get3A_426] {strides = array<i32>} : memref<72x128xf32, #tpu.memory_space<vmem>>, vector<1x16xf32>,
      %get3A_428 = vector.shape_cast %get3A_427 : vector<1x16xf32> to vector<16xf32>
      %mul3A_429 = arith.constant 8.000000e+00 : f32
      %mul3A_430 = vector.broadcast %mul3A_429 : f32 to vector<16xf32>
      %mul3A_431 = arith.mulf %get3A_428, %mul3A_430 : vector<16xf32>
      %add3A_432 = arith.constant 4 : i32
      %add3A_433 = arith.addi %mul3A_168, %add3A_432 : i32
      %swap3A_434 = arith.index_cast %add3A_433 : i32 to index
      %swap3A_435 = arith.constant 0 : index
      %swap3A_436 = tpu.vector_load %arg7[%swap3A_434, %swap3A_435] {strides = array<i32>} : memref<72x128xf32, #tpu.memory_space<vmem>>, vector<1x16xf32>,
      %swap3A_437 = vector.shape_cast %swap3A_436 : vector<1x16xf32> to vector<16xf32>
      %swap3A_438 = vector.shape_cast %mul3A_431 : vector<16xf32> to vector<1x16xf32>
      tpu.vector_store %arg7[%swap3A_434, %swap3A_435], %swap3A_438 {strides = array<i32>} : memref<72x128xf32, #tpu.memory_space<vmem>>, vector<1x16xf32>,
      %add3A_439 = arith.constant 4 : i32
      %add3A_440 = arith.addi %mul3A_168, %add3A_439 : i32
      %get3A_441 = arith.index_cast %add3A_440 : i32 to index
      %get3A_442 = arith.constant 16 : index
      %get3A_443 = tpu.vector_load %arg7[%get3A_441, %get3A_442] {strides = array<i32>} : memref<72x128xf32, #tpu.memory_space<vmem>>, vector<1x16xf32>,
      %get3A_444 = vector.shape_cast %get3A_443 : vector<1x16xf32> to vector<16xf32>
      %mul3A_445 = arith.constant 8.000000e+00 : f32
      %mul3A_446 = vector.broadcast %mul3A_445 : f32 to vector<16xf32>
      %mul3A_447 = arith.mulf %get3A_444, %mul3A_446 : vector<16xf32>
      %add3A_448 = arith.constant 4 : i32
      %add3A_449 = arith.addi %mul3A_168, %add3A_448 : i32
      %swap3A_450 = arith.index_cast %add3A_449 : i32 to index
      %swap3A_451 = arith.constant 16 : index
      %swap3A_452 = tpu.vector_load %arg7[%swap3A_450, %swap3A_451] {strides = array<i32>} : memref<72x128xf32, #tpu.memory_space<vmem>>, vector<1x16xf32>,
      %swap3A_453 = vector.shape_cast %swap3A_452 : vector<1x16xf32> to vector<16xf32>
      %swap3A_454 = vector.shape_cast %mul3A_447 : vector<16xf32> to vector<1x16xf32>
      tpu.vector_store %arg7[%swap3A_450, %swap3A_451], %swap3A_454 {strides = array<i32>} : memref<72x128xf32, #tpu.memory_space<vmem>>, vector<1x16xf32>,
      %add3A_455 = arith.constant 4 : i32
      %add3A_456 = arith.addi %mul3A_168, %add3A_455 : i32
      %get3A_457 = arith.index_cast %add3A_456 : i32 to index
      %get3A_458 = arith.constant 32 : index
      %get3A_459 = tpu.vector_load %arg7[%get3A_457, %get3A_458] {strides = array<i32>} : memref<72x128xf32, #tpu.memory_space<vmem>>, vector<1x16xf32>,
      %get3A_460 = vector.shape_cast %get3A_459 : vector<1x16xf32> to vector<16xf32>
      %mul3A_461 = arith.constant 8.000000e+00 : f32
      %mul3A_462 = vector.broadcast %mul3A_461 : f32 to vector<16xf32>
      %mul3A_463 = arith.mulf %get3A_460, %mul3A_462 : vector<16xf32>
      %add3A_464 = arith.constant 4 : i32
      %add3A_465 = arith.addi %mul3A_168, %add3A_464 : i32
      %swap3A_466 = arith.index_cast %add3A_465 : i32 to index
      %swap3A_467 = arith.constant 32 : index
      %swap3A_468 = tpu.vector_load %arg7[%swap3A_466, %swap3A_467] {strides = array<i32>} : memref<72x128xf32, #tpu.memory_space<vmem>>, vector<1x16xf32>,
      %swap3A_469 = vector.shape_cast %swap3A_468 : vector<1x16xf32> to vector<16xf32>
      %swap3A_470 = vector.shape_cast %mul3A_463 : vector<16xf32> to vector<1x16xf32>
      tpu.vector_store %arg7[%swap3A_466, %swap3A_467], %swap3A_470 {strides = array<i32>} : memref<72x128xf32, #tpu.memory_space<vmem>>, vector<1x16xf32>,
      %add3A_471 = arith.constant 4 : i32
      %add3A_472 = arith.addi %mul3A_168, %add3A_471 : i32
      %get3A_473 = arith.index_cast %add3A_472 : i32 to index
      %get3A_474 = arith.constant 48 : index
      %get3A_475 = tpu.vector_load %arg7[%get3A_473, %get3A_474] {strides = array<i32>} : memref<72x128xf32, #tpu.memory_space<vmem>>, vector<1x16xf32>,
      %get3A_476 = vector.shape_cast %get3A_475 : vector<1x16xf32> to vector<16xf32>
      %mul3A_477 = arith.constant 8.000000e+00 : f32
      %mul3A_478 = vector.broadcast %mul3A_477 : f32 to vector<16xf32>
      %mul3A_479 = arith.mulf %get3A_476, %mul3A_478 : vector<16xf32>
      %add3A_480 = arith.constant 4 : i32
      %add3A_481 = arith.addi %mul3A_168, %add3A_480 : i32
      %swap3A_482 = arith.index_cast %add3A_481 : i32 to index
      %swap3A_483 = arith.constant 48 : index
      %swap3A_484 = tpu.vector_load %arg7[%swap3A_482, %swap3A_483] {strides = array<i32>} : memref<72x128xf32, #tpu.memory_space<vmem>>, vector<1x16xf32>,
      %swap3A_485 = vector.shape_cast %swap3A_484 : vector<1x16xf32> to vector<16xf32>
      %swap3A_486 = vector.shape_cast %mul3A_479 : vector<16xf32> to vector<1x16xf32>
      tpu.vector_store %arg7[%swap3A_482, %swap3A_483], %swap3A_486 {strides = array<i32>} : memref<72x128xf32, #tpu.memory_space<vmem>>, vector<1x16xf32>,
      %add3A_487 = arith.constant 5 : i32
      %add3A_488 = arith.addi %mul3A_168, %add3A_487 : i32
      %get3A_489 = arith.index_cast %add3A_488 : i32 to index
      %get3A_490 = arith.constant 0 : index
      %get3A_491 = tpu.vector_load %arg7[%get3A_489, %get3A_490] {strides = array<i32>} : memref<72x128xf32, #tpu.memory_space<vmem>>, vector<1x16xf32>,
      %get3A_492 = vector.shape_cast %get3A_491 : vector<1x16xf32> to vector<16xf32>
      %mul3A_493 = arith.constant 8.000000e+00 : f32
      %mul3A_494 = vector.broadcast %mul3A_493 : f32 to vector<16xf32>
      %mul3A_495 = arith.mulf %get3A_492, %mul3A_494 : vector<16xf32>
      %add3A_496 = arith.constant 5 : i32
      %add3A_497 = arith.addi %mul3A_168, %add3A_496 : i32
      %swap3A_498 = arith.index_cast %add3A_497 : i32 to index
      %swap3A_499 = arith.constant 0 : index
      %swap3A_500 = tpu.vector_load %arg7[%swap3A_498, %swap3A_499] {strides = array<i32>} : memref<72x128xf32, #tpu.memory_space<vmem>>, vector<1x16xf32>,
      %swap3A_501 = vector.shape_cast %swap3A_500 : vector<1x16xf32> to vector<16xf32>
      %swap3A_502 = vector.shape_cast %mul3A_495 : vector<16xf32> to vector<1x16xf32>
      tpu.vector_store %arg7[%swap3A_498, %swap3A_499], %swap3A_502 {strides = array<i32>} : memref<72x128xf32, #tpu.memory_space<vmem>>, vector<1x16xf32>,
      %add3A_503 = arith.constant 5 : i32
      %add3A_504 = arith.addi %mul3A_168, %add3A_503 : i32
      %get3A_505 = arith.index_cast %add3A_504 : i32 to index
      %get3A_506 = arith.constant 16 : index
      %get3A_507 = tpu.vector_load %arg7[%get3A_505, %get3A_506] {strides = array<i32>} : memref<72x128xf32, #tpu.memory_space<vmem>>, vector<1x16xf32>,
      %get3A_508 = vector.shape_cast %get3A_507 : vector<1x16xf32> to vector<16xf32>
      %mul3A_509 = arith.constant 8.000000e+00 : f32
      %mul3A_510 = vector.broadcast %mul3A_509 : f32 to vector<16xf32>
      %mul3A_511 = arith.mulf %get3A_508, %mul3A_510 : vector<16xf32>
      %add3A_512 = arith.constant 5 : i32
      %add3A_513 = arith.addi %mul3A_168, %add3A_512 : i32
      %swap3A_514 = arith.index_cast %add3A_513 : i32 to index
      %swap3A_515 = arith.constant 16 : index
      %swap3A_516 = tpu.vector_load %arg7[%swap3A_514, %swap3A_515] {strides = array<i32>} : memref<72x128xf32, #tpu.memory_space<vmem>>, vector<1x16xf32>,
      %swap3A_517 = vector.shape_cast %swap3A_516 : vector<1x16xf32> to vector<16xf32>
      %swap3A_518 = vector.shape_cast %mul3A_511 : vector<16xf32> to vector<1x16xf32>
      tpu.vector_store %arg7[%swap3A_514, %swap3A_515], %swap3A_518 {strides = array<i32>} : memref<72x128xf32, #tpu.memory_space<vmem>>, vector<1x16xf32>,
      %add3A_519 = arith.constant 5 : i32
      %add3A_520 = arith.addi %mul3A_168, %add3A_519 : i32
      %get3A_521 = arith.index_cast %add3A_520 : i32 to index
      %get3A_522 = arith.constant 32 : index
      %get3A_523 = tpu.vector_load %arg7[%get3A_521, %get3A_522] {strides = array<i32>} : memref<72x128xf32, #tpu.memory_space<vmem>>, vector<1x16xf32>,
      %get3A_524 = vector.shape_cast %get3A_523 : vector<1x16xf32> to vector<16xf32>
      %mul3A_525 = arith.constant 8.000000e+00 : f32
      %mul3A_526 = vector.broadcast %mul3A_525 : f32 to vector<16xf32>
      %mul3A_527 = arith.mulf %get3A_524, %mul3A_526 : vector<16xf32>
      %add3A_528 = arith.constant 5 : i32
      %add3A_529 = arith.addi %mul3A_168, %add3A_528 : i32
      %swap3A_530 = arith.index_cast %add3A_529 : i32 to index
      %swap3A_531 = arith.constant 32 : index
      %swap3A_532 = tpu.vector_load %arg7[%swap3A_530, %swap3A_531] {strides = array<i32>} : memref<72x128xf32, #tpu.memory_space<vmem>>, vector<1x16xf32>,
      %swap3A_533 = vector.shape_cast %swap3A_532 : vector<1x16xf32> to vector<16xf32>
      %swap3A_534 = vector.shape_cast %mul3A_527 : vector<16xf32> to vector<1x16xf32>
      tpu.vector_store %arg7[%swap3A_530, %swap3A_531], %swap3A_534 {strides = array<i32>} : memref<72x128xf32, #tpu.memory_space<vmem>>, vector<1x16xf32>,
      %add3A_535 = arith.constant 5 : i32
      %add3A_536 = arith.addi %mul3A_168, %add3A_535 : i32
      %get3A_537 = arith.index_cast %add3A_536 : i32 to index
      %get3A_538 = arith.constant 48 : index
      %get3A_539 = tpu.vector_load %arg7[%get3A_537, %get3A_538] {strides = array<i32>} : memref<72x128xf32, #tpu.memory_space<vmem>>, vector<1x16xf32>,
      %get3A_540 = vector.shape_cast %get3A_539 : vector<1x16xf32> to vector<16xf32>
      %mul3A_541 = arith.constant 8.000000e+00 : f32
      %mul3A_542 = vector.broadcast %mul3A_541 : f32 to vector<16xf32>
      %mul3A_543 = arith.mulf %get3A_540, %mul3A_542 : vector<16xf32>
      %add3A_544 = arith.constant 5 : i32
      %add3A_545 = arith.addi %mul3A_168, %add3A_544 : i32
      %swap3A_546 = arith.index_cast %add3A_545 : i32 to index
      %swap3A_547 = arith.constant 48 : index
      %swap3A_548 = tpu.vector_load %arg7[%swap3A_546, %swap3A_547] {strides = array<i32>} : memref<72x128xf32, #tpu.memory_space<vmem>>, vector<1x16xf32>,
      %swap3A_549 = vector.shape_cast %swap3A_548 : vector<1x16xf32> to vector<16xf32>
      %swap3A_550 = vector.shape_cast %mul3A_543 : vector<16xf32> to vector<1x16xf32>
      tpu.vector_store %arg7[%swap3A_546, %swap3A_547], %swap3A_550 {strides = array<i32>} : memref<72x128xf32, #tpu.memory_space<vmem>>, vector<1x16xf32>,
      %add3A_551 = arith.constant 6 : i32
      %add3A_552 = arith.addi %mul3A_168, %add3A_551 : i32
      %get3A_553 = arith.index_cast %add3A_552 : i32 to index
      %get3A_554 = arith.constant 0 : index
      %get3A_555 = tpu.vector_load %arg7[%get3A_553, %get3A_554] {strides = array<i32>} : memref<72x128xf32, #tpu.memory_space<vmem>>, vector<1x16xf32>,
      %get3A_556 = vector.shape_cast %get3A_555 : vector<1x16xf32> to vector<16xf32>
      %mul3A_557 = arith.constant 8.000000e+00 : f32
      %mul3A_558 = vector.broadcast %mul3A_557 : f32 to vector<16xf32>
      %mul3A_559 = arith.mulf %get3A_556, %mul3A_558 : vector<16xf32>
      %add3A_560 = arith.constant 6 : i32
      %add3A_561 = arith.addi %mul3A_168, %add3A_560 : i32
      %swap3A_562 = arith.index_cast %add3A_561 : i32 to index
      %swap3A_563 = arith.constant 0 : index
      %swap3A_564 = tpu.vector_load %arg7[%swap3A_562, %swap3A_563] {strides = array<i32>} : memref<72x128xf32, #tpu.memory_space<vmem>>, vector<1x16xf32>,
      %swap3A_565 = vector.shape_cast %swap3A_564 : vector<1x16xf32> to vector<16xf32>
      %swap3A_566 = vector.shape_cast %mul3A_559 : vector<16xf32> to vector<1x16xf32>
      tpu.vector_store %arg7[%swap3A_562, %swap3A_563], %swap3A_566 {strides = array<i32>} : memref<72x128xf32, #tpu.memory_space<vmem>>, vector<1x16xf32>,
      %add3A_567 = arith.constant 6 : i32
      %add3A_568 = arith.addi %mul3A_168, %add3A_567 : i32
      %get3A_569 = arith.index_cast %add3A_568 : i32 to index
      %get3A_570 = arith.constant 16 : index
      %get3A_571 = tpu.vector_load %arg7[%get3A_569, %get3A_570] {strides = array<i32>} : memref<72x128xf32, #tpu.memory_space<vmem>>, vector<1x16xf32>,
      %get3A_572 = vector.shape_cast %get3A_571 : vector<1x16xf32> to vector<16xf32>
      %mul3A_573 = arith.constant 8.000000e+00 : f32
      %mul3A_574 = vector.broadcast %mul3A_573 : f32 to vector<16xf32>
      %mul3A_575 = arith.mulf %get3A_572, %mul3A_574 : vector<16xf32>
      %add3A_576 = arith.constant 6 : i32
      %add3A_577 = arith.addi %mul3A_168, %add3A_576 : i32
      %swap3A_578 = arith.index_cast %add3A_577 : i32 to index
      %swap3A_579 = arith.constant 16 : index
      %swap3A_580 = tpu.vector_load %arg7[%swap3A_578, %swap3A_579] {strides = array<i32>} : memref<72x128xf32, #tpu.memory_space<vmem>>, vector<1x16xf32>,
      %swap3A_581 = vector.shape_cast %swap3A_580 : vector<1x16xf32> to vector<16xf32>
      %swap3A_582 = vector.shape_cast %mul3A_575 : vector<16xf32> to vector<1x16xf32>
      tpu.vector_store %arg7[%swap3A_578, %swap3A_579], %swap3A_582 {strides = array<i32>} : memref<72x128xf32, #tpu.memory_space<vmem>>, vector<1x16xf32>,
      %add3A_583 = arith.constant 6 : i32
      %add3A_584 = arith.addi %mul3A_168, %add3A_583 : i32
      %get3A_585 = arith.index_cast %add3A_584 : i32 to index
      %get3A_586 = arith.constant 32 : index
      %get3A_587 = tpu.vector_load %arg7[%get3A_585, %get3A_586] {strides = array<i32>} : memref<72x128xf32, #tpu.memory_space<vmem>>, vector<1x16xf32>,
      %get3A_588 = vector.shape_cast %get3A_587 : vector<1x16xf32> to vector<16xf32>
      %mul3A_589 = arith.constant 8.000000e+00 : f32
      %mul3A_590 = vector.broadcast %mul3A_589 : f32 to vector<16xf32>
      %mul3A_591 = arith.mulf %get3A_588, %mul3A_590 : vector<16xf32>
      %add3A_592 = arith.constant 6 : i32
      %add3A_593 = arith.addi %mul3A_168, %add3A_592 : i32
      %swap3A_594 = arith.index_cast %add3A_593 : i32 to index
      %swap3A_595 = arith.constant 32 : index
      %swap3A_596 = tpu.vector_load %arg7[%swap3A_594, %swap3A_595] {strides = array<i32>} : memref<72x128xf32, #tpu.memory_space<vmem>>, vector<1x16xf32>,
      %swap3A_597 = vector.shape_cast %swap3A_596 : vector<1x16xf32> to vector<16xf32>
      %swap3A_598 = vector.shape_cast %mul3A_591 : vector<16xf32> to vector<1x16xf32>
      tpu.vector_store %arg7[%swap3A_594, %swap3A_595], %swap3A_598 {strides = array<i32>} : memref<72x128xf32, #tpu.memory_space<vmem>>, vector<1x16xf32>,
      %add3A_599 = arith.constant 6 : i32
      %add3A_600 = arith.addi %mul3A_168, %add3A_599 : i32
      %get3A_601 = arith.index_cast %add3A_600 : i32 to index
      %get3A_602 = arith.constant 48 : index
      %get3A_603 = tpu.vector_load %arg7[%get3A_601, %get3A_602] {strides = array<i32>} : memref<72x128xf32, #tpu.memory_space<vmem>>, vector<1x16xf32>,
      %get3A_604 = vector.shape_cast %get3A_603 : vector<1x16xf32> to vector<16xf32>
      %mul3A_605 = arith.constant 8.000000e+00 : f32
      %mul3A_606 = vector.broadcast %mul3A_605 : f32 to vector<16xf32>
      %mul3A_607 = arith.mulf %get3A_604, %mul3A_606 : vector<16xf32>
      %add3A_608 = arith.constant 6 : i32
      %add3A_609 = arith.addi %mul3A_168, %add3A_608 : i32
      %swap3A_610 = arith.index_cast %add3A_609 : i32 to index
      %swap3A_611 = arith.constant 48 : index
      %swap3A_612 = tpu.vector_load %arg7[%swap3A_610, %swap3A_611] {strides = array<i32>} : memref<72x128xf32, #tpu.memory_space<vmem>>, vector<1x16xf32>,
      %swap3A_613 = vector.shape_cast %swap3A_612 : vector<1x16xf32> to vector<16xf32>
      %swap3A_614 = vector.shape_cast %mul3A_607 : vector<16xf32> to vector<1x16xf32>
      tpu.vector_store %arg7[%swap3A_610, %swap3A_611], %swap3A_614 {strides = array<i32>} : memref<72x128xf32, #tpu.memory_space<vmem>>, vector<1x16xf32>,
      %add3A_615 = arith.constant 7 : i32
      %add3A_616 = arith.addi %mul3A_168, %add3A_615 : i32
      %get3A_617 = arith.index_cast %add3A_616 : i32 to index
      %get3A_618 = arith.constant 0 : index
      %get3A_619 = tpu.vector_load %arg7[%get3A_617, %get3A_618] {strides = array<i32>} : memref<72x128xf32, #tpu.memory_space<vmem>>, vector<1x16xf32>,
      %get3A_620 = vector.shape_cast %get3A_619 : vector<1x16xf32> to vector<16xf32>
      %mul3A_621 = arith.constant 8.000000e+00 : f32
      %mul3A_622 = vector.broadcast %mul3A_621 : f32 to vector<16xf32>
      %mul3A_623 = arith.mulf %get3A_620, %mul3A_622 : vector<16xf32>
      %add3A_624 = arith.constant 7 : i32
      %add3A_625 = arith.addi %mul3A_168, %add3A_624 : i32
      %swap3A_626 = arith.index_cast %add3A_625 : i32 to index
      %swap3A_627 = arith.constant 0 : index
      %swap3A_628 = tpu.vector_load %arg7[%swap3A_626, %swap3A_627] {strides = array<i32>} : memref<72x128xf32, #tpu.memory_space<vmem>>, vector<1x16xf32>,
      %swap3A_629 = vector.shape_cast %swap3A_628 : vector<1x16xf32> to vector<16xf32>
      %swap3A_630 = vector.shape_cast %mul3A_623 : vector<16xf32> to vector<1x16xf32>
      tpu.vector_store %arg7[%swap3A_626, %swap3A_627], %swap3A_630 {strides = array<i32>} : memref<72x128xf32, #tpu.memory_space<vmem>>, vector<1x16xf32>,
      %add3A_631 = arith.constant 7 : i32
      %add3A_632 = arith.addi %mul3A_168, %add3A_631 : i32
      %get3A_633 = arith.index_cast %add3A_632 : i32 to index
      %get3A_634 = arith.constant 16 : index
      %get3A_635 = tpu.vector_load %arg7[%get3A_633, %get3A_634] {strides = array<i32>} : memref<72x128xf32, #tpu.memory_space<vmem>>, vector<1x16xf32>,
      %get3A_636 = vector.shape_cast %get3A_635 : vector<1x16xf32> to vector<16xf32>
      %mul3A_637 = arith.constant 8.000000e+00 : f32
      %mul3A_638 = vector.broadcast %mul3A_637 : f32 to vector<16xf32>
      %mul3A_639 = arith.mulf %get3A_636, %mul3A_638 : vector<16xf32>
      %add3A_640 = arith.constant 7 : i32
      %add3A_641 = arith.addi %mul3A_168, %add3A_640 : i32
      %swap3A_642 = arith.index_cast %add3A_641 : i32 to index
      %swap3A_643 = arith.constant 16 : index
      %swap3A_644 = tpu.vector_load %arg7[%swap3A_642, %swap3A_643] {strides = array<i32>} : memref<72x128xf32, #tpu.memory_space<vmem>>, vector<1x16xf32>,
      %swap3A_645 = vector.shape_cast %swap3A_644 : vector<1x16xf32> to vector<16xf32>
      %swap3A_646 = vector.shape_cast %mul3A_639 : vector<16xf32> to vector<1x16xf32>
      tpu.vector_store %arg7[%swap3A_642, %swap3A_643], %swap3A_646 {strides = array<i32>} : memref<72x128xf32, #tpu.memory_space<vmem>>, vector<1x16xf32>,
      %add3A_647 = arith.constant 7 : i32
      %add3A_648 = arith.addi %mul3A_168, %add3A_647 : i32
      %get3A_649 = arith.index_cast %add3A_648 : i32 to index
      %get3A_650 = arith.constant 32 : index
      %get3A_651 = tpu.vector_load %arg7[%get3A_649, %get3A_650] {strides = array<i32>} : memref<72x128xf32, #tpu.memory_space<vmem>>, vector<1x16xf32>,
      %get3A_652 = vector.shape_cast %get3A_651 : vector<1x16xf32> to vector<16xf32>
      %mul3A_653 = arith.constant 8.000000e+00 : f32
      %mul3A_654 = vector.broadcast %mul3A_653 : f32 to vector<16xf32>
      %mul3A_655 = arith.mulf %get3A_652, %mul3A_654 : vector<16xf32>
      %add3A_656 = arith.constant 7 : i32
      %add3A_657 = arith.addi %mul3A_168, %add3A_656 : i32
      %swap3A_658 = arith.index_cast %add3A_657 : i32 to index
      %swap3A_659 = arith.constant 32 : index
      %swap3A_660 = tpu.vector_load %arg7[%swap3A_658, %swap3A_659] {strides = array<i32>} : memref<72x128xf32, #tpu.memory_space<vmem>>, vector<1x16xf32>,
      %swap3A_661 = vector.shape_cast %swap3A_660 : vector<1x16xf32> to vector<16xf32>
      %swap3A_662 = vector.shape_cast %mul3A_655 : vector<16xf32> to vector<1x16xf32>
      tpu.vector_store %arg7[%swap3A_658, %swap3A_659], %swap3A_662 {strides = array<i32>} : memref<72x128xf32, #tpu.memory_space<vmem>>, vector<1x16xf32>,
      %add3A_663 = arith.constant 7 : i32
      %add3A_664 = arith.addi %mul3A_168, %add3A_663 : i32
      %get3A_665 = arith.index_cast %add3A_664 : i32 to index
      %get3A_666 = arith.constant 48 : index
      %get3A_667 = tpu.vector_load %arg7[%get3A_665, %get3A_666] {strides = array<i32>} : memref<72x128xf32, #tpu.memory_space<vmem>>, vector<1x16xf32>,
      %get3A_668 = vector.shape_cast %get3A_667 : vector<1x16xf32> to vector<16xf32>
      %mul3A_669 = arith.constant 8.000000e+00 : f32
      %mul3A_670 = vector.broadcast %mul3A_669 : f32 to vector<16xf32>
      %mul3A_671 = arith.mulf %get3A_668, %mul3A_670 : vector<16xf32>
      %add3A_672 = arith.constant 7 : i32
      %add3A_673 = arith.addi %mul3A_168, %add3A_672 : i32
      %swap3A_674 = arith.index_cast %add3A_673 : i32 to index
      %swap3A_675 = arith.constant 48 : index
      %swap3A_676 = tpu.vector_load %arg7[%swap3A_674, %swap3A_675] {strides = array<i32>} : memref<72x128xf32, #tpu.memory_space<vmem>>, vector<1x16xf32>,
      %swap3A_677 = vector.shape_cast %swap3A_676 : vector<1x16xf32> to vector<16xf32>
      %swap3A_678 = vector.shape_cast %mul3A_671 : vector<16xf32> to vector<1x16xf32>
      tpu.vector_store %arg7[%swap3A_674, %swap3A_675], %swap3A_678 {strides = array<i32>} : memref<72x128xf32, #tpu.memory_space<vmem>>, vector<1x16xf32>,
    }
    %scan3A_69 = arith.constant 9 : i32
    %add3A_70 = arith.constant 126 : i32
    %add3A_71 = arith.addi %mul3A_2, %add3A_70 : i32
    %dma_start3A_72 = arith.constant 128 : i32
    %dma_start3A_73 = arith.constant 0 : i32
    %dma_start3A_74 = tpu.memref_slice %arg4[%add3A_71, %dma_start3A_72, %dma_start3A_73] : memref<4096x200x128xf32, #tpu.memory_space<hbm>> -> memref<1x72x128xf32, #tpu.memory_space<hbm>>
    %dma_start3A_75 = tpu.memref_squeeze %dma_start3A_74 : memref<1x72x128xf32, #tpu.memory_space<hbm>> -> memref<72x128xf32, #tpu.memory_space<hbm>>
    %dma_start3A_76 = arith.constant 128 : i32
    %dma_start3A_77 = arith.constant 0 : i32
    %dma_start3A_78 = tpu.memref_slice %arg4[%add3A_71, %dma_start3A_76, %dma_start3A_77] : memref<4096x200x128xf32, #tpu.memory_space<hbm>> -> memref<1x72x128xf32, #tpu.memory_space<hbm>>
    %dma_start3A_79 = tpu.memref_squeeze %dma_start3A_78 : memref<1x72x128xf32, #tpu.memory_space<hbm>> -> memref<72x128xf32, #tpu.memory_space<hbm>>
    tpu.enqueue_dma source(%arg7 : memref<72x128xf32, #tpu.memory_space<vmem>>) target(%dma_start3A_79 : memref<72x128xf32, #tpu.memory_space<hbm>>) target_semaphore(%arg12 : memref<!tpu.dma_semaphore, #tpu.memory_space<semaphore_mem>>)
    %add3A_80 = arith.constant 126 : i32
    %add3A_81 = arith.addi %mul3A_2, %add3A_80 : i32
    %dma_wait3A_82 = arith.constant 0 : i32
    %dma_wait3A_83 = arith.constant 0 : i32
    %dma_wait3A_84 = tpu.memref_slice %arg4[%add3A_81, %dma_wait3A_82, %dma_wait3A_83] : memref<4096x200x128xf32, #tpu.memory_space<hbm>> -> memref<1x128x128xf32, #tpu.memory_space<hbm>>
    %dma_wait3A_85 = tpu.memref_squeeze %dma_wait3A_84 : memref<1x128x128xf32, #tpu.memory_space<hbm>> -> memref<128x128xf32, #tpu.memory_space<hbm>>
    %dma_wait3A_86 = arith.constant 0 : i32
    %dma_wait3A_87 = arith.constant 0 : i32
    %dma_wait3A_88 = tpu.memref_slice %arg4[%add3A_81, %dma_wait3A_86, %dma_wait3A_87] : memref<4096x200x128xf32, #tpu.memory_space<hbm>> -> memref<1x128x128xf32, #tpu.memory_space<hbm>>
    %dma_wait3A_89 = tpu.memref_squeeze %dma_wait3A_88 : memref<1x128x128xf32, #tpu.memory_space<hbm>> -> memref<128x128xf32, #tpu.memory_space<hbm>>
    tpu.wait_dma2 semaphore(%arg12 : memref<!tpu.dma_semaphore, #tpu.memory_space<semaphore_mem>>) src(%arg6 : memref<128x128xf32, #tpu.memory_space<vmem>>) dst(%dma_wait3A_89 : memref<128x128xf32, #tpu.memory_space<hbm>>)
    %add3A_90 = arith.constant 126 : i32
    %add3A_91 = arith.addi %mul3A_2, %add3A_90 : i32
    %dma_wait3A_92 = arith.constant 128 : i32
    %dma_wait3A_93 = arith.constant 0 : i32
    %dma_wait3A_94 = tpu.memref_slice %arg4[%add3A_91, %dma_wait3A_92, %dma_wait3A_93] : memref<4096x200x128xf32, #tpu.memory_space<hbm>> -> memref<1x72x128xf32, #tpu.memory_space<hbm>>
    %dma_wait3A_95 = tpu.memref_squeeze %dma_wait3A_94 : memref<1x72x128xf32, #tpu.memory_space<hbm>> -> memref<72x128xf32, #tpu.memory_space<hbm>>
    %dma_wait3A_96 = arith.constant 128 : i32
    %dma_wait3A_97 = arith.constant 0 : i32
    %dma_wait3A_98 = tpu.memref_slice %arg4[%add3A_91, %dma_wait3A_96, %dma_wait3A_97] : memref<4096x200x128xf32, #tpu.memory_space<hbm>> -> memref<1x72x128xf32, #tpu.memory_space<hbm>>
    %dma_wait3A_99 = tpu.memref_squeeze %dma_wait3A_98 : memref<1x72x128xf32, #tpu.memory_space<hbm>> -> memref<72x128xf32, #tpu.memory_space<hbm>>
    tpu.wait_dma2 semaphore(%arg12 : memref<!tpu.dma_semaphore, #tpu.memory_space<semaphore_mem>>) src(%arg7 : memref<72x128xf32, #tpu.memory_space<vmem>>) dst(%dma_wait3A_99 : memref<72x128xf32, #tpu.memory_space<hbm>>)
    %dma_wait3A_100 = arith.constant 127 : i32
    %dma_wait3A_101 = arith.constant 0 : i32
    %dma_wait3A_102 = tpu.memref_slice %arg5[%dma_wait3A_100, %dma_wait3A_101] : memref<128x200xi32, #tpu.memory_space<vmem>> -> memref<1x128xi32, #tpu.memory_space<vmem>>
    %dma_wait3A_103 = tpu.memref_squeeze %dma_wait3A_102 : memref<1x128xi32, #tpu.memory_space<vmem>> -> memref<128xi32, #tpu.memory_space<vmem>>
    %dma_wait3A_104 = arith.constant 0 : i32
    %dma_wait3A_105 = arith.constant 0 : i32
    %dma_wait3A_106 = tpu.memref_slice %arg3[%dma_wait3A_104, %dma_wait3A_105] : memref<1000000x128xf32, #tpu.memory_space<hbm>> -> memref<1000000x128xf32, #tpu.memory_space<hbm>>
    tpu.wait_indirect_dma semaphore(%arg11 : memref<!tpu.dma_semaphore, #tpu.memory_space<semaphore_mem>>) src(%dma_wait3A_106 : memref<1000000x128xf32, #tpu.memory_space<hbm>>) dst(%arg8 : memref<128x128xf32, #tpu.memory_space<vmem>>)
    %dma_wait3A_107 = arith.constant 127 : i32
    %dma_wait3A_108 = arith.constant 128 : i32
    %dma_wait3A_109 = tpu.memref_slice %arg5[%dma_wait3A_107, %dma_wait3A_108] : memref<128x200xi32, #tpu.memory_space<vmem>> -> memref<1x72xi32, #tpu.memory_space<vmem>>
    %dma_wait3A_110 = tpu.memref_squeeze %dma_wait3A_109 : memref<1x72xi32, #tpu.memory_space<vmem>> -> memref<72xi32, #tpu.memory_space<vmem>>
    %dma_wait3A_111 = arith.constant 0 : i32
    %dma_wait3A_112 = arith.constant 0 : i32
    %dma_wait3A_113 = tpu.memref_slice %arg3[%dma_wait3A_111, %dma_wait3A_112] : memref<1000000x128xf32, #tpu.memory_space<hbm>> -> memref<1000000x128xf32, #tpu.memory_space<hbm>>
    tpu.wait_indirect_dma semaphore(%arg11 : memref<!tpu.dma_semaphore, #tpu.memory_space<semaphore_mem>>) src(%dma_wait3A_113 : memref<1000000x128xf32, #tpu.memory_space<hbm>>) dst(%arg9 : memref<72x128xf32, #tpu.memory_space<vmem>>)
    %scan3A_114 = arith.constant 0 : i32
    %scan3A_115 = arith.constant 0 : i32
    %scan3A_116 = arith.constant 16 : i32
    %scan3A_117 = arith.addi %scan3A_115, %scan3A_116 : i32
    %scan3A_118 = arith.constant 1 : i32
    scf.for %scan3A_166 = %scan3A_115 to %scan3A_117 step %scan3A_118  : i32 {
      %mul3A_167 = arith.constant 8 : i32
      %mul3A_168 = arith.muli %scan3A_166, %mul3A_167 : i32
      %add3A_169 = arith.constant 0 : i32
      %add3A_170 = arith.addi %mul3A_168, %add3A_169 : i32
      %get3A = arith.index_cast %add3A_170 : i32 to index
      %get3A_171 = arith.constant 0 : index
      %get3A_172 = tpu.vector_load %arg8[%get3A, %get3A_171] {strides = array<i32>} : memref<128x128xf32, #tpu.memory_space<vmem>>, vector<1x16xf32>,
      %get3A_173 = vector.shape_cast %get3A_172 : vector<1x16xf32> to vector<16xf32>
      %mul3A_174 = arith.constant 8.000000e+00 : f32
      %mul3A_175 = vector.broadcast %mul3A_174 : f32 to vector<16xf32>
      %mul3A_176 = arith.mulf %get3A_173, %mul3A_175 : vector<16xf32>
      %add3A_177 = arith.constant 0 : i32
      %add3A_178 = arith.addi %mul3A_168, %add3A_177 : i32
      %swap3A = arith.index_cast %add3A_178 : i32 to index
      %swap3A_179 = arith.constant 0 : index
      %swap3A_180 = tpu.vector_load %arg8[%swap3A, %swap3A_179] {strides = array<i32>} : memref<128x128xf32, #tpu.memory_space<vmem>>, vector<1x16xf32>,
      %swap3A_181 = vector.shape_cast %swap3A_180 : vector<1x16xf32> to vector<16xf32>
      %swap3A_182 = vector.shape_cast %mul3A_176 : vector<16xf32> to vector<1x16xf32>
      tpu.vector_store %arg8[%swap3A, %swap3A_179], %swap3A_182 {strides = array<i32>} : memref<128x128xf32, #tpu.memory_space<vmem>>, vector<1x16xf32>,
      %add3A_183 = arith.constant 0 : i32
      %add3A_184 = arith.addi %mul3A_168, %add3A_183 : i32
      %get3A_185 = arith.index_cast %add3A_184 : i32 to index
      %get3A_186 = arith.constant 16 : index
      %get3A_187 = tpu.vector_load %arg8[%get3A_185, %get3A_186] {strides = array<i32>} : memref<128x128xf32, #tpu.memory_space<vmem>>, vector<1x16xf32>,
      %get3A_188 = vector.shape_cast %get3A_187 : vector<1x16xf32> to vector<16xf32>
      %mul3A_189 = arith.constant 8.000000e+00 : f32
      %mul3A_190 = vector.broadcast %mul3A_189 : f32 to vector<16xf32>
      %mul3A_191 = arith.mulf %get3A_188, %mul3A_190 : vector<16xf32>
      %add3A_192 = arith.constant 0 : i32
      %add3A_193 = arith.addi %mul3A_168, %add3A_192 : i32
      %swap3A_194 = arith.index_cast %add3A_193 : i32 to index
      %swap3A_195 = arith.constant 16 : index
      %swap3A_196 = tpu.vector_load %arg8[%swap3A_194, %swap3A_195] {strides = array<i32>} : memref<128x128xf32, #tpu.memory_space<vmem>>, vector<1x16xf32>,
      %swap3A_197 = vector.shape_cast %swap3A_196 : vector<1x16xf32> to vector<16xf32>
      %swap3A_198 = vector.shape_cast %mul3A_191 : vector<16xf32> to vector<1x16xf32>
      tpu.vector_store %arg8[%swap3A_194, %swap3A_195], %swap3A_198 {strides = array<i32>} : memref<128x128xf32, #tpu.memory_space<vmem>>, vector<1x16xf32>,
      %add3A_199 = arith.constant 0 : i32
      %add3A_200 = arith.addi %mul3A_168, %add3A_199 : i32
      %get3A_201 = arith.index_cast %add3A_200 : i32 to index
      %get3A_202 = arith.constant 32 : index
      %get3A_203 = tpu.vector_load %arg8[%get3A_201, %get3A_202] {strides = array<i32>} : memref<128x128xf32, #tpu.memory_space<vmem>>, vector<1x16xf32>,
      %get3A_204 = vector.shape_cast %get3A_203 : vector<1x16xf32> to vector<16xf32>
      %mul3A_205 = arith.constant 8.000000e+00 : f32
      %mul3A_206 = vector.broadcast %mul3A_205 : f32 to vector<16xf32>
      %mul3A_207 = arith.mulf %get3A_204, %mul3A_206 : vector<16xf32>
      %add3A_208 = arith.constant 0 : i32
      %add3A_209 = arith.addi %mul3A_168, %add3A_208 : i32
      %swap3A_210 = arith.index_cast %add3A_209 : i32 to index
      %swap3A_211 = arith.constant 32 : index
      %swap3A_212 = tpu.vector_load %arg8[%swap3A_210, %swap3A_211] {strides = array<i32>} : memref<128x128xf32, #tpu.memory_space<vmem>>, vector<1x16xf32>,
      %swap3A_213 = vector.shape_cast %swap3A_212 : vector<1x16xf32> to vector<16xf32>
      %swap3A_214 = vector.shape_cast %mul3A_207 : vector<16xf32> to vector<1x16xf32>
      tpu.vector_store %arg8[%swap3A_210, %swap3A_211], %swap3A_214 {strides = array<i32>} : memref<128x128xf32, #tpu.memory_space<vmem>>, vector<1x16xf32>,
      %add3A_215 = arith.constant 0 : i32
      %add3A_216 = arith.addi %mul3A_168, %add3A_215 : i32
      %get3A_217 = arith.index_cast %add3A_216 : i32 to index
      %get3A_218 = arith.constant 48 : index
      %get3A_219 = tpu.vector_load %arg8[%get3A_217, %get3A_218] {strides = array<i32>} : memref<128x128xf32, #tpu.memory_space<vmem>>, vector<1x16xf32>,
      %get3A_220 = vector.shape_cast %get3A_219 : vector<1x16xf32> to vector<16xf32>
      %mul3A_221 = arith.constant 8.000000e+00 : f32
      %mul3A_222 = vector.broadcast %mul3A_221 : f32 to vector<16xf32>
      %mul3A_223 = arith.mulf %get3A_220, %mul3A_222 : vector<16xf32>
      %add3A_224 = arith.constant 0 : i32
      %add3A_225 = arith.addi %mul3A_168, %add3A_224 : i32
      %swap3A_226 = arith.index_cast %add3A_225 : i32 to index
      %swap3A_227 = arith.constant 48 : index
      %swap3A_228 = tpu.vector_load %arg8[%swap3A_226, %swap3A_227] {strides = array<i32>} : memref<128x128xf32, #tpu.memory_space<vmem>>, vector<1x16xf32>,
      %swap3A_229 = vector.shape_cast %swap3A_228 : vector<1x16xf32> to vector<16xf32>
      %swap3A_230 = vector.shape_cast %mul3A_223 : vector<16xf32> to vector<1x16xf32>
      tpu.vector_store %arg8[%swap3A_226, %swap3A_227], %swap3A_230 {strides = array<i32>} : memref<128x128xf32, #tpu.memory_space<vmem>>, vector<1x16xf32>,
      %add3A_231 = arith.constant 1 : i32
      %add3A_232 = arith.addi %mul3A_168, %add3A_231 : i32
      %get3A_233 = arith.index_cast %add3A_232 : i32 to index
      %get3A_234 = arith.constant 0 : index
      %get3A_235 = tpu.vector_load %arg8[%get3A_233, %get3A_234] {strides = array<i32>} : memref<128x128xf32, #tpu.memory_space<vmem>>, vector<1x16xf32>,
      %get3A_236 = vector.shape_cast %get3A_235 : vector<1x16xf32> to vector<16xf32>
      %mul3A_237 = arith.constant 8.000000e+00 : f32
      %mul3A_238 = vector.broadcast %mul3A_237 : f32 to vector<16xf32>
      %mul3A_239 = arith.mulf %get3A_236, %mul3A_238 : vector<16xf32>
      %add3A_240 = arith.constant 1 : i32
      %add3A_241 = arith.addi %mul3A_168, %add3A_240 : i32
      %swap3A_242 = arith.index_cast %add3A_241 : i32 to index
      %swap3A_243 = arith.constant 0 : index
      %swap3A_244 = tpu.vector_load %arg8[%swap3A_242, %swap3A_243] {strides = array<i32>} : memref<128x128xf32, #tpu.memory_space<vmem>>, vector<1x16xf32>,
      %swap3A_245 = vector.shape_cast %swap3A_244 : vector<1x16xf32> to vector<16xf32>
      %swap3A_246 = vector.shape_cast %mul3A_239 : vector<16xf32> to vector<1x16xf32>
      tpu.vector_store %arg8[%swap3A_242, %swap3A_243], %swap3A_246 {strides = array<i32>} : memref<128x128xf32, #tpu.memory_space<vmem>>, vector<1x16xf32>,
      %add3A_247 = arith.constant 1 : i32
      %add3A_248 = arith.addi %mul3A_168, %add3A_247 : i32
      %get3A_249 = arith.index_cast %add3A_248 : i32 to index
      %get3A_250 = arith.constant 16 : index
      %get3A_251 = tpu.vector_load %arg8[%get3A_249, %get3A_250] {strides = array<i32>} : memref<128x128xf32, #tpu.memory_space<vmem>>, vector<1x16xf32>,
      %get3A_252 = vector.shape_cast %get3A_251 : vector<1x16xf32> to vector<16xf32>
      %mul3A_253 = arith.constant 8.000000e+00 : f32
      %mul3A_254 = vector.broadcast %mul3A_253 : f32 to vector<16xf32>
      %mul3A_255 = arith.mulf %get3A_252, %mul3A_254 : vector<16xf32>
      %add3A_256 = arith.constant 1 : i32
      %add3A_257 = arith.addi %mul3A_168, %add3A_256 : i32
      %swap3A_258 = arith.index_cast %add3A_257 : i32 to index
      %swap3A_259 = arith.constant 16 : index
      %swap3A_260 = tpu.vector_load %arg8[%swap3A_258, %swap3A_259] {strides = array<i32>} : memref<128x128xf32, #tpu.memory_space<vmem>>, vector<1x16xf32>,
      %swap3A_261 = vector.shape_cast %swap3A_260 : vector<1x16xf32> to vector<16xf32>
      %swap3A_262 = vector.shape_cast %mul3A_255 : vector<16xf32> to vector<1x16xf32>
      tpu.vector_store %arg8[%swap3A_258, %swap3A_259], %swap3A_262 {strides = array<i32>} : memref<128x128xf32, #tpu.memory_space<vmem>>, vector<1x16xf32>,
      %add3A_263 = arith.constant 1 : i32
      %add3A_264 = arith.addi %mul3A_168, %add3A_263 : i32
      %get3A_265 = arith.index_cast %add3A_264 : i32 to index
      %get3A_266 = arith.constant 32 : index
      %get3A_267 = tpu.vector_load %arg8[%get3A_265, %get3A_266] {strides = array<i32>} : memref<128x128xf32, #tpu.memory_space<vmem>>, vector<1x16xf32>,
      %get3A_268 = vector.shape_cast %get3A_267 : vector<1x16xf32> to vector<16xf32>
      %mul3A_269 = arith.constant 8.000000e+00 : f32
      %mul3A_270 = vector.broadcast %mul3A_269 : f32 to vector<16xf32>
      %mul3A_271 = arith.mulf %get3A_268, %mul3A_270 : vector<16xf32>
      %add3A_272 = arith.constant 1 : i32
      %add3A_273 = arith.addi %mul3A_168, %add3A_272 : i32
      %swap3A_274 = arith.index_cast %add3A_273 : i32 to index
      %swap3A_275 = arith.constant 32 : index
      %swap3A_276 = tpu.vector_load %arg8[%swap3A_274, %swap3A_275] {strides = array<i32>} : memref<128x128xf32, #tpu.memory_space<vmem>>, vector<1x16xf32>,
      %swap3A_277 = vector.shape_cast %swap3A_276 : vector<1x16xf32> to vector<16xf32>
      %swap3A_278 = vector.shape_cast %mul3A_271 : vector<16xf32> to vector<1x16xf32>
      tpu.vector_store %arg8[%swap3A_274, %swap3A_275], %swap3A_278 {strides = array<i32>} : memref<128x128xf32, #tpu.memory_space<vmem>>, vector<1x16xf32>,
      %add3A_279 = arith.constant 1 : i32
      %add3A_280 = arith.addi %mul3A_168, %add3A_279 : i32
      %get3A_281 = arith.index_cast %add3A_280 : i32 to index
      %get3A_282 = arith.constant 48 : index
      %get3A_283 = tpu.vector_load %arg8[%get3A_281, %get3A_282] {strides = array<i32>} : memref<128x128xf32, #tpu.memory_space<vmem>>, vector<1x16xf32>,
      %get3A_284 = vector.shape_cast %get3A_283 : vector<1x16xf32> to vector<16xf32>
      %mul3A_285 = arith.constant 8.000000e+00 : f32
      %mul3A_286 = vector.broadcast %mul3A_285 : f32 to vector<16xf32>
      %mul3A_287 = arith.mulf %get3A_284, %mul3A_286 : vector<16xf32>
      %add3A_288 = arith.constant 1 : i32
      %add3A_289 = arith.addi %mul3A_168, %add3A_288 : i32
      %swap3A_290 = arith.index_cast %add3A_289 : i32 to index
      %swap3A_291 = arith.constant 48 : index
      %swap3A_292 = tpu.vector_load %arg8[%swap3A_290, %swap3A_291] {strides = array<i32>} : memref<128x128xf32, #tpu.memory_space<vmem>>, vector<1x16xf32>,
      %swap3A_293 = vector.shape_cast %swap3A_292 : vector<1x16xf32> to vector<16xf32>
      %swap3A_294 = vector.shape_cast %mul3A_287 : vector<16xf32> to vector<1x16xf32>
      tpu.vector_store %arg8[%swap3A_290, %swap3A_291], %swap3A_294 {strides = array<i32>} : memref<128x128xf32, #tpu.memory_space<vmem>>, vector<1x16xf32>,
      %add3A_295 = arith.constant 2 : i32
      %add3A_296 = arith.addi %mul3A_168, %add3A_295 : i32
      %get3A_297 = arith.index_cast %add3A_296 : i32 to index
      %get3A_298 = arith.constant 0 : index
      %get3A_299 = tpu.vector_load %arg8[%get3A_297, %get3A_298] {strides = array<i32>} : memref<128x128xf32, #tpu.memory_space<vmem>>, vector<1x16xf32>,
      %get3A_300 = vector.shape_cast %get3A_299 : vector<1x16xf32> to vector<16xf32>
      %mul3A_301 = arith.constant 8.000000e+00 : f32
      %mul3A_302 = vector.broadcast %mul3A_301 : f32 to vector<16xf32>
      %mul3A_303 = arith.mulf %get3A_300, %mul3A_302 : vector<16xf32>
      %add3A_304 = arith.constant 2 : i32
      %add3A_305 = arith.addi %mul3A_168, %add3A_304 : i32
      %swap3A_306 = arith.index_cast %add3A_305 : i32 to index
      %swap3A_307 = arith.constant 0 : index
      %swap3A_308 = tpu.vector_load %arg8[%swap3A_306, %swap3A_307] {strides = array<i32>} : memref<128x128xf32, #tpu.memory_space<vmem>>, vector<1x16xf32>,
      %swap3A_309 = vector.shape_cast %swap3A_308 : vector<1x16xf32> to vector<16xf32>
      %swap3A_310 = vector.shape_cast %mul3A_303 : vector<16xf32> to vector<1x16xf32>
      tpu.vector_store %arg8[%swap3A_306, %swap3A_307], %swap3A_310 {strides = array<i32>} : memref<128x128xf32, #tpu.memory_space<vmem>>, vector<1x16xf32>,
      %add3A_311 = arith.constant 2 : i32
      %add3A_312 = arith.addi %mul3A_168, %add3A_311 : i32
      %get3A_313 = arith.index_cast %add3A_312 : i32 to index
      %get3A_314 = arith.constant 16 : index
      %get3A_315 = tpu.vector_load %arg8[%get3A_313, %get3A_314] {strides = array<i32>} : memref<128x128xf32, #tpu.memory_space<vmem>>, vector<1x16xf32>,
      %get3A_316 = vector.shape_cast %get3A_315 : vector<1x16xf32> to vector<16xf32>
      %mul3A_317 = arith.constant 8.000000e+00 : f32
      %mul3A_318 = vector.broadcast %mul3A_317 : f32 to vector<16xf32>
      %mul3A_319 = arith.mulf %get3A_316, %mul3A_318 : vector<16xf32>
      %add3A_320 = arith.constant 2 : i32
      %add3A_321 = arith.addi %mul3A_168, %add3A_320 : i32
      %swap3A_322 = arith.index_cast %add3A_321 : i32 to index
      %swap3A_323 = arith.constant 16 : index
      %swap3A_324 = tpu.vector_load %arg8[%swap3A_322, %swap3A_323] {strides = array<i32>} : memref<128x128xf32, #tpu.memory_space<vmem>>, vector<1x16xf32>,
      %swap3A_325 = vector.shape_cast %swap3A_324 : vector<1x16xf32> to vector<16xf32>
      %swap3A_326 = vector.shape_cast %mul3A_319 : vector<16xf32> to vector<1x16xf32>
      tpu.vector_store %arg8[%swap3A_322, %swap3A_323], %swap3A_326 {strides = array<i32>} : memref<128x128xf32, #tpu.memory_space<vmem>>, vector<1x16xf32>,
      %add3A_327 = arith.constant 2 : i32
      %add3A_328 = arith.addi %mul3A_168, %add3A_327 : i32
      %get3A_329 = arith.index_cast %add3A_328 : i32 to index
      %get3A_330 = arith.constant 32 : index
      %get3A_331 = tpu.vector_load %arg8[%get3A_329, %get3A_330] {strides = array<i32>} : memref<128x128xf32, #tpu.memory_space<vmem>>, vector<1x16xf32>,
      %get3A_332 = vector.shape_cast %get3A_331 : vector<1x16xf32> to vector<16xf32>
      %mul3A_333 = arith.constant 8.000000e+00 : f32
      %mul3A_334 = vector.broadcast %mul3A_333 : f32 to vector<16xf32>
      %mul3A_335 = arith.mulf %get3A_332, %mul3A_334 : vector<16xf32>
      %add3A_336 = arith.constant 2 : i32
      %add3A_337 = arith.addi %mul3A_168, %add3A_336 : i32
      %swap3A_338 = arith.index_cast %add3A_337 : i32 to index
      %swap3A_339 = arith.constant 32 : index
      %swap3A_340 = tpu.vector_load %arg8[%swap3A_338, %swap3A_339] {strides = array<i32>} : memref<128x128xf32, #tpu.memory_space<vmem>>, vector<1x16xf32>,
      %swap3A_341 = vector.shape_cast %swap3A_340 : vector<1x16xf32> to vector<16xf32>
      %swap3A_342 = vector.shape_cast %mul3A_335 : vector<16xf32> to vector<1x16xf32>
      tpu.vector_store %arg8[%swap3A_338, %swap3A_339], %swap3A_342 {strides = array<i32>} : memref<128x128xf32, #tpu.memory_space<vmem>>, vector<1x16xf32>,
      %add3A_343 = arith.constant 2 : i32
      %add3A_344 = arith.addi %mul3A_168, %add3A_343 : i32
      %get3A_345 = arith.index_cast %add3A_344 : i32 to index
      %get3A_346 = arith.constant 48 : index
      %get3A_347 = tpu.vector_load %arg8[%get3A_345, %get3A_346] {strides = array<i32>} : memref<128x128xf32, #tpu.memory_space<vmem>>, vector<1x16xf32>,
      %get3A_348 = vector.shape_cast %get3A_347 : vector<1x16xf32> to vector<16xf32>
      %mul3A_349 = arith.constant 8.000000e+00 : f32
      %mul3A_350 = vector.broadcast %mul3A_349 : f32 to vector<16xf32>
      %mul3A_351 = arith.mulf %get3A_348, %mul3A_350 : vector<16xf32>
      %add3A_352 = arith.constant 2 : i32
      %add3A_353 = arith.addi %mul3A_168, %add3A_352 : i32
      %swap3A_354 = arith.index_cast %add3A_353 : i32 to index
      %swap3A_355 = arith.constant 48 : index
      %swap3A_356 = tpu.vector_load %arg8[%swap3A_354, %swap3A_355] {strides = array<i32>} : memref<128x128xf32, #tpu.memory_space<vmem>>, vector<1x16xf32>,
      %swap3A_357 = vector.shape_cast %swap3A_356 : vector<1x16xf32> to vector<16xf32>
      %swap3A_358 = vector.shape_cast %mul3A_351 : vector<16xf32> to vector<1x16xf32>
      tpu.vector_store %arg8[%swap3A_354, %swap3A_355], %swap3A_358 {strides = array<i32>} : memref<128x128xf32, #tpu.memory_space<vmem>>, vector<1x16xf32>,
      %add3A_359 = arith.constant 3 : i32
      %add3A_360 = arith.addi %mul3A_168, %add3A_359 : i32
      %get3A_361 = arith.index_cast %add3A_360 : i32 to index
      %get3A_362 = arith.constant 0 : index
      %get3A_363 = tpu.vector_load %arg8[%get3A_361, %get3A_362] {strides = array<i32>} : memref<128x128xf32, #tpu.memory_space<vmem>>, vector<1x16xf32>,
      %get3A_364 = vector.shape_cast %get3A_363 : vector<1x16xf32> to vector<16xf32>
      %mul3A_365 = arith.constant 8.000000e+00 : f32
      %mul3A_366 = vector.broadcast %mul3A_365 : f32 to vector<16xf32>
      %mul3A_367 = arith.mulf %get3A_364, %mul3A_366 : vector<16xf32>
      %add3A_368 = arith.constant 3 : i32
      %add3A_369 = arith.addi %mul3A_168, %add3A_368 : i32
      %swap3A_370 = arith.index_cast %add3A_369 : i32 to index
      %swap3A_371 = arith.constant 0 : index
      %swap3A_372 = tpu.vector_load %arg8[%swap3A_370, %swap3A_371] {strides = array<i32>} : memref<128x128xf32, #tpu.memory_space<vmem>>, vector<1x16xf32>,
      %swap3A_373 = vector.shape_cast %swap3A_372 : vector<1x16xf32> to vector<16xf32>
      %swap3A_374 = vector.shape_cast %mul3A_367 : vector<16xf32> to vector<1x16xf32>
      tpu.vector_store %arg8[%swap3A_370, %swap3A_371], %swap3A_374 {strides = array<i32>} : memref<128x128xf32, #tpu.memory_space<vmem>>, vector<1x16xf32>,
      %add3A_375 = arith.constant 3 : i32
      %add3A_376 = arith.addi %mul3A_168, %add3A_375 : i32
      %get3A_377 = arith.index_cast %add3A_376 : i32 to index
      %get3A_378 = arith.constant 16 : index
      %get3A_379 = tpu.vector_load %arg8[%get3A_377, %get3A_378] {strides = array<i32>} : memref<128x128xf32, #tpu.memory_space<vmem>>, vector<1x16xf32>,
      %get3A_380 = vector.shape_cast %get3A_379 : vector<1x16xf32> to vector<16xf32>
      %mul3A_381 = arith.constant 8.000000e+00 : f32
      %mul3A_382 = vector.broadcast %mul3A_381 : f32 to vector<16xf32>
      %mul3A_383 = arith.mulf %get3A_380, %mul3A_382 : vector<16xf32>
      %add3A_384 = arith.constant 3 : i32
      %add3A_385 = arith.addi %mul3A_168, %add3A_384 : i32
      %swap3A_386 = arith.index_cast %add3A_385 : i32 to index
      %swap3A_387 = arith.constant 16 : index
      %swap3A_388 = tpu.vector_load %arg8[%swap3A_386, %swap3A_387] {strides = array<i32>} : memref<128x128xf32, #tpu.memory_space<vmem>>, vector<1x16xf32>,
      %swap3A_389 = vector.shape_cast %swap3A_388 : vector<1x16xf32> to vector<16xf32>
      %swap3A_390 = vector.shape_cast %mul3A_383 : vector<16xf32> to vector<1x16xf32>
      tpu.vector_store %arg8[%swap3A_386, %swap3A_387], %swap3A_390 {strides = array<i32>} : memref<128x128xf32, #tpu.memory_space<vmem>>, vector<1x16xf32>,
      %add3A_391 = arith.constant 3 : i32
      %add3A_392 = arith.addi %mul3A_168, %add3A_391 : i32
      %get3A_393 = arith.index_cast %add3A_392 : i32 to index
      %get3A_394 = arith.constant 32 : index
      %get3A_395 = tpu.vector_load %arg8[%get3A_393, %get3A_394] {strides = array<i32>} : memref<128x128xf32, #tpu.memory_space<vmem>>, vector<1x16xf32>,
      %get3A_396 = vector.shape_cast %get3A_395 : vector<1x16xf32> to vector<16xf32>
      %mul3A_397 = arith.constant 8.000000e+00 : f32
      %mul3A_398 = vector.broadcast %mul3A_397 : f32 to vector<16xf32>
      %mul3A_399 = arith.mulf %get3A_396, %mul3A_398 : vector<16xf32>
      %add3A_400 = arith.constant 3 : i32
      %add3A_401 = arith.addi %mul3A_168, %add3A_400 : i32
      %swap3A_402 = arith.index_cast %add3A_401 : i32 to index
      %swap3A_403 = arith.constant 32 : index
      %swap3A_404 = tpu.vector_load %arg8[%swap3A_402, %swap3A_403] {strides = array<i32>} : memref<128x128xf32, #tpu.memory_space<vmem>>, vector<1x16xf32>,
      %swap3A_405 = vector.shape_cast %swap3A_404 : vector<1x16xf32> to vector<16xf32>
      %swap3A_406 = vector.shape_cast %mul3A_399 : vector<16xf32> to vector<1x16xf32>
      tpu.vector_store %arg8[%swap3A_402, %swap3A_403], %swap3A_406 {strides = array<i32>} : memref<128x128xf32, #tpu.memory_space<vmem>>, vector<1x16xf32>,
      %add3A_407 = arith.constant 3 : i32
      %add3A_408 = arith.addi %mul3A_168, %add3A_407 : i32
      %get3A_409 = arith.index_cast %add3A_408 : i32 to index
      %get3A_410 = arith.constant 48 : index
      %get3A_411 = tpu.vector_load %arg8[%get3A_409, %get3A_410] {strides = array<i32>} : memref<128x128xf32, #tpu.memory_space<vmem>>, vector<1x16xf32>,
      %get3A_412 = vector.shape_cast %get3A_411 : vector<1x16xf32> to vector<16xf32>
      %mul3A_413 = arith.constant 8.000000e+00 : f32
      %mul3A_414 = vector.broadcast %mul3A_413 : f32 to vector<16xf32>
      %mul3A_415 = arith.mulf %get3A_412, %mul3A_414 : vector<16xf32>
      %add3A_416 = arith.constant 3 : i32
      %add3A_417 = arith.addi %mul3A_168, %add3A_416 : i32
      %swap3A_418 = arith.index_cast %add3A_417 : i32 to index
      %swap3A_419 = arith.constant 48 : index
      %swap3A_420 = tpu.vector_load %arg8[%swap3A_418, %swap3A_419] {strides = array<i32>} : memref<128x128xf32, #tpu.memory_space<vmem>>, vector<1x16xf32>,
      %swap3A_421 = vector.shape_cast %swap3A_420 : vector<1x16xf32> to vector<16xf32>
      %swap3A_422 = vector.shape_cast %mul3A_415 : vector<16xf32> to vector<1x16xf32>
      tpu.vector_store %arg8[%swap3A_418, %swap3A_419], %swap3A_422 {strides = array<i32>} : memref<128x128xf32, #tpu.memory_space<vmem>>, vector<1x16xf32>,
      %add3A_423 = arith.constant 4 : i32
      %add3A_424 = arith.addi %mul3A_168, %add3A_423 : i32
      %get3A_425 = arith.index_cast %add3A_424 : i32 to index
      %get3A_426 = arith.constant 0 : index
      %get3A_427 = tpu.vector_load %arg8[%get3A_425, %get3A_426] {strides = array<i32>} : memref<128x128xf32, #tpu.memory_space<vmem>>, vector<1x16xf32>,
      %get3A_428 = vector.shape_cast %get3A_427 : vector<1x16xf32> to vector<16xf32>
      %mul3A_429 = arith.constant 8.000000e+00 : f32
      %mul3A_430 = vector.broadcast %mul3A_429 : f32 to vector<16xf32>
      %mul3A_431 = arith.mulf %get3A_428, %mul3A_430 : vector<16xf32>
      %add3A_432 = arith.constant 4 : i32
      %add3A_433 = arith.addi %mul3A_168, %add3A_432 : i32
      %swap3A_434 = arith.index_cast %add3A_433 : i32 to index
      %swap3A_435 = arith.constant 0 : index
      %swap3A_436 = tpu.vector_load %arg8[%swap3A_434, %swap3A_435] {strides = array<i32>} : memref<128x128xf32, #tpu.memory_space<vmem>>, vector<1x16xf32>,
      %swap3A_437 = vector.shape_cast %swap3A_436 : vector<1x16xf32> to vector<16xf32>
      %swap3A_438 = vector.shape_cast %mul3A_431 : vector<16xf32> to vector<1x16xf32>
      tpu.vector_store %arg8[%swap3A_434, %swap3A_435], %swap3A_438 {strides = array<i32>} : memref<128x128xf32, #tpu.memory_space<vmem>>, vector<1x16xf32>,
      %add3A_439 = arith.constant 4 : i32
      %add3A_440 = arith.addi %mul3A_168, %add3A_439 : i32
      %get3A_441 = arith.index_cast %add3A_440 : i32 to index
      %get3A_442 = arith.constant 16 : index
      %get3A_443 = tpu.vector_load %arg8[%get3A_441, %get3A_442] {strides = array<i32>} : memref<128x128xf32, #tpu.memory_space<vmem>>, vector<1x16xf32>,
      %get3A_444 = vector.shape_cast %get3A_443 : vector<1x16xf32> to vector<16xf32>
      %mul3A_445 = arith.constant 8.000000e+00 : f32
      %mul3A_446 = vector.broadcast %mul3A_445 : f32 to vector<16xf32>
      %mul3A_447 = arith.mulf %get3A_444, %mul3A_446 : vector<16xf32>
      %add3A_448 = arith.constant 4 : i32
      %add3A_449 = arith.addi %mul3A_168, %add3A_448 : i32
      %swap3A_450 = arith.index_cast %add3A_449 : i32 to index
      %swap3A_451 = arith.constant 16 : index
      %swap3A_452 = tpu.vector_load %arg8[%swap3A_450, %swap3A_451] {strides = array<i32>} : memref<128x128xf32, #tpu.memory_space<vmem>>, vector<1x16xf32>,
      %swap3A_453 = vector.shape_cast %swap3A_452 : vector<1x16xf32> to vector<16xf32>
      %swap3A_454 = vector.shape_cast %mul3A_447 : vector<16xf32> to vector<1x16xf32>
      tpu.vector_store %arg8[%swap3A_450, %swap3A_451], %swap3A_454 {strides = array<i32>} : memref<128x128xf32, #tpu.memory_space<vmem>>, vector<1x16xf32>,
      %add3A_455 = arith.constant 4 : i32
      %add3A_456 = arith.addi %mul3A_168, %add3A_455 : i32
      %get3A_457 = arith.index_cast %add3A_456 : i32 to index
      %get3A_458 = arith.constant 32 : index
      %get3A_459 = tpu.vector_load %arg8[%get3A_457, %get3A_458] {strides = array<i32>} : memref<128x128xf32, #tpu.memory_space<vmem>>, vector<1x16xf32>,
      %get3A_460 = vector.shape_cast %get3A_459 : vector<1x16xf32> to vector<16xf32>
      %mul3A_461 = arith.constant 8.000000e+00 : f32
      %mul3A_462 = vector.broadcast %mul3A_461 : f32 to vector<16xf32>
      %mul3A_463 = arith.mulf %get3A_460, %mul3A_462 : vector<16xf32>
      %add3A_464 = arith.constant 4 : i32
      %add3A_465 = arith.addi %mul3A_168, %add3A_464 : i32
      %swap3A_466 = arith.index_cast %add3A_465 : i32 to index
      %swap3A_467 = arith.constant 32 : index
      %swap3A_468 = tpu.vector_load %arg8[%swap3A_466, %swap3A_467] {strides = array<i32>} : memref<128x128xf32, #tpu.memory_space<vmem>>, vector<1x16xf32>,
      %swap3A_469 = vector.shape_cast %swap3A_468 : vector<1x16xf32> to vector<16xf32>
      %swap3A_470 = vector.shape_cast %mul3A_463 : vector<16xf32> to vector<1x16xf32>
      tpu.vector_store %arg8[%swap3A_466, %swap3A_467], %swap3A_470 {strides = array<i32>} : memref<128x128xf32, #tpu.memory_space<vmem>>, vector<1x16xf32>,
      %add3A_471 = arith.constant 4 : i32
      %add3A_472 = arith.addi %mul3A_168, %add3A_471 : i32
      %get3A_473 = arith.index_cast %add3A_472 : i32 to index
      %get3A_474 = arith.constant 48 : index
      %get3A_475 = tpu.vector_load %arg8[%get3A_473, %get3A_474] {strides = array<i32>} : memref<128x128xf32, #tpu.memory_space<vmem>>, vector<1x16xf32>,
      %get3A_476 = vector.shape_cast %get3A_475 : vector<1x16xf32> to vector<16xf32>
      %mul3A_477 = arith.constant 8.000000e+00 : f32
      %mul3A_478 = vector.broadcast %mul3A_477 : f32 to vector<16xf32>
      %mul3A_479 = arith.mulf %get3A_476, %mul3A_478 : vector<16xf32>
      %add3A_480 = arith.constant 4 : i32
      %add3A_481 = arith.addi %mul3A_168, %add3A_480 : i32
      %swap3A_482 = arith.index_cast %add3A_481 : i32 to index
      %swap3A_483 = arith.constant 48 : index
      %swap3A_484 = tpu.vector_load %arg8[%swap3A_482, %swap3A_483] {strides = array<i32>} : memref<128x128xf32, #tpu.memory_space<vmem>>, vector<1x16xf32>,
      %swap3A_485 = vector.shape_cast %swap3A_484 : vector<1x16xf32> to vector<16xf32>
      %swap3A_486 = vector.shape_cast %mul3A_479 : vector<16xf32> to vector<1x16xf32>
      tpu.vector_store %arg8[%swap3A_482, %swap3A_483], %swap3A_486 {strides = array<i32>} : memref<128x128xf32, #tpu.memory_space<vmem>>, vector<1x16xf32>,
      %add3A_487 = arith.constant 5 : i32
      %add3A_488 = arith.addi %mul3A_168, %add3A_487 : i32
      %get3A_489 = arith.index_cast %add3A_488 : i32 to index
      %get3A_490 = arith.constant 0 : index
      %get3A_491 = tpu.vector_load %arg8[%get3A_489, %get3A_490] {strides = array<i32>} : memref<128x128xf32, #tpu.memory_space<vmem>>, vector<1x16xf32>,
      %get3A_492 = vector.shape_cast %get3A_491 : vector<1x16xf32> to vector<16xf32>
      %mul3A_493 = arith.constant 8.000000e+00 : f32
      %mul3A_494 = vector.broadcast %mul3A_493 : f32 to vector<16xf32>
      %mul3A_495 = arith.mulf %get3A_492, %mul3A_494 : vector<16xf32>
      %add3A_496 = arith.constant 5 : i32
      %add3A_497 = arith.addi %mul3A_168, %add3A_496 : i32
      %swap3A_498 = arith.index_cast %add3A_497 : i32 to index
      %swap3A_499 = arith.constant 0 : index
      %swap3A_500 = tpu.vector_load %arg8[%swap3A_498, %swap3A_499] {strides = array<i32>} : memref<128x128xf32, #tpu.memory_space<vmem>>, vector<1x16xf32>,
      %swap3A_501 = vector.shape_cast %swap3A_500 : vector<1x16xf32> to vector<16xf32>
      %swap3A_502 = vector.shape_cast %mul3A_495 : vector<16xf32> to vector<1x16xf32>
      tpu.vector_store %arg8[%swap3A_498, %swap3A_499], %swap3A_502 {strides = array<i32>} : memref<128x128xf32, #tpu.memory_space<vmem>>, vector<1x16xf32>,
      %add3A_503 = arith.constant 5 : i32
      %add3A_504 = arith.addi %mul3A_168, %add3A_503 : i32
      %get3A_505 = arith.index_cast %add3A_504 : i32 to index
      %get3A_506 = arith.constant 16 : index
      %get3A_507 = tpu.vector_load %arg8[%get3A_505, %get3A_506] {strides = array<i32>} : memref<128x128xf32, #tpu.memory_space<vmem>>, vector<1x16xf32>,
      %get3A_508 = vector.shape_cast %get3A_507 : vector<1x16xf32> to vector<16xf32>
      %mul3A_509 = arith.constant 8.000000e+00 : f32
      %mul3A_510 = vector.broadcast %mul3A_509 : f32 to vector<16xf32>
      %mul3A_511 = arith.mulf %get3A_508, %mul3A_510 : vector<16xf32>
      %add3A_512 = arith.constant 5 : i32
      %add3A_513 = arith.addi %mul3A_168, %add3A_512 : i32
      %swap3A_514 = arith.index_cast %add3A_513 : i32 to index
      %swap3A_515 = arith.constant 16 : index
      %swap3A_516 = tpu.vector_load %arg8[%swap3A_514, %swap3A_515] {strides = array<i32>} : memref<128x128xf32, #tpu.memory_space<vmem>>, vector<1x16xf32>,
      %swap3A_517 = vector.shape_cast %swap3A_516 : vector<1x16xf32> to vector<16xf32>
      %swap3A_518 = vector.shape_cast %mul3A_511 : vector<16xf32> to vector<1x16xf32>
      tpu.vector_store %arg8[%swap3A_514, %swap3A_515], %swap3A_518 {strides = array<i32>} : memref<128x128xf32, #tpu.memory_space<vmem>>, vector<1x16xf32>,
      %add3A_519 = arith.constant 5 : i32
      %add3A_520 = arith.addi %mul3A_168, %add3A_519 : i32
      %get3A_521 = arith.index_cast %add3A_520 : i32 to index
      %get3A_522 = arith.constant 32 : index
      %get3A_523 = tpu.vector_load %arg8[%get3A_521, %get3A_522] {strides = array<i32>} : memref<128x128xf32, #tpu.memory_space<vmem>>, vector<1x16xf32>,
      %get3A_524 = vector.shape_cast %get3A_523 : vector<1x16xf32> to vector<16xf32>
      %mul3A_525 = arith.constant 8.000000e+00 : f32
      %mul3A_526 = vector.broadcast %mul3A_525 : f32 to vector<16xf32>
      %mul3A_527 = arith.mulf %get3A_524, %mul3A_526 : vector<16xf32>
      %add3A_528 = arith.constant 5 : i32
      %add3A_529 = arith.addi %mul3A_168, %add3A_528 : i32
      %swap3A_530 = arith.index_cast %add3A_529 : i32 to index
      %swap3A_531 = arith.constant 32 : index
      %swap3A_532 = tpu.vector_load %arg8[%swap3A_530, %swap3A_531] {strides = array<i32>} : memref<128x128xf32, #tpu.memory_space<vmem>>, vector<1x16xf32>,
      %swap3A_533 = vector.shape_cast %swap3A_532 : vector<1x16xf32> to vector<16xf32>
      %swap3A_534 = vector.shape_cast %mul3A_527 : vector<16xf32> to vector<1x16xf32>
      tpu.vector_store %arg8[%swap3A_530, %swap3A_531], %swap3A_534 {strides = array<i32>} : memref<128x128xf32, #tpu.memory_space<vmem>>, vector<1x16xf32>,
      %add3A_535 = arith.constant 5 : i32
      %add3A_536 = arith.addi %mul3A_168, %add3A_535 : i32
      %get3A_537 = arith.index_cast %add3A_536 : i32 to index
      %get3A_538 = arith.constant 48 : index
      %get3A_539 = tpu.vector_load %arg8[%get3A_537, %get3A_538] {strides = array<i32>} : memref<128x128xf32, #tpu.memory_space<vmem>>, vector<1x16xf32>,
      %get3A_540 = vector.shape_cast %get3A_539 : vector<1x16xf32> to vector<16xf32>
      %mul3A_541 = arith.constant 8.000000e+00 : f32
      %mul3A_542 = vector.broadcast %mul3A_541 : f32 to vector<16xf32>
      %mul3A_543 = arith.mulf %get3A_540, %mul3A_542 : vector<16xf32>
      %add3A_544 = arith.constant 5 : i32
      %add3A_545 = arith.addi %mul3A_168, %add3A_544 : i32
      %swap3A_546 = arith.index_cast %add3A_545 : i32 to index
      %swap3A_547 = arith.constant 48 : index
      %swap3A_548 = tpu.vector_load %arg8[%swap3A_546, %swap3A_547] {strides = array<i32>} : memref<128x128xf32, #tpu.memory_space<vmem>>, vector<1x16xf32>,
      %swap3A_549 = vector.shape_cast %swap3A_548 : vector<1x16xf32> to vector<16xf32>
      %swap3A_550 = vector.shape_cast %mul3A_543 : vector<16xf32> to vector<1x16xf32>
      tpu.vector_store %arg8[%swap3A_546, %swap3A_547], %swap3A_550 {strides = array<i32>} : memref<128x128xf32, #tpu.memory_space<vmem>>, vector<1x16xf32>,
      %add3A_551 = arith.constant 6 : i32
      %add3A_552 = arith.addi %mul3A_168, %add3A_551 : i32
      %get3A_553 = arith.index_cast %add3A_552 : i32 to index
      %get3A_554 = arith.constant 0 : index
      %get3A_555 = tpu.vector_load %arg8[%get3A_553, %get3A_554] {strides = array<i32>} : memref<128x128xf32, #tpu.memory_space<vmem>>, vector<1x16xf32>,
      %get3A_556 = vector.shape_cast %get3A_555 : vector<1x16xf32> to vector<16xf32>
      %mul3A_557 = arith.constant 8.000000e+00 : f32
      %mul3A_558 = vector.broadcast %mul3A_557 : f32 to vector<16xf32>
      %mul3A_559 = arith.mulf %get3A_556, %mul3A_558 : vector<16xf32>
      %add3A_560 = arith.constant 6 : i32
      %add3A_561 = arith.addi %mul3A_168, %add3A_560 : i32
      %swap3A_562 = arith.index_cast %add3A_561 : i32 to index
      %swap3A_563 = arith.constant 0 : index
      %swap3A_564 = tpu.vector_load %arg8[%swap3A_562, %swap3A_563] {strides = array<i32>} : memref<128x128xf32, #tpu.memory_space<vmem>>, vector<1x16xf32>,
      %swap3A_565 = vector.shape_cast %swap3A_564 : vector<1x16xf32> to vector<16xf32>
      %swap3A_566 = vector.shape_cast %mul3A_559 : vector<16xf32> to vector<1x16xf32>
      tpu.vector_store %arg8[%swap3A_562, %swap3A_563], %swap3A_566 {strides = array<i32>} : memref<128x128xf32, #tpu.memory_space<vmem>>, vector<1x16xf32>,
      %add3A_567 = arith.constant 6 : i32
      %add3A_568 = arith.addi %mul3A_168, %add3A_567 : i32
      %get3A_569 = arith.index_cast %add3A_568 : i32 to index
      %get3A_570 = arith.constant 16 : index
      %get3A_571 = tpu.vector_load %arg8[%get3A_569, %get3A_570] {strides = array<i32>} : memref<128x128xf32, #tpu.memory_space<vmem>>, vector<1x16xf32>,
      %get3A_572 = vector.shape_cast %get3A_571 : vector<1x16xf32> to vector<16xf32>
      %mul3A_573 = arith.constant 8.000000e+00 : f32
      %mul3A_574 = vector.broadcast %mul3A_573 : f32 to vector<16xf32>
      %mul3A_575 = arith.mulf %get3A_572, %mul3A_574 : vector<16xf32>
      %add3A_576 = arith.constant 6 : i32
      %add3A_577 = arith.addi %mul3A_168, %add3A_576 : i32
      %swap3A_578 = arith.index_cast %add3A_577 : i32 to index
      %swap3A_579 = arith.constant 16 : index
      %swap3A_580 = tpu.vector_load %arg8[%swap3A_578, %swap3A_579] {strides = array<i32>} : memref<128x128xf32, #tpu.memory_space<vmem>>, vector<1x16xf32>,
      %swap3A_581 = vector.shape_cast %swap3A_580 : vector<1x16xf32> to vector<16xf32>
      %swap3A_582 = vector.shape_cast %mul3A_575 : vector<16xf32> to vector<1x16xf32>
      tpu.vector_store %arg8[%swap3A_578, %swap3A_579], %swap3A_582 {strides = array<i32>} : memref<128x128xf32, #tpu.memory_space<vmem>>, vector<1x16xf32>,
      %add3A_583 = arith.constant 6 : i32
      %add3A_584 = arith.addi %mul3A_168, %add3A_583 : i32
      %get3A_585 = arith.index_cast %add3A_584 : i32 to index
      %get3A_586 = arith.constant 32 : index
      %get3A_587 = tpu.vector_load %arg8[%get3A_585, %get3A_586] {strides = array<i32>} : memref<128x128xf32, #tpu.memory_space<vmem>>, vector<1x16xf32>,
      %get3A_588 = vector.shape_cast %get3A_587 : vector<1x16xf32> to vector<16xf32>
      %mul3A_589 = arith.constant 8.000000e+00 : f32
      %mul3A_590 = vector.broadcast %mul3A_589 : f32 to vector<16xf32>
      %mul3A_591 = arith.mulf %get3A_588, %mul3A_590 : vector<16xf32>
      %add3A_592 = arith.constant 6 : i32
      %add3A_593 = arith.addi %mul3A_168, %add3A_592 : i32
      %swap3A_594 = arith.index_cast %add3A_593 : i32 to index
      %swap3A_595 = arith.constant 32 : index
      %swap3A_596 = tpu.vector_load %arg8[%swap3A_594, %swap3A_595] {strides = array<i32>} : memref<128x128xf32, #tpu.memory_space<vmem>>, vector<1x16xf32>,
      %swap3A_597 = vector.shape_cast %swap3A_596 : vector<1x16xf32> to vector<16xf32>
      %swap3A_598 = vector.shape_cast %mul3A_591 : vector<16xf32> to vector<1x16xf32>
      tpu.vector_store %arg8[%swap3A_594, %swap3A_595], %swap3A_598 {strides = array<i32>} : memref<128x128xf32, #tpu.memory_space<vmem>>, vector<1x16xf32>,
      %add3A_599 = arith.constant 6 : i32
      %add3A_600 = arith.addi %mul3A_168, %add3A_599 : i32
      %get3A_601 = arith.index_cast %add3A_600 : i32 to index
      %get3A_602 = arith.constant 48 : index
      %get3A_603 = tpu.vector_load %arg8[%get3A_601, %get3A_602] {strides = array<i32>} : memref<128x128xf32, #tpu.memory_space<vmem>>, vector<1x16xf32>,
      %get3A_604 = vector.shape_cast %get3A_603 : vector<1x16xf32> to vector<16xf32>
      %mul3A_605 = arith.constant 8.000000e+00 : f32
      %mul3A_606 = vector.broadcast %mul3A_605 : f32 to vector<16xf32>
      %mul3A_607 = arith.mulf %get3A_604, %mul3A_606 : vector<16xf32>
      %add3A_608 = arith.constant 6 : i32
      %add3A_609 = arith.addi %mul3A_168, %add3A_608 : i32
      %swap3A_610 = arith.index_cast %add3A_609 : i32 to index
      %swap3A_611 = arith.constant 48 : index
      %swap3A_612 = tpu.vector_load %arg8[%swap3A_610, %swap3A_611] {strides = array<i32>} : memref<128x128xf32, #tpu.memory_space<vmem>>, vector<1x16xf32>,
      %swap3A_613 = vector.shape_cast %swap3A_612 : vector<1x16xf32> to vector<16xf32>
      %swap3A_614 = vector.shape_cast %mul3A_607 : vector<16xf32> to vector<1x16xf32>
      tpu.vector_store %arg8[%swap3A_610, %swap3A_611], %swap3A_614 {strides = array<i32>} : memref<128x128xf32, #tpu.memory_space<vmem>>, vector<1x16xf32>,
      %add3A_615 = arith.constant 7 : i32
      %add3A_616 = arith.addi %mul3A_168, %add3A_615 : i32
      %get3A_617 = arith.index_cast %add3A_616 : i32 to index
      %get3A_618 = arith.constant 0 : index
      %get3A_619 = tpu.vector_load %arg8[%get3A_617, %get3A_618] {strides = array<i32>} : memref<128x128xf32, #tpu.memory_space<vmem>>, vector<1x16xf32>,
      %get3A_620 = vector.shape_cast %get3A_619 : vector<1x16xf32> to vector<16xf32>
      %mul3A_621 = arith.constant 8.000000e+00 : f32
      %mul3A_622 = vector.broadcast %mul3A_621 : f32 to vector<16xf32>
      %mul3A_623 = arith.mulf %get3A_620, %mul3A_622 : vector<16xf32>
      %add3A_624 = arith.constant 7 : i32
      %add3A_625 = arith.addi %mul3A_168, %add3A_624 : i32
      %swap3A_626 = arith.index_cast %add3A_625 : i32 to index
      %swap3A_627 = arith.constant 0 : index
      %swap3A_628 = tpu.vector_load %arg8[%swap3A_626, %swap3A_627] {strides = array<i32>} : memref<128x128xf32, #tpu.memory_space<vmem>>, vector<1x16xf32>,
      %swap3A_629 = vector.shape_cast %swap3A_628 : vector<1x16xf32> to vector<16xf32>
      %swap3A_630 = vector.shape_cast %mul3A_623 : vector<16xf32> to vector<1x16xf32>
      tpu.vector_store %arg8[%swap3A_626, %swap3A_627], %swap3A_630 {strides = array<i32>} : memref<128x128xf32, #tpu.memory_space<vmem>>, vector<1x16xf32>,
      %add3A_631 = arith.constant 7 : i32
      %add3A_632 = arith.addi %mul3A_168, %add3A_631 : i32
      %get3A_633 = arith.index_cast %add3A_632 : i32 to index
      %get3A_634 = arith.constant 16 : index
      %get3A_635 = tpu.vector_load %arg8[%get3A_633, %get3A_634] {strides = array<i32>} : memref<128x128xf32, #tpu.memory_space<vmem>>, vector<1x16xf32>,
      %get3A_636 = vector.shape_cast %get3A_635 : vector<1x16xf32> to vector<16xf32>
      %mul3A_637 = arith.constant 8.000000e+00 : f32
      %mul3A_638 = vector.broadcast %mul3A_637 : f32 to vector<16xf32>
      %mul3A_639 = arith.mulf %get3A_636, %mul3A_638 : vector<16xf32>
      %add3A_640 = arith.constant 7 : i32
      %add3A_641 = arith.addi %mul3A_168, %add3A_640 : i32
      %swap3A_642 = arith.index_cast %add3A_641 : i32 to index
      %swap3A_643 = arith.constant 16 : index
      %swap3A_644 = tpu.vector_load %arg8[%swap3A_642, %swap3A_643] {strides = array<i32>} : memref<128x128xf32, #tpu.memory_space<vmem>>, vector<1x16xf32>,
      %swap3A_645 = vector.shape_cast %swap3A_644 : vector<1x16xf32> to vector<16xf32>
      %swap3A_646 = vector.shape_cast %mul3A_639 : vector<16xf32> to vector<1x16xf32>
      tpu.vector_store %arg8[%swap3A_642, %swap3A_643], %swap3A_646 {strides = array<i32>} : memref<128x128xf32, #tpu.memory_space<vmem>>, vector<1x16xf32>,
      %add3A_647 = arith.constant 7 : i32
      %add3A_648 = arith.addi %mul3A_168, %add3A_647 : i32
      %get3A_649 = arith.index_cast %add3A_648 : i32 to index
      %get3A_650 = arith.constant 32 : index
      %get3A_651 = tpu.vector_load %arg8[%get3A_649, %get3A_650] {strides = array<i32>} : memref<128x128xf32, #tpu.memory_space<vmem>>, vector<1x16xf32>,
      %get3A_652 = vector.shape_cast %get3A_651 : vector<1x16xf32> to vector<16xf32>
      %mul3A_653 = arith.constant 8.000000e+00 : f32
      %mul3A_654 = vector.broadcast %mul3A_653 : f32 to vector<16xf32>
      %mul3A_655 = arith.mulf %get3A_652, %mul3A_654 : vector<16xf32>
      %add3A_656 = arith.constant 7 : i32
      %add3A_657 = arith.addi %mul3A_168, %add3A_656 : i32
      %swap3A_658 = arith.index_cast %add3A_657 : i32 to index
      %swap3A_659 = arith.constant 32 : index
      %swap3A_660 = tpu.vector_load %arg8[%swap3A_658, %swap3A_659] {strides = array<i32>} : memref<128x128xf32, #tpu.memory_space<vmem>>, vector<1x16xf32>,
      %swap3A_661 = vector.shape_cast %swap3A_660 : vector<1x16xf32> to vector<16xf32>
      %swap3A_662 = vector.shape_cast %mul3A_655 : vector<16xf32> to vector<1x16xf32>
      tpu.vector_store %arg8[%swap3A_658, %swap3A_659], %swap3A_662 {strides = array<i32>} : memref<128x128xf32, #tpu.memory_space<vmem>>, vector<1x16xf32>,
      %add3A_663 = arith.constant 7 : i32
      %add3A_664 = arith.addi %mul3A_168, %add3A_663 : i32
      %get3A_665 = arith.index_cast %add3A_664 : i32 to index
      %get3A_666 = arith.constant 48 : index
      %get3A_667 = tpu.vector_load %arg8[%get3A_665, %get3A_666] {strides = array<i32>} : memref<128x128xf32, #tpu.memory_space<vmem>>, vector<1x16xf32>,
      %get3A_668 = vector.shape_cast %get3A_667 : vector<1x16xf32> to vector<16xf32>
      %mul3A_669 = arith.constant 8.000000e+00 : f32
      %mul3A_670 = vector.broadcast %mul3A_669 : f32 to vector<16xf32>
      %mul3A_671 = arith.mulf %get3A_668, %mul3A_670 : vector<16xf32>
      %add3A_672 = arith.constant 7 : i32
      %add3A_673 = arith.addi %mul3A_168, %add3A_672 : i32
      %swap3A_674 = arith.index_cast %add3A_673 : i32 to index
      %swap3A_675 = arith.constant 48 : index
      %swap3A_676 = tpu.vector_load %arg8[%swap3A_674, %swap3A_675] {strides = array<i32>} : memref<128x128xf32, #tpu.memory_space<vmem>>, vector<1x16xf32>,
      %swap3A_677 = vector.shape_cast %swap3A_676 : vector<1x16xf32> to vector<16xf32>
      %swap3A_678 = vector.shape_cast %mul3A_671 : vector<16xf32> to vector<1x16xf32>
      tpu.vector_store %arg8[%swap3A_674, %swap3A_675], %swap3A_678 {strides = array<i32>} : memref<128x128xf32, #tpu.memory_space<vmem>>, vector<1x16xf32>,
    }
    %scan3A_119 = arith.constant 16 : i32
    %add3A_120 = arith.constant 127 : i32
    %add3A_121 = arith.addi %mul3A_2, %add3A_120 : i32
    %dma_start3A_122 = arith.constant 0 : i32
    %dma_start3A_123 = arith.constant 0 : i32
    %dma_start3A_124 = tpu.memref_slice %arg4[%add3A_121, %dma_start3A_122, %dma_start3A_123] : memref<4096x200x128xf32, #tpu.memory_space<hbm>> -> memref<1x128x128xf32, #tpu.memory_space<hbm>>
    %dma_start3A_125 = tpu.memref_squeeze %dma_start3A_124 : memref<1x128x128xf32, #tpu.memory_space<hbm>> -> memref<128x128xf32, #tpu.memory_space<hbm>>
    %dma_start3A_126 = arith.constant 0 : i32
    %dma_start3A_127 = arith.constant 0 : i32
    %dma_start3A_128 = tpu.memref_slice %arg4[%add3A_121, %dma_start3A_126, %dma_start3A_127] : memref<4096x200x128xf32, #tpu.memory_space<hbm>> -> memref<1x128x128xf32, #tpu.memory_space<hbm>>
    %dma_start3A_129 = tpu.memref_squeeze %dma_start3A_128 : memref<1x128x128xf32, #tpu.memory_space<hbm>> -> memref<128x128xf32, #tpu.memory_space<hbm>>
    tpu.enqueue_dma source(%arg8 : memref<128x128xf32, #tpu.memory_space<vmem>>) target(%dma_start3A_129 : memref<128x128xf32, #tpu.memory_space<hbm>>) target_semaphore(%arg13 : memref<!tpu.dma_semaphore, #tpu.memory_space<semaphore_mem>>)
    %scan3A_130 = arith.constant 0 : i32
    %scan3A_131 = arith.constant 0 : i32
    %scan3A_132 = arith.constant 9 : i32
    %scan3A_133 = arith.addi %scan3A_131, %scan3A_132 : i32
    %scan3A_134 = arith.constant 1 : i32
    scf.for %scan3A_166 = %scan3A_131 to %scan3A_133 step %scan3A_134  : i32 {
      %mul3A_167 = arith.constant 8 : i32
      %mul3A_168 = arith.muli %scan3A_166, %mul3A_167 : i32
      %add3A_169 = arith.constant 0 : i32
      %add3A_170 = arith.addi %mul3A_168, %add3A_169 : i32
      %get3A = arith.index_cast %add3A_170 : i32 to index
      %get3A_171 = arith.constant 0 : index
      %get3A_172 = tpu.vector_load %arg9[%get3A, %get3A_171] {strides = array<i32>} : memref<72x128xf32, #tpu.memory_space<vmem>>, vector<1x16xf32>,
      %get3A_173 = vector.shape_cast %get3A_172 : vector<1x16xf32> to vector<16xf32>
      %mul3A_174 = arith.constant 8.000000e+00 : f32
      %mul3A_175 = vector.broadcast %mul3A_174 : f32 to vector<16xf32>
      %mul3A_176 = arith.mulf %get3A_173, %mul3A_175 : vector<16xf32>
      %add3A_177 = arith.constant 0 : i32
      %add3A_178 = arith.addi %mul3A_168, %add3A_177 : i32
      %swap3A = arith.index_cast %add3A_178 : i32 to index
      %swap3A_179 = arith.constant 0 : index
      %swap3A_180 = tpu.vector_load %arg9[%swap3A, %swap3A_179] {strides = array<i32>} : memref<72x128xf32, #tpu.memory_space<vmem>>, vector<1x16xf32>,
      %swap3A_181 = vector.shape_cast %swap3A_180 : vector<1x16xf32> to vector<16xf32>
      %swap3A_182 = vector.shape_cast %mul3A_176 : vector<16xf32> to vector<1x16xf32>
      tpu.vector_store %arg9[%swap3A, %swap3A_179], %swap3A_182 {strides = array<i32>} : memref<72x128xf32, #tpu.memory_space<vmem>>, vector<1x16xf32>,
      %add3A_183 = arith.constant 0 : i32
      %add3A_184 = arith.addi %mul3A_168, %add3A_183 : i32
      %get3A_185 = arith.index_cast %add3A_184 : i32 to index
      %get3A_186 = arith.constant 16 : index
      %get3A_187 = tpu.vector_load %arg9[%get3A_185, %get3A_186] {strides = array<i32>} : memref<72x128xf32, #tpu.memory_space<vmem>>, vector<1x16xf32>,
      %get3A_188 = vector.shape_cast %get3A_187 : vector<1x16xf32> to vector<16xf32>
      %mul3A_189 = arith.constant 8.000000e+00 : f32
      %mul3A_190 = vector.broadcast %mul3A_189 : f32 to vector<16xf32>
      %mul3A_191 = arith.mulf %get3A_188, %mul3A_190 : vector<16xf32>
      %add3A_192 = arith.constant 0 : i32
      %add3A_193 = arith.addi %mul3A_168, %add3A_192 : i32
      %swap3A_194 = arith.index_cast %add3A_193 : i32 to index
      %swap3A_195 = arith.constant 16 : index
      %swap3A_196 = tpu.vector_load %arg9[%swap3A_194, %swap3A_195] {strides = array<i32>} : memref<72x128xf32, #tpu.memory_space<vmem>>, vector<1x16xf32>,
      %swap3A_197 = vector.shape_cast %swap3A_196 : vector<1x16xf32> to vector<16xf32>
      %swap3A_198 = vector.shape_cast %mul3A_191 : vector<16xf32> to vector<1x16xf32>
      tpu.vector_store %arg9[%swap3A_194, %swap3A_195], %swap3A_198 {strides = array<i32>} : memref<72x128xf32, #tpu.memory_space<vmem>>, vector<1x16xf32>,
      %add3A_199 = arith.constant 0 : i32
      %add3A_200 = arith.addi %mul3A_168, %add3A_199 : i32
      %get3A_201 = arith.index_cast %add3A_200 : i32 to index
      %get3A_202 = arith.constant 32 : index
      %get3A_203 = tpu.vector_load %arg9[%get3A_201, %get3A_202] {strides = array<i32>} : memref<72x128xf32, #tpu.memory_space<vmem>>, vector<1x16xf32>,
      %get3A_204 = vector.shape_cast %get3A_203 : vector<1x16xf32> to vector<16xf32>
      %mul3A_205 = arith.constant 8.000000e+00 : f32
      %mul3A_206 = vector.broadcast %mul3A_205 : f32 to vector<16xf32>
      %mul3A_207 = arith.mulf %get3A_204, %mul3A_206 : vector<16xf32>
      %add3A_208 = arith.constant 0 : i32
      %add3A_209 = arith.addi %mul3A_168, %add3A_208 : i32
      %swap3A_210 = arith.index_cast %add3A_209 : i32 to index
      %swap3A_211 = arith.constant 32 : index
      %swap3A_212 = tpu.vector_load %arg9[%swap3A_210, %swap3A_211] {strides = array<i32>} : memref<72x128xf32, #tpu.memory_space<vmem>>, vector<1x16xf32>,
      %swap3A_213 = vector.shape_cast %swap3A_212 : vector<1x16xf32> to vector<16xf32>
      %swap3A_214 = vector.shape_cast %mul3A_207 : vector<16xf32> to vector<1x16xf32>
      tpu.vector_store %arg9[%swap3A_210, %swap3A_211], %swap3A_214 {strides = array<i32>} : memref<72x128xf32, #tpu.memory_space<vmem>>, vector<1x16xf32>,
      %add3A_215 = arith.constant 0 : i32
      %add3A_216 = arith.addi %mul3A_168, %add3A_215 : i32
      %get3A_217 = arith.index_cast %add3A_216 : i32 to index
      %get3A_218 = arith.constant 48 : index
      %get3A_219 = tpu.vector_load %arg9[%get3A_217, %get3A_218] {strides = array<i32>} : memref<72x128xf32, #tpu.memory_space<vmem>>, vector<1x16xf32>,
      %get3A_220 = vector.shape_cast %get3A_219 : vector<1x16xf32> to vector<16xf32>
      %mul3A_221 = arith.constant 8.000000e+00 : f32
      %mul3A_222 = vector.broadcast %mul3A_221 : f32 to vector<16xf32>
      %mul3A_223 = arith.mulf %get3A_220, %mul3A_222 : vector<16xf32>
      %add3A_224 = arith.constant 0 : i32
      %add3A_225 = arith.addi %mul3A_168, %add3A_224 : i32
      %swap3A_226 = arith.index_cast %add3A_225 : i32 to index
      %swap3A_227 = arith.constant 48 : index
      %swap3A_228 = tpu.vector_load %arg9[%swap3A_226, %swap3A_227] {strides = array<i32>} : memref<72x128xf32, #tpu.memory_space<vmem>>, vector<1x16xf32>,
      %swap3A_229 = vector.shape_cast %swap3A_228 : vector<1x16xf32> to vector<16xf32>
      %swap3A_230 = vector.shape_cast %mul3A_223 : vector<16xf32> to vector<1x16xf32>
      tpu.vector_store %arg9[%swap3A_226, %swap3A_227], %swap3A_230 {strides = array<i32>} : memref<72x128xf32, #tpu.memory_space<vmem>>, vector<1x16xf32>,
      %add3A_231 = arith.constant 1 : i32
      %add3A_232 = arith.addi %mul3A_168, %add3A_231 : i32
      %get3A_233 = arith.index_cast %add3A_232 : i32 to index
      %get3A_234 = arith.constant 0 : index
      %get3A_235 = tpu.vector_load %arg9[%get3A_233, %get3A_234] {strides = array<i32>} : memref<72x128xf32, #tpu.memory_space<vmem>>, vector<1x16xf32>,
      %get3A_236 = vector.shape_cast %get3A_235 : vector<1x16xf32> to vector<16xf32>
      %mul3A_237 = arith.constant 8.000000e+00 : f32
      %mul3A_238 = vector.broadcast %mul3A_237 : f32 to vector<16xf32>
      %mul3A_239 = arith.mulf %get3A_236, %mul3A_238 : vector<16xf32>
      %add3A_240 = arith.constant 1 : i32
      %add3A_241 = arith.addi %mul3A_168, %add3A_240 : i32
      %swap3A_242 = arith.index_cast %add3A_241 : i32 to index
      %swap3A_243 = arith.constant 0 : index
      %swap3A_244 = tpu.vector_load %arg9[%swap3A_242, %swap3A_243] {strides = array<i32>} : memref<72x128xf32, #tpu.memory_space<vmem>>, vector<1x16xf32>,
      %swap3A_245 = vector.shape_cast %swap3A_244 : vector<1x16xf32> to vector<16xf32>
      %swap3A_246 = vector.shape_cast %mul3A_239 : vector<16xf32> to vector<1x16xf32>
      tpu.vector_store %arg9[%swap3A_242, %swap3A_243], %swap3A_246 {strides = array<i32>} : memref<72x128xf32, #tpu.memory_space<vmem>>, vector<1x16xf32>,
      %add3A_247 = arith.constant 1 : i32
      %add3A_248 = arith.addi %mul3A_168, %add3A_247 : i32
      %get3A_249 = arith.index_cast %add3A_248 : i32 to index
      %get3A_250 = arith.constant 16 : index
      %get3A_251 = tpu.vector_load %arg9[%get3A_249, %get3A_250] {strides = array<i32>} : memref<72x128xf32, #tpu.memory_space<vmem>>, vector<1x16xf32>,
      %get3A_252 = vector.shape_cast %get3A_251 : vector<1x16xf32> to vector<16xf32>
      %mul3A_253 = arith.constant 8.000000e+00 : f32
      %mul3A_254 = vector.broadcast %mul3A_253 : f32 to vector<16xf32>
      %mul3A_255 = arith.mulf %get3A_252, %mul3A_254 : vector<16xf32>
      %add3A_256 = arith.constant 1 : i32
      %add3A_257 = arith.addi %mul3A_168, %add3A_256 : i32
      %swap3A_258 = arith.index_cast %add3A_257 : i32 to index
      %swap3A_259 = arith.constant 16 : index
      %swap3A_260 = tpu.vector_load %arg9[%swap3A_258, %swap3A_259] {strides = array<i32>} : memref<72x128xf32, #tpu.memory_space<vmem>>, vector<1x16xf32>,
      %swap3A_261 = vector.shape_cast %swap3A_260 : vector<1x16xf32> to vector<16xf32>
      %swap3A_262 = vector.shape_cast %mul3A_255 : vector<16xf32> to vector<1x16xf32>
      tpu.vector_store %arg9[%swap3A_258, %swap3A_259], %swap3A_262 {strides = array<i32>} : memref<72x128xf32, #tpu.memory_space<vmem>>, vector<1x16xf32>,
      %add3A_263 = arith.constant 1 : i32
      %add3A_264 = arith.addi %mul3A_168, %add3A_263 : i32
      %get3A_265 = arith.index_cast %add3A_264 : i32 to index
      %get3A_266 = arith.constant 32 : index
      %get3A_267 = tpu.vector_load %arg9[%get3A_265, %get3A_266] {strides = array<i32>} : memref<72x128xf32, #tpu.memory_space<vmem>>, vector<1x16xf32>,
      %get3A_268 = vector.shape_cast %get3A_267 : vector<1x16xf32> to vector<16xf32>
      %mul3A_269 = arith.constant 8.000000e+00 : f32
      %mul3A_270 = vector.broadcast %mul3A_269 : f32 to vector<16xf32>
      %mul3A_271 = arith.mulf %get3A_268, %mul3A_270 : vector<16xf32>
      %add3A_272 = arith.constant 1 : i32
      %add3A_273 = arith.addi %mul3A_168, %add3A_272 : i32
      %swap3A_274 = arith.index_cast %add3A_273 : i32 to index
      %swap3A_275 = arith.constant 32 : index
      %swap3A_276 = tpu.vector_load %arg9[%swap3A_274, %swap3A_275] {strides = array<i32>} : memref<72x128xf32, #tpu.memory_space<vmem>>, vector<1x16xf32>,
      %swap3A_277 = vector.shape_cast %swap3A_276 : vector<1x16xf32> to vector<16xf32>
      %swap3A_278 = vector.shape_cast %mul3A_271 : vector<16xf32> to vector<1x16xf32>
      tpu.vector_store %arg9[%swap3A_274, %swap3A_275], %swap3A_278 {strides = array<i32>} : memref<72x128xf32, #tpu.memory_space<vmem>>, vector<1x16xf32>,
      %add3A_279 = arith.constant 1 : i32
      %add3A_280 = arith.addi %mul3A_168, %add3A_279 : i32
      %get3A_281 = arith.index_cast %add3A_280 : i32 to index
      %get3A_282 = arith.constant 48 : index
      %get3A_283 = tpu.vector_load %arg9[%get3A_281, %get3A_282] {strides = array<i32>} : memref<72x128xf32, #tpu.memory_space<vmem>>, vector<1x16xf32>,
      %get3A_284 = vector.shape_cast %get3A_283 : vector<1x16xf32> to vector<16xf32>
      %mul3A_285 = arith.constant 8.000000e+00 : f32
      %mul3A_286 = vector.broadcast %mul3A_285 : f32 to vector<16xf32>
      %mul3A_287 = arith.mulf %get3A_284, %mul3A_286 : vector<16xf32>
      %add3A_288 = arith.constant 1 : i32
      %add3A_289 = arith.addi %mul3A_168, %add3A_288 : i32
      %swap3A_290 = arith.index_cast %add3A_289 : i32 to index
      %swap3A_291 = arith.constant 48 : index
      %swap3A_292 = tpu.vector_load %arg9[%swap3A_290, %swap3A_291] {strides = array<i32>} : memref<72x128xf32, #tpu.memory_space<vmem>>, vector<1x16xf32>,
      %swap3A_293 = vector.shape_cast %swap3A_292 : vector<1x16xf32> to vector<16xf32>
      %swap3A_294 = vector.shape_cast %mul3A_287 : vector<16xf32> to vector<1x16xf32>
      tpu.vector_store %arg9[%swap3A_290, %swap3A_291], %swap3A_294 {strides = array<i32>} : memref<72x128xf32, #tpu.memory_space<vmem>>, vector<1x16xf32>,
      %add3A_295 = arith.constant 2 : i32
      %add3A_296 = arith.addi %mul3A_168, %add3A_295 : i32
      %get3A_297 = arith.index_cast %add3A_296 : i32 to index
      %get3A_298 = arith.constant 0 : index
      %get3A_299 = tpu.vector_load %arg9[%get3A_297, %get3A_298] {strides = array<i32>} : memref<72x128xf32, #tpu.memory_space<vmem>>, vector<1x16xf32>,
      %get3A_300 = vector.shape_cast %get3A_299 : vector<1x16xf32> to vector<16xf32>
      %mul3A_301 = arith.constant 8.000000e+00 : f32
      %mul3A_302 = vector.broadcast %mul3A_301 : f32 to vector<16xf32>
      %mul3A_303 = arith.mulf %get3A_300, %mul3A_302 : vector<16xf32>
      %add3A_304 = arith.constant 2 : i32
      %add3A_305 = arith.addi %mul3A_168, %add3A_304 : i32
      %swap3A_306 = arith.index_cast %add3A_305 : i32 to index
      %swap3A_307 = arith.constant 0 : index
      %swap3A_308 = tpu.vector_load %arg9[%swap3A_306, %swap3A_307] {strides = array<i32>} : memref<72x128xf32, #tpu.memory_space<vmem>>, vector<1x16xf32>,
      %swap3A_309 = vector.shape_cast %swap3A_308 : vector<1x16xf32> to vector<16xf32>
      %swap3A_310 = vector.shape_cast %mul3A_303 : vector<16xf32> to vector<1x16xf32>
      tpu.vector_store %arg9[%swap3A_306, %swap3A_307], %swap3A_310 {strides = array<i32>} : memref<72x128xf32, #tpu.memory_space<vmem>>, vector<1x16xf32>,
      %add3A_311 = arith.constant 2 : i32
      %add3A_312 = arith.addi %mul3A_168, %add3A_311 : i32
      %get3A_313 = arith.index_cast %add3A_312 : i32 to index
      %get3A_314 = arith.constant 16 : index
      %get3A_315 = tpu.vector_load %arg9[%get3A_313, %get3A_314] {strides = array<i32>} : memref<72x128xf32, #tpu.memory_space<vmem>>, vector<1x16xf32>,
      %get3A_316 = vector.shape_cast %get3A_315 : vector<1x16xf32> to vector<16xf32>
      %mul3A_317 = arith.constant 8.000000e+00 : f32
      %mul3A_318 = vector.broadcast %mul3A_317 : f32 to vector<16xf32>
      %mul3A_319 = arith.mulf %get3A_316, %mul3A_318 : vector<16xf32>
      %add3A_320 = arith.constant 2 : i32
      %add3A_321 = arith.addi %mul3A_168, %add3A_320 : i32
      %swap3A_322 = arith.index_cast %add3A_321 : i32 to index
      %swap3A_323 = arith.constant 16 : index
      %swap3A_324 = tpu.vector_load %arg9[%swap3A_322, %swap3A_323] {strides = array<i32>} : memref<72x128xf32, #tpu.memory_space<vmem>>, vector<1x16xf32>,
      %swap3A_325 = vector.shape_cast %swap3A_324 : vector<1x16xf32> to vector<16xf32>
      %swap3A_326 = vector.shape_cast %mul3A_319 : vector<16xf32> to vector<1x16xf32>
      tpu.vector_store %arg9[%swap3A_322, %swap3A_323], %swap3A_326 {strides = array<i32>} : memref<72x128xf32, #tpu.memory_space<vmem>>, vector<1x16xf32>,
      %add3A_327 = arith.constant 2 : i32
      %add3A_328 = arith.addi %mul3A_168, %add3A_327 : i32
      %get3A_329 = arith.index_cast %add3A_328 : i32 to index
      %get3A_330 = arith.constant 32 : index
      %get3A_331 = tpu.vector_load %arg9[%get3A_329, %get3A_330] {strides = array<i32>} : memref<72x128xf32, #tpu.memory_space<vmem>>, vector<1x16xf32>,
      %get3A_332 = vector.shape_cast %get3A_331 : vector<1x16xf32> to vector<16xf32>
      %mul3A_333 = arith.constant 8.000000e+00 : f32
      %mul3A_334 = vector.broadcast %mul3A_333 : f32 to vector<16xf32>
      %mul3A_335 = arith.mulf %get3A_332, %mul3A_334 : vector<16xf32>
      %add3A_336 = arith.constant 2 : i32
      %add3A_337 = arith.addi %mul3A_168, %add3A_336 : i32
      %swap3A_338 = arith.index_cast %add3A_337 : i32 to index
      %swap3A_339 = arith.constant 32 : index
      %swap3A_340 = tpu.vector_load %arg9[%swap3A_338, %swap3A_339] {strides = array<i32>} : memref<72x128xf32, #tpu.memory_space<vmem>>, vector<1x16xf32>,
      %swap3A_341 = vector.shape_cast %swap3A_340 : vector<1x16xf32> to vector<16xf32>
      %swap3A_342 = vector.shape_cast %mul3A_335 : vector<16xf32> to vector<1x16xf32>
      tpu.vector_store %arg9[%swap3A_338, %swap3A_339], %swap3A_342 {strides = array<i32>} : memref<72x128xf32, #tpu.memory_space<vmem>>, vector<1x16xf32>,
      %add3A_343 = arith.constant 2 : i32
      %add3A_344 = arith.addi %mul3A_168, %add3A_343 : i32
      %get3A_345 = arith.index_cast %add3A_344 : i32 to index
      %get3A_346 = arith.constant 48 : index
      %get3A_347 = tpu.vector_load %arg9[%get3A_345, %get3A_346] {strides = array<i32>} : memref<72x128xf32, #tpu.memory_space<vmem>>, vector<1x16xf32>,
      %get3A_348 = vector.shape_cast %get3A_347 : vector<1x16xf32> to vector<16xf32>
      %mul3A_349 = arith.constant 8.000000e+00 : f32
      %mul3A_350 = vector.broadcast %mul3A_349 : f32 to vector<16xf32>
      %mul3A_351 = arith.mulf %get3A_348, %mul3A_350 : vector<16xf32>
      %add3A_352 = arith.constant 2 : i32
      %add3A_353 = arith.addi %mul3A_168, %add3A_352 : i32
      %swap3A_354 = arith.index_cast %add3A_353 : i32 to index
      %swap3A_355 = arith.constant 48 : index
      %swap3A_356 = tpu.vector_load %arg9[%swap3A_354, %swap3A_355] {strides = array<i32>} : memref<72x128xf32, #tpu.memory_space<vmem>>, vector<1x16xf32>,
      %swap3A_357 = vector.shape_cast %swap3A_356 : vector<1x16xf32> to vector<16xf32>
      %swap3A_358 = vector.shape_cast %mul3A_351 : vector<16xf32> to vector<1x16xf32>
      tpu.vector_store %arg9[%swap3A_354, %swap3A_355], %swap3A_358 {strides = array<i32>} : memref<72x128xf32, #tpu.memory_space<vmem>>, vector<1x16xf32>,
      %add3A_359 = arith.constant 3 : i32
      %add3A_360 = arith.addi %mul3A_168, %add3A_359 : i32
      %get3A_361 = arith.index_cast %add3A_360 : i32 to index
      %get3A_362 = arith.constant 0 : index
      %get3A_363 = tpu.vector_load %arg9[%get3A_361, %get3A_362] {strides = array<i32>} : memref<72x128xf32, #tpu.memory_space<vmem>>, vector<1x16xf32>,
      %get3A_364 = vector.shape_cast %get3A_363 : vector<1x16xf32> to vector<16xf32>
      %mul3A_365 = arith.constant 8.000000e+00 : f32
      %mul3A_366 = vector.broadcast %mul3A_365 : f32 to vector<16xf32>
      %mul3A_367 = arith.mulf %get3A_364, %mul3A_366 : vector<16xf32>
      %add3A_368 = arith.constant 3 : i32
      %add3A_369 = arith.addi %mul3A_168, %add3A_368 : i32
      %swap3A_370 = arith.index_cast %add3A_369 : i32 to index
      %swap3A_371 = arith.constant 0 : index
      %swap3A_372 = tpu.vector_load %arg9[%swap3A_370, %swap3A_371] {strides = array<i32>} : memref<72x128xf32, #tpu.memory_space<vmem>>, vector<1x16xf32>,
      %swap3A_373 = vector.shape_cast %swap3A_372 : vector<1x16xf32> to vector<16xf32>
      %swap3A_374 = vector.shape_cast %mul3A_367 : vector<16xf32> to vector<1x16xf32>
      tpu.vector_store %arg9[%swap3A_370, %swap3A_371], %swap3A_374 {strides = array<i32>} : memref<72x128xf32, #tpu.memory_space<vmem>>, vector<1x16xf32>,
      %add3A_375 = arith.constant 3 : i32
      %add3A_376 = arith.addi %mul3A_168, %add3A_375 : i32
      %get3A_377 = arith.index_cast %add3A_376 : i32 to index
      %get3A_378 = arith.constant 16 : index
      %get3A_379 = tpu.vector_load %arg9[%get3A_377, %get3A_378] {strides = array<i32>} : memref<72x128xf32, #tpu.memory_space<vmem>>, vector<1x16xf32>,
      %get3A_380 = vector.shape_cast %get3A_379 : vector<1x16xf32> to vector<16xf32>
      %mul3A_381 = arith.constant 8.000000e+00 : f32
      %mul3A_382 = vector.broadcast %mul3A_381 : f32 to vector<16xf32>
      %mul3A_383 = arith.mulf %get3A_380, %mul3A_382 : vector<16xf32>
      %add3A_384 = arith.constant 3 : i32
      %add3A_385 = arith.addi %mul3A_168, %add3A_384 : i32
      %swap3A_386 = arith.index_cast %add3A_385 : i32 to index
      %swap3A_387 = arith.constant 16 : index
      %swap3A_388 = tpu.vector_load %arg9[%swap3A_386, %swap3A_387] {strides = array<i32>} : memref<72x128xf32, #tpu.memory_space<vmem>>, vector<1x16xf32>,
      %swap3A_389 = vector.shape_cast %swap3A_388 : vector<1x16xf32> to vector<16xf32>
      %swap3A_390 = vector.shape_cast %mul3A_383 : vector<16xf32> to vector<1x16xf32>
      tpu.vector_store %arg9[%swap3A_386, %swap3A_387], %swap3A_390 {strides = array<i32>} : memref<72x128xf32, #tpu.memory_space<vmem>>, vector<1x16xf32>,
      %add3A_391 = arith.constant 3 : i32
      %add3A_392 = arith.addi %mul3A_168, %add3A_391 : i32
      %get3A_393 = arith.index_cast %add3A_392 : i32 to index
      %get3A_394 = arith.constant 32 : index
      %get3A_395 = tpu.vector_load %arg9[%get3A_393, %get3A_394] {strides = array<i32>} : memref<72x128xf32, #tpu.memory_space<vmem>>, vector<1x16xf32>,
      %get3A_396 = vector.shape_cast %get3A_395 : vector<1x16xf32> to vector<16xf32>
      %mul3A_397 = arith.constant 8.000000e+00 : f32
      %mul3A_398 = vector.broadcast %mul3A_397 : f32 to vector<16xf32>
      %mul3A_399 = arith.mulf %get3A_396, %mul3A_398 : vector<16xf32>
      %add3A_400 = arith.constant 3 : i32
      %add3A_401 = arith.addi %mul3A_168, %add3A_400 : i32
      %swap3A_402 = arith.index_cast %add3A_401 : i32 to index
      %swap3A_403 = arith.constant 32 : index
      %swap3A_404 = tpu.vector_load %arg9[%swap3A_402, %swap3A_403] {strides = array<i32>} : memref<72x128xf32, #tpu.memory_space<vmem>>, vector<1x16xf32>,
      %swap3A_405 = vector.shape_cast %swap3A_404 : vector<1x16xf32> to vector<16xf32>
      %swap3A_406 = vector.shape_cast %mul3A_399 : vector<16xf32> to vector<1x16xf32>
      tpu.vector_store %arg9[%swap3A_402, %swap3A_403], %swap3A_406 {strides = array<i32>} : memref<72x128xf32, #tpu.memory_space<vmem>>, vector<1x16xf32>,
      %add3A_407 = arith.constant 3 : i32
      %add3A_408 = arith.addi %mul3A_168, %add3A_407 : i32
      %get3A_409 = arith.index_cast %add3A_408 : i32 to index
      %get3A_410 = arith.constant 48 : index
      %get3A_411 = tpu.vector_load %arg9[%get3A_409, %get3A_410] {strides = array<i32>} : memref<72x128xf32, #tpu.memory_space<vmem>>, vector<1x16xf32>,
      %get3A_412 = vector.shape_cast %get3A_411 : vector<1x16xf32> to vector<16xf32>
      %mul3A_413 = arith.constant 8.000000e+00 : f32
      %mul3A_414 = vector.broadcast %mul3A_413 : f32 to vector<16xf32>
      %mul3A_415 = arith.mulf %get3A_412, %mul3A_414 : vector<16xf32>
      %add3A_416 = arith.constant 3 : i32
      %add3A_417 = arith.addi %mul3A_168, %add3A_416 : i32
      %swap3A_418 = arith.index_cast %add3A_417 : i32 to index
      %swap3A_419 = arith.constant 48 : index
      %swap3A_420 = tpu.vector_load %arg9[%swap3A_418, %swap3A_419] {strides = array<i32>} : memref<72x128xf32, #tpu.memory_space<vmem>>, vector<1x16xf32>,
      %swap3A_421 = vector.shape_cast %swap3A_420 : vector<1x16xf32> to vector<16xf32>
      %swap3A_422 = vector.shape_cast %mul3A_415 : vector<16xf32> to vector<1x16xf32>
      tpu.vector_store %arg9[%swap3A_418, %swap3A_419], %swap3A_422 {strides = array<i32>} : memref<72x128xf32, #tpu.memory_space<vmem>>, vector<1x16xf32>,
      %add3A_423 = arith.constant 4 : i32
      %add3A_424 = arith.addi %mul3A_168, %add3A_423 : i32
      %get3A_425 = arith.index_cast %add3A_424 : i32 to index
      %get3A_426 = arith.constant 0 : index
      %get3A_427 = tpu.vector_load %arg9[%get3A_425, %get3A_426] {strides = array<i32>} : memref<72x128xf32, #tpu.memory_space<vmem>>, vector<1x16xf32>,
      %get3A_428 = vector.shape_cast %get3A_427 : vector<1x16xf32> to vector<16xf32>
      %mul3A_429 = arith.constant 8.000000e+00 : f32
      %mul3A_430 = vector.broadcast %mul3A_429 : f32 to vector<16xf32>
      %mul3A_431 = arith.mulf %get3A_428, %mul3A_430 : vector<16xf32>
      %add3A_432 = arith.constant 4 : i32
      %add3A_433 = arith.addi %mul3A_168, %add3A_432 : i32
      %swap3A_434 = arith.index_cast %add3A_433 : i32 to index
      %swap3A_435 = arith.constant 0 : index
      %swap3A_436 = tpu.vector_load %arg9[%swap3A_434, %swap3A_435] {strides = array<i32>} : memref<72x128xf32, #tpu.memory_space<vmem>>, vector<1x16xf32>,
      %swap3A_437 = vector.shape_cast %swap3A_436 : vector<1x16xf32> to vector<16xf32>
      %swap3A_438 = vector.shape_cast %mul3A_431 : vector<16xf32> to vector<1x16xf32>
      tpu.vector_store %arg9[%swap3A_434, %swap3A_435], %swap3A_438 {strides = array<i32>} : memref<72x128xf32, #tpu.memory_space<vmem>>, vector<1x16xf32>,
      %add3A_439 = arith.constant 4 : i32
      %add3A_440 = arith.addi %mul3A_168, %add3A_439 : i32
      %get3A_441 = arith.index_cast %add3A_440 : i32 to index
      %get3A_442 = arith.constant 16 : index
      %get3A_443 = tpu.vector_load %arg9[%get3A_441, %get3A_442] {strides = array<i32>} : memref<72x128xf32, #tpu.memory_space<vmem>>, vector<1x16xf32>,
      %get3A_444 = vector.shape_cast %get3A_443 : vector<1x16xf32> to vector<16xf32>
      %mul3A_445 = arith.constant 8.000000e+00 : f32
      %mul3A_446 = vector.broadcast %mul3A_445 : f32 to vector<16xf32>
      %mul3A_447 = arith.mulf %get3A_444, %mul3A_446 : vector<16xf32>
      %add3A_448 = arith.constant 4 : i32
      %add3A_449 = arith.addi %mul3A_168, %add3A_448 : i32
      %swap3A_450 = arith.index_cast %add3A_449 : i32 to index
      %swap3A_451 = arith.constant 16 : index
      %swap3A_452 = tpu.vector_load %arg9[%swap3A_450, %swap3A_451] {strides = array<i32>} : memref<72x128xf32, #tpu.memory_space<vmem>>, vector<1x16xf32>,
      %swap3A_453 = vector.shape_cast %swap3A_452 : vector<1x16xf32> to vector<16xf32>
      %swap3A_454 = vector.shape_cast %mul3A_447 : vector<16xf32> to vector<1x16xf32>
      tpu.vector_store %arg9[%swap3A_450, %swap3A_451], %swap3A_454 {strides = array<i32>} : memref<72x128xf32, #tpu.memory_space<vmem>>, vector<1x16xf32>,
      %add3A_455 = arith.constant 4 : i32
      %add3A_456 = arith.addi %mul3A_168, %add3A_455 : i32
      %get3A_457 = arith.index_cast %add3A_456 : i32 to index
      %get3A_458 = arith.constant 32 : index
      %get3A_459 = tpu.vector_load %arg9[%get3A_457, %get3A_458] {strides = array<i32>} : memref<72x128xf32, #tpu.memory_space<vmem>>, vector<1x16xf32>,
      %get3A_460 = vector.shape_cast %get3A_459 : vector<1x16xf32> to vector<16xf32>
      %mul3A_461 = arith.constant 8.000000e+00 : f32
      %mul3A_462 = vector.broadcast %mul3A_461 : f32 to vector<16xf32>
      %mul3A_463 = arith.mulf %get3A_460, %mul3A_462 : vector<16xf32>
      %add3A_464 = arith.constant 4 : i32
      %add3A_465 = arith.addi %mul3A_168, %add3A_464 : i32
      %swap3A_466 = arith.index_cast %add3A_465 : i32 to index
      %swap3A_467 = arith.constant 32 : index
      %swap3A_468 = tpu.vector_load %arg9[%swap3A_466, %swap3A_467] {strides = array<i32>} : memref<72x128xf32, #tpu.memory_space<vmem>>, vector<1x16xf32>,
      %swap3A_469 = vector.shape_cast %swap3A_468 : vector<1x16xf32> to vector<16xf32>
      %swap3A_470 = vector.shape_cast %mul3A_463 : vector<16xf32> to vector<1x16xf32>
      tpu.vector_store %arg9[%swap3A_466, %swap3A_467], %swap3A_470 {strides = array<i32>} : memref<72x128xf32, #tpu.memory_space<vmem>>, vector<1x16xf32>,
      %add3A_471 = arith.constant 4 : i32
      %add3A_472 = arith.addi %mul3A_168, %add3A_471 : i32
      %get3A_473 = arith.index_cast %add3A_472 : i32 to index
      %get3A_474 = arith.constant 48 : index
      %get3A_475 = tpu.vector_load %arg9[%get3A_473, %get3A_474] {strides = array<i32>} : memref<72x128xf32, #tpu.memory_space<vmem>>, vector<1x16xf32>,
      %get3A_476 = vector.shape_cast %get3A_475 : vector<1x16xf32> to vector<16xf32>
      %mul3A_477 = arith.constant 8.000000e+00 : f32
      %mul3A_478 = vector.broadcast %mul3A_477 : f32 to vector<16xf32>
      %mul3A_479 = arith.mulf %get3A_476, %mul3A_478 : vector<16xf32>
      %add3A_480 = arith.constant 4 : i32
      %add3A_481 = arith.addi %mul3A_168, %add3A_480 : i32
      %swap3A_482 = arith.index_cast %add3A_481 : i32 to index
      %swap3A_483 = arith.constant 48 : index
      %swap3A_484 = tpu.vector_load %arg9[%swap3A_482, %swap3A_483] {strides = array<i32>} : memref<72x128xf32, #tpu.memory_space<vmem>>, vector<1x16xf32>,
      %swap3A_485 = vector.shape_cast %swap3A_484 : vector<1x16xf32> to vector<16xf32>
      %swap3A_486 = vector.shape_cast %mul3A_479 : vector<16xf32> to vector<1x16xf32>
      tpu.vector_store %arg9[%swap3A_482, %swap3A_483], %swap3A_486 {strides = array<i32>} : memref<72x128xf32, #tpu.memory_space<vmem>>, vector<1x16xf32>,
      %add3A_487 = arith.constant 5 : i32
      %add3A_488 = arith.addi %mul3A_168, %add3A_487 : i32
      %get3A_489 = arith.index_cast %add3A_488 : i32 to index
      %get3A_490 = arith.constant 0 : index
      %get3A_491 = tpu.vector_load %arg9[%get3A_489, %get3A_490] {strides = array<i32>} : memref<72x128xf32, #tpu.memory_space<vmem>>, vector<1x16xf32>,
      %get3A_492 = vector.shape_cast %get3A_491 : vector<1x16xf32> to vector<16xf32>
      %mul3A_493 = arith.constant 8.000000e+00 : f32
      %mul3A_494 = vector.broadcast %mul3A_493 : f32 to vector<16xf32>
      %mul3A_495 = arith.mulf %get3A_492, %mul3A_494 : vector<16xf32>
      %add3A_496 = arith.constant 5 : i32
      %add3A_497 = arith.addi %mul3A_168, %add3A_496 : i32
      %swap3A_498 = arith.index_cast %add3A_497 : i32 to index
      %swap3A_499 = arith.constant 0 : index
      %swap3A_500 = tpu.vector_load %arg9[%swap3A_498, %swap3A_499] {strides = array<i32>} : memref<72x128xf32, #tpu.memory_space<vmem>>, vector<1x16xf32>,
      %swap3A_501 = vector.shape_cast %swap3A_500 : vector<1x16xf32> to vector<16xf32>
      %swap3A_502 = vector.shape_cast %mul3A_495 : vector<16xf32> to vector<1x16xf32>
      tpu.vector_store %arg9[%swap3A_498, %swap3A_499], %swap3A_502 {strides = array<i32>} : memref<72x128xf32, #tpu.memory_space<vmem>>, vector<1x16xf32>,
      %add3A_503 = arith.constant 5 : i32
      %add3A_504 = arith.addi %mul3A_168, %add3A_503 : i32
      %get3A_505 = arith.index_cast %add3A_504 : i32 to index
      %get3A_506 = arith.constant 16 : index
      %get3A_507 = tpu.vector_load %arg9[%get3A_505, %get3A_506] {strides = array<i32>} : memref<72x128xf32, #tpu.memory_space<vmem>>, vector<1x16xf32>,
      %get3A_508 = vector.shape_cast %get3A_507 : vector<1x16xf32> to vector<16xf32>
      %mul3A_509 = arith.constant 8.000000e+00 : f32
      %mul3A_510 = vector.broadcast %mul3A_509 : f32 to vector<16xf32>
      %mul3A_511 = arith.mulf %get3A_508, %mul3A_510 : vector<16xf32>
      %add3A_512 = arith.constant 5 : i32
      %add3A_513 = arith.addi %mul3A_168, %add3A_512 : i32
      %swap3A_514 = arith.index_cast %add3A_513 : i32 to index
      %swap3A_515 = arith.constant 16 : index
      %swap3A_516 = tpu.vector_load %arg9[%swap3A_514, %swap3A_515] {strides = array<i32>} : memref<72x128xf32, #tpu.memory_space<vmem>>, vector<1x16xf32>,
      %swap3A_517 = vector.shape_cast %swap3A_516 : vector<1x16xf32> to vector<16xf32>
      %swap3A_518 = vector.shape_cast %mul3A_511 : vector<16xf32> to vector<1x16xf32>
      tpu.vector_store %arg9[%swap3A_514, %swap3A_515], %swap3A_518 {strides = array<i32>} : memref<72x128xf32, #tpu.memory_space<vmem>>, vector<1x16xf32>,
      %add3A_519 = arith.constant 5 : i32
      %add3A_520 = arith.addi %mul3A_168, %add3A_519 : i32
      %get3A_521 = arith.index_cast %add3A_520 : i32 to index
      %get3A_522 = arith.constant 32 : index
      %get3A_523 = tpu.vector_load %arg9[%get3A_521, %get3A_522] {strides = array<i32>} : memref<72x128xf32, #tpu.memory_space<vmem>>, vector<1x16xf32>,
      %get3A_524 = vector.shape_cast %get3A_523 : vector<1x16xf32> to vector<16xf32>
      %mul3A_525 = arith.constant 8.000000e+00 : f32
      %mul3A_526 = vector.broadcast %mul3A_525 : f32 to vector<16xf32>
      %mul3A_527 = arith.mulf %get3A_524, %mul3A_526 : vector<16xf32>
      %add3A_528 = arith.constant 5 : i32
      %add3A_529 = arith.addi %mul3A_168, %add3A_528 : i32
      %swap3A_530 = arith.index_cast %add3A_529 : i32 to index
      %swap3A_531 = arith.constant 32 : index
      %swap3A_532 = tpu.vector_load %arg9[%swap3A_530, %swap3A_531] {strides = array<i32>} : memref<72x128xf32, #tpu.memory_space<vmem>>, vector<1x16xf32>,
      %swap3A_533 = vector.shape_cast %swap3A_532 : vector<1x16xf32> to vector<16xf32>
      %swap3A_534 = vector.shape_cast %mul3A_527 : vector<16xf32> to vector<1x16xf32>
      tpu.vector_store %arg9[%swap3A_530, %swap3A_531], %swap3A_534 {strides = array<i32>} : memref<72x128xf32, #tpu.memory_space<vmem>>, vector<1x16xf32>,
      %add3A_535 = arith.constant 5 : i32
      %add3A_536 = arith.addi %mul3A_168, %add3A_535 : i32
      %get3A_537 = arith.index_cast %add3A_536 : i32 to index
      %get3A_538 = arith.constant 48 : index
      %get3A_539 = tpu.vector_load %arg9[%get3A_537, %get3A_538] {strides = array<i32>} : memref<72x128xf32, #tpu.memory_space<vmem>>, vector<1x16xf32>,
      %get3A_540 = vector.shape_cast %get3A_539 : vector<1x16xf32> to vector<16xf32>
      %mul3A_541 = arith.constant 8.000000e+00 : f32
      %mul3A_542 = vector.broadcast %mul3A_541 : f32 to vector<16xf32>
      %mul3A_543 = arith.mulf %get3A_540, %mul3A_542 : vector<16xf32>
      %add3A_544 = arith.constant 5 : i32
      %add3A_545 = arith.addi %mul3A_168, %add3A_544 : i32
      %swap3A_546 = arith.index_cast %add3A_545 : i32 to index
      %swap3A_547 = arith.constant 48 : index
      %swap3A_548 = tpu.vector_load %arg9[%swap3A_546, %swap3A_547] {strides = array<i32>} : memref<72x128xf32, #tpu.memory_space<vmem>>, vector<1x16xf32>,
      %swap3A_549 = vector.shape_cast %swap3A_548 : vector<1x16xf32> to vector<16xf32>
      %swap3A_550 = vector.shape_cast %mul3A_543 : vector<16xf32> to vector<1x16xf32>
      tpu.vector_store %arg9[%swap3A_546, %swap3A_547], %swap3A_550 {strides = array<i32>} : memref<72x128xf32, #tpu.memory_space<vmem>>, vector<1x16xf32>,
      %add3A_551 = arith.constant 6 : i32
      %add3A_552 = arith.addi %mul3A_168, %add3A_551 : i32
      %get3A_553 = arith.index_cast %add3A_552 : i32 to index
      %get3A_554 = arith.constant 0 : index
      %get3A_555 = tpu.vector_load %arg9[%get3A_553, %get3A_554] {strides = array<i32>} : memref<72x128xf32, #tpu.memory_space<vmem>>, vector<1x16xf32>,
      %get3A_556 = vector.shape_cast %get3A_555 : vector<1x16xf32> to vector<16xf32>
      %mul3A_557 = arith.constant 8.000000e+00 : f32
      %mul3A_558 = vector.broadcast %mul3A_557 : f32 to vector<16xf32>
      %mul3A_559 = arith.mulf %get3A_556, %mul3A_558 : vector<16xf32>
      %add3A_560 = arith.constant 6 : i32
      %add3A_561 = arith.addi %mul3A_168, %add3A_560 : i32
      %swap3A_562 = arith.index_cast %add3A_561 : i32 to index
      %swap3A_563 = arith.constant 0 : index
      %swap3A_564 = tpu.vector_load %arg9[%swap3A_562, %swap3A_563] {strides = array<i32>} : memref<72x128xf32, #tpu.memory_space<vmem>>, vector<1x16xf32>,
      %swap3A_565 = vector.shape_cast %swap3A_564 : vector<1x16xf32> to vector<16xf32>
      %swap3A_566 = vector.shape_cast %mul3A_559 : vector<16xf32> to vector<1x16xf32>
      tpu.vector_store %arg9[%swap3A_562, %swap3A_563], %swap3A_566 {strides = array<i32>} : memref<72x128xf32, #tpu.memory_space<vmem>>, vector<1x16xf32>,
      %add3A_567 = arith.constant 6 : i32
      %add3A_568 = arith.addi %mul3A_168, %add3A_567 : i32
      %get3A_569 = arith.index_cast %add3A_568 : i32 to index
      %get3A_570 = arith.constant 16 : index
      %get3A_571 = tpu.vector_load %arg9[%get3A_569, %get3A_570] {strides = array<i32>} : memref<72x128xf32, #tpu.memory_space<vmem>>, vector<1x16xf32>,
      %get3A_572 = vector.shape_cast %get3A_571 : vector<1x16xf32> to vector<16xf32>
      %mul3A_573 = arith.constant 8.000000e+00 : f32
      %mul3A_574 = vector.broadcast %mul3A_573 : f32 to vector<16xf32>
      %mul3A_575 = arith.mulf %get3A_572, %mul3A_574 : vector<16xf32>
      %add3A_576 = arith.constant 6 : i32
      %add3A_577 = arith.addi %mul3A_168, %add3A_576 : i32
      %swap3A_578 = arith.index_cast %add3A_577 : i32 to index
      %swap3A_579 = arith.constant 16 : index
      %swap3A_580 = tpu.vector_load %arg9[%swap3A_578, %swap3A_579] {strides = array<i32>} : memref<72x128xf32, #tpu.memory_space<vmem>>, vector<1x16xf32>,
      %swap3A_581 = vector.shape_cast %swap3A_580 : vector<1x16xf32> to vector<16xf32>
      %swap3A_582 = vector.shape_cast %mul3A_575 : vector<16xf32> to vector<1x16xf32>
      tpu.vector_store %arg9[%swap3A_578, %swap3A_579], %swap3A_582 {strides = array<i32>} : memref<72x128xf32, #tpu.memory_space<vmem>>, vector<1x16xf32>,
      %add3A_583 = arith.constant 6 : i32
      %add3A_584 = arith.addi %mul3A_168, %add3A_583 : i32
      %get3A_585 = arith.index_cast %add3A_584 : i32 to index
      %get3A_586 = arith.constant 32 : index
      %get3A_587 = tpu.vector_load %arg9[%get3A_585, %get3A_586] {strides = array<i32>} : memref<72x128xf32, #tpu.memory_space<vmem>>, vector<1x16xf32>,
      %get3A_588 = vector.shape_cast %get3A_587 : vector<1x16xf32> to vector<16xf32>
      %mul3A_589 = arith.constant 8.000000e+00 : f32
      %mul3A_590 = vector.broadcast %mul3A_589 : f32 to vector<16xf32>
      %mul3A_591 = arith.mulf %get3A_588, %mul3A_590 : vector<16xf32>
      %add3A_592 = arith.constant 6 : i32
      %add3A_593 = arith.addi %mul3A_168, %add3A_592 : i32
      %swap3A_594 = arith.index_cast %add3A_593 : i32 to index
      %swap3A_595 = arith.constant 32 : index
      %swap3A_596 = tpu.vector_load %arg9[%swap3A_594, %swap3A_595] {strides = array<i32>} : memref<72x128xf32, #tpu.memory_space<vmem>>, vector<1x16xf32>,
      %swap3A_597 = vector.shape_cast %swap3A_596 : vector<1x16xf32> to vector<16xf32>
      %swap3A_598 = vector.shape_cast %mul3A_591 : vector<16xf32> to vector<1x16xf32>
      tpu.vector_store %arg9[%swap3A_594, %swap3A_595], %swap3A_598 {strides = array<i32>} : memref<72x128xf32, #tpu.memory_space<vmem>>, vector<1x16xf32>,
      %add3A_599 = arith.constant 6 : i32
      %add3A_600 = arith.addi %mul3A_168, %add3A_599 : i32
      %get3A_601 = arith.index_cast %add3A_600 : i32 to index
      %get3A_602 = arith.constant 48 : index
      %get3A_603 = tpu.vector_load %arg9[%get3A_601, %get3A_602] {strides = array<i32>} : memref<72x128xf32, #tpu.memory_space<vmem>>, vector<1x16xf32>,
      %get3A_604 = vector.shape_cast %get3A_603 : vector<1x16xf32> to vector<16xf32>
      %mul3A_605 = arith.constant 8.000000e+00 : f32
      %mul3A_606 = vector.broadcast %mul3A_605 : f32 to vector<16xf32>
      %mul3A_607 = arith.mulf %get3A_604, %mul3A_606 : vector<16xf32>
      %add3A_608 = arith.constant 6 : i32
      %add3A_609 = arith.addi %mul3A_168, %add3A_608 : i32
      %swap3A_610 = arith.index_cast %add3A_609 : i32 to index
      %swap3A_611 = arith.constant 48 : index
      %swap3A_612 = tpu.vector_load %arg9[%swap3A_610, %swap3A_611] {strides = array<i32>} : memref<72x128xf32, #tpu.memory_space<vmem>>, vector<1x16xf32>,
      %swap3A_613 = vector.shape_cast %swap3A_612 : vector<1x16xf32> to vector<16xf32>
      %swap3A_614 = vector.shape_cast %mul3A_607 : vector<16xf32> to vector<1x16xf32>
      tpu.vector_store %arg9[%swap3A_610, %swap3A_611], %swap3A_614 {strides = array<i32>} : memref<72x128xf32, #tpu.memory_space<vmem>>, vector<1x16xf32>,
      %add3A_615 = arith.constant 7 : i32
      %add3A_616 = arith.addi %mul3A_168, %add3A_615 : i32
      %get3A_617 = arith.index_cast %add3A_616 : i32 to index
      %get3A_618 = arith.constant 0 : index
      %get3A_619 = tpu.vector_load %arg9[%get3A_617, %get3A_618] {strides = array<i32>} : memref<72x128xf32, #tpu.memory_space<vmem>>, vector<1x16xf32>,
      %get3A_620 = vector.shape_cast %get3A_619 : vector<1x16xf32> to vector<16xf32>
      %mul3A_621 = arith.constant 8.000000e+00 : f32
      %mul3A_622 = vector.broadcast %mul3A_621 : f32 to vector<16xf32>
      %mul3A_623 = arith.mulf %get3A_620, %mul3A_622 : vector<16xf32>
      %add3A_624 = arith.constant 7 : i32
      %add3A_625 = arith.addi %mul3A_168, %add3A_624 : i32
      %swap3A_626 = arith.index_cast %add3A_625 : i32 to index
      %swap3A_627 = arith.constant 0 : index
      %swap3A_628 = tpu.vector_load %arg9[%swap3A_626, %swap3A_627] {strides = array<i32>} : memref<72x128xf32, #tpu.memory_space<vmem>>, vector<1x16xf32>,
      %swap3A_629 = vector.shape_cast %swap3A_628 : vector<1x16xf32> to vector<16xf32>
      %swap3A_630 = vector.shape_cast %mul3A_623 : vector<16xf32> to vector<1x16xf32>
      tpu.vector_store %arg9[%swap3A_626, %swap3A_627], %swap3A_630 {strides = array<i32>} : memref<72x128xf32, #tpu.memory_space<vmem>>, vector<1x16xf32>,
      %add3A_631 = arith.constant 7 : i32
      %add3A_632 = arith.addi %mul3A_168, %add3A_631 : i32
      %get3A_633 = arith.index_cast %add3A_632 : i32 to index
      %get3A_634 = arith.constant 16 : index
      %get3A_635 = tpu.vector_load %arg9[%get3A_633, %get3A_634] {strides = array<i32>} : memref<72x128xf32, #tpu.memory_space<vmem>>, vector<1x16xf32>,
      %get3A_636 = vector.shape_cast %get3A_635 : vector<1x16xf32> to vector<16xf32>
      %mul3A_637 = arith.constant 8.000000e+00 : f32
      %mul3A_638 = vector.broadcast %mul3A_637 : f32 to vector<16xf32>
      %mul3A_639 = arith.mulf %get3A_636, %mul3A_638 : vector<16xf32>
      %add3A_640 = arith.constant 7 : i32
      %add3A_641 = arith.addi %mul3A_168, %add3A_640 : i32
      %swap3A_642 = arith.index_cast %add3A_641 : i32 to index
      %swap3A_643 = arith.constant 16 : index
      %swap3A_644 = tpu.vector_load %arg9[%swap3A_642, %swap3A_643] {strides = array<i32>} : memref<72x128xf32, #tpu.memory_space<vmem>>, vector<1x16xf32>,
      %swap3A_645 = vector.shape_cast %swap3A_644 : vector<1x16xf32> to vector<16xf32>
      %swap3A_646 = vector.shape_cast %mul3A_639 : vector<16xf32> to vector<1x16xf32>
      tpu.vector_store %arg9[%swap3A_642, %swap3A_643], %swap3A_646 {strides = array<i32>} : memref<72x128xf32, #tpu.memory_space<vmem>>, vector<1x16xf32>,
      %add3A_647 = arith.constant 7 : i32
      %add3A_648 = arith.addi %mul3A_168, %add3A_647 : i32
      %get3A_649 = arith.index_cast %add3A_648 : i32 to index
      %get3A_650 = arith.constant 32 : index
      %get3A_651 = tpu.vector_load %arg9[%get3A_649, %get3A_650] {strides = array<i32>} : memref<72x128xf32, #tpu.memory_space<vmem>>, vector<1x16xf32>,
      %get3A_652 = vector.shape_cast %get3A_651 : vector<1x16xf32> to vector<16xf32>
      %mul3A_653 = arith.constant 8.000000e+00 : f32
      %mul3A_654 = vector.broadcast %mul3A_653 : f32 to vector<16xf32>
      %mul3A_655 = arith.mulf %get3A_652, %mul3A_654 : vector<16xf32>
      %add3A_656 = arith.constant 7 : i32
      %add3A_657 = arith.addi %mul3A_168, %add3A_656 : i32
      %swap3A_658 = arith.index_cast %add3A_657 : i32 to index
      %swap3A_659 = arith.constant 32 : index
      %swap3A_660 = tpu.vector_load %arg9[%swap3A_658, %swap3A_659] {strides = array<i32>} : memref<72x128xf32, #tpu.memory_space<vmem>>, vector<1x16xf32>,
      %swap3A_661 = vector.shape_cast %swap3A_660 : vector<1x16xf32> to vector<16xf32>
      %swap3A_662 = vector.shape_cast %mul3A_655 : vector<16xf32> to vector<1x16xf32>
      tpu.vector_store %arg9[%swap3A_658, %swap3A_659], %swap3A_662 {strides = array<i32>} : memref<72x128xf32, #tpu.memory_space<vmem>>, vector<1x16xf32>,
      %add3A_663 = arith.constant 7 : i32
      %add3A_664 = arith.addi %mul3A_168, %add3A_663 : i32
      %get3A_665 = arith.index_cast %add3A_664 : i32 to index
      %get3A_666 = arith.constant 48 : index
      %get3A_667 = tpu.vector_load %arg9[%get3A_665, %get3A_666] {strides = array<i32>} : memref<72x128xf32, #tpu.memory_space<vmem>>, vector<1x16xf32>,
      %get3A_668 = vector.shape_cast %get3A_667 : vector<1x16xf32> to vector<16xf32>
      %mul3A_669 = arith.constant 8.000000e+00 : f32
      %mul3A_670 = vector.broadcast %mul3A_669 : f32 to vector<16xf32>
      %mul3A_671 = arith.mulf %get3A_668, %mul3A_670 : vector<16xf32>
      %add3A_672 = arith.constant 7 : i32
      %add3A_673 = arith.addi %mul3A_168, %add3A_672 : i32
      %swap3A_674 = arith.index_cast %add3A_673 : i32 to index
      %swap3A_675 = arith.constant 48 : index
      %swap3A_676 = tpu.vector_load %arg9[%swap3A_674, %swap3A_675] {strides = array<i32>} : memref<72x128xf32, #tpu.memory_space<vmem>>, vector<1x16xf32>,
      %swap3A_677 = vector.shape_cast %swap3A_676 : vector<1x16xf32> to vector<16xf32>
      %swap3A_678 = vector.shape_cast %mul3A_671 : vector<16xf32> to vector<1x16xf32>
      tpu.vector_store %arg9[%swap3A_674, %swap3A_675], %swap3A_678 {strides = array<i32>} : memref<72x128xf32, #tpu.memory_space<vmem>>, vector<1x16xf32>,
    }
    %scan3A_135 = arith.constant 9 : i32
    %add3A_136 = arith.constant 127 : i32
    %add3A_137 = arith.addi %mul3A_2, %add3A_136 : i32
    %dma_start3A_138 = arith.constant 128 : i32
    %dma_start3A_139 = arith.constant 0 : i32
    %dma_start3A_140 = tpu.memref_slice %arg4[%add3A_137, %dma_start3A_138, %dma_start3A_139] : memref<4096x200x128xf32, #tpu.memory_space<hbm>> -> memref<1x72x128xf32, #tpu.memory_space<hbm>>
    %dma_start3A_141 = tpu.memref_squeeze %dma_start3A_140 : memref<1x72x128xf32, #tpu.memory_space<hbm>> -> memref<72x128xf32, #tpu.memory_space<hbm>>
    %dma_start3A_142 = arith.constant 128 : i32
    %dma_start3A_143 = arith.constant 0 : i32
    %dma_start3A_144 = tpu.memref_slice %arg4[%add3A_137, %dma_start3A_142, %dma_start3A_143] : memref<4096x200x128xf32, #tpu.memory_space<hbm>> -> memref<1x72x128xf32, #tpu.memory_space<hbm>>
    %dma_start3A_145 = tpu.memref_squeeze %dma_start3A_144 : memref<1x72x128xf32, #tpu.memory_space<hbm>> -> memref<72x128xf32, #tpu.memory_space<hbm>>
    tpu.enqueue_dma source(%arg9 : memref<72x128xf32, #tpu.memory_space<vmem>>) target(%dma_start3A_145 : memref<72x128xf32, #tpu.memory_space<hbm>>) target_semaphore(%arg13 : memref<!tpu.dma_semaphore, #tpu.memory_space<semaphore_mem>>)
    %add3A_146 = arith.constant 127 : i32
    %add3A_147 = arith.addi %mul3A_2, %add3A_146 : i32
    %dma_wait3A_148 = arith.constant 0 : i32
    %dma_wait3A_149 = arith.constant 0 : i32
    %dma_wait3A_150 = tpu.memref_slice %arg4[%add3A_147, %dma_wait3A_148, %dma_wait3A_149] : memref<4096x200x128xf32, #tpu.memory_space<hbm>> -> memref<1x128x128xf32, #tpu.memory_space<hbm>>
    %dma_wait3A_151 = tpu.memref_squeeze %dma_wait3A_150 : memref<1x128x128xf32, #tpu.memory_space<hbm>> -> memref<128x128xf32, #tpu.memory_space<hbm>>
    %dma_wait3A_152 = arith.constant 0 : i32
    %dma_wait3A_153 = arith.constant 0 : i32
    %dma_wait3A_154 = tpu.memref_slice %arg4[%add3A_147, %dma_wait3A_152, %dma_wait3A_153] : memref<4096x200x128xf32, #tpu.memory_space<hbm>> -> memref<1x128x128xf32, #tpu.memory_space<hbm>>
    %dma_wait3A_155 = tpu.memref_squeeze %dma_wait3A_154 : memref<1x128x128xf32, #tpu.memory_space<hbm>> -> memref<128x128xf32, #tpu.memory_space<hbm>>
    tpu.wait_dma2 semaphore(%arg13 : memref<!tpu.dma_semaphore, #tpu.memory_space<semaphore_mem>>) src(%arg8 : memref<128x128xf32, #tpu.memory_space<vmem>>) dst(%dma_wait3A_155 : memref<128x128xf32, #tpu.memory_space<hbm>>)
    %add3A_156 = arith.constant 127 : i32
    %add3A_157 = arith.addi %mul3A_2, %add3A_156 : i32
    %dma_wait3A_158 = arith.constant 128 : i32
    %dma_wait3A_159 = arith.constant 0 : i32
    %dma_wait3A_160 = tpu.memref_slice %arg4[%add3A_157, %dma_wait3A_158, %dma_wait3A_159] : memref<4096x200x128xf32, #tpu.memory_space<hbm>> -> memref<1x72x128xf32, #tpu.memory_space<hbm>>
    %dma_wait3A_161 = tpu.memref_squeeze %dma_wait3A_160 : memref<1x72x128xf32, #tpu.memory_space<hbm>> -> memref<72x128xf32, #tpu.memory_space<hbm>>
    %dma_wait3A_162 = arith.constant 128 : i32
    %dma_wait3A_163 = arith.constant 0 : i32
    %dma_wait3A_164 = tpu.memref_slice %arg4[%add3A_157, %dma_wait3A_162, %dma_wait3A_163] : memref<4096x200x128xf32, #tpu.memory_space<hbm>> -> memref<1x72x128xf32, #tpu.memory_space<hbm>>
    %dma_wait3A_165 = tpu.memref_squeeze %dma_wait3A_164 : memref<1x72x128xf32, #tpu.memory_space<hbm>> -> memref<72x128xf32, #tpu.memory_space<hbm>>
    tpu.wait_dma2 semaphore(%arg13 : memref<!tpu.dma_semaphore, #tpu.memory_space<semaphore_mem>>) src(%arg9 : memref<72x128xf32, #tpu.memory_space<vmem>>) dst(%dma_wait3A_165 : memref<72x128xf32, #tpu.memory_space<hbm>>)
    return
  }
}

</mosaic_0001>

<sc_bundles>
// kernel: kernel.3.cloned.1.call-start
scs
__scs_entry_jumppad:
0x0: {  	(pc) =	sbr.rel $0x88, $3  }
0x1: {  	(tag) =	ssettag $0x0;
	lr =	simm.s32 $0x1  }
0x2: {  	[smem:$0x3F9F] =	sst lr;
	_ =	strace $0xD0000000  }
0x3: {  	_ = 	snop  }
0x4: {  	_ = 	snop  }
0x5: {  	_ = 	snop  }
0x6: {  	_ = 	snop  }
0x7: {  	_ = 	snop  }
__scs_overlays_trampoline_lowered:
0x8: {  	[smem:$0x3FAE] =	sst s0  }
0x9: {  	[smem:$0x3FAF] =	sst s1  }
0xa: {  	[smem:$0x3FB0] =	sst s2  }
0xb: {  	[smem:$0x3FB1] =	sst s3  }
0xc: {  	[smem:$0x3FB2] =	sst s4  }
0xd: {  	[smem:$0x3FB3] =	sst s5  }
0xe: {  	[smem:$0x3FB4] =	sst s6  }
0xf: {  	[smem:$0x3FB5] =	sst s7  }
0x10: {  	[smem:$0x3FB6] =	sst s8  }
0x11: {  	[smem:$0x3FB7] =	sst s9;
	s0 =	simm.s32 @!p0 $0x0  }
0x12: {  	s1 =	sld [smem:$0x3F9D];
	s0 =	simm.s32 @p0 $0x1  }
0x13: {  	[smem:$0x3FB8] =	sst s0;
	s0 =	simm.s32 @!p1 $0x0  }
0x14: {  	s2 =	sld [smem:$0x3F9C];
	s0 =	simm.s32 @p1 $0x1  }
0x15: {  	[smem:$0x3FB9] =	sst s0;
	s0 =	simm.s32 @!p2 $0x0  }
0x16: {  	s3 =	sld [smem:$0x3FDB];
	s0 =	simm.s32 @p2 $0x1  }
0x17: {  	s4 =	simm.s32 $0x1BF5;
	[smem:$0x3FBB] =	sst s0  }
0x18: {  	s0 =	sld [smem:$0x3F9E];
	_ =	swait.ge [sflag:s4], $0x0  }
0x19: {  	s7 =	sld [smem:$0x3F9F]  }
0x1a: {  	s8 =	sadd.s32 $0xFFFFE003, lr  }
0x1b: {  	s9 =	sadd.s32 $0xFFFFFEF7, lr;
	s5 =	simm.s32 $0xFFFFFFFF;
	p2 =	slt.u32 s8, $0xFFFFF086  }
0x1c: {  	p1 =	slt.u32 s9, $0xF7A;
	s5 =	simm.s32 @!p2 $0x0  }
0x1d: {  	s5 =	simm.s32 @p1 $0x1;
	p0 =	seq.s32 s7, s2  }
0x1e: {  	s7 =	smul.u32 @!p0 $0xF7A, s2;
	p2 =	seq.s32 @!p0 s5, $0x0  }
0x1f: {  	s9 =	smul.u32 $0xF7A, s1;
	s8 =	simm.s32 @!p0 $0x1BF5;
	p2 =	por !p2, p0  }
0x20: {  	[sflag:s8] =	ssyncset.s32 @!p0 $0xFFFFF086;
	s6 =	sadd.s32 @!p0 s3, s7;
	s7 =	simm.s32 @!p0 $0x108  }
0x21: {  	s3 =	sadd.s32 s3, s9;
	s6 =	sadd.s32 @!p0 $0x88, s6;
	s7 =	simm.s32 @p2 $0x1082  }
0x22: {  	[simem:s7], [sflag:s8] =	dma.local @!p0 [hbm:s6], $0xF7A  }
0x23: {  	s9 =	sor.u32 $0xD0000000, s2;
	s6 =	simm.s32 $0x108;
	_ =	swait.ge @!p0 [sflag:s8], $0x0  }
0x24: {  	s3 =	sadd.s32 $0x88, s3;
	s6 =	simm.s32 @!p1 $0x1082;
	[sflag:s4] =	ssyncset.s32 $0xFFFFF086  }
0x25: {  	[simem:s6], [sflag:s4] =	dma.local [hbm:s3], $0xF7A  }
0x26: {  	[smem:$0x3F9F] =	sst s1;
	(tag) =	ssettag s2;
	_ =	strace s9  }
0x27: {  	s1 =	sld [smem:$0x3FAF]  }
0x28: {  	s2 =	sld [smem:$0x3FB0]  }
0x29: {  	s4 =	sld [smem:$0x3FB2]  }
0x2a: {  	p0 =	seq.s32 s5, $0x0;
	s5 =	sld [smem:$0x3FB3]  }
0x2b: {  	s6 =	sld [smem:$0x3FB4]  }
0x2c: {  	s7 =	sld [smem:$0x3FB5]  }
0x2d: {  	s3 =	simm.s32 $0x108;
	s8 =	sld [smem:$0x3FB6]  }
0x2e: {  	s3 =	simm.s32 @!p0 $0x1082;
	s9 =	sld [smem:$0x3FB7]  }
0x2f: {  	lr =	sadd.s32 s0, s3;
	s0 =	sld [smem:$0x3FAE]  }
0x30: {  	s3 =	sld [smem:$0x3FB1]  }
0x31: {  	[smem:$0x3FBA] =	sst s10  }
0x32: {  	s10 =	sld [smem:$0x3FB8];
	_ =	sdelay $0x3  }
0x33: {  	p0 =	seq.s32 s10, $0x1;
	s10 =	sld [smem:$0x3FBA];
	_ =	sdelay $0x3  }
0x34: {  	[smem:$0x3FBA] =	sst s10  }
0x35: {  	s10 =	sld [smem:$0x3FB9];
	_ =	sdelay $0x3  }
0x36: {  	p1 =	seq.s32 s10, $0x1;
	s10 =	sld [smem:$0x3FBA];
	_ =	sdelay $0x3  }
0x37: {  	[smem:$0x3FBA] =	sst s10  }
0x38: {  	s10 =	sld [smem:$0x3FBB]  }
0x39: {  	_ = 	snop;
	(pc) =	sbr.ind lr, $3  }
0x3a: {  	_ = 	snop  }
0x3b: {  	_ = 	snop  }
0x3c: {  	p2 =	seq.s32 s10, $0x1;
	s10 =	sld [smem:$0x3FBA]  }
0x3d: {  	_ =	shalt  }
0x3e: {  	_ =	shalt  }
0x3f: {  	_ =	shalt  }
0x40: {  	_ =	shalt  }
0x41: {  	_ =	shalt  }
0x42: {  	_ =	shalt  }
0x43: {  	_ =	shalt  }
0x44: {  	_ =	shalt  }
0x45: {  	_ =	shalt  }
0x46: {  	_ =	shalt  }
0x47: {  	_ =	shalt  }
0x48: {  	_ =	shalt  }
0x49: {  	_ =	shalt  }
0x4a: {  	_ =	shalt  }
0x4b: {  	_ =	shalt  }
0x4c: {  	_ =	shalt  }
0x4d: {  	_ =	shalt  }
0x4e: {  	_ =	shalt  }
0x4f: {  	_ =	shalt  }
0x50: {  	_ =	shalt  }
0x51: {  	_ =	shalt  }
0x52: {  	_ =	shalt  }
0x53: {  	_ =	shalt  }
0x54: {  	_ =	shalt  }
0x55: {  	_ =	shalt  }
0x56: {  	_ =	shalt  }
0x57: {  	_ =	shalt  }
0x58: {  	_ =	shalt  }
0x59: {  	_ =	shalt  }
0x5a: {  	_ =	shalt  }
0x5b: {  	_ =	shalt  }
0x5c: {  	_ =	shalt  }
0x5d: {  	_ =	shalt  }
0x5e: {  	_ =	shalt  }
0x5f: {  	_ =	shalt  }
0x60: {  	_ =	shalt  }
0x61: {  	_ =	shalt  }
0x62: {  	_ =	shalt  }
0x63: {  	_ =	shalt  }
0x64: {  	_ =	shalt  }
0x65: {  	_ =	shalt  }
0x66: {  	_ =	shalt  }
0x67: {  	_ =	shalt  }
0x68: {  	_ =	shalt  }
0x69: {  	_ =	shalt  }
0x6a: {  	_ =	shalt  }
0x6b: {  	_ =	shalt  }
0x6c: {  	_ =	shalt  }
0x6d: {  	_ =	shalt  }
0x6e: {  	_ =	shalt  }
0x6f: {  	_ =	shalt  }
0x70: {  	_ =	shalt  }
0x71: {  	_ =	shalt  }
0x72: {  	_ =	shalt  }
0x73: {  	_ =	shalt  }
0x74: {  	_ =	shalt  }
0x75: {  	_ =	shalt  }
0x76: {  	_ =	shalt  }
0x77: {  	_ =	shalt  }
0x78: {  	_ =	shalt  }
0x79: {  	_ =	shalt  }
0x7a: {  	_ =	shalt  }
0x7b: {  	_ =	shalt  }
0x7c: {  	_ =	shalt  }
0x7d: {  	_ =	shalt  }
0x7e: {  	_ =	shalt  }
0x7f: {  	_ =	shalt  }
0x80: {  	_ =	shalt  }
0x81: {  	_ =	shalt  }
0x82: {  	_ =	shalt  }
0x83: {  	_ =	shalt  }
0x84: {  	_ =	shalt  }
0x85: {  	_ =	shalt  }
0x86: {  	_ =	shalt  }
0x87: {  	_ =	shalt  }
.Lfunc_end0:
.L_simem_size_0:
called_computation.2_lowered:
.L_overlay_start_0:
0x88: {  	s2 =	sld [smem:$0x3FD9]  }
0x89: {  	s3 =	sld [smem:$0x3FFE];
	_ =	sdelay $0x1  }
0x8a: {  	s1 =	srdreg.scid  }
0x8b: {  	s0 =	sand.u32 $0x1, s1  }
0x8c: {  	s16 =	sshll.u32 s0, $0xA;
	s2 =	sadd.s32 s3, s2  }
0x8d: {  	s2 =	sadd.s32 s2, s16  }
0x8e: {  	[smem:$0x3FC6] =	sst s2  }
0x8f: {  	_ = 	snop  }
0x90: {  	(tm) =	ssettm $0x1  }
0x91: {  	s17 =	sld [smem:$0x3FFB];
	_ =	sdelay $0x3  }
0x92: {  	_ =	strace s17  }
0x93: {  	s2 =	sld [smem:$0x3FFC];
	_ =	sdelay $0x3  }
0x94: {  	_ =	strace s2  }
0x95: {  	s2 =	sld [smem:$0x3FFD];
	_ =	sdelay $0x3  }
0x96: {  	_ =	strace s2  }
0x97: {  	_ =	strace $0x8FFFFFFF  }
0x98: {  	s18 =	sld [smem:$0x3FDB];
	_ =	sdelay $0x1  }
0x99: {  	s19 =	simm.s32 $_scs_section_size  }
0x9a: {  	s4 =	simm.s32 $_size__tile_overlayer_lowered;
	s5 =	simm.s32 $_tile_overlayer_lowered  }
0x9b: {  	s22 =	simm.s32 $0x1BFF;
	s21 =	sshll.u32 s5, $0x1;
	s2 =	sadd.s32 s19, s18  }
0x9c: {  	s6 =	simm.s32 $0x0;
	s20 =	sshll.u32 s4, $0x1;
	s4 =	sadd.s32 s21, s2  }
0x9d: {  	[timem:s6], [sflag:s22] =	dma.local [hbm:s4], s20  }
0x9e: {  	_ =	swait.ge [sflag:s22], s20  }
0x9f: {  	s3 =	ssub.s32 $0x0, s20;
	[sflag:s22] =	ssyncset.done $0x0  }
0xa0: {  	[sflag:s22] =	ssyncadd.s32 s3;
	_ =	sdelay $0x1  }
0xa1: {  	s23 =	simm.s32 $0x1B8B  }
0xa2: {  	_ =	swait.ge [sflag:s23], $0x1  }
0xa3: {  	[sflag:s23] =	ssyncset.done $0x0  }
0xa4: {  	s25 =	simm.s32 $0x1B8E;
	s24 =	sld [smem:$0x3FFE];
	[sflag:s23] =	ssyncadd.s32 $0xFFFFFFFF  }
0xa5: {  	s26 =	simm.s32 $execute0_lowered;
	[smem:$0x3FD2] =	sst s25  }
0xa6: {  	s4 =	sshll.u32 s26, $0x1;
	_ =	strace $0x80000049;
	[dreg:$0x1] =	wrdreg $0xFFFFFFFF  }
0xa7: {  	s28 =	simm.s32 $_size_execute0_lowered;
	s2 =	sadd.s32 s2, s4;
	[dreg:$0x0] =	wrdreg $0x0  }
0xa8: {  	s4 =	sshll.u32 s28, $0x1;
	[dreg:$0x2] =	wrdreg s2  }
0xa9: {  	[dreg:$0x3] =	wrdreg s4  }
0xaa: {  	[dreg:$0x4] =	wrdreg $0xC0  }
0xab: {  	_ =	task [dreg:s6], $0x5FFFF  }
0xac: {  	[dreg:$0x1] =	wrdreg $0xFFFFFFFF  }
0xad: {  	[dreg:$0x0] =	wrdreg $0x60  }
0xae: {  	[dreg:$0x2] =	wrdreg s24  }
0xaf: {  	[dreg:$0x3] =	wrdreg $0x9  }
0xb0: {  	_ =	task.clear_ibuf [dreg:s6], $0x4FFFF;
	_ =	strace $0x90000049  }
0xb1: {  	s29 =	simm.s32 $0x9;
	_ =	strace $0x8000004B  }
0xb2: {  	_ =	swait.ge [sflag:s29], $0x1  }
0xb3: {  	[sflag:s29] =	ssyncadd.s32 $0xFFFFFFFF  }
0xb4: {  	_ =	strace $0x9000004B  }
0xb5: {  	_ =	sfence  }
0xb6: {  	s30 =	sld [smem:$0x0];
	_ =	sdelay $0x2  }
0xb7: {  	s31 =	sshll.u32 s1, $0xD;
	s1 =	sshrl.u32 s1, $0x2  }
0xb8: {  	s3 =	sand.u32 $0x4000, s31;
	s1 =	sadd.s32 s1, s30  }
0xb9: {  	s0 =	sor.u32 s3, s0;
	s1 =	sshll.u32 s1, $0x11  }
0xba: {  	s0 =	sor.u32 s1, s0  }
0xbb: {  	s0 =	sadd.s32 $0x8F2B, s0  }
0xbc: {  	[sflag:s0] =	ssyncadd.remote.s32 $0x1  }
0xbd: {  	_ =	sfence.sel $0xFFFF  }
0xbe: {  	[dreg:$0x0] =	wrdreg $0xFFFFFFFF;
	(pc) =	sbr.abs _section_cstart, $3  }
0xbf: {  	[dreg:$0x1] =	wrdreg $0xFFFFFFFF  }
0xc0: {  	_ =	task.clear_ibuf [dreg:s6], $0x2FFFF;
	_ =	strace $0x9FFFFFFF  }
0xc1: {  	(tm) =	ssettm $0x7FFFFFFF  }
tec
execute0_lowered:
.L_overlay_start_1:
0x0: {  	(tag) =	ssettag $0x1  }
0x1: {  	s1 =	srdreg.scid  }
0x2: {  	s0 =	stileid.u32;
	s6 =	rddreg [dreg:$0x0];
	s2 =	simm.s32 $0x0  }
0x3: {  	s12 =	simm.s32 $0x5;
	s13 =	simm.s32 $0x80;
	s14 =	simm.s32 $0x8000  }
0x4: {  	s15 =	simm.s32 $0x48;
	s16 =	simm.s32 $0x400;
	s17 =	simm.s32 $0xC000  }
0x5: {  	s18 =	simm.s32 $0xE400;
	s19 =	simm.s32 $0x480;
	s20 =	simm.s32 $0x12400  }
0x6: {  	s21 =	simm.s32 $0x1;
	s22 =	simm.s32 $0x3;
	s5 =	sand.u32 $0x1, s1  }
0x7: {  	s23 =	simm.s32 $0x2;
	s3 =	sshll.u32 s0, $0x8;
	s4 =	sshll.u32 s5, $0x7  }
0x8: {  	s24 =	simm.s32 $0x4;
	s25 =	simm.s32 $0x0;
	s3 =	sor.u32 s4, s3  }
0x9: {  	[smem:$0x7FF] =	sst s2;
	s9 =	ssub.s32 $0x2, s5;
	s7 =	smul.u32 $0x6400, s3  }
0xa: {  	_ =	strace $0x8000004A;
	s31 =	sshrl.u32 s9, $0x1;
	s4 =	sshll.u32 s3, $0x5  }
0xb: {  	s8 =	sadd.s32 s4, s6;
	s4 =	sadd.s32 $0x1E85800, s6;
	s7 =	sshrl.u32 s7, $0x3  }
0xc: {  	s5 =	sadd.s32 $0xF43400, s6;
	s11 =	ssub.s32 s9, s31;
	s10 =	sadd.s32 s4, s7  }
0xd: {  	s11 =	smax.u32 s11, $0x1;
	s6 =	sadd.s32 $0x5BA000, s8;
	s7 =	sadd.s32 $0x62700, s10  }
0xe: {  	s8 =	sadd.s32 $0x62F00, s10;
	s9 =	sadd.s32 $0x63380, s10;
	s10 =	sadd.s32 $0x63B80, s10  }
.LBB2_1:
0xf: {  	[tilespmem:s2], [sflag:$0x5] =	stream.linear.gather [hbm4b:s6+s2], $0x8000, $0x38;
	[tilespmem:$0x14800] =	vst v63  }
0x10: {  	_ =	swait.ge [sflag:s12], $0x8000  }
0x11: {  	[sflag:s12] =	ssyncset.done $0x0  }
0x12: {  	[sflag:s12] =	ssyncadd.s32 $0xFFFF8000  }
0x13: {  	[tilespmem:s14], [sflag:$0x1] =	stream.indirect.gather [hbm4b:s5+s13], $0x80, s2, s13, $0xb8;
	[tilespmem:$0x14800] =	vst v63  }
0x14: {  	_ = 	snop  }
0x15: {  	[tilespmem:s17], [sflag:$0x1] =	stream.indirect.gather [hbm4b:s5+s15], $0x80, s16, s15, $0xb8;
	[tilespmem:$0x14800] =	vst v63  }
0x16: {  	_ = 	snop  }
0x17: {  	[tilespmem:s18], [sflag:$0x2] =	stream.indirect.gather [hbm4b:s5+s13], $0x80, s13, s13, $0xb8;
	[tilespmem:$0x14800] =	vst v63  }
0x18: {  	s26 =	simm.s32 $0x0  }
0x19: {  	[tilespmem:s20], [sflag:$0x2] =	stream.indirect.gather [hbm4b:s5+s15], $0x80, s19, s15, $0xb8;
	[tilespmem:$0x14800] =	vst v63  }
.LBB2_2:
0x1a: {  	_ =	swait.ge [sflag:s21], $0x4000  }
0x1b: {  	[sflag:s21] =	ssyncset.done $0x0  }
0x1c: {  	[sflag:s21] =	ssyncadd.s32 $0xFFFFC000  }
0x1d: {  	_ =	swait.ge [sflag:s21], $0x2400  }
0x1e: {  	[sflag:s21] =	ssyncset.done $0x0  }
0x1f: {  	s29 =	simm.s32 $0x0;
	[sflag:s21] =	ssyncadd.s32 $0xFFFFDC00  }
0x20: {  	v0 =	vld [tilespmem:s29+$0x8000]  }
0x21: {  	v1 =	vld [tilespmem:s29+$0x8010]  }
0x22: {  	v2 =	vld [tilespmem:s29+$0x8020]  }
0x23: {  	v3 =	vld [tilespmem:s29+$0x8030]  }
0x24: {  	v4 =	vld [tilespmem:s29+$0x8080]  }
0x25: {  	v5 =	vld [tilespmem:s29+$0x8090];
	v0 =	vmul.f32 $8.000000000e+00, v0  }
0x26: {  	v6 =	vld [tilespmem:s29+$0x80A0];
	v1 =	vmul.f32 $8.000000000e+00, v1  }
0x27: {  	v2 =	vmul.f32 $8.000000000e+00, v2;
	[tilespmem:s29+$0x8000] =	vst v0;
	v0 =	vld [tilespmem:s29+$0x80B0]  }
0x28: {  	v3 =	vmul.f32 $8.000000000e+00, v3;
	[tilespmem:s29+$0x8010] =	vst v1;
	v1 =	vld [tilespmem:s29+$0x8100]  }
0x29: {  	v4 =	vmul.f32 $8.000000000e+00, v4;
	[tilespmem:s29+$0x8020] =	vst v2;
	v2 =	vld [tilespmem:s29+$0x8110]  }
0x2a: {  	v5 =	vmul.f32 $8.000000000e+00, v5;
	[tilespmem:s29+$0x8030] =	vst v3;
	v3 =	vld [tilespmem:s29+$0x8120]  }
0x2b: {  	v6 =	vmul.f32 $8.000000000e+00, v6;
	[tilespmem:s29+$0x8080] =	vst v4;
	v4 =	vld [tilespmem:s29+$0x8130]  }
0x2c: {  	[tilespmem:s29+$0x8090] =	vst v5;
	v5 =	vld [tilespmem:s29+$0x8180];
	v0 =	vmul.f32 $8.000000000e+00, v0  }
0x2d: {  	[tilespmem:s29+$0x80A0] =	vst v6;
	v6 =	vld [tilespmem:s29+$0x8190];
	v1 =	vmul.f32 $8.000000000e+00, v1  }
0x2e: {  	v2 =	vmul.f32 $8.000000000e+00, v2;
	[tilespmem:s29+$0x80B0] =	vst v0;
	v0 =	vld [tilespmem:s29+$0x81A0]  }
0x2f: {  	v3 =	vmul.f32 $8.000000000e+00, v3;
	[tilespmem:s29+$0x8100] =	vst v1;
	v1 =	vld [tilespmem:s29+$0x81B0]  }
0x30: {  	v4 =	vmul.f32 $8.000000000e+00, v4;
	[tilespmem:s29+$0x8110] =	vst v2;
	v2 =	vld [tilespmem:s29+$0x8200]  }
0x31: {  	v5 =	vmul.f32 $8.000000000e+00, v5;
	[tilespmem:s29+$0x8120] =	vst v3;
	v3 =	vld [tilespmem:s29+$0x8210]  }
0x32: {  	v6 =	vmul.f32 $8.000000000e+00, v6;
	[tilespmem:s29+$0x8130] =	vst v4;
	v4 =	vld [tilespmem:s29+$0x8220]  }
0x33: {  	[tilespmem:s29+$0x8180] =	vst v5;
	v5 =	vld [tilespmem:s29+$0x8230];
	v0 =	vmul.f32 $8.000000000e+00, v0  }
0x34: {  	[tilespmem:s29+$0x8190] =	vst v6;
	v6 =	vld [tilespmem:s29+$0x8280]  }
0x35: {  	v1 =	vmul.f32 $8.000000000e+00, v1;
	[tilespmem:s29+$0x81A0] =	vst v0;
	v0 =	vld [tilespmem:s29+$0x8290]  }
0x36: {  	v2 =	vmul.f32 $8.000000000e+00, v2  }
0x37: {  	[tilespmem:s29+$0x81B0] =	vst v1;
	v1 =	vmul.f32 $8.000000000e+00, v3;
	v3 =	vld [tilespmem:s29+$0x82B0]  }
0x38: {  	v7 =	vld [tilespmem:s29+$0x82A0];
	[tilespmem:s29+$0x8200] =	vst v2;
	v2 =	vmul.f32 $8.000000000e+00, v4  }
0x39: {  	v4 =	vld [tilespmem:s29+$0x8300];
	[tilespmem:s29+$0x8210] =	vst v1;
	v1 =	vmul.f32 $8.000000000e+00, v5  }
0x3a: {  	[tilespmem:s29+$0x8220] =	vst v2;
	v5 =	vld [tilespmem:s29+$0x8310];
	v2 =	vmul.f32 $8.000000000e+00, v6;
	v6 =	vmul.f32 $8.000000000e+00, v0  }
0x3b: {  	[tilespmem:s29+$0x8230] =	vst v1;
	v1 =	vld [tilespmem:s29+$0x8320]  }
0x3c: {  	v0 =	vld [tilespmem:s29+$0x8330];
	[tilespmem:s29+$0x8290] =	vst v6;
	v6 =	vmul.f32 $8.000000000e+00, v3  }
0x3d: {  	v7 =	vmul.f32 $8.000000000e+00, v7;
	[tilespmem:s29+$0x8280] =	vst v2;
	v2 =	vld [tilespmem:s29+$0x8380]  }
0x3e: {  	v3 =	vld [tilespmem:s29+$0x8390];
	[tilespmem:s29+$0x82B0] =	vst v6;
	v6 =	vmul.f32 $8.000000000e+00, v4  }
0x3f: {  	s28 =	simm.s32 $0x1000;
	[tilespmem:s29+$0x82A0] =	vst v7;
	v5 =	vmul.f32 $8.000000000e+00, v5;
	v4 =	vld [tilespmem:s29+$0x83A0]  }
.LBB2_3:
0x40: {  	s30 =	sshra.s32 s28, $0x2;
	p0 =	sne.s32 s28, $0xF000;
	[tilespmem:s29+$0x8300] =	vst v6;
	v1 =	vmul.f32 $8.000000000e+00, v1;
	v6 =	vld [tilespmem:s29+$0x83B0]  }
0x41: {  	v7 =	vld [tilespmem:s30+$0x8000];
	[tilespmem:s29+$0x8310] =	vst v5;
	v0 =	vmul.f32 $8.000000000e+00, v0  }
0x42: {  	v5 =	vld [tilespmem:s30+$0x8010];
	[tilespmem:s29+$0x8320] =	vst v1;
	v1 =	vmul.f32 $8.000000000e+00, v2  }
0x43: {  	v2 =	vld [tilespmem:s30+$0x8020];
	[tilespmem:s29+$0x8330] =	vst v0;
	v0 =	vmul.f32 $8.000000000e+00, v3  }
0x44: {  	v3 =	vld [tilespmem:s30+$0x8030];
	[tilespmem:s29+$0x8380] =	vst v1;
	v1 =	vmul.f32 $8.000000000e+00, v4  }
0x45: {  	v4 =	vld [tilespmem:s30+$0x8080];
	[tilespmem:s29+$0x8390] =	vst v0;
	v0 =	vmul.f32 $8.000000000e+00, v6  }
0x46: {  	v6 =	vmul.f32 $8.000000000e+00, v7;
	v7 =	vld [tilespmem:s30+$0x8090];
	[tilespmem:s29+$0x83A0] =	vst v1  }
0x47: {  	v1 =	vmul.f32 $8.000000000e+00, v5;
	v5 =	vld [tilespmem:s30+$0x80A0];
	[tilespmem:s29+$0x83B0] =	vst v0;
	s29 =	smov.u32 s30  }
0x48: {  	[tilespmem:s29+$0x8000] =	vst v6;
	v0 =	vmul.f32 $8.000000000e+00, v2;
	v2 =	vld [tilespmem:s29+$0x80B0]  }
0x49: {  	[tilespmem:s29+$0x8010] =	vst v1;
	v1 =	vmul.f32 $8.000000000e+00, v3;
	v3 =	vld [tilespmem:s29+$0x8100]  }
0x4a: {  	[tilespmem:s29+$0x8020] =	vst v0;
	v0 =	vmul.f32 $8.000000000e+00, v4;
	v4 =	vld [tilespmem:s29+$0x8110]  }
0x4b: {  	[tilespmem:s29+$0x8030] =	vst v1;
	v1 =	vmul.f32 $8.000000000e+00, v7;
	v6 =	vld [tilespmem:s29+$0x8120]  }
0x4c: {  	[tilespmem:s29+$0x8080] =	vst v0;
	v0 =	vmul.f32 $8.000000000e+00, v5;
	v5 =	vld [tilespmem:s29+$0x8130]  }
0x4d: {  	[tilespmem:s29+$0x8090] =	vst v1;
	v1 =	vmul.f32 $8.000000000e+00, v2;
	v2 =	vld [tilespmem:s29+$0x8180]  }
0x4e: {  	[tilespmem:s29+$0x80A0] =	vst v0;
	v0 =	vmul.f32 $8.000000000e+00, v3;
	v3 =	vld [tilespmem:s29+$0x8190]  }
0x4f: {  	[tilespmem:s29+$0x80B0] =	vst v1;
	v1 =	vmul.f32 $8.000000000e+00, v4;
	v4 =	vld [tilespmem:s29+$0x81A0]  }
0x50: {  	[tilespmem:s29+$0x8100] =	vst v0;
	v0 =	vmul.f32 $8.000000000e+00, v6;
	v6 =	vld [tilespmem:s29+$0x81B0]  }
0x51: {  	[tilespmem:s29+$0x8110] =	vst v1;
	v1 =	vmul.f32 $8.000000000e+00, v5;
	v5 =	vld [tilespmem:s29+$0x8200]  }
0x52: {  	[tilespmem:s29+$0x8120] =	vst v0;
	v0 =	vmul.f32 $8.000000000e+00, v2;
	v2 =	vld [tilespmem:s29+$0x8210]  }
0x53: {  	[tilespmem:s29+$0x8130] =	vst v1;
	v1 =	vmul.f32 $8.000000000e+00, v3;
	v3 =	vld [tilespmem:s29+$0x8220]  }
0x54: {  	[tilespmem:s29+$0x8180] =	vst v0;
	v0 =	vmul.f32 $8.000000000e+00, v4;
	v4 =	vld [tilespmem:s29+$0x8230]  }
0x55: {  	[tilespmem:s29+$0x8190] =	vst v1;
	v1 =	vmul.f32 $8.000000000e+00, v6;
	v6 =	vld [tilespmem:s29+$0x8280]  }
0x56: {  	[tilespmem:s29+$0x81A0] =	vst v0;
	v0 =	vmul.f32 $8.000000000e+00, v5;
	v5 =	vld [tilespmem:s29+$0x8290]  }
0x57: {  	[tilespmem:s29+$0x81B0] =	vst v1;
	v1 =	vmul.f32 $8.000000000e+00, v2;
	v2 =	vld [tilespmem:s29+$0x82A0]  }
0x58: {  	[tilespmem:s29+$0x8200] =	vst v0;
	v0 =	vmul.f32 $8.000000000e+00, v3;
	v3 =	vld [tilespmem:s29+$0x82B0]  }
0x59: {  	[tilespmem:s29+$0x8210] =	vst v1;
	v1 =	vmul.f32 $8.000000000e+00, v4;
	v4 =	vld [tilespmem:s29+$0x8300]  }
0x5a: {  	[tilespmem:s29+$0x8220] =	vst v0;
	v0 =	vmul.f32 $8.000000000e+00, v6;
	v7 =	vld [tilespmem:s29+$0x8310]  }
.Ltmp0:
0x5b: {  	[tilespmem:s29+$0x8230] =	vst v1;
	v5 =	vmul.f32 $8.000000000e+00, v5;
	v1 =	vld [tilespmem:s29+$0x8320];
	(pc) =	sbr.rel @p0 .LBB2_3-.Ltmp0, $4  }
0x5c: {  	[tilespmem:s29+$0x8280] =	vst v0;
	v6 =	vmul.f32 $8.000000000e+00, v2;
	v0 =	vld [tilespmem:s29+$0x8330]  }
0x5d: {  	[tilespmem:s29+$0x8290] =	vst v5;
	v5 =	vmul.f32 $8.000000000e+00, v3;
	v2 =	vld [tilespmem:s29+$0x8380]  }
0x5e: {  	[tilespmem:s29+$0x82A0] =	vst v6;
	v6 =	vmul.f32 $8.000000000e+00, v4;
	v3 =	vld [tilespmem:s29+$0x8390]  }
0x5f: {  	s28 =	sadd.s32 $0x1000, s28;
	[tilespmem:s29+$0x82B0] =	vst v5;
	v5 =	vmul.f32 $8.000000000e+00, v7;
	v4 =	vld [tilespmem:s29+$0x83A0]  }
0x60: {  	[tilespmem:s29+$0x8300] =	vst v6;
	v1 =	vmul.f32 $8.000000000e+00, v1;
	v6 =	vld [tilespmem:s29+$0x83B0]  }
0x61: {  	[tilespmem:s29+$0x8310] =	vst v5;
	v0 =	vmul.f32 $8.000000000e+00, v0  }
0x62: {  	s28 =	sshll.u32 s26, $0x1;
	[tilespmem:s29+$0x8320] =	vst v1;
	v1 =	vmul.f32 $8.000000000e+00, v2  }
0x63: {  	s30 =	sor.u32 s3, s28;
	[tilespmem:s29+$0x8330] =	vst v0;
	v0 =	vmul.f32 $8.000000000e+00, v3  }
0x64: {  	s30 =	smul.u32 $0x6400, s30;
	[tilespmem:s29+$0x8380] =	vst v1;
	v1 =	vmul.f32 $8.000000000e+00, v4  }
0x65: {  	[tilespmem:s29+$0x8390] =	vst v0;
	v0 =	vmul.f32 $8.000000000e+00, v6  }
0x66: {  	s30 =	sshrl.u32 s30, $0x3;
	[tilespmem:s29+$0x83A0] =	vst v1  }
0x67: {  	[tilespmem:s29+$0x83B0] =	vst v0;
	s29 =	sadd.s32 s4, s30;
	s30 =	simm.s32 $0x0  }
0x68: {  	[hbm4b:s29+s30] =	stream.linear.scatter [tilespmem:s14], [sflag:$0x3], $0x4000, $0x38;
	[tilespmem:$0x14800] =	vst v63  }
0x69: {  	s30 =	simm.s32 $0x0  }
0x6a: {  	v0 =	vld [tilespmem:s30+$0xC000]  }
0x6b: {  	v1 =	vld [tilespmem:s30+$0xC010]  }
0x6c: {  	v2 =	vld [tilespmem:s30+$0xC020]  }
0x6d: {  	v3 =	vld [tilespmem:s30+$0xC030]  }
0x6e: {  	v4 =	vld [tilespmem:s30+$0xC080]  }
0x6f: {  	v5 =	vld [tilespmem:s30+$0xC090];
	v0 =	vmul.f32 $8.000000000e+00, v0  }
0x70: {  	v6 =	vld [tilespmem:s30+$0xC0A0];
	v1 =	vmul.f32 $8.000000000e+00, v1  }
0x71: {  	v2 =	vmul.f32 $8.000000000e+00, v2;
	[tilespmem:s30+$0xC000] =	vst v0;
	v0 =	vld [tilespmem:s30+$0xC0B0]  }
0x72: {  	v3 =	vmul.f32 $8.000000000e+00, v3;
	[tilespmem:s30+$0xC010] =	vst v1;
	v1 =	vld [tilespmem:s30+$0xC100]  }
0x73: {  	v4 =	vmul.f32 $8.000000000e+00, v4;
	[tilespmem:s30+$0xC020] =	vst v2;
	v2 =	vld [tilespmem:s30+$0xC110]  }
0x74: {  	v5 =	vmul.f32 $8.000000000e+00, v5;
	[tilespmem:s30+$0xC030] =	vst v3;
	v3 =	vld [tilespmem:s30+$0xC120]  }
0x75: {  	v6 =	vmul.f32 $8.000000000e+00, v6;
	[tilespmem:s30+$0xC080] =	vst v4;
	v4 =	vld [tilespmem:s30+$0xC130]  }
0x76: {  	[tilespmem:s30+$0xC090] =	vst v5;
	v5 =	vld [tilespmem:s30+$0xC180];
	v0 =	vmul.f32 $8.000000000e+00, v0  }
0x77: {  	[tilespmem:s30+$0xC0A0] =	vst v6;
	v6 =	vld [tilespmem:s30+$0xC190];
	v1 =	vmul.f32 $8.000000000e+00, v1  }
0x78: {  	v2 =	vmul.f32 $8.000000000e+00, v2;
	[tilespmem:s30+$0xC0B0] =	vst v0;
	v0 =	vld [tilespmem:s30+$0xC1A0]  }
0x79: {  	v3 =	vmul.f32 $8.000000000e+00, v3;
	[tilespmem:s30+$0xC100] =	vst v1;
	v1 =	vld [tilespmem:s30+$0xC1B0]  }
0x7a: {  	v4 =	vmul.f32 $8.000000000e+00, v4;
	[tilespmem:s30+$0xC110] =	vst v2;
	v2 =	vld [tilespmem:s30+$0xC200]  }
0x7b: {  	v5 =	vmul.f32 $8.000000000e+00, v5;
	[tilespmem:s30+$0xC120] =	vst v3;
	v3 =	vld [tilespmem:s30+$0xC210]  }
0x7c: {  	v6 =	vmul.f32 $8.000000000e+00, v6;
	[tilespmem:s30+$0xC130] =	vst v4;
	v4 =	vld [tilespmem:s30+$0xC220]  }
0x7d: {  	[tilespmem:s30+$0xC180] =	vst v5;
	v5 =	vld [tilespmem:s30+$0xC230];
	v0 =	vmul.f32 $8.000000000e+00, v0  }
0x7e: {  	[tilespmem:s30+$0xC190] =	vst v6;
	v6 =	vld [tilespmem:s30+$0xC280]  }
0x7f: {  	v1 =	vmul.f32 $8.000000000e+00, v1;
	[tilespmem:s30+$0xC1A0] =	vst v0;
	v0 =	vld [tilespmem:s30+$0xC290]  }
0x80: {  	v2 =	vmul.f32 $8.000000000e+00, v2  }
0x81: {  	[tilespmem:s30+$0xC1B0] =	vst v1;
	v1 =	vmul.f32 $8.000000000e+00, v3;
	v3 =	vld [tilespmem:s30+$0xC2B0]  }
0x82: {  	v7 =	vld [tilespmem:s30+$0xC2A0];
	[tilespmem:s30+$0xC200] =	vst v2;
	v2 =	vmul.f32 $8.000000000e+00, v4  }
0x83: {  	v4 =	vld [tilespmem:s30+$0xC300];
	[tilespmem:s30+$0xC210] =	vst v1;
	v1 =	vmul.f32 $8.000000000e+00, v5  }
0x84: {  	[tilespmem:s30+$0xC220] =	vst v2;
	v5 =	vld [tilespmem:s30+$0xC310];
	v2 =	vmul.f32 $8.000000000e+00, v6;
	v6 =	vmul.f32 $8.000000000e+00, v0  }
0x85: {  	[tilespmem:s30+$0xC230] =	vst v1;
	v1 =	vld [tilespmem:s30+$0xC320]  }
0x86: {  	v0 =	vld [tilespmem:s30+$0xC330];
	[tilespmem:s30+$0xC290] =	vst v6;
	v6 =	vmul.f32 $8.000000000e+00, v3  }
0x87: {  	v7 =	vmul.f32 $8.000000000e+00, v7;
	[tilespmem:s30+$0xC280] =	vst v2;
	v2 =	vld [tilespmem:s30+$0xC380]  }
0x88: {  	v3 =	vld [tilespmem:s30+$0xC390];
	[tilespmem:s30+$0xC2B0] =	vst v6;
	v6 =	vmul.f32 $8.000000000e+00, v4  }
0x89: {  	s31 =	simm.s32 $0x1000;
	[tilespmem:s30+$0xC2A0] =	vst v7;
	v5 =	vmul.f32 $8.000000000e+00, v5;
	v4 =	vld [tilespmem:s30+$0xC3A0]  }
.LBB2_5:
0x8a: {  	s1 =	sshra.s32 s31, $0x2;
	p0 =	sne.s32 s31, $0x8000;
	[tilespmem:s30+$0xC300] =	vst v6;
	v1 =	vmul.f32 $8.000000000e+00, v1;
	v6 =	vld [tilespmem:s30+$0xC3B0]  }
0x8b: {  	v7 =	vld [tilespmem:s1+$0xC000];
	[tilespmem:s30+$0xC310] =	vst v5;
	v0 =	vmul.f32 $8.000000000e+00, v0  }
0x8c: {  	v5 =	vld [tilespmem:s1+$0xC010];
	[tilespmem:s30+$0xC320] =	vst v1;
	v1 =	vmul.f32 $8.000000000e+00, v2  }
0x8d: {  	v2 =	vld [tilespmem:s1+$0xC020];
	[tilespmem:s30+$0xC330] =	vst v0;
	v0 =	vmul.f32 $8.000000000e+00, v3  }
0x8e: {  	v3 =	vld [tilespmem:s1+$0xC030];
	[tilespmem:s30+$0xC380] =	vst v1;
	v1 =	vmul.f32 $8.000000000e+00, v4  }
0x8f: {  	v4 =	vld [tilespmem:s1+$0xC080];
	[tilespmem:s30+$0xC390] =	vst v0;
	v0 =	vmul.f32 $8.000000000e+00, v6  }
0x90: {  	v6 =	vmul.f32 $8.000000000e+00, v7;
	v7 =	vld [tilespmem:s1+$0xC090];
	[tilespmem:s30+$0xC3A0] =	vst v1  }
0x91: {  	v1 =	vmul.f32 $8.000000000e+00, v5;
	v5 =	vld [tilespmem:s1+$0xC0A0];
	[tilespmem:s30+$0xC3B0] =	vst v0;
	s30 =	smov.u32 s1  }
0x92: {  	[tilespmem:s30+$0xC000] =	vst v6;
	v0 =	vmul.f32 $8.000000000e+00, v2;
	v2 =	vld [tilespmem:s30+$0xC0B0]  }
0x93: {  	[tilespmem:s30+$0xC010] =	vst v1;
	v1 =	vmul.f32 $8.000000000e+00, v3;
	v3 =	vld [tilespmem:s30+$0xC100]  }
0x94: {  	[tilespmem:s30+$0xC020] =	vst v0;
	v0 =	vmul.f32 $8.000000000e+00, v4;
	v4 =	vld [tilespmem:s30+$0xC110]  }
0x95: {  	[tilespmem:s30+$0xC030] =	vst v1;
	v1 =	vmul.f32 $8.000000000e+00, v7;
	v6 =	vld [tilespmem:s30+$0xC120]  }
0x96: {  	[tilespmem:s30+$0xC080] =	vst v0;
	v0 =	vmul.f32 $8.000000000e+00, v5;
	v5 =	vld [tilespmem:s30+$0xC130]  }
0x97: {  	[tilespmem:s30+$0xC090] =	vst v1;
	v1 =	vmul.f32 $8.000000000e+00, v2;
	v2 =	vld [tilespmem:s30+$0xC180]  }
0x98: {  	[tilespmem:s30+$0xC0A0] =	vst v0;
	v0 =	vmul.f32 $8.000000000e+00, v3;
	v3 =	vld [tilespmem:s30+$0xC190]  }
0x99: {  	[tilespmem:s30+$0xC0B0] =	vst v1;
	v1 =	vmul.f32 $8.000000000e+00, v4;
	v4 =	vld [tilespmem:s30+$0xC1A0]  }
0x9a: {  	[tilespmem:s30+$0xC100] =	vst v0;
	v0 =	vmul.f32 $8.000000000e+00, v6;
	v6 =	vld [tilespmem:s30+$0xC1B0]  }
0x9b: {  	[tilespmem:s30+$0xC110] =	vst v1;
	v1 =	vmul.f32 $8.000000000e+00, v5;
	v5 =	vld [tilespmem:s30+$0xC200]  }
0x9c: {  	[tilespmem:s30+$0xC120] =	vst v0;
	v0 =	vmul.f32 $8.000000000e+00, v2;
	v2 =	vld [tilespmem:s30+$0xC210]  }
0x9d: {  	[tilespmem:s30+$0xC130] =	vst v1;
	v1 =	vmul.f32 $8.000000000e+00, v3;
	v3 =	vld [tilespmem:s30+$0xC220]  }
0x9e: {  	[tilespmem:s30+$0xC180] =	vst v0;
	v0 =	vmul.f32 $8.000000000e+00, v4;
	v4 =	vld [tilespmem:s30+$0xC230]  }
0x9f: {  	[tilespmem:s30+$0xC190] =	vst v1;
	v1 =	vmul.f32 $8.000000000e+00, v6;
	v6 =	vld [tilespmem:s30+$0xC280]  }
0xa0: {  	[tilespmem:s30+$0xC1A0] =	vst v0;
	v0 =	vmul.f32 $8.000000000e+00, v5;
	v5 =	vld [tilespmem:s30+$0xC290]  }
0xa1: {  	[tilespmem:s30+$0xC1B0] =	vst v1;
	v1 =	vmul.f32 $8.000000000e+00, v2;
	v2 =	vld [tilespmem:s30+$0xC2A0]  }
0xa2: {  	[tilespmem:s30+$0xC200] =	vst v0;
	v0 =	vmul.f32 $8.000000000e+00, v3;
	v3 =	vld [tilespmem:s30+$0xC2B0]  }
0xa3: {  	[tilespmem:s30+$0xC210] =	vst v1;
	v1 =	vmul.f32 $8.000000000e+00, v4;
	v4 =	vld [tilespmem:s30+$0xC300]  }
0xa4: {  	[tilespmem:s30+$0xC220] =	vst v0;
	v0 =	vmul.f32 $8.000000000e+00, v6;
	v7 =	vld [tilespmem:s30+$0xC310]  }
.Ltmp1:
0xa5: {  	[tilespmem:s30+$0xC230] =	vst v1;
	v5 =	vmul.f32 $8.000000000e+00, v5;
	v1 =	vld [tilespmem:s30+$0xC320];
	(pc) =	sbr.rel @p0 .LBB2_5-.Ltmp1, $4  }
0xa6: {  	[tilespmem:s30+$0xC280] =	vst v0;
	v6 =	vmul.f32 $8.000000000e+00, v2;
	v0 =	vld [tilespmem:s30+$0xC330]  }
0xa7: {  	[tilespmem:s30+$0xC290] =	vst v5;
	v5 =	vmul.f32 $8.000000000e+00, v3;
	v2 =	vld [tilespmem:s30+$0xC380]  }
0xa8: {  	[tilespmem:s30+$0xC2A0] =	vst v6;
	v6 =	vmul.f32 $8.000000000e+00, v4;
	v3 =	vld [tilespmem:s30+$0xC390]  }
0xa9: {  	s31 =	sadd.s32 $0x1000, s31;
	[tilespmem:s30+$0xC2B0] =	vst v5;
	v5 =	vmul.f32 $8.000000000e+00, v7;
	v4 =	vld [tilespmem:s30+$0xC3A0]  }
0xaa: {  	[tilespmem:s30+$0xC300] =	vst v6;
	v1 =	vmul.f32 $8.000000000e+00, v1;
	v6 =	vld [tilespmem:s30+$0xC3B0]  }
0xab: {  	[tilespmem:s30+$0xC310] =	vst v5;
	v0 =	vmul.f32 $8.000000000e+00, v0  }
0xac: {  	[tilespmem:s30+$0xC320] =	vst v1;
	v1 =	vmul.f32 $8.000000000e+00, v2  }
0xad: {  	[tilespmem:s30+$0xC330] =	vst v0;
	v0 =	vmul.f32 $8.000000000e+00, v3  }
0xae: {  	[tilespmem:s30+$0xC380] =	vst v1;
	v1 =	vmul.f32 $8.000000000e+00, v4  }
0xaf: {  	[tilespmem:s30+$0xC390] =	vst v0;
	v0 =	vmul.f32 $8.000000000e+00, v6  }
0xb0: {  	[tilespmem:s30+$0xC3A0] =	vst v1  }
0xb1: {  	s1 =	sadd.s32 $0x800, s29;
	[tilespmem:s30+$0xC3B0] =	vst v0;
	s30 =	simm.s32 $0x0  }
0xb2: {  	[hbm4b:s1+s30] =	stream.linear.scatter [tilespmem:s17], [sflag:$0x3], $0x2400, $0x38;
	[tilespmem:$0x14800] =	vst v63  }
0xb3: {  	_ =	swait.ge [sflag:s22], $0x4000  }
0xb4: {  	[sflag:s22] =	ssyncset.done $0x0  }
0xb5: {  	s1 =	sadd.s32 $0x2, s28;
	[sflag:s22] =	ssyncadd.s32 $0xFFFFC000  }
0xb6: {  	s30 =	sshll.u32 s1, $0x8;
	s1 =	sshll.u32 s1, $0x7;
	_ =	swait.ge [sflag:s22], $0x2400  }
0xb7: {  	s30 =	sand.u32 $0xF800, s30;
	s1 =	sand.u32 $0x300, s1;
	[sflag:s22] =	ssyncset.done $0x0  }
0xb8: {  	s1 =	sor.u32 s1, s30;
	[sflag:s22] =	ssyncadd.s32 $0xFFFFDC00  }
0xb9: {  	[tilespmem:s14], [sflag:$0x1] =	stream.indirect.gather [hbm4b:s5+s13], $0x80, s1, s13, $0xb8;
	[tilespmem:$0x14800] =	vst v63  }
0xba: {  	s1 =	sor.u32 $0x400, s1  }
0xbb: {  	[tilespmem:s17], [sflag:$0x1] =	stream.indirect.gather [hbm4b:s5+s15], $0x80, s1, s15, $0xb8;
	[tilespmem:$0x14800] =	vst v63  }
0xbc: {  	_ =	swait.ge [sflag:s23], $0x4000  }
0xbd: {  	[sflag:s23] =	ssyncset.done $0x0  }
0xbe: {  	[sflag:s23] =	ssyncadd.s32 $0xFFFFC000  }
0xbf: {  	_ =	swait.ge [sflag:s23], $0x2400  }
0xc0: {  	[sflag:s23] =	ssyncset.done $0x0  }
0xc1: {  	s30 =	simm.s32 $0x0;
	[sflag:s23] =	ssyncadd.s32 $0xFFFFDC00  }
0xc2: {  	v0 =	vld [tilespmem:s30+$0xE400]  }
0xc3: {  	v1 =	vld [tilespmem:s30+$0xE410]  }
0xc4: {  	v2 =	vld [tilespmem:s30+$0xE420]  }
0xc5: {  	v3 =	vld [tilespmem:s30+$0xE430]  }
0xc6: {  	v4 =	vld [tilespmem:s30+$0xE480]  }
0xc7: {  	v5 =	vld [tilespmem:s30+$0xE490];
	v0 =	vmul.f32 $8.000000000e+00, v0  }
0xc8: {  	v6 =	vld [tilespmem:s30+$0xE4A0];
	v1 =	vmul.f32 $8.000000000e+00, v1  }
0xc9: {  	v2 =	vmul.f32 $8.000000000e+00, v2;
	[tilespmem:s30+$0xE400] =	vst v0;
	v0 =	vld [tilespmem:s30+$0xE4B0]  }
0xca: {  	v3 =	vmul.f32 $8.000000000e+00, v3;
	[tilespmem:s30+$0xE410] =	vst v1;
	v1 =	vld [tilespmem:s30+$0xE500]  }
0xcb: {  	v4 =	vmul.f32 $8.000000000e+00, v4;
	[tilespmem:s30+$0xE420] =	vst v2;
	v2 =	vld [tilespmem:s30+$0xE510]  }
0xcc: {  	v5 =	vmul.f32 $8.000000000e+00, v5;
	[tilespmem:s30+$0xE430] =	vst v3;
	v3 =	vld [tilespmem:s30+$0xE520]  }
0xcd: {  	v6 =	vmul.f32 $8.000000000e+00, v6;
	[tilespmem:s30+$0xE480] =	vst v4;
	v4 =	vld [tilespmem:s30+$0xE530]  }
0xce: {  	[tilespmem:s30+$0xE490] =	vst v5;
	v5 =	vld [tilespmem:s30+$0xE580];
	v0 =	vmul.f32 $8.000000000e+00, v0  }
0xcf: {  	[tilespmem:s30+$0xE4A0] =	vst v6;
	v6 =	vld [tilespmem:s30+$0xE590];
	v1 =	vmul.f32 $8.000000000e+00, v1  }
0xd0: {  	v2 =	vmul.f32 $8.000000000e+00, v2;
	[tilespmem:s30+$0xE4B0] =	vst v0;
	v0 =	vld [tilespmem:s30+$0xE5A0]  }
0xd1: {  	v3 =	vmul.f32 $8.000000000e+00, v3;
	[tilespmem:s30+$0xE500] =	vst v1;
	v1 =	vld [tilespmem:s30+$0xE5B0]  }
0xd2: {  	v4 =	vmul.f32 $8.000000000e+00, v4;
	[tilespmem:s30+$0xE510] =	vst v2;
	v2 =	vld [tilespmem:s30+$0xE600]  }
0xd3: {  	v5 =	vmul.f32 $8.000000000e+00, v5;
	[tilespmem:s30+$0xE520] =	vst v3;
	v3 =	vld [tilespmem:s30+$0xE610]  }
0xd4: {  	v6 =	vmul.f32 $8.000000000e+00, v6;
	[tilespmem:s30+$0xE530] =	vst v4;
	v4 =	vld [tilespmem:s30+$0xE620]  }
0xd5: {  	[tilespmem:s30+$0xE580] =	vst v5;
	v5 =	vld [tilespmem:s30+$0xE630];
	v0 =	vmul.f32 $8.000000000e+00, v0  }
0xd6: {  	[tilespmem:s30+$0xE590] =	vst v6;
	v6 =	vld [tilespmem:s30+$0xE680]  }
0xd7: {  	v1 =	vmul.f32 $8.000000000e+00, v1;
	[tilespmem:s30+$0xE5A0] =	vst v0;
	v0 =	vld [tilespmem:s30+$0xE690]  }
0xd8: {  	v2 =	vmul.f32 $8.000000000e+00, v2  }
0xd9: {  	[tilespmem:s30+$0xE5B0] =	vst v1;
	v1 =	vmul.f32 $8.000000000e+00, v3;
	v3 =	vld [tilespmem:s30+$0xE6B0]  }
0xda: {  	v7 =	vld [tilespmem:s30+$0xE6A0];
	[tilespmem:s30+$0xE600] =	vst v2;
	v2 =	vmul.f32 $8.000000000e+00, v4  }
0xdb: {  	v4 =	vld [tilespmem:s30+$0xE700];
	[tilespmem:s30+$0xE610] =	vst v1;
	v1 =	vmul.f32 $8.000000000e+00, v5  }
0xdc: {  	[tilespmem:s30+$0xE620] =	vst v2;
	v5 =	vld [tilespmem:s30+$0xE710];
	v2 =	vmul.f32 $8.000000000e+00, v6;
	v6 =	vmul.f32 $8.000000000e+00, v0  }
0xdd: {  	[tilespmem:s30+$0xE630] =	vst v1;
	v1 =	vld [tilespmem:s30+$0xE720]  }
0xde: {  	v0 =	vld [tilespmem:s30+$0xE730];
	[tilespmem:s30+$0xE690] =	vst v6;
	v6 =	vmul.f32 $8.000000000e+00, v3  }
0xdf: {  	v7 =	vmul.f32 $8.000000000e+00, v7;
	[tilespmem:s30+$0xE680] =	vst v2;
	v2 =	vld [tilespmem:s30+$0xE780]  }
0xe0: {  	v3 =	vld [tilespmem:s30+$0xE790];
	[tilespmem:s30+$0xE6B0] =	vst v6;
	v6 =	vmul.f32 $8.000000000e+00, v4  }
0xe1: {  	s31 =	simm.s32 $0x1000;
	[tilespmem:s30+$0xE6A0] =	vst v7;
	v5 =	vmul.f32 $8.000000000e+00, v5;
	v4 =	vld [tilespmem:s30+$0xE7A0]  }
.LBB2_7:
0xe2: {  	s1 =	sshra.s32 s31, $0x2;
	p0 =	sne.s32 s31, $0xF000;
	[tilespmem:s30+$0xE700] =	vst v6;
	v1 =	vmul.f32 $8.000000000e+00, v1;
	v6 =	vld [tilespmem:s30+$0xE7B0]  }
0xe3: {  	v7 =	vld [tilespmem:s1+$0xE400];
	[tilespmem:s30+$0xE710] =	vst v5;
	v0 =	vmul.f32 $8.000000000e+00, v0  }
0xe4: {  	v5 =	vld [tilespmem:s1+$0xE410];
	[tilespmem:s30+$0xE720] =	vst v1;
	v1 =	vmul.f32 $8.000000000e+00, v2  }
0xe5: {  	v2 =	vld [tilespmem:s1+$0xE420];
	[tilespmem:s30+$0xE730] =	vst v0;
	v0 =	vmul.f32 $8.000000000e+00, v3  }
0xe6: {  	v3 =	vld [tilespmem:s1+$0xE430];
	[tilespmem:s30+$0xE780] =	vst v1;
	v1 =	vmul.f32 $8.000000000e+00, v4  }
0xe7: {  	v4 =	vld [tilespmem:s1+$0xE480];
	[tilespmem:s30+$0xE790] =	vst v0;
	v0 =	vmul.f32 $8.000000000e+00, v6  }
0xe8: {  	v6 =	vmul.f32 $8.000000000e+00, v7;
	v7 =	vld [tilespmem:s1+$0xE490];
	[tilespmem:s30+$0xE7A0] =	vst v1  }
0xe9: {  	v1 =	vmul.f32 $8.000000000e+00, v5;
	v5 =	vld [tilespmem:s1+$0xE4A0];
	[tilespmem:s30+$0xE7B0] =	vst v0;
	s30 =	smov.u32 s1  }
0xea: {  	[tilespmem:s30+$0xE400] =	vst v6;
	v0 =	vmul.f32 $8.000000000e+00, v2;
	v2 =	vld [tilespmem:s30+$0xE4B0]  }
0xeb: {  	[tilespmem:s30+$0xE410] =	vst v1;
	v1 =	vmul.f32 $8.000000000e+00, v3;
	v3 =	vld [tilespmem:s30+$0xE500]  }
0xec: {  	[tilespmem:s30+$0xE420] =	vst v0;
	v0 =	vmul.f32 $8.000000000e+00, v4;
	v4 =	vld [tilespmem:s30+$0xE510]  }
0xed: {  	[tilespmem:s30+$0xE430] =	vst v1;
	v1 =	vmul.f32 $8.000000000e+00, v7;
	v6 =	vld [tilespmem:s30+$0xE520]  }
0xee: {  	[tilespmem:s30+$0xE480] =	vst v0;
	v0 =	vmul.f32 $8.000000000e+00, v5;
	v5 =	vld [tilespmem:s30+$0xE530]  }
0xef: {  	[tilespmem:s30+$0xE490] =	vst v1;
	v1 =	vmul.f32 $8.000000000e+00, v2;
	v2 =	vld [tilespmem:s30+$0xE580]  }
0xf0: {  	[tilespmem:s30+$0xE4A0] =	vst v0;
	v0 =	vmul.f32 $8.000000000e+00, v3;
	v3 =	vld [tilespmem:s30+$0xE590]  }
0xf1: {  	[tilespmem:s30+$0xE4B0] =	vst v1;
	v1 =	vmul.f32 $8.000000000e+00, v4;
	v4 =	vld [tilespmem:s30+$0xE5A0]  }
0xf2: {  	[tilespmem:s30+$0xE500] =	vst v0;
	v0 =	vmul.f32 $8.000000000e+00, v6;
	v6 =	vld [tilespmem:s30+$0xE5B0]  }
0xf3: {  	[tilespmem:s30+$0xE510] =	vst v1;
	v1 =	vmul.f32 $8.000000000e+00, v5;
	v5 =	vld [tilespmem:s30+$0xE600]  }
0xf4: {  	[tilespmem:s30+$0xE520] =	vst v0;
	v0 =	vmul.f32 $8.000000000e+00, v2;
	v2 =	vld [tilespmem:s30+$0xE610]  }
0xf5: {  	[tilespmem:s30+$0xE530] =	vst v1;
	v1 =	vmul.f32 $8.000000000e+00, v3;
	v3 =	vld [tilespmem:s30+$0xE620]  }
0xf6: {  	[tilespmem:s30+$0xE580] =	vst v0;
	v0 =	vmul.f32 $8.000000000e+00, v4;
	v4 =	vld [tilespmem:s30+$0xE630]  }
0xf7: {  	[tilespmem:s30+$0xE590] =	vst v1;
	v1 =	vmul.f32 $8.000000000e+00, v6;
	v6 =	vld [tilespmem:s30+$0xE680]  }
0xf8: {  	[tilespmem:s30+$0xE5A0] =	vst v0;
	v0 =	vmul.f32 $8.000000000e+00, v5;
	v5 =	vld [tilespmem:s30+$0xE690]  }
0xf9: {  	[tilespmem:s30+$0xE5B0] =	vst v1;
	v1 =	vmul.f32 $8.000000000e+00, v2;
	v2 =	vld [tilespmem:s30+$0xE6A0]  }
0xfa: {  	[tilespmem:s30+$0xE600] =	vst v0;
	v0 =	vmul.f32 $8.000000000e+00, v3;
	v3 =	vld [tilespmem:s30+$0xE6B0]  }
0xfb: {  	[tilespmem:s30+$0xE610] =	vst v1;
	v1 =	vmul.f32 $8.000000000e+00, v4;
	v4 =	vld [tilespmem:s30+$0xE700]  }
0xfc: {  	[tilespmem:s30+$0xE620] =	vst v0;
	v0 =	vmul.f32 $8.000000000e+00, v6;
	v7 =	vld [tilespmem:s30+$0xE710]  }
.Ltmp2:
0xfd: {  	[tilespmem:s30+$0xE630] =	vst v1;
	v5 =	vmul.f32 $8.000000000e+00, v5;
	v1 =	vld [tilespmem:s30+$0xE720];
	(pc) =	sbr.rel @p0 .LBB2_7-.Ltmp2, $4  }
0xfe: {  	[tilespmem:s30+$0xE680] =	vst v0;
	v6 =	vmul.f32 $8.000000000e+00, v2;
	v0 =	vld [tilespmem:s30+$0xE730]  }
0xff: {  	[tilespmem:s30+$0xE690] =	vst v5;
	v5 =	vmul.f32 $8.000000000e+00, v3;
	v2 =	vld [tilespmem:s30+$0xE780]  }
0x100: {  	[tilespmem:s30+$0xE6A0] =	vst v6;
	v6 =	vmul.f32 $8.000000000e+00, v4;
	v3 =	vld [tilespmem:s30+$0xE790]  }
0x101: {  	s31 =	sadd.s32 $0x1000, s31;
	[tilespmem:s30+$0xE6B0] =	vst v5;
	v5 =	vmul.f32 $8.000000000e+00, v7;
	v4 =	vld [tilespmem:s30+$0xE7A0]  }
0x102: {  	[tilespmem:s30+$0xE700] =	vst v6;
	v1 =	vmul.f32 $8.000000000e+00, v1;
	v6 =	vld [tilespmem:s30+$0xE7B0]  }
0x103: {  	[tilespmem:s30+$0xE710] =	vst v5;
	v0 =	vmul.f32 $8.000000000e+00, v0  }
0x104: {  	[tilespmem:s30+$0xE720] =	vst v1;
	v1 =	vmul.f32 $8.000000000e+00, v2  }
0x105: {  	[tilespmem:s30+$0xE730] =	vst v0;
	v0 =	vmul.f32 $8.000000000e+00, v3  }
0x106: {  	[tilespmem:s30+$0xE780] =	vst v1;
	v1 =	vmul.f32 $8.000000000e+00, v4  }
0x107: {  	[tilespmem:s30+$0xE790] =	vst v0;
	v0 =	vmul.f32 $8.000000000e+00, v6  }
0x108: {  	[tilespmem:s30+$0xE7A0] =	vst v1  }
0x109: {  	s1 =	sadd.s32 $0xC80, s29;
	[tilespmem:s30+$0xE7B0] =	vst v0;
	s30 =	simm.s32 $0x0  }
0x10a: {  	[hbm4b:s1+s30] =	stream.linear.scatter [tilespmem:s18], [sflag:$0x4], $0x4000, $0x38;
	[tilespmem:$0x14800] =	vst v63  }
0x10b: {  	s30 =	simm.s32 $0x0  }
0x10c: {  	v0 =	vld [tilespmem:s30+$0x12400]  }
0x10d: {  	v1 =	vld [tilespmem:s30+$0x12410]  }
0x10e: {  	v2 =	vld [tilespmem:s30+$0x12420]  }
0x10f: {  	v3 =	vld [tilespmem:s30+$0x12430]  }
0x110: {  	v4 =	vld [tilespmem:s30+$0x12480]  }
0x111: {  	v5 =	vld [tilespmem:s30+$0x12490];
	v0 =	vmul.f32 $8.000000000e+00, v0  }
0x112: {  	v6 =	vld [tilespmem:s30+$0x124A0];
	v1 =	vmul.f32 $8.000000000e+00, v1  }
0x113: {  	v2 =	vmul.f32 $8.000000000e+00, v2;
	[tilespmem:s30+$0x12400] =	vst v0;
	v0 =	vld [tilespmem:s30+$0x124B0]  }
0x114: {  	v3 =	vmul.f32 $8.000000000e+00, v3;
	[tilespmem:s30+$0x12410] =	vst v1;
	v1 =	vld [tilespmem:s30+$0x12500]  }
0x115: {  	v4 =	vmul.f32 $8.000000000e+00, v4;
	[tilespmem:s30+$0x12420] =	vst v2;
	v2 =	vld [tilespmem:s30+$0x12510]  }
0x116: {  	v5 =	vmul.f32 $8.000000000e+00, v5;
	[tilespmem:s30+$0x12430] =	vst v3;
	v3 =	vld [tilespmem:s30+$0x12520]  }
0x117: {  	v6 =	vmul.f32 $8.000000000e+00, v6;
	[tilespmem:s30+$0x12480] =	vst v4;
	v4 =	vld [tilespmem:s30+$0x12530]  }
0x118: {  	[tilespmem:s30+$0x12490] =	vst v5;
	v5 =	vld [tilespmem:s30+$0x12580];
	v0 =	vmul.f32 $8.000000000e+00, v0  }
0x119: {  	[tilespmem:s30+$0x124A0] =	vst v6;
	v6 =	vld [tilespmem:s30+$0x12590];
	v1 =	vmul.f32 $8.000000000e+00, v1  }
0x11a: {  	v2 =	vmul.f32 $8.000000000e+00, v2;
	[tilespmem:s30+$0x124B0] =	vst v0;
	v0 =	vld [tilespmem:s30+$0x125A0]  }
0x11b: {  	v3 =	vmul.f32 $8.000000000e+00, v3;
	[tilespmem:s30+$0x12500] =	vst v1;
	v1 =	vld [tilespmem:s30+$0x125B0]  }
0x11c: {  	v4 =	vmul.f32 $8.000000000e+00, v4;
	[tilespmem:s30+$0x12510] =	vst v2;
	v2 =	vld [tilespmem:s30+$0x12600]  }
0x11d: {  	v5 =	vmul.f32 $8.000000000e+00, v5;
	[tilespmem:s30+$0x12520] =	vst v3;
	v3 =	vld [tilespmem:s30+$0x12610]  }
0x11e: {  	v6 =	vmul.f32 $8.000000000e+00, v6;
	[tilespmem:s30+$0x12530] =	vst v4;
	v4 =	vld [tilespmem:s30+$0x12620]  }
0x11f: {  	[tilespmem:s30+$0x12580] =	vst v5;
	v5 =	vld [tilespmem:s30+$0x12630];
	v0 =	vmul.f32 $8.000000000e+00, v0  }
0x120: {  	[tilespmem:s30+$0x12590] =	vst v6;
	v6 =	vld [tilespmem:s30+$0x12680]  }
0x121: {  	v1 =	vmul.f32 $8.000000000e+00, v1;
	[tilespmem:s30+$0x125A0] =	vst v0;
	v0 =	vld [tilespmem:s30+$0x12690]  }
0x122: {  	v2 =	vmul.f32 $8.000000000e+00, v2  }
0x123: {  	[tilespmem:s30+$0x125B0] =	vst v1;
	v1 =	vmul.f32 $8.000000000e+00, v3;
	v3 =	vld [tilespmem:s30+$0x126B0]  }
0x124: {  	v7 =	vld [tilespmem:s30+$0x126A0];
	[tilespmem:s30+$0x12600] =	vst v2;
	v2 =	vmul.f32 $8.000000000e+00, v4  }
0x125: {  	v4 =	vld [tilespmem:s30+$0x12700];
	[tilespmem:s30+$0x12610] =	vst v1;
	v1 =	vmul.f32 $8.000000000e+00, v5  }
0x126: {  	[tilespmem:s30+$0x12620] =	vst v2;
	v5 =	vld [tilespmem:s30+$0x12710];
	v2 =	vmul.f32 $8.000000000e+00, v6;
	v6 =	vmul.f32 $8.000000000e+00, v0  }
0x127: {  	[tilespmem:s30+$0x12630] =	vst v1;
	v1 =	vld [tilespmem:s30+$0x12720]  }
0x128: {  	v0 =	vld [tilespmem:s30+$0x12730];
	[tilespmem:s30+$0x12690] =	vst v6;
	v6 =	vmul.f32 $8.000000000e+00, v3  }
0x129: {  	v7 =	vmul.f32 $8.000000000e+00, v7;
	[tilespmem:s30+$0x12680] =	vst v2;
	v2 =	vld [tilespmem:s30+$0x12780]  }
0x12a: {  	v3 =	vld [tilespmem:s30+$0x12790];
	[tilespmem:s30+$0x126B0] =	vst v6;
	v6 =	vmul.f32 $8.000000000e+00, v4  }
0x12b: {  	s31 =	simm.s32 $0x1000;
	[tilespmem:s30+$0x126A0] =	vst v7;
	v5 =	vmul.f32 $8.000000000e+00, v5;
	v4 =	vld [tilespmem:s30+$0x127A0]  }
.LBB2_9:
0x12c: {  	s1 =	sshra.s32 s31, $0x2;
	p0 =	sne.s32 s31, $0x8000;
	[tilespmem:s30+$0x12700] =	vst v6;
	v1 =	vmul.f32 $8.000000000e+00, v1;
	v6 =	vld [tilespmem:s30+$0x127B0]  }
0x12d: {  	v7 =	vld [tilespmem:s1+$0x12400];
	[tilespmem:s30+$0x12710] =	vst v5;
	v0 =	vmul.f32 $8.000000000e+00, v0  }
0x12e: {  	v5 =	vld [tilespmem:s1+$0x12410];
	[tilespmem:s30+$0x12720] =	vst v1;
	v1 =	vmul.f32 $8.000000000e+00, v2  }
0x12f: {  	v2 =	vld [tilespmem:s1+$0x12420];
	[tilespmem:s30+$0x12730] =	vst v0;
	v0 =	vmul.f32 $8.000000000e+00, v3  }
0x130: {  	v3 =	vld [tilespmem:s1+$0x12430];
	[tilespmem:s30+$0x12780] =	vst v1;
	v1 =	vmul.f32 $8.000000000e+00, v4  }
0x131: {  	v4 =	vld [tilespmem:s1+$0x12480];
	[tilespmem:s30+$0x12790] =	vst v0;
	v0 =	vmul.f32 $8.000000000e+00, v6  }
0x132: {  	v6 =	vmul.f32 $8.000000000e+00, v7;
	v7 =	vld [tilespmem:s1+$0x12490];
	[tilespmem:s30+$0x127A0] =	vst v1  }
0x133: {  	v1 =	vmul.f32 $8.000000000e+00, v5;
	v5 =	vld [tilespmem:s1+$0x124A0];
	[tilespmem:s30+$0x127B0] =	vst v0;
	s30 =	smov.u32 s1  }
0x134: {  	[tilespmem:s30+$0x12400] =	vst v6;
	v0 =	vmul.f32 $8.000000000e+00, v2;
	v2 =	vld [tilespmem:s30+$0x124B0]  }
0x135: {  	[tilespmem:s30+$0x12410] =	vst v1;
	v1 =	vmul.f32 $8.000000000e+00, v3;
	v3 =	vld [tilespmem:s30+$0x12500]  }
0x136: {  	[tilespmem:s30+$0x12420] =	vst v0;
	v0 =	vmul.f32 $8.000000000e+00, v4;
	v4 =	vld [tilespmem:s30+$0x12510]  }
0x137: {  	[tilespmem:s30+$0x12430] =	vst v1;
	v1 =	vmul.f32 $8.000000000e+00, v7;
	v6 =	vld [tilespmem:s30+$0x12520]  }
0x138: {  	[tilespmem:s30+$0x12480] =	vst v0;
	v0 =	vmul.f32 $8.000000000e+00, v5;
	v5 =	vld [tilespmem:s30+$0x12530]  }
0x139: {  	[tilespmem:s30+$0x12490] =	vst v1;
	v1 =	vmul.f32 $8.000000000e+00, v2;
	v2 =	vld [tilespmem:s30+$0x12580]  }
0x13a: {  	[tilespmem:s30+$0x124A0] =	vst v0;
	v0 =	vmul.f32 $8.000000000e+00, v3;
	v3 =	vld [tilespmem:s30+$0x12590]  }
0x13b: {  	[tilespmem:s30+$0x124B0] =	vst v1;
	v1 =	vmul.f32 $8.000000000e+00, v4;
	v4 =	vld [tilespmem:s30+$0x125A0]  }
0x13c: {  	[tilespmem:s30+$0x12500] =	vst v0;
	v0 =	vmul.f32 $8.000000000e+00, v6;
	v6 =	vld [tilespmem:s30+$0x125B0]  }
0x13d: {  	[tilespmem:s30+$0x12510] =	vst v1;
	v1 =	vmul.f32 $8.000000000e+00, v5;
	v5 =	vld [tilespmem:s30+$0x12600]  }
0x13e: {  	[tilespmem:s30+$0x12520] =	vst v0;
	v0 =	vmul.f32 $8.000000000e+00, v2;
	v2 =	vld [tilespmem:s30+$0x12610]  }
0x13f: {  	[tilespmem:s30+$0x12530] =	vst v1;
	v1 =	vmul.f32 $8.000000000e+00, v3;
	v3 =	vld [tilespmem:s30+$0x12620]  }
0x140: {  	[tilespmem:s30+$0x12580] =	vst v0;
	v0 =	vmul.f32 $8.000000000e+00, v4;
	v4 =	vld [tilespmem:s30+$0x12630]  }
0x141: {  	[tilespmem:s30+$0x12590] =	vst v1;
	v1 =	vmul.f32 $8.000000000e+00, v6;
	v6 =	vld [tilespmem:s30+$0x12680]  }
0x142: {  	[tilespmem:s30+$0x125A0] =	vst v0;
	v0 =	vmul.f32 $8.000000000e+00, v5;
	v5 =	vld [tilespmem:s30+$0x12690]  }
0x143: {  	[tilespmem:s30+$0x125B0] =	vst v1;
	v1 =	vmul.f32 $8.000000000e+00, v2;
	v2 =	vld [tilespmem:s30+$0x126A0]  }
0x144: {  	[tilespmem:s30+$0x12600] =	vst v0;
	v0 =	vmul.f32 $8.000000000e+00, v3;
	v3 =	vld [tilespmem:s30+$0x126B0]  }
0x145: {  	[tilespmem:s30+$0x12610] =	vst v1;
	v1 =	vmul.f32 $8.000000000e+00, v4;
	v4 =	vld [tilespmem:s30+$0x12700]  }
0x146: {  	[tilespmem:s30+$0x12620] =	vst v0;
	v0 =	vmul.f32 $8.000000000e+00, v6;
	v7 =	vld [tilespmem:s30+$0x12710]  }
.Ltmp3:
0x147: {  	[tilespmem:s30+$0x12630] =	vst v1;
	v5 =	vmul.f32 $8.000000000e+00, v5;
	v1 =	vld [tilespmem:s30+$0x12720];
	(pc) =	sbr.rel @p0 .LBB2_9-.Ltmp3, $4  }
0x148: {  	[tilespmem:s30+$0x12680] =	vst v0;
	v6 =	vmul.f32 $8.000000000e+00, v2;
	v0 =	vld [tilespmem:s30+$0x12730]  }
0x149: {  	[tilespmem:s30+$0x12690] =	vst v5;
	v5 =	vmul.f32 $8.000000000e+00, v3;
	v2 =	vld [tilespmem:s30+$0x12780]  }
0x14a: {  	[tilespmem:s30+$0x126A0] =	vst v6;
	v6 =	vmul.f32 $8.000000000e+00, v4;
	v3 =	vld [tilespmem:s30+$0x12790]  }
0x14b: {  	s31 =	sadd.s32 $0x1000, s31;
	[tilespmem:s30+$0x126B0] =	vst v5;
	v5 =	vmul.f32 $8.000000000e+00, v7;
	v4 =	vld [tilespmem:s30+$0x127A0]  }
0x14c: {  	[tilespmem:s30+$0x12700] =	vst v6;
	v1 =	vmul.f32 $8.000000000e+00, v1;
	v59 =	vld [tilespmem:s30+$0x127B0]  }
0x14d: {  	[tilespmem:s30+$0x12710] =	vst v5;
	v0 =	vmul.f32 $8.000000000e+00, v0  }
0x14e: {  	[tilespmem:s30+$0x12720] =	vst v1;
	v60 =	vmul.f32 $8.000000000e+00, v2  }
0x14f: {  	[tilespmem:s30+$0x12730] =	vst v0;
	v61 =	vmul.f32 $8.000000000e+00, v3  }
0x150: {  	[tilespmem:s30+$0x12780] =	vst v60;
	v62 =	vmul.f32 $8.000000000e+00, v4  }
0x151: {  	[tilespmem:s30+$0x12790] =	vst v61;
	v63 =	vmul.f32 $8.000000000e+00, v59  }
0x152: {  	[tilespmem:s30+$0x127A0] =	vst v62  }
0x153: {  	s1 =	sadd.s32 $0x1480, s29;
	[tilespmem:s30+$0x127B0] =	vst v63  }
0x154: {  	[hbm4b:s1+s2] =	stream.linear.scatter [tilespmem:s20], [sflag:$0x4], $0x2400, $0x38;
	[tilespmem:$0x14800] =	vst v63  }
0x155: {  	_ =	swait.ge [sflag:s24], $0x4000  }
0x156: {  	s31 =	sadd.s32 $0x3, s28;
	s26 =	sadd.s32 $0x1, s26;
	[sflag:s24] =	ssyncset.done $0x0  }
0x157: {  	s28 =	sshll.u32 s31, $0x8;
	p0 =	sne.s32 s26, $0x3F;
	[sflag:s24] =	ssyncadd.s32 $0xFFFFC000  }
0x158: {  	s28 =	sand.u32 $0xF800, s28;
	s1 =	sshll.u32 s31, $0x7;
	_ =	swait.ge [sflag:s24], $0x2400  }
.Ltmp4:
0x159: {  	s1 =	sand.u32 $0x380, s1;
	[sflag:s24] =	ssyncset.done $0x0;
	(pc) =	sbr.rel @p0 .LBB2_2-.Ltmp4, $4  }
0x15a: {  	s1 =	sor.u32 s1, s28;
	[sflag:s24] =	ssyncadd.s32 $0xFFFFDC00  }
0x15b: {  	[tilespmem:s18], [sflag:$0x2] =	stream.indirect.gather [hbm4b:s5+s13], $0x80, s1, s13, $0xb8;
	[tilespmem:$0x14800] =	vst v63  }
0x15c: {  	s1 =	sor.u32 $0x400, s1  }
0x15d: {  	[tilespmem:s20], [sflag:$0x2] =	stream.indirect.gather [hbm4b:s5+s15], $0x80, s1, s15, $0xb8;
	[tilespmem:$0x14800] =	vst v63  }
0x15e: {  	_ =	swait.ge [sflag:s21], $0x4000  }
0x15f: {  	[sflag:s21] =	ssyncset.done $0x0  }
0x160: {  	[sflag:s21] =	ssyncadd.s32 $0xFFFFC000  }
0x161: {  	_ =	swait.ge [sflag:s21], $0x2400  }
0x162: {  	[sflag:s21] =	ssyncset.done $0x0  }
0x163: {  	s26 =	simm.s32 $0x0;
	[sflag:s21] =	ssyncadd.s32 $0xFFFFDC00  }
0x164: {  	v0 =	vld [tilespmem:s26+$0x8000]  }
0x165: {  	v1 =	vld [tilespmem:s26+$0x8010]  }
0x166: {  	v2 =	vld [tilespmem:s26+$0x8020]  }
0x167: {  	v3 =	vld [tilespmem:s26+$0x8030]  }
0x168: {  	v4 =	vld [tilespmem:s26+$0x8080]  }
0x169: {  	v5 =	vld [tilespmem:s26+$0x8090];
	v0 =	vmul.f32 $8.000000000e+00, v0  }
0x16a: {  	v6 =	vld [tilespmem:s26+$0x80A0];
	v1 =	vmul.f32 $8.000000000e+00, v1  }
0x16b: {  	v2 =	vmul.f32 $8.000000000e+00, v2;
	[tilespmem:s26+$0x8000] =	vst v0;
	v0 =	vld [tilespmem:s26+$0x80B0]  }
0x16c: {  	v3 =	vmul.f32 $8.000000000e+00, v3;
	[tilespmem:s26+$0x8010] =	vst v1;
	v1 =	vld [tilespmem:s26+$0x8100]  }
0x16d: {  	v4 =	vmul.f32 $8.000000000e+00, v4;
	[tilespmem:s26+$0x8020] =	vst v2;
	v2 =	vld [tilespmem:s26+$0x8110]  }
0x16e: {  	v5 =	vmul.f32 $8.000000000e+00, v5;
	[tilespmem:s26+$0x8030] =	vst v3;
	v3 =	vld [tilespmem:s26+$0x8120]  }
0x16f: {  	v6 =	vmul.f32 $8.000000000e+00, v6;
	[tilespmem:s26+$0x8080] =	vst v4;
	v4 =	vld [tilespmem:s26+$0x8130]  }
0x170: {  	[tilespmem:s26+$0x8090] =	vst v5;
	v5 =	vld [tilespmem:s26+$0x8180];
	v0 =	vmul.f32 $8.000000000e+00, v0  }
0x171: {  	[tilespmem:s26+$0x80A0] =	vst v6;
	v6 =	vld [tilespmem:s26+$0x8190];
	v1 =	vmul.f32 $8.000000000e+00, v1  }
0x172: {  	v2 =	vmul.f32 $8.000000000e+00, v2;
	[tilespmem:s26+$0x80B0] =	vst v0;
	v0 =	vld [tilespmem:s26+$0x81A0]  }
0x173: {  	v3 =	vmul.f32 $8.000000000e+00, v3;
	[tilespmem:s26+$0x8100] =	vst v1;
	v1 =	vld [tilespmem:s26+$0x81B0]  }
0x174: {  	v4 =	vmul.f32 $8.000000000e+00, v4;
	[tilespmem:s26+$0x8110] =	vst v2;
	v2 =	vld [tilespmem:s26+$0x8200]  }
0x175: {  	v5 =	vmul.f32 $8.000000000e+00, v5;
	[tilespmem:s26+$0x8120] =	vst v3;
	v3 =	vld [tilespmem:s26+$0x8210]  }
0x176: {  	v6 =	vmul.f32 $8.000000000e+00, v6;
	[tilespmem:s26+$0x8130] =	vst v4;
	v4 =	vld [tilespmem:s26+$0x8220]  }
0x177: {  	[tilespmem:s26+$0x8180] =	vst v5;
	v5 =	vld [tilespmem:s26+$0x8230];
	v0 =	vmul.f32 $8.000000000e+00, v0  }
0x178: {  	[tilespmem:s26+$0x8190] =	vst v6;
	v6 =	vld [tilespmem:s26+$0x8280]  }
0x179: {  	v1 =	vmul.f32 $8.000000000e+00, v1;
	[tilespmem:s26+$0x81A0] =	vst v0;
	v0 =	vld [tilespmem:s26+$0x8290]  }
0x17a: {  	v2 =	vmul.f32 $8.000000000e+00, v2  }
0x17b: {  	[tilespmem:s26+$0x81B0] =	vst v1;
	v1 =	vmul.f32 $8.000000000e+00, v3;
	v3 =	vld [tilespmem:s26+$0x82B0]  }
0x17c: {  	v7 =	vld [tilespmem:s26+$0x82A0];
	[tilespmem:s26+$0x8200] =	vst v2;
	v2 =	vmul.f32 $8.000000000e+00, v4  }
0x17d: {  	v4 =	vld [tilespmem:s26+$0x8300];
	[tilespmem:s26+$0x8210] =	vst v1;
	v1 =	vmul.f32 $8.000000000e+00, v5  }
0x17e: {  	[tilespmem:s26+$0x8220] =	vst v2;
	v5 =	vld [tilespmem:s26+$0x8310];
	v2 =	vmul.f32 $8.000000000e+00, v6;
	v6 =	vmul.f32 $8.000000000e+00, v0  }
0x17f: {  	[tilespmem:s26+$0x8230] =	vst v1;
	v1 =	vld [tilespmem:s26+$0x8320]  }
0x180: {  	v0 =	vld [tilespmem:s26+$0x8330];
	[tilespmem:s26+$0x8290] =	vst v6;
	v6 =	vmul.f32 $8.000000000e+00, v3  }
0x181: {  	v7 =	vmul.f32 $8.000000000e+00, v7;
	[tilespmem:s26+$0x8280] =	vst v2;
	v2 =	vld [tilespmem:s26+$0x8380]  }
0x182: {  	v3 =	vld [tilespmem:s26+$0x8390];
	[tilespmem:s26+$0x82B0] =	vst v6;
	v6 =	vmul.f32 $8.000000000e+00, v4  }
0x183: {  	s28 =	simm.s32 $0x1000;
	[tilespmem:s26+$0x82A0] =	vst v7;
	v5 =	vmul.f32 $8.000000000e+00, v5;
	v4 =	vld [tilespmem:s26+$0x83A0]  }
.LBB2_12:
0x184: {  	s1 =	sshra.s32 s28, $0x2;
	p0 =	sne.s32 s28, $0xF000;
	[tilespmem:s26+$0x8300] =	vst v6;
	v1 =	vmul.f32 $8.000000000e+00, v1;
	v6 =	vld [tilespmem:s26+$0x83B0]  }
0x185: {  	v7 =	vld [tilespmem:s1+$0x8000];
	[tilespmem:s26+$0x8310] =	vst v5;
	v0 =	vmul.f32 $8.000000000e+00, v0  }
0x186: {  	v5 =	vld [tilespmem:s1+$0x8010];
	[tilespmem:s26+$0x8320] =	vst v1;
	v1 =	vmul.f32 $8.000000000e+00, v2  }
0x187: {  	v2 =	vld [tilespmem:s1+$0x8020];
	[tilespmem:s26+$0x8330] =	vst v0;
	v0 =	vmul.f32 $8.000000000e+00, v3  }
0x188: {  	v3 =	vld [tilespmem:s1+$0x8030];
	[tilespmem:s26+$0x8380] =	vst v1;
	v1 =	vmul.f32 $8.000000000e+00, v4  }
0x189: {  	v4 =	vld [tilespmem:s1+$0x8080];
	[tilespmem:s26+$0x8390] =	vst v0;
	v0 =	vmul.f32 $8.000000000e+00, v6  }
0x18a: {  	v6 =	vmul.f32 $8.000000000e+00, v7;
	v7 =	vld [tilespmem:s1+$0x8090];
	[tilespmem:s26+$0x83A0] =	vst v1  }
0x18b: {  	v1 =	vmul.f32 $8.000000000e+00, v5;
	v5 =	vld [tilespmem:s1+$0x80A0];
	[tilespmem:s26+$0x83B0] =	vst v0;
	s26 =	smov.u32 s1  }
0x18c: {  	[tilespmem:s26+$0x8000] =	vst v6;
	v0 =	vmul.f32 $8.000000000e+00, v2;
	v2 =	vld [tilespmem:s26+$0x80B0]  }
0x18d: {  	[tilespmem:s26+$0x8010] =	vst v1;
	v1 =	vmul.f32 $8.000000000e+00, v3;
	v3 =	vld [tilespmem:s26+$0x8100]  }
0x18e: {  	[tilespmem:s26+$0x8020] =	vst v0;
	v0 =	vmul.f32 $8.000000000e+00, v4;
	v4 =	vld [tilespmem:s26+$0x8110]  }
0x18f: {  	[tilespmem:s26+$0x8030] =	vst v1;
	v1 =	vmul.f32 $8.000000000e+00, v7;
	v6 =	vld [tilespmem:s26+$0x8120]  }
0x190: {  	[tilespmem:s26+$0x8080] =	vst v0;
	v0 =	vmul.f32 $8.000000000e+00, v5;
	v5 =	vld [tilespmem:s26+$0x8130]  }
0x191: {  	[tilespmem:s26+$0x8090] =	vst v1;
	v1 =	vmul.f32 $8.000000000e+00, v2;
	v2 =	vld [tilespmem:s26+$0x8180]  }
0x192: {  	[tilespmem:s26+$0x80A0] =	vst v0;
	v0 =	vmul.f32 $8.000000000e+00, v3;
	v3 =	vld [tilespmem:s26+$0x8190]  }
0x193: {  	[tilespmem:s26+$0x80B0] =	vst v1;
	v1 =	vmul.f32 $8.000000000e+00, v4;
	v4 =	vld [tilespmem:s26+$0x81A0]  }
0x194: {  	[tilespmem:s26+$0x8100] =	vst v0;
	v0 =	vmul.f32 $8.000000000e+00, v6;
	v6 =	vld [tilespmem:s26+$0x81B0]  }
0x195: {  	[tilespmem:s26+$0x8110] =	vst v1;
	v1 =	vmul.f32 $8.000000000e+00, v5;
	v5 =	vld [tilespmem:s26+$0x8200]  }
0x196: {  	[tilespmem:s26+$0x8120] =	vst v0;
	v0 =	vmul.f32 $8.000000000e+00, v2;
	v2 =	vld [tilespmem:s26+$0x8210]  }
0x197: {  	[tilespmem:s26+$0x8130] =	vst v1;
	v1 =	vmul.f32 $8.000000000e+00, v3;
	v3 =	vld [tilespmem:s26+$0x8220]  }
0x198: {  	[tilespmem:s26+$0x8180] =	vst v0;
	v0 =	vmul.f32 $8.000000000e+00, v4;
	v4 =	vld [tilespmem:s26+$0x8230]  }
0x199: {  	[tilespmem:s26+$0x8190] =	vst v1;
	v1 =	vmul.f32 $8.000000000e+00, v6;
	v6 =	vld [tilespmem:s26+$0x8280]  }
0x19a: {  	[tilespmem:s26+$0x81A0] =	vst v0;
	v0 =	vmul.f32 $8.000000000e+00, v5;
	v5 =	vld [tilespmem:s26+$0x8290]  }
0x19b: {  	[tilespmem:s26+$0x81B0] =	vst v1;
	v1 =	vmul.f32 $8.000000000e+00, v2;
	v2 =	vld [tilespmem:s26+$0x82A0]  }
0x19c: {  	[tilespmem:s26+$0x8200] =	vst v0;
	v0 =	vmul.f32 $8.000000000e+00, v3;
	v3 =	vld [tilespmem:s26+$0x82B0]  }
0x19d: {  	[tilespmem:s26+$0x8210] =	vst v1;
	v1 =	vmul.f32 $8.000000000e+00, v4;
	v4 =	vld [tilespmem:s26+$0x8300]  }
0x19e: {  	[tilespmem:s26+$0x8220] =	vst v0;
	v0 =	vmul.f32 $8.000000000e+00, v6;
	v7 =	vld [tilespmem:s26+$0x8310]  }
.Ltmp5:
0x19f: {  	[tilespmem:s26+$0x8230] =	vst v1;
	v5 =	vmul.f32 $8.000000000e+00, v5;
	v1 =	vld [tilespmem:s26+$0x8320];
	(pc) =	sbr.rel @p0 .LBB2_12-.Ltmp5, $4  }
0x1a0: {  	[tilespmem:s26+$0x8280] =	vst v0;
	v6 =	vmul.f32 $8.000000000e+00, v2;
	v0 =	vld [tilespmem:s26+$0x8330]  }
0x1a1: {  	[tilespmem:s26+$0x8290] =	vst v5;
	v5 =	vmul.f32 $8.000000000e+00, v3;
	v2 =	vld [tilespmem:s26+$0x8380]  }
0x1a2: {  	[tilespmem:s26+$0x82A0] =	vst v6;
	v6 =	vmul.f32 $8.000000000e+00, v4;
	v3 =	vld [tilespmem:s26+$0x8390]  }
0x1a3: {  	s28 =	sadd.s32 $0x1000, s28;
	[tilespmem:s26+$0x82B0] =	vst v5;
	v5 =	vmul.f32 $8.000000000e+00, v7;
	v4 =	vld [tilespmem:s26+$0x83A0]  }
0x1a4: {  	[tilespmem:s26+$0x8300] =	vst v6;
	v1 =	vmul.f32 $8.000000000e+00, v1;
	v6 =	vld [tilespmem:s26+$0x83B0]  }
0x1a5: {  	[tilespmem:s26+$0x8310] =	vst v5;
	v0 =	vmul.f32 $8.000000000e+00, v0  }
0x1a6: {  	[tilespmem:s26+$0x8320] =	vst v1;
	v1 =	vmul.f32 $8.000000000e+00, v2  }
0x1a7: {  	[tilespmem:s26+$0x8330] =	vst v0;
	v0 =	vmul.f32 $8.000000000e+00, v3  }
0x1a8: {  	[tilespmem:s26+$0x8380] =	vst v1;
	v1 =	vmul.f32 $8.000000000e+00, v4  }
0x1a9: {  	[tilespmem:s26+$0x8390] =	vst v0;
	v0 =	vmul.f32 $8.000000000e+00, v6  }
0x1aa: {  	[tilespmem:s26+$0x83A0] =	vst v1  }
0x1ab: {  	s1 =	simm.s32 $0x0;
	[tilespmem:s26+$0x83B0] =	vst v0;
	s26 =	simm.s32 $0x0  }
0x1ac: {  	[hbm4b:s7+s1] =	stream.linear.scatter [tilespmem:s14], [sflag:$0x3], $0x4000, $0x38;
	[tilespmem:$0x14800] =	vst v63  }
0x1ad: {  	v0 =	vld [tilespmem:s26+$0xC000]  }
0x1ae: {  	v1 =	vld [tilespmem:s26+$0xC010]  }
0x1af: {  	v2 =	vld [tilespmem:s26+$0xC020]  }
0x1b0: {  	v3 =	vld [tilespmem:s26+$0xC030]  }
0x1b1: {  	v4 =	vld [tilespmem:s26+$0xC080]  }
0x1b2: {  	v5 =	vld [tilespmem:s26+$0xC090];
	v0 =	vmul.f32 $8.000000000e+00, v0  }
0x1b3: {  	v6 =	vld [tilespmem:s26+$0xC0A0];
	v1 =	vmul.f32 $8.000000000e+00, v1  }
0x1b4: {  	v2 =	vmul.f32 $8.000000000e+00, v2;
	[tilespmem:s26+$0xC000] =	vst v0;
	v0 =	vld [tilespmem:s26+$0xC0B0]  }
0x1b5: {  	v3 =	vmul.f32 $8.000000000e+00, v3;
	[tilespmem:s26+$0xC010] =	vst v1;
	v1 =	vld [tilespmem:s26+$0xC100]  }
0x1b6: {  	v4 =	vmul.f32 $8.000000000e+00, v4;
	[tilespmem:s26+$0xC020] =	vst v2;
	v2 =	vld [tilespmem:s26+$0xC110]  }
0x1b7: {  	v5 =	vmul.f32 $8.000000000e+00, v5;
	[tilespmem:s26+$0xC030] =	vst v3;
	v3 =	vld [tilespmem:s26+$0xC120]  }
0x1b8: {  	v6 =	vmul.f32 $8.000000000e+00, v6;
	[tilespmem:s26+$0xC080] =	vst v4;
	v4 =	vld [tilespmem:s26+$0xC130]  }
0x1b9: {  	[tilespmem:s26+$0xC090] =	vst v5;
	v5 =	vld [tilespmem:s26+$0xC180];
	v0 =	vmul.f32 $8.000000000e+00, v0  }
0x1ba: {  	[tilespmem:s26+$0xC0A0] =	vst v6;
	v6 =	vld [tilespmem:s26+$0xC190];
	v1 =	vmul.f32 $8.000000000e+00, v1  }
0x1bb: {  	v2 =	vmul.f32 $8.000000000e+00, v2;
	[tilespmem:s26+$0xC0B0] =	vst v0;
	v0 =	vld [tilespmem:s26+$0xC1A0]  }
0x1bc: {  	v3 =	vmul.f32 $8.000000000e+00, v3;
	[tilespmem:s26+$0xC100] =	vst v1;
	v1 =	vld [tilespmem:s26+$0xC1B0]  }
0x1bd: {  	v4 =	vmul.f32 $8.000000000e+00, v4;
	[tilespmem:s26+$0xC110] =	vst v2;
	v2 =	vld [tilespmem:s26+$0xC200]  }
0x1be: {  	v5 =	vmul.f32 $8.000000000e+00, v5;
	[tilespmem:s26+$0xC120] =	vst v3;
	v3 =	vld [tilespmem:s26+$0xC210]  }
0x1bf: {  	v6 =	vmul.f32 $8.000000000e+00, v6;
	[tilespmem:s26+$0xC130] =	vst v4;
	v4 =	vld [tilespmem:s26+$0xC220]  }
0x1c0: {  	[tilespmem:s26+$0xC180] =	vst v5;
	v5 =	vld [tilespmem:s26+$0xC230];
	v0 =	vmul.f32 $8.000000000e+00, v0  }
0x1c1: {  	[tilespmem:s26+$0xC190] =	vst v6;
	v6 =	vld [tilespmem:s26+$0xC280]  }
0x1c2: {  	v1 =	vmul.f32 $8.000000000e+00, v1;
	[tilespmem:s26+$0xC1A0] =	vst v0;
	v0 =	vld [tilespmem:s26+$0xC290]  }
0x1c3: {  	v2 =	vmul.f32 $8.000000000e+00, v2  }
0x1c4: {  	[tilespmem:s26+$0xC1B0] =	vst v1;
	v1 =	vmul.f32 $8.000000000e+00, v3;
	v3 =	vld [tilespmem:s26+$0xC2B0]  }
0x1c5: {  	v7 =	vld [tilespmem:s26+$0xC2A0];
	[tilespmem:s26+$0xC200] =	vst v2;
	v2 =	vmul.f32 $8.000000000e+00, v4  }
0x1c6: {  	v4 =	vld [tilespmem:s26+$0xC300];
	[tilespmem:s26+$0xC210] =	vst v1;
	v1 =	vmul.f32 $8.000000000e+00, v5  }
0x1c7: {  	[tilespmem:s26+$0xC220] =	vst v2;
	v5 =	vld [tilespmem:s26+$0xC310];
	v2 =	vmul.f32 $8.000000000e+00, v6;
	v6 =	vmul.f32 $8.000000000e+00, v0  }
0x1c8: {  	[tilespmem:s26+$0xC230] =	vst v1;
	v1 =	vld [tilespmem:s26+$0xC320]  }
0x1c9: {  	v0 =	vld [tilespmem:s26+$0xC330];
	[tilespmem:s26+$0xC290] =	vst v6;
	v6 =	vmul.f32 $8.000000000e+00, v3  }
0x1ca: {  	v7 =	vmul.f32 $8.000000000e+00, v7;
	[tilespmem:s26+$0xC280] =	vst v2;
	v2 =	vld [tilespmem:s26+$0xC380]  }
0x1cb: {  	v3 =	vld [tilespmem:s26+$0xC390];
	[tilespmem:s26+$0xC2B0] =	vst v6;
	v6 =	vmul.f32 $8.000000000e+00, v4  }
0x1cc: {  	s28 =	simm.s32 $0x1000;
	[tilespmem:s26+$0xC2A0] =	vst v7;
	v5 =	vmul.f32 $8.000000000e+00, v5;
	v4 =	vld [tilespmem:s26+$0xC3A0]  }
.LBB2_14:
0x1cd: {  	s1 =	sshra.s32 s28, $0x2;
	p0 =	sne.s32 s28, $0x8000;
	[tilespmem:s26+$0xC300] =	vst v6;
	v1 =	vmul.f32 $8.000000000e+00, v1;
	v6 =	vld [tilespmem:s26+$0xC3B0]  }
0x1ce: {  	v7 =	vld [tilespmem:s1+$0xC000];
	[tilespmem:s26+$0xC310] =	vst v5;
	v0 =	vmul.f32 $8.000000000e+00, v0  }
0x1cf: {  	v5 =	vld [tilespmem:s1+$0xC010];
	[tilespmem:s26+$0xC320] =	vst v1;
	v1 =	vmul.f32 $8.000000000e+00, v2  }
0x1d0: {  	v2 =	vld [tilespmem:s1+$0xC020];
	[tilespmem:s26+$0xC330] =	vst v0;
	v0 =	vmul.f32 $8.000000000e+00, v3  }
0x1d1: {  	v3 =	vld [tilespmem:s1+$0xC030];
	[tilespmem:s26+$0xC380] =	vst v1;
	v1 =	vmul.f32 $8.000000000e+00, v4  }
0x1d2: {  	v4 =	vld [tilespmem:s1+$0xC080];
	[tilespmem:s26+$0xC390] =	vst v0;
	v0 =	vmul.f32 $8.000000000e+00, v6  }
0x1d3: {  	v6 =	vmul.f32 $8.000000000e+00, v7;
	v7 =	vld [tilespmem:s1+$0xC090];
	[tilespmem:s26+$0xC3A0] =	vst v1  }
0x1d4: {  	v1 =	vmul.f32 $8.000000000e+00, v5;
	v5 =	vld [tilespmem:s1+$0xC0A0];
	[tilespmem:s26+$0xC3B0] =	vst v0;
	s26 =	smov.u32 s1  }
0x1d5: {  	[tilespmem:s26+$0xC000] =	vst v6;
	v0 =	vmul.f32 $8.000000000e+00, v2;
	v2 =	vld [tilespmem:s26+$0xC0B0]  }
0x1d6: {  	[tilespmem:s26+$0xC010] =	vst v1;
	v1 =	vmul.f32 $8.000000000e+00, v3;
	v3 =	vld [tilespmem:s26+$0xC100]  }
0x1d7: {  	[tilespmem:s26+$0xC020] =	vst v0;
	v0 =	vmul.f32 $8.000000000e+00, v4;
	v4 =	vld [tilespmem:s26+$0xC110]  }
0x1d8: {  	[tilespmem:s26+$0xC030] =	vst v1;
	v1 =	vmul.f32 $8.000000000e+00, v7;
	v6 =	vld [tilespmem:s26+$0xC120]  }
0x1d9: {  	[tilespmem:s26+$0xC080] =	vst v0;
	v0 =	vmul.f32 $8.000000000e+00, v5;
	v5 =	vld [tilespmem:s26+$0xC130]  }
0x1da: {  	[tilespmem:s26+$0xC090] =	vst v1;
	v1 =	vmul.f32 $8.000000000e+00, v2;
	v2 =	vld [tilespmem:s26+$0xC180]  }
0x1db: {  	[tilespmem:s26+$0xC0A0] =	vst v0;
	v0 =	vmul.f32 $8.000000000e+00, v3;
	v3 =	vld [tilespmem:s26+$0xC190]  }
0x1dc: {  	[tilespmem:s26+$0xC0B0] =	vst v1;
	v1 =	vmul.f32 $8.000000000e+00, v4;
	v4 =	vld [tilespmem:s26+$0xC1A0]  }
0x1dd: {  	[tilespmem:s26+$0xC100] =	vst v0;
	v0 =	vmul.f32 $8.000000000e+00, v6;
	v6 =	vld [tilespmem:s26+$0xC1B0]  }
0x1de: {  	[tilespmem:s26+$0xC110] =	vst v1;
	v1 =	vmul.f32 $8.000000000e+00, v5;
	v5 =	vld [tilespmem:s26+$0xC200]  }
0x1df: {  	[tilespmem:s26+$0xC120] =	vst v0;
	v0 =	vmul.f32 $8.000000000e+00, v2;
	v2 =	vld [tilespmem:s26+$0xC210]  }
0x1e0: {  	[tilespmem:s26+$0xC130] =	vst v1;
	v1 =	vmul.f32 $8.000000000e+00, v3;
	v3 =	vld [tilespmem:s26+$0xC220]  }
0x1e1: {  	[tilespmem:s26+$0xC180] =	vst v0;
	v0 =	vmul.f32 $8.000000000e+00, v4;
	v4 =	vld [tilespmem:s26+$0xC230]  }
0x1e2: {  	[tilespmem:s26+$0xC190] =	vst v1;
	v1 =	vmul.f32 $8.000000000e+00, v6;
	v6 =	vld [tilespmem:s26+$0xC280]  }
0x1e3: {  	[tilespmem:s26+$0xC1A0] =	vst v0;
	v0 =	vmul.f32 $8.000000000e+00, v5;
	v5 =	vld [tilespmem:s26+$0xC290]  }
0x1e4: {  	[tilespmem:s26+$0xC1B0] =	vst v1;
	v1 =	vmul.f32 $8.000000000e+00, v2;
	v2 =	vld [tilespmem:s26+$0xC2A0]  }
0x1e5: {  	[tilespmem:s26+$0xC200] =	vst v0;
	v0 =	vmul.f32 $8.000000000e+00, v3;
	v3 =	vld [tilespmem:s26+$0xC2B0]  }
0x1e6: {  	[tilespmem:s26+$0xC210] =	vst v1;
	v1 =	vmul.f32 $8.000000000e+00, v4;
	v4 =	vld [tilespmem:s26+$0xC300]  }
0x1e7: {  	[tilespmem:s26+$0xC220] =	vst v0;
	v0 =	vmul.f32 $8.000000000e+00, v6;
	v7 =	vld [tilespmem:s26+$0xC310]  }
.Ltmp6:
0x1e8: {  	[tilespmem:s26+$0xC230] =	vst v1;
	v5 =	vmul.f32 $8.000000000e+00, v5;
	v1 =	vld [tilespmem:s26+$0xC320];
	(pc) =	sbr.rel @p0 .LBB2_14-.Ltmp6, $4  }
0x1e9: {  	[tilespmem:s26+$0xC280] =	vst v0;
	v6 =	vmul.f32 $8.000000000e+00, v2;
	v0 =	vld [tilespmem:s26+$0xC330]  }
0x1ea: {  	[tilespmem:s26+$0xC290] =	vst v5;
	v5 =	vmul.f32 $8.000000000e+00, v3;
	v2 =	vld [tilespmem:s26+$0xC380]  }
0x1eb: {  	[tilespmem:s26+$0xC2A0] =	vst v6;
	v6 =	vmul.f32 $8.000000000e+00, v4;
	v3 =	vld [tilespmem:s26+$0xC390]  }
0x1ec: {  	s28 =	sadd.s32 $0x1000, s28;
	[tilespmem:s26+$0xC2B0] =	vst v5;
	v5 =	vmul.f32 $8.000000000e+00, v7;
	v4 =	vld [tilespmem:s26+$0xC3A0]  }
0x1ed: {  	[tilespmem:s26+$0xC300] =	vst v6;
	v1 =	vmul.f32 $8.000000000e+00, v1;
	v6 =	vld [tilespmem:s26+$0xC3B0]  }
0x1ee: {  	[tilespmem:s26+$0xC310] =	vst v5;
	v0 =	vmul.f32 $8.000000000e+00, v0  }
0x1ef: {  	[tilespmem:s26+$0xC320] =	vst v1;
	v1 =	vmul.f32 $8.000000000e+00, v2  }
0x1f0: {  	[tilespmem:s26+$0xC330] =	vst v0;
	v0 =	vmul.f32 $8.000000000e+00, v3  }
0x1f1: {  	[tilespmem:s26+$0xC380] =	vst v1;
	v1 =	vmul.f32 $8.000000000e+00, v4  }
0x1f2: {  	[tilespmem:s26+$0xC390] =	vst v0;
	v0 =	vmul.f32 $8.000000000e+00, v6  }
0x1f3: {  	[tilespmem:s26+$0xC3A0] =	vst v1  }
0x1f4: {  	s1 =	simm.s32 $0x0;
	[tilespmem:s26+$0xC3B0] =	vst v0  }
0x1f5: {  	[hbm4b:s8+s1] =	stream.linear.scatter [tilespmem:s17], [sflag:$0x3], $0x2400, $0x38;
	[tilespmem:$0x14800] =	vst v63  }
0x1f6: {  	_ =	swait.ge [sflag:s22], $0x4000  }
0x1f7: {  	[sflag:s22] =	ssyncset.done $0x0  }
0x1f8: {  	[sflag:s22] =	ssyncadd.s32 $0xFFFFC000  }
0x1f9: {  	_ =	swait.ge [sflag:s22], $0x2400  }
0x1fa: {  	[sflag:s22] =	ssyncset.done $0x0  }
0x1fb: {  	[sflag:s22] =	ssyncadd.s32 $0xFFFFDC00  }
0x1fc: {  	_ =	swait.ge [sflag:s23], $0x4000  }
0x1fd: {  	[sflag:s23] =	ssyncset.done $0x0  }
0x1fe: {  	[sflag:s23] =	ssyncadd.s32 $0xFFFFC000  }
0x1ff: {  	_ =	swait.ge [sflag:s23], $0x2400  }
0x200: {  	[sflag:s23] =	ssyncset.done $0x0  }
0x201: {  	s26 =	simm.s32 $0x0;
	[sflag:s23] =	ssyncadd.s32 $0xFFFFDC00  }
0x202: {  	v0 =	vld [tilespmem:s26+$0xE400]  }
0x203: {  	v1 =	vld [tilespmem:s26+$0xE410]  }
0x204: {  	v2 =	vld [tilespmem:s26+$0xE420]  }
0x205: {  	v3 =	vld [tilespmem:s26+$0xE430]  }
0x206: {  	v4 =	vld [tilespmem:s26+$0xE480]  }
0x207: {  	v5 =	vld [tilespmem:s26+$0xE490];
	v0 =	vmul.f32 $8.000000000e+00, v0  }
0x208: {  	v6 =	vld [tilespmem:s26+$0xE4A0];
	v1 =	vmul.f32 $8.000000000e+00, v1  }
0x209: {  	v2 =	vmul.f32 $8.000000000e+00, v2;
	[tilespmem:s26+$0xE400] =	vst v0;
	v0 =	vld [tilespmem:s26+$0xE4B0]  }
0x20a: {  	v3 =	vmul.f32 $8.000000000e+00, v3;
	[tilespmem:s26+$0xE410] =	vst v1;
	v1 =	vld [tilespmem:s26+$0xE500]  }
0x20b: {  	v4 =	vmul.f32 $8.000000000e+00, v4;
	[tilespmem:s26+$0xE420] =	vst v2;
	v2 =	vld [tilespmem:s26+$0xE510]  }
0x20c: {  	v5 =	vmul.f32 $8.000000000e+00, v5;
	[tilespmem:s26+$0xE430] =	vst v3;
	v3 =	vld [tilespmem:s26+$0xE520]  }
0x20d: {  	v6 =	vmul.f32 $8.000000000e+00, v6;
	[tilespmem:s26+$0xE480] =	vst v4;
	v4 =	vld [tilespmem:s26+$0xE530]  }
0x20e: {  	[tilespmem:s26+$0xE490] =	vst v5;
	v5 =	vld [tilespmem:s26+$0xE580];
	v0 =	vmul.f32 $8.000000000e+00, v0  }
0x20f: {  	[tilespmem:s26+$0xE4A0] =	vst v6;
	v6 =	vld [tilespmem:s26+$0xE590];
	v1 =	vmul.f32 $8.000000000e+00, v1  }
0x210: {  	v2 =	vmul.f32 $8.000000000e+00, v2;
	[tilespmem:s26+$0xE4B0] =	vst v0;
	v0 =	vld [tilespmem:s26+$0xE5A0]  }
0x211: {  	v3 =	vmul.f32 $8.000000000e+00, v3;
	[tilespmem:s26+$0xE500] =	vst v1;
	v1 =	vld [tilespmem:s26+$0xE5B0]  }
0x212: {  	v4 =	vmul.f32 $8.000000000e+00, v4;
	[tilespmem:s26+$0xE510] =	vst v2;
	v2 =	vld [tilespmem:s26+$0xE600]  }
0x213: {  	v5 =	vmul.f32 $8.000000000e+00, v5;
	[tilespmem:s26+$0xE520] =	vst v3;
	v3 =	vld [tilespmem:s26+$0xE610]  }
0x214: {  	v6 =	vmul.f32 $8.000000000e+00, v6;
	[tilespmem:s26+$0xE530] =	vst v4;
	v4 =	vld [tilespmem:s26+$0xE620]  }
0x215: {  	[tilespmem:s26+$0xE580] =	vst v5;
	v5 =	vld [tilespmem:s26+$0xE630];
	v0 =	vmul.f32 $8.000000000e+00, v0  }
0x216: {  	[tilespmem:s26+$0xE590] =	vst v6;
	v6 =	vld [tilespmem:s26+$0xE680]  }
0x217: {  	v1 =	vmul.f32 $8.000000000e+00, v1;
	[tilespmem:s26+$0xE5A0] =	vst v0;
	v0 =	vld [tilespmem:s26+$0xE690]  }
0x218: {  	v2 =	vmul.f32 $8.000000000e+00, v2  }
0x219: {  	[tilespmem:s26+$0xE5B0] =	vst v1;
	v1 =	vmul.f32 $8.000000000e+00, v3;
	v3 =	vld [tilespmem:s26+$0xE6B0]  }
0x21a: {  	v7 =	vld [tilespmem:s26+$0xE6A0];
	[tilespmem:s26+$0xE600] =	vst v2;
	v2 =	vmul.f32 $8.000000000e+00, v4  }
0x21b: {  	v4 =	vld [tilespmem:s26+$0xE700];
	[tilespmem:s26+$0xE610] =	vst v1;
	v1 =	vmul.f32 $8.000000000e+00, v5  }
0x21c: {  	[tilespmem:s26+$0xE620] =	vst v2;
	v5 =	vld [tilespmem:s26+$0xE710];
	v2 =	vmul.f32 $8.000000000e+00, v6;
	v6 =	vmul.f32 $8.000000000e+00, v0  }
0x21d: {  	[tilespmem:s26+$0xE630] =	vst v1;
	v1 =	vld [tilespmem:s26+$0xE720]  }
0x21e: {  	v0 =	vld [tilespmem:s26+$0xE730];
	[tilespmem:s26+$0xE690] =	vst v6;
	v6 =	vmul.f32 $8.000000000e+00, v3  }
0x21f: {  	v7 =	vmul.f32 $8.000000000e+00, v7;
	[tilespmem:s26+$0xE680] =	vst v2;
	v2 =	vld [tilespmem:s26+$0xE780]  }
0x220: {  	v3 =	vld [tilespmem:s26+$0xE790];
	[tilespmem:s26+$0xE6B0] =	vst v6;
	v6 =	vmul.f32 $8.000000000e+00, v4  }
0x221: {  	s28 =	simm.s32 $0x1000;
	[tilespmem:s26+$0xE6A0] =	vst v7;
	v5 =	vmul.f32 $8.000000000e+00, v5;
	v4 =	vld [tilespmem:s26+$0xE7A0]  }
.LBB2_16:
0x222: {  	s1 =	sshra.s32 s28, $0x2;
	p0 =	sne.s32 s28, $0xF000;
	[tilespmem:s26+$0xE700] =	vst v6;
	v1 =	vmul.f32 $8.000000000e+00, v1;
	v6 =	vld [tilespmem:s26+$0xE7B0]  }
0x223: {  	v7 =	vld [tilespmem:s1+$0xE400];
	[tilespmem:s26+$0xE710] =	vst v5;
	v0 =	vmul.f32 $8.000000000e+00, v0  }
0x224: {  	v5 =	vld [tilespmem:s1+$0xE410];
	[tilespmem:s26+$0xE720] =	vst v1;
	v1 =	vmul.f32 $8.000000000e+00, v2  }
0x225: {  	v2 =	vld [tilespmem:s1+$0xE420];
	[tilespmem:s26+$0xE730] =	vst v0;
	v0 =	vmul.f32 $8.000000000e+00, v3  }
0x226: {  	v3 =	vld [tilespmem:s1+$0xE430];
	[tilespmem:s26+$0xE780] =	vst v1;
	v1 =	vmul.f32 $8.000000000e+00, v4  }
0x227: {  	v4 =	vld [tilespmem:s1+$0xE480];
	[tilespmem:s26+$0xE790] =	vst v0;
	v0 =	vmul.f32 $8.000000000e+00, v6  }
0x228: {  	v6 =	vmul.f32 $8.000000000e+00, v7;
	v7 =	vld [tilespmem:s1+$0xE490];
	[tilespmem:s26+$0xE7A0] =	vst v1  }
0x229: {  	v1 =	vmul.f32 $8.000000000e+00, v5;
	v5 =	vld [tilespmem:s1+$0xE4A0];
	[tilespmem:s26+$0xE7B0] =	vst v0;
	s26 =	smov.u32 s1  }
0x22a: {  	[tilespmem:s26+$0xE400] =	vst v6;
	v0 =	vmul.f32 $8.000000000e+00, v2;
	v2 =	vld [tilespmem:s26+$0xE4B0]  }
0x22b: {  	[tilespmem:s26+$0xE410] =	vst v1;
	v1 =	vmul.f32 $8.000000000e+00, v3;
	v3 =	vld [tilespmem:s26+$0xE500]  }
0x22c: {  	[tilespmem:s26+$0xE420] =	vst v0;
	v0 =	vmul.f32 $8.000000000e+00, v4;
	v4 =	vld [tilespmem:s26+$0xE510]  }
0x22d: {  	[tilespmem:s26+$0xE430] =	vst v1;
	v1 =	vmul.f32 $8.000000000e+00, v7;
	v6 =	vld [tilespmem:s26+$0xE520]  }
0x22e: {  	[tilespmem:s26+$0xE480] =	vst v0;
	v0 =	vmul.f32 $8.000000000e+00, v5;
	v5 =	vld [tilespmem:s26+$0xE530]  }
0x22f: {  	[tilespmem:s26+$0xE490] =	vst v1;
	v1 =	vmul.f32 $8.000000000e+00, v2;
	v2 =	vld [tilespmem:s26+$0xE580]  }
0x230: {  	[tilespmem:s26+$0xE4A0] =	vst v0;
	v0 =	vmul.f32 $8.000000000e+00, v3;
	v3 =	vld [tilespmem:s26+$0xE590]  }
0x231: {  	[tilespmem:s26+$0xE4B0] =	vst v1;
	v1 =	vmul.f32 $8.000000000e+00, v4;
	v4 =	vld [tilespmem:s26+$0xE5A0]  }
0x232: {  	[tilespmem:s26+$0xE500] =	vst v0;
	v0 =	vmul.f32 $8.000000000e+00, v6;
	v6 =	vld [tilespmem:s26+$0xE5B0]  }
0x233: {  	[tilespmem:s26+$0xE510] =	vst v1;
	v1 =	vmul.f32 $8.000000000e+00, v5;
	v5 =	vld [tilespmem:s26+$0xE600]  }
0x234: {  	[tilespmem:s26+$0xE520] =	vst v0;
	v0 =	vmul.f32 $8.000000000e+00, v2;
	v2 =	vld [tilespmem:s26+$0xE610]  }
0x235: {  	[tilespmem:s26+$0xE530] =	vst v1;
	v1 =	vmul.f32 $8.000000000e+00, v3;
	v3 =	vld [tilespmem:s26+$0xE620]  }
0x236: {  	[tilespmem:s26+$0xE580] =	vst v0;
	v0 =	vmul.f32 $8.000000000e+00, v4;
	v4 =	vld [tilespmem:s26+$0xE630]  }
0x237: {  	[tilespmem:s26+$0xE590] =	vst v1;
	v1 =	vmul.f32 $8.000000000e+00, v6;
	v6 =	vld [tilespmem:s26+$0xE680]  }
0x238: {  	[tilespmem:s26+$0xE5A0] =	vst v0;
	v0 =	vmul.f32 $8.000000000e+00, v5;
	v5 =	vld [tilespmem:s26+$0xE690]  }
0x239: {  	[tilespmem:s26+$0xE5B0] =	vst v1;
	v1 =	vmul.f32 $8.000000000e+00, v2;
	v2 =	vld [tilespmem:s26+$0xE6A0]  }
0x23a: {  	[tilespmem:s26+$0xE600] =	vst v0;
	v0 =	vmul.f32 $8.000000000e+00, v3;
	v3 =	vld [tilespmem:s26+$0xE6B0]  }
0x23b: {  	[tilespmem:s26+$0xE610] =	vst v1;
	v1 =	vmul.f32 $8.000000000e+00, v4;
	v4 =	vld [tilespmem:s26+$0xE700]  }
0x23c: {  	[tilespmem:s26+$0xE620] =	vst v0;
	v0 =	vmul.f32 $8.000000000e+00, v6;
	v7 =	vld [tilespmem:s26+$0xE710]  }
.Ltmp7:
0x23d: {  	[tilespmem:s26+$0xE630] =	vst v1;
	v5 =	vmul.f32 $8.000000000e+00, v5;
	v1 =	vld [tilespmem:s26+$0xE720];
	(pc) =	sbr.rel @p0 .LBB2_16-.Ltmp7, $4  }
0x23e: {  	[tilespmem:s26+$0xE680] =	vst v0;
	v6 =	vmul.f32 $8.000000000e+00, v2;
	v0 =	vld [tilespmem:s26+$0xE730]  }
0x23f: {  	[tilespmem:s26+$0xE690] =	vst v5;
	v5 =	vmul.f32 $8.000000000e+00, v3;
	v2 =	vld [tilespmem:s26+$0xE780]  }
0x240: {  	[tilespmem:s26+$0xE6A0] =	vst v6;
	v6 =	vmul.f32 $8.000000000e+00, v4;
	v3 =	vld [tilespmem:s26+$0xE790]  }
0x241: {  	s28 =	sadd.s32 $0x1000, s28;
	[tilespmem:s26+$0xE6B0] =	vst v5;
	v5 =	vmul.f32 $8.000000000e+00, v7;
	v4 =	vld [tilespmem:s26+$0xE7A0]  }
0x242: {  	[tilespmem:s26+$0xE700] =	vst v6;
	v1 =	vmul.f32 $8.000000000e+00, v1;
	v6 =	vld [tilespmem:s26+$0xE7B0]  }
0x243: {  	[tilespmem:s26+$0xE710] =	vst v5;
	v0 =	vmul.f32 $8.000000000e+00, v0  }
0x244: {  	[tilespmem:s26+$0xE720] =	vst v1;
	v1 =	vmul.f32 $8.000000000e+00, v2  }
0x245: {  	[tilespmem:s26+$0xE730] =	vst v0;
	v0 =	vmul.f32 $8.000000000e+00, v3  }
0x246: {  	[tilespmem:s26+$0xE780] =	vst v1;
	v1 =	vmul.f32 $8.000000000e+00, v4  }
0x247: {  	[tilespmem:s26+$0xE790] =	vst v0;
	v0 =	vmul.f32 $8.000000000e+00, v6  }
0x248: {  	[tilespmem:s26+$0xE7A0] =	vst v1  }
0x249: {  	s1 =	simm.s32 $0x0;
	[tilespmem:s26+$0xE7B0] =	vst v0;
	s26 =	simm.s32 $0x0  }
0x24a: {  	[hbm4b:s9+s1] =	stream.linear.scatter [tilespmem:s18], [sflag:$0x4], $0x4000, $0x38;
	[tilespmem:$0x14800] =	vst v63  }
0x24b: {  	v0 =	vld [tilespmem:s26+$0x12400]  }
0x24c: {  	v1 =	vld [tilespmem:s26+$0x12410]  }
0x24d: {  	v2 =	vld [tilespmem:s26+$0x12420]  }
0x24e: {  	v3 =	vld [tilespmem:s26+$0x12430]  }
0x24f: {  	v4 =	vld [tilespmem:s26+$0x12480]  }
0x250: {  	v5 =	vld [tilespmem:s26+$0x12490];
	v0 =	vmul.f32 $8.000000000e+00, v0  }
0x251: {  	v6 =	vld [tilespmem:s26+$0x124A0];
	v1 =	vmul.f32 $8.000000000e+00, v1  }
0x252: {  	v2 =	vmul.f32 $8.000000000e+00, v2;
	[tilespmem:s26+$0x12400] =	vst v0;
	v0 =	vld [tilespmem:s26+$0x124B0]  }
0x253: {  	v3 =	vmul.f32 $8.000000000e+00, v3;
	[tilespmem:s26+$0x12410] =	vst v1;
	v1 =	vld [tilespmem:s26+$0x12500]  }
0x254: {  	v4 =	vmul.f32 $8.000000000e+00, v4;
	[tilespmem:s26+$0x12420] =	vst v2;
	v2 =	vld [tilespmem:s26+$0x12510]  }
0x255: {  	v5 =	vmul.f32 $8.000000000e+00, v5;
	[tilespmem:s26+$0x12430] =	vst v3;
	v3 =	vld [tilespmem:s26+$0x12520]  }
0x256: {  	v6 =	vmul.f32 $8.000000000e+00, v6;
	[tilespmem:s26+$0x12480] =	vst v4;
	v4 =	vld [tilespmem:s26+$0x12530]  }
0x257: {  	[tilespmem:s26+$0x12490] =	vst v5;
	v5 =	vld [tilespmem:s26+$0x12580];
	v0 =	vmul.f32 $8.000000000e+00, v0  }
0x258: {  	[tilespmem:s26+$0x124A0] =	vst v6;
	v6 =	vld [tilespmem:s26+$0x12590];
	v1 =	vmul.f32 $8.000000000e+00, v1  }
0x259: {  	v2 =	vmul.f32 $8.000000000e+00, v2;
	[tilespmem:s26+$0x124B0] =	vst v0;
	v0 =	vld [tilespmem:s26+$0x125A0]  }
0x25a: {  	v3 =	vmul.f32 $8.000000000e+00, v3;
	[tilespmem:s26+$0x12500] =	vst v1;
	v1 =	vld [tilespmem:s26+$0x125B0]  }
0x25b: {  	v4 =	vmul.f32 $8.000000000e+00, v4;
	[tilespmem:s26+$0x12510] =	vst v2;
	v2 =	vld [tilespmem:s26+$0x12600]  }
0x25c: {  	v5 =	vmul.f32 $8.000000000e+00, v5;
	[tilespmem:s26+$0x12520] =	vst v3;
	v3 =	vld [tilespmem:s26+$0x12610]  }
0x25d: {  	v6 =	vmul.f32 $8.000000000e+00, v6;
	[tilespmem:s26+$0x12530] =	vst v4;
	v4 =	vld [tilespmem:s26+$0x12620]  }
0x25e: {  	[tilespmem:s26+$0x12580] =	vst v5;
	v5 =	vld [tilespmem:s26+$0x12630];
	v0 =	vmul.f32 $8.000000000e+00, v0  }
0x25f: {  	[tilespmem:s26+$0x12590] =	vst v6;
	v6 =	vld [tilespmem:s26+$0x12680]  }
0x260: {  	v1 =	vmul.f32 $8.000000000e+00, v1;
	[tilespmem:s26+$0x125A0] =	vst v0;
	v0 =	vld [tilespmem:s26+$0x12690]  }
0x261: {  	v2 =	vmul.f32 $8.000000000e+00, v2  }
0x262: {  	[tilespmem:s26+$0x125B0] =	vst v1;
	v1 =	vmul.f32 $8.000000000e+00, v3;
	v3 =	vld [tilespmem:s26+$0x126B0]  }
0x263: {  	v7 =	vld [tilespmem:s26+$0x126A0];
	[tilespmem:s26+$0x12600] =	vst v2;
	v2 =	vmul.f32 $8.000000000e+00, v4  }
0x264: {  	v4 =	vld [tilespmem:s26+$0x12700];
	[tilespmem:s26+$0x12610] =	vst v1;
	v1 =	vmul.f32 $8.000000000e+00, v5  }
0x265: {  	[tilespmem:s26+$0x12620] =	vst v2;
	v5 =	vld [tilespmem:s26+$0x12710];
	v2 =	vmul.f32 $8.000000000e+00, v6;
	v6 =	vmul.f32 $8.000000000e+00, v0  }
0x266: {  	[tilespmem:s26+$0x12630] =	vst v1;
	v1 =	vld [tilespmem:s26+$0x12720]  }
0x267: {  	v0 =	vld [tilespmem:s26+$0x12730];
	[tilespmem:s26+$0x12690] =	vst v6;
	v6 =	vmul.f32 $8.000000000e+00, v3  }
0x268: {  	v7 =	vmul.f32 $8.000000000e+00, v7;
	[tilespmem:s26+$0x12680] =	vst v2;
	v2 =	vld [tilespmem:s26+$0x12780]  }
0x269: {  	v3 =	vld [tilespmem:s26+$0x12790];
	[tilespmem:s26+$0x126B0] =	vst v6;
	v6 =	vmul.f32 $8.000000000e+00, v4  }
0x26a: {  	s28 =	simm.s32 $0x1000;
	[tilespmem:s26+$0x126A0] =	vst v7;
	v5 =	vmul.f32 $8.000000000e+00, v5;
	v4 =	vld [tilespmem:s26+$0x127A0]  }
.LBB2_18:
0x26b: {  	s1 =	sshra.s32 s28, $0x2;
	p0 =	sne.s32 s28, $0x8000;
	[tilespmem:s26+$0x12700] =	vst v6;
	v1 =	vmul.f32 $8.000000000e+00, v1;
	v6 =	vld [tilespmem:s26+$0x127B0]  }
0x26c: {  	v7 =	vld [tilespmem:s1+$0x12400];
	[tilespmem:s26+$0x12710] =	vst v5;
	v0 =	vmul.f32 $8.000000000e+00, v0  }
0x26d: {  	v5 =	vld [tilespmem:s1+$0x12410];
	[tilespmem:s26+$0x12720] =	vst v1;
	v1 =	vmul.f32 $8.000000000e+00, v2  }
0x26e: {  	v2 =	vld [tilespmem:s1+$0x12420];
	[tilespmem:s26+$0x12730] =	vst v0;
	v0 =	vmul.f32 $8.000000000e+00, v3  }
0x26f: {  	v3 =	vld [tilespmem:s1+$0x12430];
	[tilespmem:s26+$0x12780] =	vst v1;
	v1 =	vmul.f32 $8.000000000e+00, v4  }
0x270: {  	v4 =	vld [tilespmem:s1+$0x12480];
	[tilespmem:s26+$0x12790] =	vst v0;
	v0 =	vmul.f32 $8.000000000e+00, v6  }
0x271: {  	v6 =	vmul.f32 $8.000000000e+00, v7;
	v7 =	vld [tilespmem:s1+$0x12490];
	[tilespmem:s26+$0x127A0] =	vst v1  }
0x272: {  	v1 =	vmul.f32 $8.000000000e+00, v5;
	v5 =	vld [tilespmem:s1+$0x124A0];
	[tilespmem:s26+$0x127B0] =	vst v0;
	s26 =	smov.u32 s1  }
0x273: {  	[tilespmem:s26+$0x12400] =	vst v6;
	v0 =	vmul.f32 $8.000000000e+00, v2;
	v2 =	vld [tilespmem:s26+$0x124B0]  }
0x274: {  	[tilespmem:s26+$0x12410] =	vst v1;
	v1 =	vmul.f32 $8.000000000e+00, v3;
	v3 =	vld [tilespmem:s26+$0x12500]  }
0x275: {  	[tilespmem:s26+$0x12420] =	vst v0;
	v0 =	vmul.f32 $8.000000000e+00, v4;
	v4 =	vld [tilespmem:s26+$0x12510]  }
0x276: {  	[tilespmem:s26+$0x12430] =	vst v1;
	v1 =	vmul.f32 $8.000000000e+00, v7;
	v6 =	vld [tilespmem:s26+$0x12520]  }
0x277: {  	[tilespmem:s26+$0x12480] =	vst v0;
	v0 =	vmul.f32 $8.000000000e+00, v5;
	v5 =	vld [tilespmem:s26+$0x12530]  }
0x278: {  	[tilespmem:s26+$0x12490] =	vst v1;
	v1 =	vmul.f32 $8.000000000e+00, v2;
	v2 =	vld [tilespmem:s26+$0x12580]  }
0x279: {  	[tilespmem:s26+$0x124A0] =	vst v0;
	v0 =	vmul.f32 $8.000000000e+00, v3;
	v3 =	vld [tilespmem:s26+$0x12590]  }
0x27a: {  	[tilespmem:s26+$0x124B0] =	vst v1;
	v1 =	vmul.f32 $8.000000000e+00, v4;
	v4 =	vld [tilespmem:s26+$0x125A0]  }
0x27b: {  	[tilespmem:s26+$0x12500] =	vst v0;
	v0 =	vmul.f32 $8.000000000e+00, v6;
	v6 =	vld [tilespmem:s26+$0x125B0]  }
0x27c: {  	[tilespmem:s26+$0x12510] =	vst v1;
	v1 =	vmul.f32 $8.000000000e+00, v5;
	v5 =	vld [tilespmem:s26+$0x12600]  }
0x27d: {  	[tilespmem:s26+$0x12520] =	vst v0;
	v0 =	vmul.f32 $8.000000000e+00, v2;
	v2 =	vld [tilespmem:s26+$0x12610]  }
0x27e: {  	[tilespmem:s26+$0x12530] =	vst v1;
	v1 =	vmul.f32 $8.000000000e+00, v3;
	v3 =	vld [tilespmem:s26+$0x12620]  }
0x27f: {  	[tilespmem:s26+$0x12580] =	vst v0;
	v0 =	vmul.f32 $8.000000000e+00, v4;
	v4 =	vld [tilespmem:s26+$0x12630]  }
0x280: {  	[tilespmem:s26+$0x12590] =	vst v1;
	v1 =	vmul.f32 $8.000000000e+00, v6;
	v6 =	vld [tilespmem:s26+$0x12680]  }
0x281: {  	[tilespmem:s26+$0x125A0] =	vst v0;
	v0 =	vmul.f32 $8.000000000e+00, v5;
	v5 =	vld [tilespmem:s26+$0x12690]  }
0x282: {  	[tilespmem:s26+$0x125B0] =	vst v1;
	v1 =	vmul.f32 $8.000000000e+00, v2;
	v2 =	vld [tilespmem:s26+$0x126A0]  }
0x283: {  	[tilespmem:s26+$0x12600] =	vst v0;
	v0 =	vmul.f32 $8.000000000e+00, v3;
	v3 =	vld [tilespmem:s26+$0x126B0]  }
0x284: {  	[tilespmem:s26+$0x12610] =	vst v1;
	v1 =	vmul.f32 $8.000000000e+00, v4;
	v4 =	vld [tilespmem:s26+$0x12700]  }
0x285: {  	[tilespmem:s26+$0x12620] =	vst v0;
	v0 =	vmul.f32 $8.000000000e+00, v6;
	v7 =	vld [tilespmem:s26+$0x12710]  }
.Ltmp8:
0x286: {  	[tilespmem:s26+$0x12630] =	vst v1;
	v5 =	vmul.f32 $8.000000000e+00, v5;
	v1 =	vld [tilespmem:s26+$0x12720];
	(pc) =	sbr.rel @p0 .LBB2_18-.Ltmp8, $4  }
0x287: {  	[tilespmem:s26+$0x12680] =	vst v0;
	v6 =	vmul.f32 $8.000000000e+00, v2;
	v0 =	vld [tilespmem:s26+$0x12730]  }
0x288: {  	[tilespmem:s26+$0x12690] =	vst v5;
	v5 =	vmul.f32 $8.000000000e+00, v3;
	v2 =	vld [tilespmem:s26+$0x12780]  }
0x289: {  	[tilespmem:s26+$0x126A0] =	vst v6;
	v6 =	vmul.f32 $8.000000000e+00, v4;
	v3 =	vld [tilespmem:s26+$0x12790]  }
0x28a: {  	s28 =	sadd.s32 $0x1000, s28;
	[tilespmem:s26+$0x126B0] =	vst v5;
	v5 =	vmul.f32 $8.000000000e+00, v7;
	v4 =	vld [tilespmem:s26+$0x127A0]  }
0x28b: {  	[tilespmem:s26+$0x12700] =	vst v6;
	v1 =	vmul.f32 $8.000000000e+00, v1;
	v59 =	vld [tilespmem:s26+$0x127B0]  }
0x28c: {  	[tilespmem:s26+$0x12710] =	vst v5;
	v0 =	vmul.f32 $8.000000000e+00, v0  }
0x28d: {  	[tilespmem:s26+$0x12720] =	vst v1;
	v60 =	vmul.f32 $8.000000000e+00, v2  }
0x28e: {  	[tilespmem:s26+$0x12730] =	vst v0;
	v61 =	vmul.f32 $8.000000000e+00, v3  }
0x28f: {  	[tilespmem:s26+$0x12780] =	vst v60;
	v62 =	vmul.f32 $8.000000000e+00, v4  }
0x290: {  	[tilespmem:s26+$0x12790] =	vst v61;
	v63 =	vmul.f32 $8.000000000e+00, v59  }
0x291: {  	[tilespmem:s26+$0x127A0] =	vst v62  }
0x292: {  	s25 =	sadd.s32 $0x1, s25;
	[tilespmem:s26+$0x127B0] =	vst v63  }
0x293: {  	[hbm4b:s10+s2] =	stream.linear.scatter [tilespmem:s20], [sflag:$0x4], $0x2400, $0x38;
	[tilespmem:$0x14800] =	vst v63  }
0x294: {  	p0 =	sne.s32 s25, s11;
	_ =	swait.ge [sflag:s24], $0x4000  }
.Ltmp9:
0x295: {  	[sflag:s24] =	ssyncset.done $0x0;
	(pc) =	sbr.rel @p0 .LBB2_1-.Ltmp9, $4  }
0x296: {  	[sflag:s24] =	ssyncadd.s32 $0xFFFFC000  }
0x297: {  	_ =	swait.ge [sflag:s24], $0x2400  }
0x298: {  	[sflag:s24] =	ssyncset.done $0x0  }
0x299: {  	[sflag:s24] =	ssyncadd.s32 $0xFFFFDC00  }
0x29a: {  	_ =	sfence.sel $0x180000  }
0x29b: {  	[bflag:$0x0] =	sbarrier.arrive $0xFFFF  }
0x29c: {  	_ =	strace $0x9000004A  }
0x29d: {  	[bflag:$0x2] =	sbarrier.arrive $0xFFFF  }
0x29e: {  	p0 =	sne.s32 s0, $0x0;
	s0 =	rddreg [dreg:$0x1]  }
0x29f: {  	s0 =	sadd.s32 @!p0 $0x100000, s0  }
0x2a0: {  	[sflag:s0] =	ssyncadd.tile.s32 @!p0 $0x1;
	_ =	shalt  }
.Lfunc_end2:
_tile_overlayer_lowered:
.L_overlay_start_2:
0x2a1: {  	(tag) =	ssettag $0x2  }
0x2a2: {  	s0 =	rddreg [dreg:$0x0];
	s2 =	stileid.u32  }
0x2a3: {  	s1 =	rddreg [dreg:$0x1];
	p0 =	sne.s32 s2, $0x0  }
0x2a4: {  	s3 =	rddreg [dreg:$0x2];
	[bflag:$0x3] =	sbarrier.arrive $0xFFFF;
	s2 =	simm.s32 @!p0 $0x1C05  }
0x2a5: {  	[timem:s3], [sflag:s2] =	dma.local @!p0 [hbm:s0], s1  }
0x2a6: {  	s0 =	simm.s32 @!p0 $0x5  }
0x2a7: {  	_ =	swait.ge @!p0 [sflag:s0], s1  }
0x2a8: {  	s1 =	ssub.s32 @!p0 $0x0, s1;
	[sflag:s0] =	ssyncset.done @!p0 $0x0  }
0x2a9: {  	[sflag:s0] =	ssyncadd.s32 @!p0 s1  }
0x2aa: {  	[bflag:$0x3] =	sbarrier.arrive $0xFFFF  }
0x2ab: {  	_ =	shalt  }

// kernel: sparse-core-data-format-call.1.cloned.1.call-start
scs
called_computation.1_lowered:
.L_overlay_start_0:
0x0: {  	s2 =	sld [smem:$0x3FD9]  }
0x1: {  	s3 =	sld [smem:$0x3FFE];
	_ =	sdelay $0x1  }
0x2: {  	s1 =	srdreg.scid  }
0x3: {  	s0 =	sand.u32 $0x1, s1  }
0x4: {  	s18 =	sshll.u32 s0, $0xA;
	s2 =	sadd.s32 s3, s2  }
0x5: {  	s2 =	sadd.s32 s2, s18  }
0x6: {  	[smem:$0x3FC6] =	sst s2  }
0x7: {  	_ = 	snop  }
0x8: {  	s2 =	sld [smem:$0x3FD0];
	(tm) =	ssettm $0x1  }
0x9: {  	s19 =	sld [smem:$0x3FFB];
	_ =	sdelay $0x3  }
0xa: {  	_ =	strace s19  }
0xb: {  	s3 =	sld [smem:$0x3FFC];
	_ =	sdelay $0x3  }
0xc: {  	_ =	strace s3  }
0xd: {  	s3 =	sld [smem:$0x3FFD];
	_ =	sdelay $0x3  }
0xe: {  	_ =	strace s3  }
0xf: {  	_ =	strace $0x8FFFFFFF  }
0x10: {  	s20 =	sld [smem:$0x3FDB];
	_ =	sdelay $0x1  }
0x11: {  	s4 =	simm.s32 $_scs_section_size  }
0x12: {  	s5 =	simm.s32 $_size__tile_overlayer_lowered;
	s6 =	simm.s32 $_tile_overlayer_lowered  }
0x13: {  	s23 =	simm.s32 $0x1BFF;
	s22 =	sshll.u32 s6, $0x1;
	s3 =	sadd.s32 s4, s20  }
0x14: {  	s7 =	simm.s32 $0x0;
	s21 =	sshll.u32 s5, $0x1;
	s5 =	sadd.s32 s22, s3  }
0x15: {  	[timem:s7], [sflag:s23] =	dma.local [hbm:s5], s21  }
0x16: {  	_ =	swait.ge [sflag:s23], s21  }
0x17: {  	s4 =	ssub.s32 $0x0, s21;
	[sflag:s23] =	ssyncset.done $0x0  }
0x18: {  	[sflag:s23] =	ssyncadd.s32 s4;
	_ =	sdelay $0x1  }
0x19: {  	s24 =	simm.s32 $0x1B8B  }
0x1a: {  	_ =	swait.ge [sflag:s24], $0x1  }
0x1b: {  	[sflag:s24] =	ssyncset.done $0x0  }
0x1c: {  	s26 =	simm.s32 $0x1B8E;
	s25 =	sld [smem:$0x3FFE];
	[sflag:s24] =	ssyncadd.s32 $0xFFFFFFFF  }
0x1d: {  	s27 =	simm.s32 $execute0_lowered;
	[smem:$0x3FD2] =	sst s26  }
0x1e: {  	s5 =	sshll.u32 s27, $0x1;
	_ =	strace $0x80000046;
	[dreg:$0x1] =	wrdreg $0xFFFFFFFF  }
0x1f: {  	s28 =	simm.s32 $_size_execute0_lowered;
	s3 =	sadd.s32 s3, s5;
	[dreg:$0x0] =	wrdreg $0x0  }
0x20: {  	s5 =	sshll.u32 s28, $0x1;
	[dreg:$0x2] =	wrdreg s3  }
0x21: {  	[dreg:$0x3] =	wrdreg s5  }
0x22: {  	[dreg:$0x4] =	wrdreg $0xC0  }
0x23: {  	_ =	task [dreg:s7], $0x5FFFF  }
0x24: {  	[dreg:$0x1] =	wrdreg $0xFFFFFFFF  }
0x25: {  	[dreg:$0x0] =	wrdreg $0x60  }
0x26: {  	[dreg:$0x2] =	wrdreg s25  }
0x27: {  	[dreg:$0x3] =	wrdreg s2  }
0x28: {  	[dreg:$0x4] =	wrdreg $0x9  }
0x29: {  	_ =	task.clear_ibuf [dreg:s7], $0x5FFFF;
	_ =	strace $0x90000046  }
0x2a: {  	s29 =	simm.s32 $0x9;
	_ =	strace $0x80000048  }
0x2b: {  	_ =	swait.ge [sflag:s29], $0x1  }
0x2c: {  	[sflag:s29] =	ssyncadd.s32 $0xFFFFFFFF  }
0x2d: {  	_ =	strace $0x90000048  }
0x2e: {  	_ =	sfence  }
0x2f: {  	s30 =	sld [smem:$0x0];
	_ =	sdelay $0x2  }
0x30: {  	s31 =	sshll.u32 s1, $0xD;
	s1 =	sshrl.u32 s1, $0x2  }
0x31: {  	s3 =	sand.u32 $0x4000, s31;
	s1 =	sadd.s32 s1, s30  }
0x32: {  	s0 =	sor.u32 s3, s0;
	s1 =	sshll.u32 s1, $0x11  }
0x33: {  	s0 =	sor.u32 s1, s0  }
0x34: {  	s0 =	sadd.s32 $0x8F2B, s0  }
0x35: {  	[sflag:s0] =	ssyncadd.remote.s32 $0x1  }
0x36: {  	_ =	sfence.sel $0xFFFF  }
0x37: {  	[dreg:$0x0] =	wrdreg $0xFFFFFFFF;
	(pc) =	sbr.abs _section_cstart, $3  }
0x38: {  	[dreg:$0x1] =	wrdreg $0xFFFFFFFF  }
0x39: {  	_ =	task.clear_ibuf [dreg:s7], $0x2FFFF;
	_ =	strace $0x9FFFFFFF  }
0x3a: {  	(tm) =	ssettm $0x7FFFFFFF  }
0x3b: {  	_ =	shalt  }
tec
execute0_lowered:
.L_overlay_start_1:
0x0: {  	(tag) =	ssettag $0x1  }
0x1: {  	s0 =	srdreg.scid;
	s5 =	rddreg [dreg:$0x0]  }
0x2: {  	s2 =	rddreg [dreg:$0x1];
	s1 =	stileid.u32  }
0x3: {  	s4 =	simm.s32 $0x1;
	s6 =	simm.s32 $0x2;
	s15 =	simm.s32 $0x0  }
0x4: {  	p0 =	por $0x0, $0x0;
	s8 =	simm.s32 $0x80;
	s0 =	sshll.u32 s0, $0x4  }
0x5: {  	s14 =	simm.s32 $0x0;
	s9 =	simm.s32 $0x0;
	s3 =	sand.u32 $0x10, s0  }
.Ltmp0:
0x6: {  	s10 =	simm.s32 $0x0;
	s3 =	sor.u32 s1, s3;
	(pc) =	sbr.rel .LBB1_1-.Ltmp0, $4  }
0x7: {  	s0 =	rddreg [dreg:$0x2];
	_ =	strace $0x80000047;
	s3 =	sshll.u32 s3, $0x8  }
0x8: {  	s12 =	simm.s32 $0x0;
	[sflag:s4] =	ssyncpa.u1 $0x0;
	s7 =	ssub.s32 $0x3D000, s3  }
0x9: {  	s13 =	simm.s32 $0x0;
	[sflag:s6] =	ssyncpa.u1 $0x0;
	s6 =	sshrl.u32 s7, $0xD  }
0xa: {  	s5 =	sadd.s32 $0x1000, s5;
	s11 =	smov.u32 s3;
	s7 =	sadd.s32 $0x2, s6  }
.LBB1_5:
0xb: {  	p1 =	slt.u32 s13, $0x2  }
0xc: {  	s17 =	smov.u32 s15;
	p2 =	sgt.s32 @!p1 s15, $0x3CFC0;
	s16 =	sshra.s32 @!p1 s15, $0x1F  }
0xd: {  	p3 =	sgt.s32 @!p1 s14, $0x40;
	s18 =	sshra.s32 @!p1 s14, $0x1F;
	p2 =	por !p2, p1  }
0xe: {  	s15 =	sand.u32 @!p1 s16, s15;
	p3 =	por !p3, p1;
	s16 =	smov.u32 s14  }
0xf: {  	s14 =	sand.u32 @!p1 s18, s14;
	s17 =	simm.s32 @p2 $0x3CFC0;
	s16 =	simm.s32 @p3 $0x40  }
0x10: {  	s15 =	ssub.s32 @!p1 s17, s15;
	s14 =	ssub.s32 @!p1 s16, s14  }
0x11: {  	s18 =	smov.u32 s12;
	s16 =	sadd.s32 @!p1 $0xFFFC3040, s15;
	s17 =	sadd.s32 @!p1 $0xFFFFFFC0, s14  }
0x12: {  	s15 =	ssub.s32 @!p1 $0x3D0C0, s15;
	p2 =	sgt.s32 @!p1 s16, $0xFF;
	p3 =	sgt.s32 @!p1 s17, $0x3F  }
0x13: {  	s14 =	ssub.s32 @!p1 $0x80, s14;
	p2 =	por !p2, p1;
	p3 =	por !p3, p1  }
0x14: {  	s16 =	sadd.s32 $0x2000, s11;
	s15 =	simm.s32 @!p2 $0x0;
	s14 =	simm.s32 @!p3 $0x0  }
0x15: {  	p2 =	sgt.s32 s16, $0x3D0BF;
	s14 =	smul.u32 @!p1 s14, s15;
	s15 =	sadd.s32 $0x40, s12  }
0x16: {  	s18 =	smov.u32 @p2 s15  }
0x17: {  	s16 =	smov.u32 @p2 s3;
	p2 =	sgt.s32 s18, $0x3F  }
0x18: {  	s18 =	simm.s32 @p2 $0x0;
	p2 =	sne.s32 s13, s7  }
.Ltmp1:
0x19: {  	p0 =	por !p0, !p0;
	s17 =	simm.s32 @!p1 $0x2;
	(pc) =	sbr.rel @!p2 .LBB1_6-.Ltmp1, $4  }
0x1a: {  	s15 =	smov.u32 s9;
	s9 =	smov.u32 s11;
	s14 =	sand.u32 @!p1 $0x3FFFFFFF, s14  }
0x1b: {  	s11 =	smov.u32 s16;
	_ =	swait.ge @!p1 [sflag:s17], s14;
	s19 =	ssub.s32 @!p1 $0x0, s14  }
0x1c: {  	s14 =	smov.u32 s10;
	s13 =	sadd.s32 $0x1, s13;
	[sflag:s17] =	ssyncset.done @!p1 $0x0  }
0x1d: {  	s10 =	smov.u32 s12;
	s12 =	smov.u32 s18;
	[sflag:s17] =	ssyncadd.s32 @!p1 s19  }
.LBB1_1:
0x1e: {  	p1 =	sgt.u32 s13, s6  }
0x1f: {  	s16 =	sshrl.u32 @!p1 s12, $0x3  }
0x20: {  	s17 =	sshll.u32 @!p1 s11, $0x3;
	s16 =	smul.u32 @!p1 $0x1E8800, s16  }
0x21: {  	s18 =	sshll.u32 @!p1 s12, $0x7;
	s17 =	sand.u32 @!p1 $0xFFFFFC00, s17  }
0x22: {  	s16 =	sadd.s32 @!p1 s16, s17;
	s17 =	sand.u32 @!p1 $0x380, s18  }
0x23: {  	s16 =	sor.u32 @!p1 s17, s16  }
0x24: {  	s17 =	sshrl.u32 @!p1 s16, $0x8  }
0x25: {  	s17 =	smulhi.u32 @!p1 $0x10C50B5, s17;
	_ =	sdelay $0x1  }
0x26: {  	s17 =	sshrl.u32 @!p1 s17, $0x2  }
0x27: {  	s18 =	sand.u32 @!p1 $0x7F, s11;
	s19 =	smul.u32 @!p1 $0x3D100, s17  }
0x28: {  	s16 =	sor.u32 @!p1 s18, s16;
	s18 =	sxor.u32 @!p1 $0xFFFFFFFF, s13  }
0x29: {  	s18 =	sshll.u32 @!p1 s18, $0xE;
	s17 =	sand.u32 @!p1 $0x3F, s17;
	s16 =	ssub.s32 @!p1 s16, s19  }
0x2a: {  	s17 =	smul.u32 @!p1 $0x7A20, s17;
	s19 =	sshrl.u32 @!p1 s16, $0x3;
	s16 =	sand.u32 @!p1 $0x7, s16  }
0x2b: {  	s18 =	sand.u32 @!p1 $0x4000, s18;
	s19 =	sadd.s32 @!p1 s5, s19;
	s16 =	sshll.u32 @!p1 s16, $0x12  }
0x2c: {  	s17 =	sadd.s32 @!p1 s17, s19;
	s16 =	sor.u32 @!p1 $0x800, s16;
	s19 =	simm.s32 @!p1 $0x1E8800  }
0x2d: {  	[tilespmem:s18], [sflag:$0x1] =	stream.strided.gather @!p1 [hbm4b:s17+s16], $0x4000, s19, s16, $0x38;
	[tilespmem:$0x10200] =	vst v63  }
0x2e: {  	p1 =	seq.s32 s13, $0x0  }
0x2f: {  	p2 =	sge.u32 @!p1 s13, s7  }
0x30: {  	p1 =	por p1, p2  }
.Ltmp2:
0x31: {  	_ = 	snop;
	(pc) =	sbr.rel @p1 .LBB1_5-.Ltmp2, $1  }
0x32: {  	_ =	sdelay $0x3  }
0x33: {  	s19 =	simm.s32 $0x0  }
0x34: {  	s18 =	sand.u32 $0x3800, s19;
	s20 =	sand.u32 $0x380, s19  }
0x35: {  	s16 =	sand.u32 $0x1, s13;
	s18 =	sor.u32 s20, s18  }
0x36: {  	_ =	swait.ge [sflag:s4], $0x4000;
	s17 =	sshll.u32 s16, $0xE;
	s20 =	sand.u32 $0x3B00, s18  }
0x37: {  	[sflag:s4] =	ssyncset.done $0x0;
	s19 =	sand.u32 $0x80, s19;
	s20 =	sadd.s32 s20, s17  }
0x38: {  	[sflag:s4] =	ssyncadd.s32 $0xFFFFC000;
	s22 =	sadd.s32 s19, s20  }
0x39: {  	v4 =	vld [tilespmem:s22+$0x400]  }
0x3a: {  	s21 =	simm.s32 $0x1;
	v5 =	vld [tilespmem:s22+$0x0]  }
0x3b: {  	s21 =	simm.s32 @!p0 $0x0;
	v6 =	vld [tilespmem:s22+$0x10]  }
0x3c: {  	v0 =	vmov s17;
	s31 =	smul.u32 $0x10400, s21;
	v7 =	vld [tilespmem:s22+$0x20]  }
0x3d: {  	v9 =	vld [tilespmem:s22+$0x30]  }
0x3e: {  	s19 =	sshrl.u32 s31, $0x2;
	v10 =	vld [tilespmem:s22+$0x40]  }
0x3f: {  	s19 =	sor.u32 $0x8000, s19;
	v11 =	vld [tilespmem:s22+$0x50]  }
0x40: {  	v8 =	vld [tilespmem:s22+$0x60];
	s20 =	sadd.s32 $0x0, s19  }
0x41: {  	v1 =	vld.idx.msk [tilespmem:v0+s18+$0x410 ss:$0x1], $0xffff;
	[tilespmem:s20+$0x2080 ss:$0x41] =	vst.msk $0xffff, v4  }
0x42: {  	v2 =	vld.idx.msk [tilespmem:v0+s18+$0x420 ss:$0x1], $0xffff;
	[tilespmem:s20+$0x0 ss:$0x41] =	vst.msk $0xffff, v5  }
0x43: {  	v3 =	vld.idx.msk [tilespmem:v0+s18+$0x430 ss:$0x1], $0xffff;
	[tilespmem:s20+$0x410 ss:$0x41] =	vst.msk $0xffff, v6  }
0x44: {  	s16 =	smul.u32 $0x10400, s16;
	[tilespmem:s20+$0x820 ss:$0x41] =	vst.msk $0xffff, v7;
	v7 =	vld [tilespmem:s22+$0x70]  }
0x45: {  	s23 =	simm.s32 $0x100;
	s24 =	simm.s32 $0x8;
	[tilespmem:s20+$0xC30 ss:$0x41] =	vst.msk $0xffff, v9;
	v4 =	vld.idx.msk [tilespmem:v0+s18+$0x440 ss:$0x1], $0xffff  }
0x46: {  	s25 =	sand.u32 $0x3800, s23;
	s16 =	sshrl.u32 s16, $0x2;
	[tilespmem:s20+$0x1040 ss:$0x41] =	vst.msk $0xffff, v10;
	v5 =	vld.idx.msk [tilespmem:v0+s18+$0x450 ss:$0x1], $0xffff;
	s22 =	simm.s32 $0x80  }
0x47: {  	s21 =	simm.s32 $0x4;
	s16 =	sor.u32 $0x8000, s16;
	[tilespmem:s20+$0x1450 ss:$0x41] =	vst.msk $0xffff, v11;
	v6 =	vld.idx.msk [tilespmem:v0+s18+$0x460 ss:$0x1], $0xffff;
	s26 =	sand.u32 $0x380, s22  }
.LBB1_3:
0x48: {  	p1 =	sne.s32 s24, $0xFC;
	[tilespmem:s20+$0x1860 ss:$0x41] =	vst.msk $0xffff, v8;
	v8 =	vld.idx.msk [tilespmem:v0+s18+$0x470 ss:$0x1], $0xffff;
	s18 =	sor.u32 s26, s25  }
0x49: {  	s25 =	sand.u32 $0x3B00, s18;
	v9 =	vld.idx.msk [tilespmem:v0+s18+$0x410 ss:$0x1], $0xffff;
	[tilespmem:s20+$0x1C70 ss:$0x41] =	vst.msk $0xffff, v7  }
0x4a: {  	s26 =	sand.u32 $0x80, s22;
	s25 =	sadd.s32 s25, s17;
	v7 =	vld.idx.msk [tilespmem:v0+s18+$0x420 ss:$0x1], $0xffff;
	[tilespmem:s20+$0x2490 ss:$0x41] =	vst.msk $0xffff, v1  }
0x4b: {  	s25 =	sadd.s32 s26, s25;
	v10 =	vld.idx.msk [tilespmem:v0+s18+$0x430 ss:$0x1], $0xffff;
	[tilespmem:s20+$0x28A0 ss:$0x41] =	vst.msk $0xffff, v2  }
0x4c: {  	v11 =	vld [tilespmem:s25+$0x400];
	[tilespmem:s20+$0x2CB0 ss:$0x41] =	vst.msk $0xffff, v3  }
0x4d: {  	v12 =	vld [tilespmem:s25+$0x0];
	[tilespmem:s20+$0x30C0 ss:$0x41] =	vst.msk $0xffff, v4  }
0x4e: {  	v4 =	vld [tilespmem:s25+$0x10];
	[tilespmem:s20+$0x34D0 ss:$0x41] =	vst.msk $0xffff, v5  }
0x4f: {  	s26 =	sshra.s32 s21, $0x2;
	s21 =	smov.u32 s24;
	v1 =	vmov v9;
	v5 =	vld [tilespmem:s25+$0x20];
	[tilespmem:s20+$0x38E0 ss:$0x41] =	vst.msk $0xffff, v6  }
0x50: {  	v2 =	vmov v7;
	v6 =	vld [tilespmem:s25+$0x30];
	[tilespmem:s20+$0x3CF0 ss:$0x41] =	vst.msk $0xffff, v8;
	s20 =	sadd.s32 s26, s19  }
0x51: {  	v3 =	vmov v10;
	v9 =	vld [tilespmem:s25+$0x40];
	[tilespmem:s20+$0x2080 ss:$0x41] =	vst.msk $0xffff, v11  }
0x52: {  	[tilespmem:s20+$0x0 ss:$0x41] =	vst.msk $0xffff, v12;
	v10 =	vld [tilespmem:s25+$0x50]  }
.Ltmp3:
0x53: {  	[tilespmem:s20+$0x410 ss:$0x41] =	vst.msk $0xffff, v4;
	v8 =	vld [tilespmem:s25+$0x60];
	(pc) =	sbr.rel @p1 .LBB1_3-.Ltmp3, $4  }
0x54: {  	[tilespmem:s20+$0x820 ss:$0x41] =	vst.msk $0xffff, v5;
	v7 =	vld [tilespmem:s25+$0x70]  }
0x55: {  	[tilespmem:s20+$0xC30 ss:$0x41] =	vst.msk $0xffff, v6;
	v4 =	vld.idx.msk [tilespmem:v0+s18+$0x440 ss:$0x1], $0xffff  }
0x56: {  	s22 =	sadd.s32 $0x80, s22;
	s23 =	sadd.s32 $0x100, s23;
	[tilespmem:s20+$0x1040 ss:$0x41] =	vst.msk $0xffff, v9;
	v5 =	vld.idx.msk [tilespmem:v0+s18+$0x450 ss:$0x1], $0xffff  }
0x57: {  	s24 =	sadd.s32 $0x4, s24;
	s26 =	sand.u32 $0x380, s22;
	s25 =	sand.u32 $0x3800, s23;
	[tilespmem:s20+$0x1450 ss:$0x41] =	vst.msk $0xffff, v10;
	v6 =	vld.idx.msk [tilespmem:v0+s18+$0x460 ss:$0x1], $0xffff  }
0x58: {  	_ =	sdelay $0x2  }
0x59: {  	[tilespmem:s20+$0x1860 ss:$0x41] =	vst.msk $0xffff, v8  }
0x5a: {  	s23 =	sor.u32 s26, s25;
	[tilespmem:s20+$0x2490 ss:$0x41] =	vst.msk $0xffff, v1;
	v47 =	vld.idx.msk [tilespmem:v0+s18+$0x470 ss:$0x1], $0xffff  }
0x5b: {  	[tilespmem:s20+$0x28A0 ss:$0x41] =	vst.msk $0xffff, v2;
	v57 =	vld.idx.msk [tilespmem:v0+s23+$0x410 ss:$0x1], $0xffff  }
0x5c: {  	[tilespmem:s20+$0x2CB0 ss:$0x41] =	vst.msk $0xffff, v3;
	v58 =	vld.idx.msk [tilespmem:v0+s23+$0x420 ss:$0x1], $0xffff  }
0x5d: {  	[tilespmem:s20+$0x1C70 ss:$0x41] =	vst.msk $0xffff, v7;
	v59 =	vld.idx.msk [tilespmem:v0+s23+$0x430 ss:$0x1], $0xffff  }
0x5e: {  	v60 =	vld.idx.msk [tilespmem:v0+s23+$0x440 ss:$0x1], $0xffff;
	[tilespmem:s20+$0x30C0 ss:$0x41] =	vst.msk $0xffff, v4  }
0x5f: {  	s24 =	sand.u32 $0x3B00, s23;
	v61 =	vld.idx.msk [tilespmem:v0+s23+$0x450 ss:$0x1], $0xffff;
	[tilespmem:s20+$0x34D0 ss:$0x41] =	vst.msk $0xffff, v5  }
0x60: {  	s22 =	sand.u32 $0x80, s22;
	s27 =	sshra.s32 s21, $0x2;
	v62 =	vld.idx.msk [tilespmem:v0+s23+$0x460 ss:$0x1], $0xffff;
	s17 =	sadd.s32 s24, s17;
	[tilespmem:s20+$0x38E0 ss:$0x41] =	vst.msk $0xffff, v6  }
0x61: {  	v63 =	vld.idx.msk [tilespmem:v0+s23+$0x470 ss:$0x1], $0xffff;
	s26 =	sadd.s32 s22, s17;
	s17 =	sadd.s32 s27, s19;
	[tilespmem:s20+$0x3CF0 ss:$0x41] =	vst.msk $0xffff, v47  }
0x62: {  	v48 =	vld [tilespmem:s26+$0x400];
	[tilespmem:s17+$0x2490 ss:$0x41] =	vst.msk $0xffff, v57  }
0x63: {  	s28 =	sshll.u32 s9, $0x7;
	v49 =	vld [tilespmem:s26+$0x0];
	[tilespmem:s17+$0x28A0 ss:$0x41] =	vst.msk $0xffff, v58  }
0x64: {  	s29 =	sshll.u32 s10, $0x3;
	p1 =	sgt.s32 s9, $0x3CFC0;
	s25 =	sshra.s32 s10, $0x1F;
	v50 =	vld [tilespmem:s26+$0x10];
	[tilespmem:s17+$0x2CB0 ss:$0x41] =	vst.msk $0xffff, v59  }
0x65: {  	s30 =	sand.u32 $0xFFFFFC00, s28;
	s24 =	sshra.s32 s9, $0x1F;
	v51 =	vld [tilespmem:s26+$0x20];
	s20 =	sand.u32 $0xFFFFFC00, s29;
	[tilespmem:s17+$0x30C0 ss:$0x41] =	vst.msk $0xffff, v60  }
0x66: {  	s19 =	sand.u32 $0x380, s28;
	s21 =	sand.u32 s24, s9;
	v52 =	vld [tilespmem:s26+$0x30];
	s20 =	sadd.s32 s20, s30;
	[tilespmem:s17+$0x34D0 ss:$0x41] =	vst.msk $0xffff, v61  }
0x67: {  	s22 =	smov.u32 s10;
	v53 =	vld [tilespmem:s26+$0x40];
	[tilespmem:s17+$0x38E0 ss:$0x41] =	vst.msk $0xffff, v62;
	s19 =	sor.u32 s19, s20;
	s20 =	smov.u32 s9  }
0x68: {  	s28 =	sshrl.u32 s10, $0x3;
	v54 =	vld [tilespmem:s26+$0x50];
	[tilespmem:s17+$0x3CF0 ss:$0x41] =	vst.msk $0xffff, v63;
	s31 =	sshrl.u32 s19, $0x7;
	s20 =	simm.s32 @!p1 $0x3CFC0  }
0x69: {  	v55 =	vld [tilespmem:s26+$0x60];
	p1 =	sgt.s32 s10, $0x40;
	[tilespmem:s17+$0x2080 ss:$0x41] =	vst.msk $0xffff, v48;
	s19 =	smulhi.u32 $0x10C6249, s31;
	s20 =	ssub.s32 s20, s21  }
0x6a: {  	v56 =	vld [tilespmem:s26+$0x70];
	s26 =	sand.u32 s25, s10;
	[tilespmem:s17+$0x0 ss:$0x41] =	vst.msk $0xffff, v49;
	s22 =	simm.s32 @!p1 $0x40;
	s27 =	sadd.s32 $0xFFFC3040, s20  }
0x6b: {  	[tilespmem:s17+$0x410 ss:$0x41] =	vst.msk $0xffff, v50;
	s21 =	ssub.s32 s22, s26;
	s20 =	ssub.s32 $0x3D0C0, s20;
	s19 =	sshrl.u32 s19, $0xA  }
0x6c: {  	[tilespmem:s17+$0x820 ss:$0x41] =	vst.msk $0xffff, v51;
	p1 =	sgt.s32 s27, $0xFF;
	s22 =	sadd.s32 $0xFFFFFFC0, s21;
	s21 =	ssub.s32 $0x80, s21  }
0x6d: {  	[tilespmem:s17+$0xC30 ss:$0x41] =	vst.msk $0xffff, v52;
	s19 =	smul.u32 $0x3D0C0, s19;
	s20 =	simm.s32 @p1 $0x0;
	p1 =	sgt.s32 s22, $0x3F  }
.Ltmp4:
0x6e: {  	s29 =	sand.u32 $0x7, s10;
	[tilespmem:s17+$0x1040 ss:$0x41] =	vst.msk $0xffff, v53;
	s21 =	simm.s32 @p1 $0x0;
	(pc) =	sbr.rel .LBB1_5-.Ltmp4, $4  }
0x6f: {  	[tilespmem:s17+$0x1450 ss:$0x41] =	vst.msk $0xffff, v54;
	s18 =	ssub.s32 s31, s19;
	s20 =	smul.u32 s21, s20;
	s19 =	sand.u32 $0xF, s28  }
0x70: {  	[tilespmem:s17+$0x1860 ss:$0x41] =	vst.msk $0xffff, v55;
	s21 =	sshll.u32 s29, $0x12;
	s18 =	sshll.u32 s18, $0x4;
	s19 =	sadd.s32 s2, s19  }
0x71: {  	[tilespmem:s17+$0x1C70 ss:$0x41] =	vst.msk $0xffff, v56;
	s31 =	sor.u32 $0x40, s21;
	s30 =	sand.u32 $0x3FFFFFFF, s20;
	s18 =	sadd.s32 s18, s19  }
0x72: {  	[hbm4b:s18+s31] =	stream.strided.scatter [tilespmem:s16], [sflag:$0x2], s30, s8, s31, $0x18;
	[tilespmem:$0x10200] =	vst v63  }
.LBB1_6:
0x73: {  	_ =	sfence.sel $0x180000  }
0x74: {  	s2 =	simm.s32 $0x1;
	[bflag:$0x0] =	sbarrier.arrive $0xFFFF  }
0x75: {  	s31 =	simm.s32 $0x2;
	[sflag:s2] =	ssyncpa.u1 $0x1  }
0x76: {  	[sflag:s31] =	ssyncpa.u1 $0x1  }
0x77: {  	p0 =	sne.s32 s1, $0x0;
	_ =	strace $0x90000047  }
0x78: {  	s0 =	sadd.s32 @!p0 $0x100000, s0;
	[bflag:$0x2] =	sbarrier.arrive $0xFFFF  }
0x79: {  	[sflag:s0] =	ssyncadd.tile.s32 @!p0 $0x1;
	_ =	shalt  }
.Lfunc_end1:
_tile_overlayer_lowered:
.L_overlay_start_2:
0x7a: {  	(tag) =	ssettag $0x2  }
0x7b: {  	s0 =	rddreg [dreg:$0x0];
	s2 =	stileid.u32  }
0x7c: {  	s1 =	rddreg [dreg:$0x1];
	p0 =	sne.s32 s2, $0x0  }
0x7d: {  	s3 =	rddreg [dreg:$0x2];
	[bflag:$0x3] =	sbarrier.arrive $0xFFFF;
	s2 =	simm.s32 @!p0 $0x1C01  }
0x7e: {  	[timem:s3], [sflag:s2] =	dma.local @!p0 [hbm:s0], s1  }
0x7f: {  	s0 =	simm.s32 @!p0 $0x1  }
0x80: {  	_ =	swait.ge @!p0 [sflag:s0], s1  }
0x81: {  	s1 =	ssub.s32 @!p0 $0x0, s1;
	[sflag:s0] =	ssyncset.done @!p0 $0x0  }
0x82: {  	[sflag:s0] =	ssyncadd.s32 @!p0 s1  }
0x83: {  	[bflag:$0x3] =	sbarrier.arrive $0xFFFF  }
0x84: {  	_ =	shalt  }

// kernel: sparse-core-data-format-call.cloned.1.call-start
scs
called_computation_lowered:
.L_overlay_start_0:
0x0: {  	s2 =	sld [smem:$0x3FD9]  }
0x1: {  	s3 =	sld [smem:$0x3FFE];
	_ =	sdelay $0x1  }
0x2: {  	s1 =	srdreg.scid  }
0x3: {  	s0 =	sand.u32 $0x1, s1  }
0x4: {  	s18 =	sshll.u32 s0, $0xA;
	s2 =	sadd.s32 s3, s2  }
0x5: {  	s2 =	sadd.s32 s2, s18  }
0x6: {  	[smem:$0x3FC6] =	sst s2  }
0x7: {  	_ = 	snop  }
0x8: {  	s2 =	sld [smem:$0x3FD0];
	(tm) =	ssettm $0x1  }
0x9: {  	s19 =	sld [smem:$0x3FFB];
	_ =	sdelay $0x3  }
0xa: {  	_ =	strace s19  }
0xb: {  	s3 =	sld [smem:$0x3FFC];
	_ =	sdelay $0x3  }
0xc: {  	_ =	strace s3  }
0xd: {  	s3 =	sld [smem:$0x3FFD];
	_ =	sdelay $0x3  }
0xe: {  	_ =	strace s3  }
0xf: {  	_ =	strace $0x8FFFFFFF  }
0x10: {  	s20 =	sld [smem:$0x3FDB];
	_ =	sdelay $0x1  }
0x11: {  	s4 =	simm.s32 $_scs_section_size  }
0x12: {  	s5 =	simm.s32 $_size__tile_overlayer_lowered;
	s6 =	simm.s32 $_tile_overlayer_lowered  }
0x13: {  	s23 =	simm.s32 $0x1BFF;
	s22 =	sshll.u32 s6, $0x1;
	s3 =	sadd.s32 s4, s20  }
0x14: {  	s7 =	simm.s32 $0x0;
	s21 =	sshll.u32 s5, $0x1;
	s5 =	sadd.s32 s22, s3  }
0x15: {  	[timem:s7], [sflag:s23] =	dma.local [hbm:s5], s21  }
0x16: {  	_ =	swait.ge [sflag:s23], s21  }
0x17: {  	s4 =	ssub.s32 $0x0, s21;
	[sflag:s23] =	ssyncset.done $0x0  }
0x18: {  	[sflag:s23] =	ssyncadd.s32 s4;
	_ =	sdelay $0x1  }
0x19: {  	s24 =	simm.s32 $0x1B8B  }
0x1a: {  	_ =	swait.ge [sflag:s24], $0x1  }
0x1b: {  	[sflag:s24] =	ssyncset.done $0x0  }
0x1c: {  	s26 =	simm.s32 $0x1B8E;
	s25 =	sld [smem:$0x3FFE];
	[sflag:s24] =	ssyncadd.s32 $0xFFFFFFFF  }
0x1d: {  	s27 =	simm.s32 $execute0_lowered;
	[smem:$0x3FD2] =	sst s26  }
0x1e: {  	s5 =	sshll.u32 s27, $0x1;
	_ =	strace $0x8000004C;
	[dreg:$0x1] =	wrdreg $0xFFFFFFFF  }
0x1f: {  	s28 =	simm.s32 $_size_execute0_lowered;
	s3 =	sadd.s32 s3, s5;
	[dreg:$0x0] =	wrdreg $0x0  }
0x20: {  	s5 =	sshll.u32 s28, $0x1;
	[dreg:$0x2] =	wrdreg s3  }
0x21: {  	[dreg:$0x3] =	wrdreg s5  }
0x22: {  	[dreg:$0x4] =	wrdreg $0xC0  }
0x23: {  	_ =	task [dreg:s7], $0x5FFFF  }
0x24: {  	[dreg:$0x1] =	wrdreg $0xFFFFFFFF  }
0x25: {  	[dreg:$0x0] =	wrdreg $0x60  }
0x26: {  	[dreg:$0x2] =	wrdreg s25  }
0x27: {  	[dreg:$0x3] =	wrdreg s2  }
0x28: {  	[dreg:$0x4] =	wrdreg $0x9  }
0x29: {  	_ =	task.clear_ibuf [dreg:s7], $0x5FFFF;
	_ =	strace $0x9000004C  }
0x2a: {  	s29 =	simm.s32 $0x9;
	_ =	strace $0x8000004E  }
0x2b: {  	_ =	swait.ge [sflag:s29], $0x1  }
0x2c: {  	[sflag:s29] =	ssyncadd.s32 $0xFFFFFFFF  }
0x2d: {  	_ =	strace $0x9000004E  }
0x2e: {  	_ =	sfence  }
0x2f: {  	s30 =	sld [smem:$0x0];
	_ =	sdelay $0x2  }
0x30: {  	s31 =	sshll.u32 s1, $0xD;
	s1 =	sshrl.u32 s1, $0x2  }
0x31: {  	s3 =	sand.u32 $0x4000, s31;
	s1 =	sadd.s32 s1, s30  }
0x32: {  	s0 =	sor.u32 s3, s0;
	s1 =	sshll.u32 s1, $0x11  }
0x33: {  	s0 =	sor.u32 s1, s0  }
0x34: {  	s0 =	sadd.s32 $0x8F2B, s0  }
0x35: {  	[sflag:s0] =	ssyncadd.remote.s32 $0x1  }
0x36: {  	_ =	sfence.sel $0xFFFF  }
0x37: {  	[dreg:$0x0] =	wrdreg $0xFFFFFFFF;
	(pc) =	sbr.abs _section_cstart, $3  }
0x38: {  	[dreg:$0x1] =	wrdreg $0xFFFFFFFF  }
0x39: {  	_ =	task.clear_ibuf [dreg:s7], $0x2FFFF;
	_ =	strace $0x9FFFFFFF  }
0x3a: {  	(tm) =	ssettm $0x7FFFFFFF  }
0x3b: {  	_ =	shalt  }
tec
execute0_lowered:
.L_overlay_start_1:
0x0: {  	(tag) =	ssettag $0x1  }
0x1: {  	s0 =	srdreg.scid  }
0x2: {  	s1 =	sshll.u32 s0, $0x4  }
0x3: {  	s0 =	stileid.u32;
	s1 =	sand.u32 $0x10, s1  }
0x4: {  	s1 =	sor.u32 s0, s1  }
0x5: {  	s6 =	rddreg [dreg:$0x0];
	s4 =	simm.s32 $0x1;
	s2 =	sshll.u32 s1, $0x7  }
0x6: {  	s7 =	simm.s32 $0x2;
	s12 =	simm.s32 $0x0;
	s1 =	ssub.s32 $0x1000, s2  }
0x7: {  	s8 =	simm.s32 $0x8000;
	s13 =	simm.s32 $0x0;
	s3 =	sand.u32 $0xF80, s1  }
0x8: {  	s9 =	simm.s32 $0x0;
	s5 =	sshrl.u32 s1, $0xC;
	p0 =	sne.s32 s3, $0x0  }
.Ltmp0:
0x9: {  	s1 =	rddreg [dreg:$0x2];
	s4 =	simm.s32 @!p0 $0x0;
	(pc) =	sbr.rel .LBB1_1-.Ltmp0, $4  }
0xa: {  	s11 =	simm.s32 $0x0;
	s3 =	rddreg [dreg:$0x1];
	s5 =	sadd.s32 s4, s5  }
0xb: {  	_ =	strace $0x8000004D;
	s4 =	simm.s32 $0x1;
	s5 =	smul.u32 $0xC8, s5  }
0xc: {  	s6 =	sadd.s32 $0x1E85800, s6;
	s10 =	smov.u32 s2;
	[sflag:s4] =	ssyncpa.u1 $0x0  }
0xd: {  	p0 =	por $0x0, $0x0;
	[sflag:s7] =	ssyncpa.u1 $0x0;
	s7 =	sor.u32 $0x1, s5  }
.LBB1_4:
0xe: {  	s16 =	sshll.u32 s13, $0x3;
	s17 =	sand.u32 $0x78, s13  }
0xf: {  	s30 =	sand.u32 $0x7E00, s13;
	s12 =	sshll.u32 s12, $0xF;
	s16 =	sand.u32 $0xC00, s16  }
0x10: {  	[tilespmem:s15+$0x810 ss:$0x81] =	vst.msk $0xffff, v2;
	s31 =	sand.u32 $0x7, s13;
	s16 =	sor.u32 s17, s16;
	s17 =	sadd.s32 s3, s30  }
0x11: {  	[tilespmem:s15+$0x1020 ss:$0x81] =	vst.msk $0xffff, v0;
	s13 =	sshll.u32 s31, $0x12;
	s12 =	sadd.s32 s12, s17;
	s16 =	sshrl.u32 s16, $0x3  }
0x12: {  	[tilespmem:s15+$0x0 ss:$0x81] =	vst.msk $0xffff, v1;
	s13 =	sor.u32 $0x400, s13;
	s12 =	sadd.s32 s16, s12  }
0x13: {  	[hbm4b:s12+s13] =	stream.strided.scatter [tilespmem:s14], [sflag:$0x2], $0x2000, s8, s13, $0x20;
	[tilespmem:$0x8080] =	vst v63  }
.LBB1_5:
0x14: {  	s14 =	sadd.s32 $0x1, s9  }
0x15: {  	s12 =	sadd.s32 $0x1000, s10;
	s16 =	smov.u32 s10;
	p2 =	sgt.s32 s14, $0xC7  }
0x16: {  	s16 =	smov.u32 @p2 s12  }
0x17: {  	s14 =	simm.s32 @p2 $0x0;
	p2 =	sgt.s32 s16, $0xFFF  }
0x18: {  	s16 =	smov.u32 @p2 s2;
	p2 =	sne.s32 s11, s7  }
.Ltmp1:
0x19: {  	p1 =	slt.u32 s11, $0x2;
	(pc) =	sbr.rel @!p2 .LBB1_6-.Ltmp1, $4  }
0x1a: {  	s15 =	simm.s32 @!p1 $0x2  }
0x1b: {  	s13 =	smov.u32 s10;
	p0 =	por !p0, !p0;
	_ =	swait.ge @!p1 [sflag:s15], $0x2000  }
0x1c: {  	s12 =	smov.u32 s9;
	[sflag:s15] =	ssyncset.done @!p1 $0x0;
	s9 =	smov.u32 s14  }
0x1d: {  	s11 =	sadd.s32 $0x1, s11;
	[sflag:s15] =	ssyncadd.s32 @!p1 $0xFFFFE000;
	s10 =	smov.u32 s16  }
.LBB1_1:
0x1e: {  	p1 =	sge.u32 s11, s5  }
0x1f: {  	s14 =	sand.u32 @!p1 $0x1FFFFFF, s9  }
0x20: {  	s15 =	smulhi.u32 @!p1 $0x147AE15, s14;
	_ =	sdelay $0x1  }
0x21: {  	s15 =	smul.u32 @!p1 $0xC8, s15  }
0x22: {  	s16 =	sxor.u32 @!p1 $0xFFFFFFFF, s11;
	s17 =	smul.u32 @!p1 $0xC80, s10  }
0x23: {  	s31 =	sadd.s32 $0xFFFFFFFF, s11;
	s16 =	sshll.u32 @!p1 s16, $0xD;
	s14 =	ssub.s32 @!p1 s14, s15  }
0x24: {  	s15 =	sand.u32 @!p1 $0x2000, s16;
	s16 =	sadd.s32 @!p1 s6, s17;
	s14 =	sshll.u32 @!p1 s14, $0x4  }
0x25: {  	s17 =	simm.s32 @!p1 $0x6400;
	s14 =	sadd.s32 @!p1 s14, s16;
	s16 =	simm.s32 @!p1 $0x40  }
0x26: {  	[tilespmem:s15], [sflag:$0x1] =	stream.strided.gather @!p1 [hbm4b:s14+s16], $0x2000, s17, s16, $0x38;
	[tilespmem:$0x8080] =	vst v63  }
0x27: {  	p1 =	sge.u32 s31, s5  }
.Ltmp2:
0x28: {  	_ = 	snop;
	(pc) =	sbr.rel @p1 .LBB1_5-.Ltmp2, $1  }
0x29: {  	_ =	sdelay $0x3  }
0x2a: {  	s14 =	simm.s32 $0x1  }
0x2b: {  	_ =	swait.ge [sflag:s4], $0x2000;
	s14 =	simm.s32 @!p0 $0x0  }
0x2c: {  	[sflag:s4] =	ssyncset.done $0x0;
	s15 =	sshll.u32 s14, $0xD  }
0x2d: {  	[sflag:s4] =	ssyncadd.s32 $0xFFFFE000;
	s18 =	sor.u32 $0x20, s15  }
0x2e: {  	s14 =	smul.u32 $0x8100, s14;
	v3 =	vld [tilespmem:s18+$0x10]  }
0x2f: {  	s30 =	sand.u32 $0x1, s11;
	v2 =	vld [tilespmem:s18+$0xFFFFFFF0]  }
0x30: {  	s15 =	smul.u32 $0x8100, s30;
	s14 =	sshrl.u32 s14, $0x2;
	v0 =	vld [tilespmem:s18+$0x0]  }
0x31: {  	v1 =	vld [tilespmem:s18+$0xFFFFFFE0];
	s16 =	sor.u32 $0x4000, s14  }
0x32: {  	s31 =	sshrl.u32 s15, $0x2;
	s15 =	sadd.s32 $0x0, s16  }
0x33: {  	s17 =	simm.s32 $0x4;
	s18 =	sadd.s32 $0x40, s18;
	s14 =	sor.u32 $0x4000, s31;
	[tilespmem:s15+$0x1830 ss:$0x81] =	vst.msk $0xffff, v3  }
.LBB1_3:
0x34: {  	v3 =	vld [tilespmem:s18+$0x10];
	p1 =	sne.s32 s17, $0x1FC;
	[tilespmem:s15+$0x810 ss:$0x81] =	vst.msk $0xffff, v2;
	s19 =	smov.u32 s17;
	s17 =	sadd.s32 $0x4, s17  }
.Ltmp3:
0x35: {  	v2 =	vld [tilespmem:s18+$0xFFFFFFF0];
	[tilespmem:s15+$0x1020 ss:$0x81] =	vst.msk $0xffff, v0;
	(pc) =	sbr.rel @p1 .LBB1_3-.Ltmp3, $4  }
0x36: {  	v0 =	vld [tilespmem:s18+$0x0];
	[tilespmem:s15+$0x0 ss:$0x81] =	vst.msk $0xffff, v1  }
0x37: {  	s15 =	sshra.s32 s19, $0x2;
	v1 =	vld [tilespmem:s18+$0xFFFFFFE0]  }
0x38: {  	s15 =	sadd.s32 s15, s16  }
0x39: {  	s18 =	sadd.s32 $0x40, s18;
	[tilespmem:s15+$0x1830 ss:$0x81] =	vst.msk $0xffff, v3  }
.Ltmp4:
0x3a: {  	_ = 	snop;
	(pc) =	sbr.rel .LBB1_4-.Ltmp4, $1  }
0x3b: {  	_ =	sdelay $0x3  }
.LBB1_6:
0x3c: {  	_ =	sfence.sel $0x180000  }
0x3d: {  	s2 =	simm.s32 $0x1;
	[bflag:$0x0] =	sbarrier.arrive $0xFFFF  }
0x3e: {  	s31 =	simm.s32 $0x2;
	[sflag:s2] =	ssyncpa.u1 $0x1  }
0x3f: {  	[sflag:s31] =	ssyncpa.u1 $0x1  }
0x40: {  	p0 =	sne.s32 s0, $0x0;
	_ =	strace $0x9000004D  }
0x41: {  	s0 =	sadd.s32 @!p0 $0x100000, s1;
	[bflag:$0x2] =	sbarrier.arrive $0xFFFF  }
0x42: {  	[sflag:s0] =	ssyncadd.tile.s32 @!p0 $0x1;
	_ =	shalt  }
.Lfunc_end1:
_tile_overlayer_lowered:
.L_overlay_start_2:
0x43: {  	(tag) =	ssettag $0x2  }
0x44: {  	s0 =	rddreg [dreg:$0x0];
	s2 =	stileid.u32  }
0x45: {  	s1 =	rddreg [dreg:$0x1];
	p0 =	sne.s32 s2, $0x0  }
0x46: {  	s3 =	rddreg [dreg:$0x2];
	[bflag:$0x3] =	sbarrier.arrive $0xFFFF;
	s2 =	simm.s32 @!p0 $0x1C01  }
0x47: {  	[timem:s3], [sflag:s2] =	dma.local @!p0 [hbm:s0], s1  }
0x48: {  	s0 =	simm.s32 @!p0 $0x1  }
0x49: {  	_ =	swait.ge @!p0 [sflag:s0], s1  }
0x4a: {  	s1 =	ssub.s32 @!p0 $0x0, s1;
	[sflag:s0] =	ssyncset.done @!p0 $0x0  }
0x4b: {  	[sflag:s0] =	ssyncadd.s32 @!p0 s1  }
0x4c: {  	[bflag:$0x3] =	sbarrier.arrive $0xFFFF  }
0x4d: {  	_ =	shalt  }

</sc_bundles>
